<compile_context>
chip_gen: v7x
topology: tpu7x:2x2x1
jax: 0.10.2.dev20260603
libtpu: 0.0.44.dev20260713+nightly
codegen_flags: <defaults>
</compile_context>

<pallas_src>
import functools

import jax
import jax.numpy as jnp
from jax import lax
from jax.experimental import pallas as pl
from jax.experimental.pallas import tpu as pltpu
from jax.experimental.pallas import tpu_sc as plsc

E = 800000
N = 50000
EPAD = 819200
TE = 4096
GE = EPAD // TE
NR = 4
RANGE = 12800
ACC = 13056
NOUT = NR * RANGE
CH = 1600
NCH = 32
EPT = CH * NCH
B = 32


def _dot(a, b):
    return jnp.dot(a.astype(jnp.bfloat16), b.astype(jnp.bfloat16),
                   preferred_element_type=jnp.float32)


def _dot_t(a, b):
    return lax.dot_general(a.astype(jnp.bfloat16), b.astype(jnp.bfloat16),
                           dimension_numbers=(((0,), (0,)), ((), ())),
                           preferred_element_type=jnp.float32)


def _k_edge(ea_ref, aw1, ab1, aw2, ab2, aw3, ab3,
            mw1, mb1, mw2, mb2, mw3, mb3, w_ref, ex_ref):
    eat = ea_ref[...]
    a = jnp.maximum(_dot_t(eat, aw1[...]) + ab1[...], 0.0)
    a = jnp.maximum(_dot(a, aw2[...]) + ab2[...], 0.0)
    l = _dot(a, aw3[...]) + ab3[...]
    ex = jnp.exp(l)
    h = jnp.maximum(_dot_t(eat, mw1[...]) + mb1[...], 0.0)
    h = jnp.maximum(_dot(h, mw2[...]) + mb2[...], 0.0)
    msg = _dot(h, mw3[...]) + mb3[...]
    w_ref[...] = msg * ex
    ex_ref[...] = jnp.reshape(ex, (1, TE // 128, 128))


def _k_update(agg_ref, uw1, ub1, uw2, ub2, uw3, ub3, out_ref):
    u = jnp.maximum(_dot(agg_ref[...], uw1[...]) + ub1[...], 0.0)
    u = jnp.maximum(_dot(u, uw2[...]) + ub2[...], 0.0)
    out_ref[...] = _dot(u, uw3[...]) + ub3[...]


def _full(shape):
    return pl.BlockSpec(shape, lambda i: (0,) * len(shape))


def _sc_body(recv_hbm, ex_hbm, w_hbm, out_hbm,
             acc_sh, den_sh, rcvb, exb, eidx, nidx, exl, bigA, bigB,
             aggv, denv, sg0, sg1, ss0, ss1, sd0, sd1, sp):
    c = lax.axis_index("c")
    s = lax.axis_index("s")

    def _init(i, carry):
        eidx[pl.ds(i * 16, 16)] = jnp.zeros((16,), jnp.int32)
        return carry
    lax.fori_loop(0, 128, _init, 0)

    for rl in range(2):
        r = c * 2 + rl
        lo = r * RANGE
        hi = lo + RANGE

        def _zinit(t, carry):
            for cg in range(8):
                aggv[t, pl.ds(cg * 16, 16)] = jnp.zeros((16,), jnp.float32)
            return carry
        lax.fori_loop(0, 16, _zinit, 0)
        denv[...] = jnp.zeros((16,), jnp.float32)

        def _zero(k, carry):
            pltpu.sync_copy(aggv, acc_sh.at[pl.ds(s * 816 + k * 16, 16)])
            pltpu.sync_copy(denv, den_sh.at[pl.ds(s * 816 + k * 16, 16)])
            return carry
        lax.fori_loop(0, 51, _zero, 0)
        plsc.subcore_barrier()

        def _chunk(ch, carry):
            base = s * EPT + ch * CH
            off = 0
            pltpu.sync_copy(recv_hbm.at[pl.ds(base, CH)],
                            rcvb.at[pl.ds(0, CH)])
            pltpu.sync_copy(ex_hbm.at[pl.ds(base, CH)],
                            exb.at[pl.ds(0, CH)])

            def _compress(i, mvec):
                ji = lax.iota(jnp.int32, 16)
                for u in range(2):
                    g = i * 2 + u
                    rv = rcvb[pl.ds(off + g * 16, 16)]
                    ev = exb[pl.ds(off + g * 16, 16)]
                    msk = (rv >= lo) & (rv < hi)
                    pos = mvec + plsc.cumsum(msk.astype(jnp.int32)) - 1
                    plsc.store_scatter(eidx, [pos], base + g * 16 + ji,
                                       mask=msk)
                    plsc.store_scatter(nidx, [pos], rv - lo, mask=msk)
                    plsc.store_scatter(exl, [pos], ev, mask=msk)
                    mvec = mvec + plsc.all_reduce_population_count(msk)
                return mvec
            mv = lax.fori_loop(0, CH // 32, _compress,
                               jnp.zeros((16,), jnp.int32))
            m = jnp.max(mv)

            for p in range(B // 16):
                ji = lax.iota(jnp.int32, 16)
                pp = m + p * 16 + ji
                plsc.store_scatter(eidx, [pp], ji)
                plsc.store_scatter(nidx, [pp], RANGE + ji)
                plsc.store_scatter(exl, [pp], jnp.zeros((16,), jnp.float32))

            nb = (m + B - 1) // B

            def _batch(b, carry2):
                pltpu.sync_copy(w_hbm.at[eidx.at[pl.ds(b * B, B)]], bigA)
                pltpu.sync_copy(bigA, acc_sh.at[nidx.at[pl.ds(b * B, B)]],
                                add=True)
                pltpu.sync_copy(exl.at[pl.ds(b * B, B)],
                                den_sh.at[nidx.at[pl.ds(b * B, B)]], add=True)
                return carry2
            lax.fori_loop(0, nb, _batch, 0)
            return carry
        lax.fori_loop(0, NCH, _chunk, 0)
        plsc.subcore_barrier()

        obase = r * RANGE + s * 800
        abase = s * 800

        def _wout(k, carry):
            pltpu.sync_copy(acc_sh.at[pl.ds(abase + k * 16, 16)], aggv)
            pltpu.sync_copy(den_sh.at[pl.ds(abase + k * 16, 16)], denv)
            rec16 = 1.0 / (denv[...] + 1e-9)
            for t in range(16):
                rec = rec16[t]
                for cg in range(8):
                    aggv[t, pl.ds(cg * 16, 16)] = (
                        aggv[t, pl.ds(cg * 16, 16)] * rec)
            pltpu.sync_copy(aggv, out_hbm.at[pl.ds(obase + k * 16, 16)])
            return carry
        lax.fori_loop(0, 50, _wout, 0)
        plsc.subcore_barrier()


@functools.partial(
    pl.kernel,
    out_type=jax.ShapeDtypeStruct((NOUT, 128), jnp.float32),
    mesh=plsc.VectorSubcoreMesh(core_axis_name="c", subcore_axis_name="s"),
    compiler_params=pltpu.CompilerParams(needs_layout_passes=False, use_tc_tiling_on_sc=True),
    scratch_types=[
        pltpu.VMEM_SHARED((ACC, 128), jnp.float32),
        pltpu.VMEM_SHARED((ACC,), jnp.float32),
        pltpu.VMEM((2 * CH,), jnp.int32),
        pltpu.VMEM((2 * CH,), jnp.float32),
        pltpu.VMEM((2048,), jnp.int32),
        pltpu.VMEM((2048,), jnp.int32),
        pltpu.VMEM((2048,), jnp.float32),
        pltpu.VMEM((B, 128), jnp.float32),
        pltpu.VMEM((B, 128), jnp.float32),
        pltpu.VMEM((16, 128), jnp.float32),
        pltpu.VMEM((16,), jnp.float32),
        pltpu.SemaphoreType.DMA,
        pltpu.SemaphoreType.DMA,
        pltpu.SemaphoreType.DMA,
        pltpu.SemaphoreType.DMA,
        pltpu.SemaphoreType.DMA,
        pltpu.SemaphoreType.DMA,
        pltpu.SemaphoreType.DMA,
    ],
)
def _sc_aggregate(*refs):
    _sc_body(*refs)


def kernel(edge_attr, senders, receivers,
           mw1, mb1, mw2, mb2, mw3, mb3,
           aw1, ab1, aw2, ab2, aw3, ab3,
           uw1, ub1, uw2, ub2, uw3, ub3):
    f32 = jnp.float32
    ab1r, ab2r, ab3r = ab1.reshape(1, -1), ab2.reshape(1, -1), ab3.reshape(1, -1)
    mb1r, mb2r, mb3r = mb1.reshape(1, -1), mb2.reshape(1, -1), mb3.reshape(1, -1)
    ub1r, ub2r, ub3r = ub1.reshape(1, -1), ub2.reshape(1, -1), ub3.reshape(1, -1)

    eat = jnp.concatenate([edge_attr.T, jnp.zeros((4, EPAD - E), f32)], axis=1)
    weighted, ex3 = pl.pallas_call(
        _k_edge,
        grid=(GE,),
        in_specs=[
            pl.BlockSpec((4, TE), lambda i: (0, i)),
            _full((4, 128)), _full((1, 128)),
            _full((128, 128)), _full((1, 128)),
            _full((128, 1)), _full((1, 1)),
            _full((4, 256)), _full((1, 256)),
            _full((256, 256)), _full((1, 256)),
            _full((256, 128)), _full((1, 128)),
        ],
        out_specs=[
            pl.BlockSpec((TE, 128), lambda i: (i, 0)),
            pl.BlockSpec((1, TE // 128, 128), lambda i: (i, 0, 0)),
        ],
        out_shape=[
            jax.ShapeDtypeStruct((EPAD, 128), f32),
            jax.ShapeDtypeStruct((GE, TE // 128, 128), f32),
        ],
    )(eat, aw1, ab1r, aw2, ab2r, aw3, ab3r,
      mw1, mb1r, mw2, mb2r, mw3, mb3r)

    ex1d = ex3.reshape(-1)
    recv_p = jnp.concatenate(
        [receivers, jnp.full((EPAD - E,), 1 << 20, jnp.int32)])
    agg = _sc_aggregate(recv_p, ex1d, weighted)

    out = pl.pallas_call(
        _k_update,
        grid=(N // 400,),
        in_specs=[
            pl.BlockSpec((400, 128), lambda i: (i, 0)),
            _full((128, 256)), _full((1, 256)),
            _full((256, 256)), _full((1, 256)),
            _full((256, 1)), _full((1, 1)),
        ],
        out_specs=pl.BlockSpec((400, 1), lambda i: (i, 0)),
        out_shape=jax.ShapeDtypeStruct((N, 1), f32),
    )(agg, uw1, ub1r, uw2, ub2r, uw3, ub3r)
    return out

# --- scband reference (transcript-rebuilt; emitter-appended) ---
"""Pipeline reference for scband-gcbfnetwork-12850542150270 (READ-ONLY COPY).

The authoritative reference and input builder live on the scoring server;
editing this copy changes nothing except your own understanding.
"""

import jax, jax.numpy as jnp
import numpy as np

N_NODES = 50000
N_EDGES = 800000
EDGE_DIM = 4
N_AGENTS = 50000


def _mlp_params(key, sizes, scale=0.1):
    params = []
    for i, (a, b) in enumerate(zip(sizes[:-1], sizes[1:])):
        kw = jax.random.fold_in(key, i)
        params.append(jax.random.normal(kw, (a, b), jnp.float32) * scale)
        params.append(jnp.zeros((b,), jnp.float32))
    return params


def setup_inputs(seed: int = 0) -> dict:
    key = jax.random.key(seed)
    edge_attr = jax.random.normal(jax.random.fold_in(key, 0), (N_EDGES, EDGE_DIM), jnp.float32)
    senders = jax.random.randint(jax.random.fold_in(key, 1), (N_EDGES,), 0, N_NODES, jnp.int32)
    receivers = jax.random.randint(jax.random.fold_in(key, 2), (N_EDGES,), 0, N_NODES, jnp.int32)
    # message MLP: edge_dim -> 256 -> 256 -> 128
    mw1, mb1, mw2, mb2, mw3, mb3 = _mlp_params(jax.random.fold_in(key, 10), (EDGE_DIM, 256, 256, 128))
    # attention MLP: edge_dim -> 128 -> 128 -> 1
    aw1, ab1, aw2, ab2, aw3, ab3 = _mlp_params(jax.random.fold_in(key, 11), (EDGE_DIM, 128, 128, 1))
    # update MLP: 128 -> 256 -> 256 -> 1
    uw1, ub1, uw2, ub2, uw3, ub3 = _mlp_params(jax.random.fold_in(key, 12), (128, 256, 256, 1))
    return {
        "edge_attr": edge_attr, "senders": senders, "receivers": receivers,
        "mw1": mw1, "mb1": mb1, "mw2": mw2, "mb2": mb2, "mw3": mw3, "mb3": mb3,
        "aw1": aw1, "ab1": ab1, "aw2": aw2, "ab2": ab2, "aw3": aw3, "ab3": ab3,
        "uw1": uw1, "ub1": ub1, "uw2": uw2, "ub2": ub2, "uw3": uw3, "ub3": ub3,
    }


def reference(edge_attr, senders, receivers,
              mw1, mb1, mw2, mb2, mw3, mb3,
              aw1, ab1, aw2, ab2, aw3, ab3,
              uw1, ub1, uw2, ub2, uw3, ub3):
    # per-edge message MLP (256, 256) -> 128
    h = jax.nn.relu(edge_attr @ mw1 + mb1)
    h = jax.nn.relu(h @ mw2 + mb2)
    msg = h @ mw3 + mb3  # [E, 128]
    # per-edge attention logits MLP (128, 128) -> 1
    a = jax.nn.relu(edge_attr @ aw1 + ab1)
    a = jax.nn.relu(a @ aw2 + ab2)
    logits = (a @ aw3 + ab3)[:, 0]  # [E]
    # segment softmax over incoming edges of each receiver node
    seg_max = jax.ops.segment_max(logits, receivers, num_segments=N_NODES)
    seg_max = jnp.where(jnp.isfinite(seg_max), seg_max, 0.0)
    ex = jnp.exp(logits - seg_max[receivers])
    denom = jax.ops.segment_sum(ex, receivers, num_segments=N_NODES)
    attn = ex / (denom[receivers] + 1e-9)  # [E]
    # attention-weighted aggregation to receiver nodes
    agg = jax.ops.segment_sum(attn[:, None] * msg, receivers, num_segments=N_NODES)  # [N, 128]
    # per-node update MLP (256, 256) -> 1
    u = jax.nn.relu(agg @ uw1 + ub1)
    u = jax.nn.relu(u @ uw2 + ub2)
    out = u @ uw3 + ub3  # [N, 1]
    # slice agent nodes
    return out[:N_AGENTS]

if __name__ == "__main__":
    import jax
    _d = setup_inputs()
    print(jax.jit(kernel)(*tuple(_d.values())))

</pallas_src>

<mosaic_0001>
#map = affine_map<(d0, d1) -> (0)>
#map1 = affine_map<(d0, d1) -> (0, 0)>
module attributes {stable_mosaic.version = 14 : i64} {
  func.func @_sc_aggregate(%arg0: i32, %arg1: i32, %arg2: memref<819200xi32, #tpu.memory_space<hbm>>, %arg3: memref<819200xf32, #tpu.memory_space<hbm>>, %arg4: memref<819200x128xf32, #tpu.memory_space<hbm>>, %arg5: memref<51200x128xf32, #tpu.memory_space<hbm>>, %arg6: memref<13056x128xf32, #tpu.memory_space<vmem_shared>>, %arg7: memref<13056xf32, #tpu.memory_space<vmem_shared>>, %arg8: memref<3200xi32, #tpu.memory_space<vmem>>, %arg9: memref<3200xf32, #tpu.memory_space<vmem>>, %arg10: memref<2048xi32, #tpu.memory_space<vmem>>, %arg11: memref<2048xi32, #tpu.memory_space<vmem>>, %arg12: memref<2048xf32, #tpu.memory_space<vmem>>, %arg13: memref<32x128xf32, #tpu.memory_space<vmem>>, %arg14: memref<32x128xf32, #tpu.memory_space<vmem>>, %arg15: memref<16x128xf32, #tpu.memory_space<vmem>>, %arg16: memref<16xf32, #tpu.memory_space<vmem>>, %arg17: memref<!tpu.dma_semaphore, #tpu.memory_space<semaphore_mem>>, %arg18: memref<!tpu.dma_semaphore, #tpu.memory_space<semaphore_mem>>, %arg19: memref<!tpu.dma_semaphore, #tpu.memory_space<semaphore_mem>>, %arg20: memref<!tpu.dma_semaphore, #tpu.memory_space<semaphore_mem>>, %arg21: memref<!tpu.dma_semaphore, #tpu.memory_space<semaphore_mem>>, %arg22: memref<!tpu.dma_semaphore, #tpu.memory_space<semaphore_mem>>, %arg23: memref<!tpu.dma_semaphore, #tpu.memory_space<semaphore_mem>>) attributes {dimension_semantics = [#tpu.dimension_semantics<core_parallel>, #tpu.dimension_semantics<subcore_parallel>], iteration_bounds = array<i64: 2, 16>, scalar_prefetch = 0 : i64, scratch_operands = 18 : i64, tpu.core_type = #tpu.core_type<sc_vector_subcore>, window_params = [{transform_indices = #map}, {transform_indices = #map}, {transform_indices = #map1}, {transform_indices = #map1}]} {
    %scan3A = arith.constant 0 : i32
    %scan3A_0 = arith.constant 0 : i32
    %scan3A_1 = arith.constant 128 : i32
    %scan3A_2 = arith.addi %scan3A_0, %scan3A_1 : i32
    %scan3A_3 = arith.constant 1 : i32
    scf.for %scan3A_92 = %scan3A_0 to %scan3A_2 step %scan3A_3  : i32 {
      %broadcast_in_dim3A_93 = arith.constant 0 : i32
      %broadcast_in_dim3A_94 = vector.broadcast %broadcast_in_dim3A_93 : i32 to vector<16xi32>
      %mul3A_95 = arith.constant 16 : i32
      %mul3A_96 = arith.muli %scan3A_92, %mul3A_95 : i32
      %swap3A_97 = arith.index_cast %mul3A_96 : i32 to index
      %swap3A_98 = tpu.vector_load %arg10[%swap3A_97] {strides = array<i32>} : memref<2048xi32, #tpu.memory_space<vmem>>, vector<16xi32>,
      tpu.vector_store %arg10[%swap3A_97], %broadcast_in_dim3A_94 {strides = array<i32>} : memref<2048xi32, #tpu.memory_space<vmem>>, vector<16xi32>,
    }
    %scan3A_4 = arith.constant 128 : i32
    %mul3A = arith.constant 2 : i32
    %mul3A_5 = arith.muli %arg0, %mul3A : i32
    %add3A = arith.constant 0 : i32
    %add3A_6 = arith.addi %mul3A_5, %add3A : i32
    %mul3A_7 = arith.constant 12800 : i32
    %mul3A_8 = arith.muli %add3A_6, %mul3A_7 : i32
    %add3A_9 = arith.constant 12800 : i32
    %add3A_10 = arith.addi %mul3A_8, %add3A_9 : i32
    %scan3A_11 = arith.constant 0 : i32
    %scan3A_12 = arith.constant 0 : i32
    %scan3A_13 = arith.constant 16 : i32
    %scan3A_14 = arith.addi %scan3A_12, %scan3A_13 : i32
    %scan3A_15 = arith.constant 1 : i32
    scf.for %scan3A_92 = %scan3A_12 to %scan3A_14 step %scan3A_15  : i32 {
      %broadcast_in_dim3A_93 = arith.constant 0.000000e+00 : f32
      %broadcast_in_dim3A_94 = vector.broadcast %broadcast_in_dim3A_93 : f32 to vector<16xf32>
      %swap3A_95 = arith.index_cast %scan3A_92 : i32 to index
      %swap3A_96 = arith.constant 0 : index
      %swap3A_97 = tpu.vector_load %arg15[%swap3A_95, %swap3A_96] {strides = array<i32>} : memref<16x128xf32, #tpu.memory_space<vmem>>, vector<16xf32>,
      tpu.vector_store %arg15[%swap3A_95, %swap3A_96], %broadcast_in_dim3A_94 {strides = array<i32>} : memref<16x128xf32, #tpu.memory_space<vmem>>, vector<16xf32>,
      %broadcast_in_dim3A_98 = arith.constant 0.000000e+00 : f32
      %broadcast_in_dim3A_99 = vector.broadcast %broadcast_in_dim3A_98 : f32 to vector<16xf32>
      %swap3A_100 = arith.index_cast %scan3A_92 : i32 to index
      %swap3A_101 = arith.constant 16 : index
      %swap3A_102 = tpu.vector_load %arg15[%swap3A_100, %swap3A_101] {strides = array<i32>} : memref<16x128xf32, #tpu.memory_space<vmem>>, vector<16xf32>,
      tpu.vector_store %arg15[%swap3A_100, %swap3A_101], %broadcast_in_dim3A_99 {strides = array<i32>} : memref<16x128xf32, #tpu.memory_space<vmem>>, vector<16xf32>,
      %broadcast_in_dim3A_103 = arith.constant 0.000000e+00 : f32
      %broadcast_in_dim3A_104 = vector.broadcast %broadcast_in_dim3A_103 : f32 to vector<16xf32>
      %swap3A_105 = arith.index_cast %scan3A_92 : i32 to index
      %swap3A_106 = arith.constant 32 : index
      %swap3A_107 = tpu.vector_load %arg15[%swap3A_105, %swap3A_106] {strides = array<i32>} : memref<16x128xf32, #tpu.memory_space<vmem>>, vector<16xf32>,
      tpu.vector_store %arg15[%swap3A_105, %swap3A_106], %broadcast_in_dim3A_104 {strides = array<i32>} : memref<16x128xf32, #tpu.memory_space<vmem>>, vector<16xf32>,
      %broadcast_in_dim3A_108 = arith.constant 0.000000e+00 : f32
      %broadcast_in_dim3A_109 = vector.broadcast %broadcast_in_dim3A_108 : f32 to vector<16xf32>
      %swap3A_110 = arith.index_cast %scan3A_92 : i32 to index
      %swap3A_111 = arith.constant 48 : index
      %swap3A_112 = tpu.vector_load %arg15[%swap3A_110, %swap3A_111] {strides = array<i32>} : memref<16x128xf32, #tpu.memory_space<vmem>>, vector<16xf32>,
      tpu.vector_store %arg15[%swap3A_110, %swap3A_111], %broadcast_in_dim3A_109 {strides = array<i32>} : memref<16x128xf32, #tpu.memory_space<vmem>>, vector<16xf32>,
      %broadcast_in_dim3A_113 = arith.constant 0.000000e+00 : f32
      %broadcast_in_dim3A_114 = vector.broadcast %broadcast_in_dim3A_113 : f32 to vector<16xf32>
      %swap3A_115 = arith.index_cast %scan3A_92 : i32 to index
      %swap3A_116 = arith.constant 64 : index
      %swap3A_117 = tpu.vector_load %arg15[%swap3A_115, %swap3A_116] {strides = array<i32>} : memref<16x128xf32, #tpu.memory_space<vmem>>, vector<16xf32>,
      tpu.vector_store %arg15[%swap3A_115, %swap3A_116], %broadcast_in_dim3A_114 {strides = array<i32>} : memref<16x128xf32, #tpu.memory_space<vmem>>, vector<16xf32>,
      %broadcast_in_dim3A_118 = arith.constant 0.000000e+00 : f32
      %broadcast_in_dim3A_119 = vector.broadcast %broadcast_in_dim3A_118 : f32 to vector<16xf32>
      %swap3A_120 = arith.index_cast %scan3A_92 : i32 to index
      %swap3A_121 = arith.constant 80 : index
      %swap3A_122 = tpu.vector_load %arg15[%swap3A_120, %swap3A_121] {strides = array<i32>} : memref<16x128xf32, #tpu.memory_space<vmem>>, vector<16xf32>,
      tpu.vector_store %arg15[%swap3A_120, %swap3A_121], %broadcast_in_dim3A_119 {strides = array<i32>} : memref<16x128xf32, #tpu.memory_space<vmem>>, vector<16xf32>,
      %broadcast_in_dim3A_123 = arith.constant 0.000000e+00 : f32
      %broadcast_in_dim3A_124 = vector.broadcast %broadcast_in_dim3A_123 : f32 to vector<16xf32>
      %swap3A_125 = arith.index_cast %scan3A_92 : i32 to index
      %swap3A_126 = arith.constant 96 : index
      %swap3A_127 = tpu.vector_load %arg15[%swap3A_125, %swap3A_126] {strides = array<i32>} : memref<16x128xf32, #tpu.memory_space<vmem>>, vector<16xf32>,
      tpu.vector_store %arg15[%swap3A_125, %swap3A_126], %broadcast_in_dim3A_124 {strides = array<i32>} : memref<16x128xf32, #tpu.memory_space<vmem>>, vector<16xf32>,
      %broadcast_in_dim3A_128 = arith.constant 0.000000e+00 : f32
      %broadcast_in_dim3A_129 = vector.broadcast %broadcast_in_dim3A_128 : f32 to vector<16xf32>
      %swap3A_130 = arith.index_cast %scan3A_92 : i32 to index
      %swap3A_131 = arith.constant 112 : index
      %swap3A_132 = tpu.vector_load %arg15[%swap3A_130, %swap3A_131] {strides = array<i32>} : memref<16x128xf32, #tpu.memory_space<vmem>>, vector<16xf32>,
      tpu.vector_store %arg15[%swap3A_130, %swap3A_131], %broadcast_in_dim3A_129 {strides = array<i32>} : memref<16x128xf32, #tpu.memory_space<vmem>>, vector<16xf32>,
    }
    %scan3A_16 = arith.constant 16 : i32
    %broadcast_in_dim3A = arith.constant 0.000000e+00 : f32
    %broadcast_in_dim3A_17 = vector.broadcast %broadcast_in_dim3A : f32 to vector<16xf32>
    %swap3A = arith.constant 0 : index
    %swap3A_18 = tpu.vector_load %arg16[%swap3A] {strides = array<i32>} : memref<16xf32, #tpu.memory_space<vmem>>, vector<16xf32>,
    tpu.vector_store %arg16[%swap3A], %broadcast_in_dim3A_17 {strides = array<i32>} : memref<16xf32, #tpu.memory_space<vmem>>, vector<16xf32>,
    %scan3A_19 = arith.constant 0 : i32
    %scan3A_20 = arith.constant 0 : i32
    %scan3A_21 = arith.constant 51 : i32
    %scan3A_22 = arith.addi %scan3A_20, %scan3A_21 : i32
    %scan3A_23 = arith.constant 1 : i32
    scf.for %scan3A_92 = %scan3A_20 to %scan3A_22 step %scan3A_23  : i32 {
      %mul3A_93 = arith.constant 816 : i32
      %mul3A_94 = arith.muli %arg1, %mul3A_93 : i32
      %mul3A_95 = arith.constant 16 : i32
      %mul3A_96 = arith.muli %scan3A_92, %mul3A_95 : i32
      %add3A_97 = arith.addi %mul3A_94, %mul3A_96 : i32
      "tpu.region"() ({
        %run_scoped3A = tpu.sem_alloc : memref<!tpu.dma_semaphore, #tpu.memory_space<semaphore_mem>>
        %dma_start3A = arith.constant 0 : i32
        %dma_start3A_103 = tpu.memref_slice %arg6[%add3A_97, %dma_start3A] : memref<13056x128xf32, #tpu.memory_space<vmem_shared>> -> memref<16x128xf32, #tpu.memory_space<vmem_shared>>
        %dma_start3A_104 = arith.constant 0 : i32
        %dma_start3A_105 = tpu.memref_slice %arg6[%add3A_97, %dma_start3A_104] : memref<13056x128xf32, #tpu.memory_space<vmem_shared>> -> memref<16x128xf32, #tpu.memory_space<vmem_shared>>
        tpu.enqueue_dma source(%arg15 : memref<16x128xf32, #tpu.memory_space<vmem>>) target(%dma_start3A_105 : memref<16x128xf32, #tpu.memory_space<vmem_shared>>) target_semaphore(%run_scoped3A : memref<!tpu.dma_semaphore, #tpu.memory_space<semaphore_mem>>)
        %dma_wait3A = arith.constant 0 : i32
        %dma_wait3A_106 = tpu.memref_slice %arg6[%add3A_97, %dma_wait3A] : memref<13056x128xf32, #tpu.memory_space<vmem_shared>> -> memref<16x128xf32, #tpu.memory_space<vmem_shared>>
        %dma_wait3A_107 = arith.constant 0 : i32
        %dma_wait3A_108 = tpu.memref_slice %arg6[%add3A_97, %dma_wait3A_107] : memref<13056x128xf32, #tpu.memory_space<vmem_shared>> -> memref<16x128xf32, #tpu.memory_space<vmem_shared>>
        tpu.wait_dma2 semaphore(%run_scoped3A : memref<!tpu.dma_semaphore, #tpu.memory_space<semaphore_mem>>) src(%arg15 : memref<16x128xf32, #tpu.memory_space<vmem>>) dst(%dma_wait3A_108 : memref<16x128xf32, #tpu.memory_space<vmem_shared>>)
        tpu.yield
      }) : () -> ()
      %mul3A_98 = arith.constant 816 : i32
      %mul3A_99 = arith.muli %arg1, %mul3A_98 : i32
      %mul3A_100 = arith.constant 16 : i32
      %mul3A_101 = arith.muli %scan3A_92, %mul3A_100 : i32
      %add3A_102 = arith.addi %mul3A_99, %mul3A_101 : i32
      "tpu.region"() ({
        %run_scoped3A = tpu.sem_alloc : memref<!tpu.dma_semaphore, #tpu.memory_space<semaphore_mem>>
        %dma_start3A = tpu.memref_slice %arg7[%add3A_102] : memref<13056xf32, #tpu.memory_space<vmem_shared>> -> memref<16xf32, #tpu.memory_space<vmem_shared>>
        %dma_start3A_103 = tpu.memref_slice %arg7[%add3A_102] : memref<13056xf32, #tpu.memory_space<vmem_shared>> -> memref<16xf32, #tpu.memory_space<vmem_shared>>
        tpu.enqueue_dma source(%arg16 : memref<16xf32, #tpu.memory_space<vmem>>) target(%dma_start3A_103 : memref<16xf32, #tpu.memory_space<vmem_shared>>) target_semaphore(%run_scoped3A : memref<!tpu.dma_semaphore, #tpu.memory_space<semaphore_mem>>)
        %dma_wait3A = tpu.memref_slice %arg7[%add3A_102] : memref<13056xf32, #tpu.memory_space<vmem_shared>> -> memref<16xf32, #tpu.memory_space<vmem_shared>>
        %dma_wait3A_104 = tpu.memref_slice %arg7[%add3A_102] : memref<13056xf32, #tpu.memory_space<vmem_shared>> -> memref<16xf32, #tpu.memory_space<vmem_shared>>
        tpu.wait_dma2 semaphore(%run_scoped3A : memref<!tpu.dma_semaphore, #tpu.memory_space<semaphore_mem>>) src(%arg16 : memref<16xf32, #tpu.memory_space<vmem>>) dst(%dma_wait3A_104 : memref<16xf32, #tpu.memory_space<vmem_shared>>)
        tpu.yield
      }) : () -> ()
    }
    %scan3A_24 = arith.constant 51 : i32
    %barrier3A = arith.constant 0 : index
    tpu.barrier barrier_id(%barrier3A)
    %scan3A_25 = arith.constant 0 : i32
    %scan3A_26 = arith.constant 0 : i32
    %scan3A_27 = arith.constant 32 : i32
    %scan3A_28 = arith.addi %scan3A_26, %scan3A_27 : i32
    %scan3A_29 = arith.constant 1 : i32
    scf.for %scan3A_92 = %scan3A_26 to %scan3A_28 step %scan3A_29  : i32 {
      %mul3A_93 = arith.constant 51200 : i32
      %mul3A_94 = arith.muli %arg1, %mul3A_93 : i32
      %mul3A_95 = arith.constant 1600 : i32
      %mul3A_96 = arith.muli %scan3A_92, %mul3A_95 : i32
      %add3A_97 = arith.addi %mul3A_94, %mul3A_96 : i32
      "tpu.region"() ({
        %run_scoped3A = tpu.sem_alloc : memref<!tpu.dma_semaphore, #tpu.memory_space<semaphore_mem>>
        %dma_start3A = arith.constant 0 : i32
        %dma_start3A_161 = tpu.memref_slice %arg8[%dma_start3A] : memref<3200xi32, #tpu.memory_space<vmem>> -> memref<1600xi32, #tpu.memory_space<vmem>>
        %dma_start3A_162 = tpu.memref_slice %arg2[%add3A_97] : memref<819200xi32, #tpu.memory_space<hbm>> -> memref<1600xi32, #tpu.memory_space<hbm>>
        %dma_start3A_163 = arith.constant 0 : i32
        %dma_start3A_164 = tpu.memref_slice %arg8[%dma_start3A_163] : memref<3200xi32, #tpu.memory_space<vmem>> -> memref<1600xi32, #tpu.memory_space<vmem>>
        %dma_start3A_165 = tpu.memref_slice %arg2[%add3A_97] : memref<819200xi32, #tpu.memory_space<hbm>> -> memref<1600xi32, #tpu.memory_space<hbm>>
        tpu.enqueue_dma source(%dma_start3A_165 : memref<1600xi32, #tpu.memory_space<hbm>>) target(%dma_start3A_164 : memref<1600xi32, #tpu.memory_space<vmem>>) target_semaphore(%run_scoped3A : memref<!tpu.dma_semaphore, #tpu.memory_space<semaphore_mem>>)
        %dma_wait3A = arith.constant 0 : i32
        %dma_wait3A_166 = tpu.memref_slice %arg8[%dma_wait3A] : memref<3200xi32, #tpu.memory_space<vmem>> -> memref<1600xi32, #tpu.memory_space<vmem>>
        %dma_wait3A_167 = tpu.memref_slice %arg2[%add3A_97] : memref<819200xi32, #tpu.memory_space<hbm>> -> memref<1600xi32, #tpu.memory_space<hbm>>
        %dma_wait3A_168 = arith.constant 0 : i32
        %dma_wait3A_169 = tpu.memref_slice %arg8[%dma_wait3A_168] : memref<3200xi32, #tpu.memory_space<vmem>> -> memref<1600xi32, #tpu.memory_space<vmem>>
        %dma_wait3A_170 = tpu.memref_slice %arg2[%add3A_97] : memref<819200xi32, #tpu.memory_space<hbm>> -> memref<1600xi32, #tpu.memory_space<hbm>>
        tpu.wait_dma2 semaphore(%run_scoped3A : memref<!tpu.dma_semaphore, #tpu.memory_space<semaphore_mem>>) src(%dma_wait3A_170 : memref<1600xi32, #tpu.memory_space<hbm>>) dst(%dma_wait3A_169 : memref<1600xi32, #tpu.memory_space<vmem>>)
        tpu.yield
      }) : () -> ()
      "tpu.region"() ({
        %run_scoped3A = tpu.sem_alloc : memref<!tpu.dma_semaphore, #tpu.memory_space<semaphore_mem>>
        %dma_start3A = arith.constant 0 : i32
        %dma_start3A_161 = tpu.memref_slice %arg9[%dma_start3A] : memref<3200xf32, #tpu.memory_space<vmem>> -> memref<1600xf32, #tpu.memory_space<vmem>>
        %dma_start3A_162 = tpu.memref_slice %arg3[%add3A_97] : memref<819200xf32, #tpu.memory_space<hbm>> -> memref<1600xf32, #tpu.memory_space<hbm>>
        %dma_start3A_163 = arith.constant 0 : i32
        %dma_start3A_164 = tpu.memref_slice %arg9[%dma_start3A_163] : memref<3200xf32, #tpu.memory_space<vmem>> -> memref<1600xf32, #tpu.memory_space<vmem>>
        %dma_start3A_165 = tpu.memref_slice %arg3[%add3A_97] : memref<819200xf32, #tpu.memory_space<hbm>> -> memref<1600xf32, #tpu.memory_space<hbm>>
        tpu.enqueue_dma source(%dma_start3A_165 : memref<1600xf32, #tpu.memory_space<hbm>>) target(%dma_start3A_164 : memref<1600xf32, #tpu.memory_space<vmem>>) target_semaphore(%run_scoped3A : memref<!tpu.dma_semaphore, #tpu.memory_space<semaphore_mem>>)
        %dma_wait3A = arith.constant 0 : i32
        %dma_wait3A_166 = tpu.memref_slice %arg9[%dma_wait3A] : memref<3200xf32, #tpu.memory_space<vmem>> -> memref<1600xf32, #tpu.memory_space<vmem>>
        %dma_wait3A_167 = tpu.memref_slice %arg3[%add3A_97] : memref<819200xf32, #tpu.memory_space<hbm>> -> memref<1600xf32, #tpu.memory_space<hbm>>
        %dma_wait3A_168 = arith.constant 0 : i32
        %dma_wait3A_169 = tpu.memref_slice %arg9[%dma_wait3A_168] : memref<3200xf32, #tpu.memory_space<vmem>> -> memref<1600xf32, #tpu.memory_space<vmem>>
        %dma_wait3A_170 = tpu.memref_slice %arg3[%add3A_97] : memref<819200xf32, #tpu.memory_space<hbm>> -> memref<1600xf32, #tpu.memory_space<hbm>>
        tpu.wait_dma2 semaphore(%run_scoped3A : memref<!tpu.dma_semaphore, #tpu.memory_space<semaphore_mem>>) src(%dma_wait3A_170 : memref<1600xf32, #tpu.memory_space<hbm>>) dst(%dma_wait3A_169 : memref<1600xf32, #tpu.memory_space<vmem>>)
        tpu.yield
      }) : () -> ()
      %broadcast_in_dim3A_98 = arith.constant 0 : i32
      %broadcast_in_dim3A_99 = vector.broadcast %broadcast_in_dim3A_98 : i32 to vector<16xi32>
      %scan3A_100 = arith.constant 0 : i32
      %scan3A_101 = arith.constant 50 : i32
      %scan3A_102 = arith.addi %scan3A_100, %scan3A_101 : i32
      %scan3A_103 = arith.constant 1 : i32
      %scan3A_104 = scf.for %scan3A_161 = %scan3A_100 to %scan3A_102 step %scan3A_103 iter_args(%scan3A_162 = %broadcast_in_dim3A_99) -> (vector<16xi32>)  : i32 {
        %iota3A_163 = tpu.iota {dimensions = array<i32: 0>} : vector<16xi32>
        %mul3A_164 = arith.constant 2 : i32
        %mul3A_165 = arith.muli %scan3A_161, %mul3A_164 : i32
        %add3A_166 = arith.constant 0 : i32
        %add3A_167 = arith.addi %mul3A_165, %add3A_166 : i32
        %mul3A_168 = arith.constant 16 : i32
        %mul3A_169 = arith.muli %add3A_167, %mul3A_168 : i32
        %add3A_170 = arith.constant 0 : i32
        %add3A_171 = arith.addi %add3A_170, %mul3A_169 : i32
        %get3A = arith.index_cast %add3A_171 : i32 to index
        %get3A_172 = tpu.vector_load %arg8[%get3A] {strides = array<i32>} : memref<3200xi32, #tpu.memory_space<vmem>>, vector<16xi32>,
        %mul3A_173 = arith.constant 16 : i32
        %mul3A_174 = arith.muli %add3A_167, %mul3A_173 : i32
        %add3A_175 = arith.constant 0 : i32
        %add3A_176 = arith.addi %add3A_175, %mul3A_174 : i32
        %get3A_177 = arith.index_cast %add3A_176 : i32 to index
        %get3A_178 = tpu.vector_load %arg9[%get3A_177] {strides = array<i32>} : memref<3200xf32, #tpu.memory_space<vmem>>, vector<16xf32>,
        %ge3A = vector.broadcast %mul3A_8 : i32 to vector<16xi32>
        %ge3A_179 = arith.cmpi sge, %get3A_172, %ge3A : vector<16xi32>
        %lt3A = vector.broadcast %add3A_10 : i32 to vector<16xi32>
        %lt3A_180 = arith.cmpi slt, %get3A_172, %lt3A : vector<16xi32>
        %and3A_181 = arith.andi %ge3A_179, %lt3A_180 : vector<16xi1>
        %convert_element_type3A = arith.extui %and3A_181 : vector<16xi1> to vector<16xi32>
        %broadcast_in_dim3A_182 = arith.constant true
        %broadcast_in_dim3A_183 = vector.broadcast %broadcast_in_dim3A_182 : i1 to vector<16xi1>
        %masked_cumsum3A = tpu.scan <sum>, %convert_element_type3A masked %broadcast_in_dim3A_183 : vector<16xi32>, vector<16xi1> -> vector<16xi32>
        %add3A_184 = arith.addi %scan3A_162, %masked_cumsum3A : vector<16xi32>
        %sub3A_185 = arith.constant 1 : i32
        %sub3A_186 = vector.broadcast %sub3A_185 : i32 to vector<16xi32>
        %sub3A_187 = arith.subi %add3A_184, %sub3A_186 : vector<16xi32>
        %mul3A_188 = arith.constant 16 : i32
        %mul3A_189 = arith.muli %add3A_167, %mul3A_188 : i32
        %add3A_190 = arith.addi %add3A_97, %mul3A_189 : i32
        %add3A_191 = vector.broadcast %add3A_190 : i32 to vector<16xi32>
        %add3A_192 = arith.addi %add3A_191, %iota3A_163 : vector<16xi32>
        tpu.vector_store_idx %arg10[%sub3A_187], %add3A_192 masked %and3A_181 : memref<2048xi32, #tpu.memory_space<vmem>>[vector<16xi32>], vector<16xi32>, vector<16xi1>
        %sub3A_193 = vector.broadcast %mul3A_8 : i32 to vector<16xi32>
        %sub3A_194 = arith.subi %get3A_172, %sub3A_193 : vector<16xi32>
        tpu.vector_store_idx %arg11[%sub3A_187], %sub3A_194 masked %and3A_181 : memref<2048xi32, #tpu.memory_space<vmem>>[vector<16xi32>], vector<16xi32>, vector<16xi1>
        tpu.vector_store_idx %arg12[%sub3A_187], %get3A_178 masked %and3A_181 : memref<2048xf32, #tpu.memory_space<vmem>>[vector<16xi32>], vector<16xf32>, vector<16xi1>
        %all_reduce_population_count3A = tpu.all_reduce %and3A_181 {dim = 0 : i64, kind = #tpu.reduction_kind<sum>} : vector<16xi1> -> vector<16xi32>
        %add3A_195 = arith.addi %scan3A_162, %all_reduce_population_count3A : vector<16xi32>
        %mul3A_196 = arith.constant 2 : i32
        %mul3A_197 = arith.muli %scan3A_161, %mul3A_196 : i32
        %add3A_198 = arith.constant 1 : i32
        %add3A_199 = arith.addi %mul3A_197, %add3A_198 : i32
        %mul3A_200 = arith.constant 16 : i32
        %mul3A_201 = arith.muli %add3A_199, %mul3A_200 : i32
        %add3A_202 = arith.constant 0 : i32
        %add3A_203 = arith.addi %add3A_202, %mul3A_201 : i32
        %get3A_204 = arith.index_cast %add3A_203 : i32 to index
        %get3A_205 = tpu.vector_load %arg8[%get3A_204] {strides = array<i32>} : memref<3200xi32, #tpu.memory_space<vmem>>, vector<16xi32>,
        %mul3A_206 = arith.constant 16 : i32
        %mul3A_207 = arith.muli %add3A_199, %mul3A_206 : i32
        %add3A_208 = arith.constant 0 : i32
        %add3A_209 = arith.addi %add3A_208, %mul3A_207 : i32
        %get3A_210 = arith.index_cast %add3A_209 : i32 to index
        %get3A_211 = tpu.vector_load %arg9[%get3A_210] {strides = array<i32>} : memref<3200xf32, #tpu.memory_space<vmem>>, vector<16xf32>,
        %ge3A_212 = vector.broadcast %mul3A_8 : i32 to vector<16xi32>
        %ge3A_213 = arith.cmpi sge, %get3A_205, %ge3A_212 : vector<16xi32>
        %lt3A_214 = vector.broadcast %add3A_10 : i32 to vector<16xi32>
        %lt3A_215 = arith.cmpi slt, %get3A_205, %lt3A_214 : vector<16xi32>
        %and3A_216 = arith.andi %ge3A_213, %lt3A_215 : vector<16xi1>
        %convert_element_type3A_217 = arith.extui %and3A_216 : vector<16xi1> to vector<16xi32>
        %broadcast_in_dim3A_218 = arith.constant true
        %broadcast_in_dim3A_219 = vector.broadcast %broadcast_in_dim3A_218 : i1 to vector<16xi1>
        %masked_cumsum3A_220 = tpu.scan <sum>, %convert_element_type3A_217 masked %broadcast_in_dim3A_219 : vector<16xi32>, vector<16xi1> -> vector<16xi32>
        %add3A_221 = arith.addi %add3A_195, %masked_cumsum3A_220 : vector<16xi32>
        %sub3A_222 = arith.constant 1 : i32
        %sub3A_223 = vector.broadcast %sub3A_222 : i32 to vector<16xi32>
        %sub3A_224 = arith.subi %add3A_221, %sub3A_223 : vector<16xi32>
        %mul3A_225 = arith.constant 16 : i32
        %mul3A_226 = arith.muli %add3A_199, %mul3A_225 : i32
        %add3A_227 = arith.addi %add3A_97, %mul3A_226 : i32
        %add3A_228 = vector.broadcast %add3A_227 : i32 to vector<16xi32>
        %add3A_229 = arith.addi %add3A_228, %iota3A_163 : vector<16xi32>
        tpu.vector_store_idx %arg10[%sub3A_224], %add3A_229 masked %and3A_216 : memref<2048xi32, #tpu.memory_space<vmem>>[vector<16xi32>], vector<16xi32>, vector<16xi1>
        %sub3A_230 = vector.broadcast %mul3A_8 : i32 to vector<16xi32>
        %sub3A_231 = arith.subi %get3A_205, %sub3A_230 : vector<16xi32>
        tpu.vector_store_idx %arg11[%sub3A_224], %sub3A_231 masked %and3A_216 : memref<2048xi32, #tpu.memory_space<vmem>>[vector<16xi32>], vector<16xi32>, vector<16xi1>
        tpu.vector_store_idx %arg12[%sub3A_224], %get3A_211 masked %and3A_216 : memref<2048xf32, #tpu.memory_space<vmem>>[vector<16xi32>], vector<16xf32>, vector<16xi1>
        %all_reduce_population_count3A_232 = tpu.all_reduce %and3A_216 {dim = 0 : i64, kind = #tpu.reduction_kind<sum>} : vector<16xi1> -> vector<16xi32>
        %add3A_233 = arith.addi %add3A_195, %all_reduce_population_count3A_232 : vector<16xi32>
        scf.yield %add3A_233 : vector<16xi32>
      }
      %scan3A_105 = arith.constant 50 : i32
      %reduce_max3A = arith.constant true
      %reduce_max3A_106 = vector.broadcast %reduce_max3A : i1 to vector<16xi1>
      %reduce_max3A_107 = arith.constant -2147483648 : i32
      %reduce_max3A_108 = vector.broadcast %reduce_max3A_107 : i32 to vector<16xi32>
      %reduce_max3A_109 = arith.xori %scan3A_104, %reduce_max3A_108 : vector<16xi32>
      %reduce_max3A_110 = tpu.scan <max>, %reduce_max3A_109 masked %reduce_max3A_106 : vector<16xi32>, vector<16xi1> -> vector<16xi32>
      %reduce_max3A_111 = arith.xori %reduce_max3A_110, %reduce_max3A_108 : vector<16xi32>
      %reduce_max3A_112 = vector.extract %reduce_max3A_111[15] : i32 from vector<16xi32>
      %iota3A = tpu.iota {dimensions = array<i32: 0>} : vector<16xi32>
      %add3A_113 = arith.constant 0 : i32
      %add3A_114 = arith.addi %reduce_max3A_112, %add3A_113 : i32
      %add3A_115 = vector.broadcast %add3A_114 : i32 to vector<16xi32>
      %add3A_116 = arith.addi %add3A_115, %iota3A : vector<16xi32>
      tpu.vector_store_idx %arg10[%add3A_116], %iota3A : memref<2048xi32, #tpu.memory_space<vmem>>[vector<16xi32>], vector<16xi32>,
      %add3A_117 = arith.constant 12800 : i32
      %add3A_118 = vector.broadcast %add3A_117 : i32 to vector<16xi32>
      %add3A_119 = arith.addi %add3A_118, %iota3A : vector<16xi32>
      tpu.vector_store_idx %arg11[%add3A_116], %add3A_119 : memref<2048xi32, #tpu.memory_space<vmem>>[vector<16xi32>], vector<16xi32>,
      %broadcast_in_dim3A_120 = arith.constant 0.000000e+00 : f32
      %broadcast_in_dim3A_121 = vector.broadcast %broadcast_in_dim3A_120 : f32 to vector<16xf32>
      tpu.vector_store_idx %arg12[%add3A_116], %broadcast_in_dim3A_121 : memref<2048xf32, #tpu.memory_space<vmem>>[vector<16xi32>], vector<16xf32>,
      %iota3A_122 = tpu.iota {dimensions = array<i32: 0>} : vector<16xi32>
      %add3A_123 = arith.constant 16 : i32
      %add3A_124 = arith.addi %reduce_max3A_112, %add3A_123 : i32
      %add3A_125 = vector.broadcast %add3A_124 : i32 to vector<16xi32>
      %add3A_126 = arith.addi %add3A_125, %iota3A_122 : vector<16xi32>
      tpu.vector_store_idx %arg10[%add3A_126], %iota3A_122 : memref<2048xi32, #tpu.memory_space<vmem>>[vector<16xi32>], vector<16xi32>,
      %add3A_127 = arith.constant 12800 : i32
      %add3A_128 = vector.broadcast %add3A_127 : i32 to vector<16xi32>
      %add3A_129 = arith.addi %add3A_128, %iota3A_122 : vector<16xi32>
      tpu.vector_store_idx %arg11[%add3A_126], %add3A_129 : memref<2048xi32, #tpu.memory_space<vmem>>[vector<16xi32>], vector<16xi32>,
      %broadcast_in_dim3A_130 = arith.constant 0.000000e+00 : f32
      %broadcast_in_dim3A_131 = vector.broadcast %broadcast_in_dim3A_130 : f32 to vector<16xf32>
      tpu.vector_store_idx %arg12[%add3A_126], %broadcast_in_dim3A_131 : memref<2048xf32, #tpu.memory_space<vmem>>[vector<16xi32>], vector<16xf32>,
      %add3A_132 = arith.constant 32 : i32
      %add3A_133 = arith.addi %reduce_max3A_112, %add3A_132 : i32
      %sub3A = arith.constant 1 : i32
      %sub3A_134 = arith.subi %add3A_133, %sub3A : i32
      %jit3A = arith.constant 32 : i32
      %div3A = arith.divsi %sub3A_134, %jit3A : i32
      %sign3A = arith.constant 0 : i32
      %sign3A_135 = arith.cmpi sgt, %sub3A_134, %sign3A : i32
      %sign3A_136 = arith.extui %sign3A_135 : i1 to i32
      %sign3A_137 = arith.constant 0 : i32
      %sign3A_138 = arith.cmpi slt, %sub3A_134, %sign3A_137 : i32
      %sign3A_139 = arith.extui %sign3A_138 : i1 to i32
      %sign3A_140 = arith.subi %sign3A_136, %sign3A_139 : i32
      %sign3A_141 = arith.constant 0 : i32
      %sign3A_142 = arith.cmpi sgt, %jit3A, %sign3A_141 : i32
      %sign3A_143 = arith.extui %sign3A_142 : i1 to i32
      %sign3A_144 = arith.constant 0 : i32
      %sign3A_145 = arith.cmpi slt, %jit3A, %sign3A_144 : i32
      %sign3A_146 = arith.extui %sign3A_145 : i1 to i32
      %sign3A_147 = arith.subi %sign3A_143, %sign3A_146 : i32
      %ne3A = arith.cmpi ne, %sign3A_140, %sign3A_147 : i32
      %rem3A = arith.remsi %sub3A_134, %jit3A : i32
      %ne3A_148 = arith.constant 0 : i32
      %ne3A_149 = arith.cmpi ne, %rem3A, %ne3A_148 : i32
      %and3A = arith.andi %ne3A, %ne3A_149 : i1
      %sub3A_150 = arith.constant 1 : i32
      %sub3A_151 = arith.subi %div3A, %sub3A_150 : i32
      %select_n3A = arith.select %and3A, %sub3A_151, %div3A : i32
      %while3A = arith.constant 0 : i32
      %while3A_152 = arith.constant 0 : i32
      %while3A_153 = arith.subi %select_n3A, %while3A_152 : i32
      %while3A_154 = arith.addi %while3A_152, %while3A_153 : i32
      %while3A_155 = arith.constant 1 : i32
      %while3A_156 = arith.divsi %while3A_153, %while3A_155 : i32
      %while3A_157 = arith.muli %while3A_156, %while3A_155 : i32
      %while3A_158 = arith.addi %while3A_152, %while3A_157 : i32
      %while3A_159 = arith.constant 1 : i32
      scf.for %while3A_161 = %while3A_152 to %while3A_158 step %while3A_159  : i32 {
        %mul3A_162 = arith.constant 32 : i32
        %mul3A_163 = arith.muli %while3A_161, %mul3A_162 : i32
        "tpu.region"() ({
          %run_scoped3A = tpu.sem_alloc : memref<!tpu.dma_semaphore, #tpu.memory_space<semaphore_mem>>
          %dma_start3A = tpu.memref_slice %arg10[%mul3A_163] : memref<2048xi32, #tpu.memory_space<vmem>> -> memref<32xi32, #tpu.memory_space<vmem>>
          %dma_start3A_170 = arith.constant 0 : i32
          %dma_start3A_171 = arith.constant 0 : i32
          %dma_start3A_172 = tpu.memref_slice %arg4[%dma_start3A_170, %dma_start3A_171] : memref<819200x128xf32, #tpu.memory_space<hbm>> -> memref<819200x128xf32, #tpu.memory_space<hbm>>
          tpu.enqueue_indirect_dma source(%dma_start3A_172 : memref<819200x128xf32, #tpu.memory_space<hbm>>) target(%arg13 : memref<32x128xf32, #tpu.memory_space<vmem>>) offsets(%dma_start3A : memref<32xi32, #tpu.memory_space<vmem>>) semaphore(%run_scoped3A : memref<!tpu.dma_semaphore, #tpu.memory_space<semaphore_mem>>)
          %dma_wait3A = tpu.memref_slice %arg10[%mul3A_163] : memref<2048xi32, #tpu.memory_space<vmem>> -> memref<32xi32, #tpu.memory_space<vmem>>
          %dma_wait3A_173 = arith.constant 0 : i32
          %dma_wait3A_174 = arith.constant 0 : i32
          %dma_wait3A_175 = tpu.memref_slice %arg4[%dma_wait3A_173, %dma_wait3A_174] : memref<819200x128xf32, #tpu.memory_space<hbm>> -> memref<819200x128xf32, #tpu.memory_space<hbm>>
          tpu.wait_indirect_dma semaphore(%run_scoped3A : memref<!tpu.dma_semaphore, #tpu.memory_space<semaphore_mem>>) src(%dma_wait3A_175 : memref<819200x128xf32, #tpu.memory_space<hbm>>) dst(%arg13 : memref<32x128xf32, #tpu.memory_space<vmem>>)
          tpu.yield
        }) : () -> ()
        %mul3A_164 = arith.constant 32 : i32
        %mul3A_165 = arith.muli %while3A_161, %mul3A_164 : i32
        "tpu.region"() ({
          %run_scoped3A = tpu.sem_alloc : memref<!tpu.dma_semaphore, #tpu.memory_space<semaphore_mem>>
          %dma_start3A = tpu.memref_slice %arg11[%mul3A_165] : memref<2048xi32, #tpu.memory_space<vmem>> -> memref<32xi32, #tpu.memory_space<vmem>>
          %dma_start3A_170 = arith.constant 0 : i32
          %dma_start3A_171 = arith.constant 0 : i32
          %dma_start3A_172 = tpu.memref_slice %arg6[%dma_start3A_170, %dma_start3A_171] : memref<13056x128xf32, #tpu.memory_space<vmem_shared>> -> memref<13056x128xf32, #tpu.memory_space<vmem_shared>>
          tpu.enqueue_indirect_dma source(%arg13 : memref<32x128xf32, #tpu.memory_space<vmem>>) target(%dma_start3A_172 : memref<13056x128xf32, #tpu.memory_space<vmem_shared>>) offsets(%dma_start3A : memref<32xi32, #tpu.memory_space<vmem>>) semaphore(%run_scoped3A : memref<!tpu.dma_semaphore, #tpu.memory_space<semaphore_mem>>) {add = true}
          %dma_wait3A = tpu.memref_slice %arg11[%mul3A_165] : memref<2048xi32, #tpu.memory_space<vmem>> -> memref<32xi32, #tpu.memory_space<vmem>>
          %dma_wait3A_173 = arith.constant 0 : i32
          %dma_wait3A_174 = arith.constant 0 : i32
          %dma_wait3A_175 = tpu.memref_slice %arg6[%dma_wait3A_173, %dma_wait3A_174] : memref<13056x128xf32, #tpu.memory_space<vmem_shared>> -> memref<13056x128xf32, #tpu.memory_space<vmem_shared>>
          tpu.wait_indirect_dma semaphore(%run_scoped3A : memref<!tpu.dma_semaphore, #tpu.memory_space<semaphore_mem>>) src(%arg13 : memref<32x128xf32, #tpu.memory_space<vmem>>) dst(%dma_wait3A_175 : memref<13056x128xf32, #tpu.memory_space<vmem_shared>>)
          tpu.yield
        }) : () -> ()
        %mul3A_166 = arith.constant 32 : i32
        %mul3A_167 = arith.muli %while3A_161, %mul3A_166 : i32
        %mul3A_168 = arith.constant 32 : i32
        %mul3A_169 = arith.muli %while3A_161, %mul3A_168 : i32
        "tpu.region"() ({
          %run_scoped3A = tpu.sem_alloc : memref<!tpu.dma_semaphore, #tpu.memory_space<semaphore_mem>>
          %dma_start3A = tpu.memref_slice %arg12[%mul3A_167] : memref<2048xf32, #tpu.memory_space<vmem>> -> memref<32xf32, #tpu.memory_space<vmem>>
          %dma_start3A_170 = tpu.memref_slice %arg11[%mul3A_169] : memref<2048xi32, #tpu.memory_space<vmem>> -> memref<32xi32, #tpu.memory_space<vmem>>
          %dma_start3A_171 = arith.constant 0 : i32
          %dma_start3A_172 = tpu.memref_slice %arg7[%dma_start3A_171] : memref<13056xf32, #tpu.memory_space<vmem_shared>> -> memref<13056xf32, #tpu.memory_space<vmem_shared>>
          tpu.enqueue_indirect_dma source(%dma_start3A : memref<32xf32, #tpu.memory_space<vmem>>) target(%dma_start3A_172 : memref<13056xf32, #tpu.memory_space<vmem_shared>>) offsets(%dma_start3A_170 : memref<32xi32, #tpu.memory_space<vmem>>) semaphore(%run_scoped3A : memref<!tpu.dma_semaphore, #tpu.memory_space<semaphore_mem>>) {add = true}
          %dma_wait3A = tpu.memref_slice %arg12[%mul3A_167] : memref<2048xf32, #tpu.memory_space<vmem>> -> memref<32xf32, #tpu.memory_space<vmem>>
          %dma_wait3A_173 = tpu.memref_slice %arg11[%mul3A_169] : memref<2048xi32, #tpu.memory_space<vmem>> -> memref<32xi32, #tpu.memory_space<vmem>>
          %dma_wait3A_174 = arith.constant 0 : i32
          %dma_wait3A_175 = tpu.memref_slice %arg7[%dma_wait3A_174] : memref<13056xf32, #tpu.memory_space<vmem_shared>> -> memref<13056xf32, #tpu.memory_space<vmem_shared>>
          tpu.wait_indirect_dma semaphore(%run_scoped3A : memref<!tpu.dma_semaphore, #tpu.memory_space<semaphore_mem>>) src(%dma_wait3A : memref<32xf32, #tpu.memory_space<vmem>>) dst(%dma_wait3A_175 : memref<13056xf32, #tpu.memory_space<vmem_shared>>)
          tpu.yield
        }) : () -> ()
      }
      %while3A_160 = arith.constant 1 : i32
      scf.for %while3A_161 = %while3A_158 to %while3A_154 step %while3A_160  : i32 {
        %mul3A_162 = arith.constant 32 : i32
        %mul3A_163 = arith.muli %while3A_161, %mul3A_162 : i32
        "tpu.region"() ({
          %run_scoped3A = tpu.sem_alloc : memref<!tpu.dma_semaphore, #tpu.memory_space<semaphore_mem>>
          %dma_start3A = tpu.memref_slice %arg10[%mul3A_163] : memref<2048xi32, #tpu.memory_space<vmem>> -> memref<32xi32, #tpu.memory_space<vmem>>
          %dma_start3A_170 = arith.constant 0 : i32
          %dma_start3A_171 = arith.constant 0 : i32
          %dma_start3A_172 = tpu.memref_slice %arg4[%dma_start3A_170, %dma_start3A_171] : memref<819200x128xf32, #tpu.memory_space<hbm>> -> memref<819200x128xf32, #tpu.memory_space<hbm>>
          tpu.enqueue_indirect_dma source(%dma_start3A_172 : memref<819200x128xf32, #tpu.memory_space<hbm>>) target(%arg13 : memref<32x128xf32, #tpu.memory_space<vmem>>) offsets(%dma_start3A : memref<32xi32, #tpu.memory_space<vmem>>) semaphore(%run_scoped3A : memref<!tpu.dma_semaphore, #tpu.memory_space<semaphore_mem>>)
          %dma_wait3A = tpu.memref_slice %arg10[%mul3A_163] : memref<2048xi32, #tpu.memory_space<vmem>> -> memref<32xi32, #tpu.memory_space<vmem>>
          %dma_wait3A_173 = arith.constant 0 : i32
          %dma_wait3A_174 = arith.constant 0 : i32
          %dma_wait3A_175 = tpu.memref_slice %arg4[%dma_wait3A_173, %dma_wait3A_174] : memref<819200x128xf32, #tpu.memory_space<hbm>> -> memref<819200x128xf32, #tpu.memory_space<hbm>>
          tpu.wait_indirect_dma semaphore(%run_scoped3A : memref<!tpu.dma_semaphore, #tpu.memory_space<semaphore_mem>>) src(%dma_wait3A_175 : memref<819200x128xf32, #tpu.memory_space<hbm>>) dst(%arg13 : memref<32x128xf32, #tpu.memory_space<vmem>>)
          tpu.yield
        }) : () -> ()
        %mul3A_164 = arith.constant 32 : i32
        %mul3A_165 = arith.muli %while3A_161, %mul3A_164 : i32
        "tpu.region"() ({
          %run_scoped3A = tpu.sem_alloc : memref<!tpu.dma_semaphore, #tpu.memory_space<semaphore_mem>>
          %dma_start3A = tpu.memref_slice %arg11[%mul3A_165] : memref<2048xi32, #tpu.memory_space<vmem>> -> memref<32xi32, #tpu.memory_space<vmem>>
          %dma_start3A_170 = arith.constant 0 : i32
          %dma_start3A_171 = arith.constant 0 : i32
          %dma_start3A_172 = tpu.memref_slice %arg6[%dma_start3A_170, %dma_start3A_171] : memref<13056x128xf32, #tpu.memory_space<vmem_shared>> -> memref<13056x128xf32, #tpu.memory_space<vmem_shared>>
          tpu.enqueue_indirect_dma source(%arg13 : memref<32x128xf32, #tpu.memory_space<vmem>>) target(%dma_start3A_172 : memref<13056x128xf32, #tpu.memory_space<vmem_shared>>) offsets(%dma_start3A : memref<32xi32, #tpu.memory_space<vmem>>) semaphore(%run_scoped3A : memref<!tpu.dma_semaphore, #tpu.memory_space<semaphore_mem>>) {add = true}
          %dma_wait3A = tpu.memref_slice %arg11[%mul3A_165] : memref<2048xi32, #tpu.memory_space<vmem>> -> memref<32xi32, #tpu.memory_space<vmem>>
          %dma_wait3A_173 = arith.constant 0 : i32
          %dma_wait3A_174 = arith.constant 0 : i32
          %dma_wait3A_175 = tpu.memref_slice %arg6[%dma_wait3A_173, %dma_wait3A_174] : memref<13056x128xf32, #tpu.memory_space<vmem_shared>> -> memref<13056x128xf32, #tpu.memory_space<vmem_shared>>
          tpu.wait_indirect_dma semaphore(%run_scoped3A : memref<!tpu.dma_semaphore, #tpu.memory_space<semaphore_mem>>) src(%arg13 : memref<32x128xf32, #tpu.memory_space<vmem>>) dst(%dma_wait3A_175 : memref<13056x128xf32, #tpu.memory_space<vmem_shared>>)
          tpu.yield
        }) : () -> ()
        %mul3A_166 = arith.constant 32 : i32
        %mul3A_167 = arith.muli %while3A_161, %mul3A_166 : i32
        %mul3A_168 = arith.constant 32 : i32
        %mul3A_169 = arith.muli %while3A_161, %mul3A_168 : i32
        "tpu.region"() ({
          %run_scoped3A = tpu.sem_alloc : memref<!tpu.dma_semaphore, #tpu.memory_space<semaphore_mem>>
          %dma_start3A = tpu.memref_slice %arg12[%mul3A_167] : memref<2048xf32, #tpu.memory_space<vmem>> -> memref<32xf32, #tpu.memory_space<vmem>>
          %dma_start3A_170 = tpu.memref_slice %arg11[%mul3A_169] : memref<2048xi32, #tpu.memory_space<vmem>> -> memref<32xi32, #tpu.memory_space<vmem>>
          %dma_start3A_171 = arith.constant 0 : i32
          %dma_start3A_172 = tpu.memref_slice %arg7[%dma_start3A_171] : memref<13056xf32, #tpu.memory_space<vmem_shared>> -> memref<13056xf32, #tpu.memory_space<vmem_shared>>
          tpu.enqueue_indirect_dma source(%dma_start3A : memref<32xf32, #tpu.memory_space<vmem>>) target(%dma_start3A_172 : memref<13056xf32, #tpu.memory_space<vmem_shared>>) offsets(%dma_start3A_170 : memref<32xi32, #tpu.memory_space<vmem>>) semaphore(%run_scoped3A : memref<!tpu.dma_semaphore, #tpu.memory_space<semaphore_mem>>) {add = true}
          %dma_wait3A = tpu.memref_slice %arg12[%mul3A_167] : memref<2048xf32, #tpu.memory_space<vmem>> -> memref<32xf32, #tpu.memory_space<vmem>>
          %dma_wait3A_173 = tpu.memref_slice %arg11[%mul3A_169] : memref<2048xi32, #tpu.memory_space<vmem>> -> memref<32xi32, #tpu.memory_space<vmem>>
          %dma_wait3A_174 = arith.constant 0 : i32
          %dma_wait3A_175 = tpu.memref_slice %arg7[%dma_wait3A_174] : memref<13056xf32, #tpu.memory_space<vmem_shared>> -> memref<13056xf32, #tpu.memory_space<vmem_shared>>
          tpu.wait_indirect_dma semaphore(%run_scoped3A : memref<!tpu.dma_semaphore, #tpu.memory_space<semaphore_mem>>) src(%dma_wait3A : memref<32xf32, #tpu.memory_space<vmem>>) dst(%dma_wait3A_175 : memref<13056xf32, #tpu.memory_space<vmem_shared>>)
          tpu.yield
        }) : () -> ()
      }
    }
    %scan3A_30 = arith.constant 32 : i32
    %barrier3A_31 = arith.constant 0 : index
    tpu.barrier barrier_id(%barrier3A_31)
    %mul3A_32 = arith.constant 12800 : i32
    %mul3A_33 = arith.muli %add3A_6, %mul3A_32 : i32
    %mul3A_34 = arith.constant 800 : i32
    %mul3A_35 = arith.muli %arg1, %mul3A_34 : i32
    %add3A_36 = arith.addi %mul3A_33, %mul3A_35 : i32
    %mul3A_37 = arith.constant 800 : i32
    %mul3A_38 = arith.muli %arg1, %mul3A_37 : i32
    %scan3A_39 = arith.constant 0 : i32
    %scan3A_40 = arith.constant 0 : i32
    %scan3A_41 = arith.constant 50 : i32
    %scan3A_42 = arith.addi %scan3A_40, %scan3A_41 : i32
    %scan3A_43 = arith.constant 1 : i32
    scf.for %scan3A_92 = %scan3A_40 to %scan3A_42 step %scan3A_43  : i32 {
      %mul3A_93 = arith.constant 16 : i32
      %mul3A_94 = arith.muli %scan3A_92, %mul3A_93 : i32
      %add3A_95 = arith.addi %mul3A_38, %mul3A_94 : i32
      "tpu.region"() ({
        %run_scoped3A = tpu.sem_alloc : memref<!tpu.dma_semaphore, #tpu.memory_space<semaphore_mem>>
        %dma_start3A = arith.constant 0 : i32
        %dma_start3A_1418 = tpu.memref_slice %arg6[%add3A_95, %dma_start3A] : memref<13056x128xf32, #tpu.memory_space<vmem_shared>> -> memref<16x128xf32, #tpu.memory_space<vmem_shared>>
        %dma_start3A_1419 = arith.constant 0 : i32
        %dma_start3A_1420 = tpu.memref_slice %arg6[%add3A_95, %dma_start3A_1419] : memref<13056x128xf32, #tpu.memory_space<vmem_shared>> -> memref<16x128xf32, #tpu.memory_space<vmem_shared>>
        tpu.enqueue_dma source(%dma_start3A_1420 : memref<16x128xf32, #tpu.memory_space<vmem_shared>>) target(%arg15 : memref<16x128xf32, #tpu.memory_space<vmem>>) target_semaphore(%run_scoped3A : memref<!tpu.dma_semaphore, #tpu.memory_space<semaphore_mem>>)
        %dma_wait3A = arith.constant 0 : i32
        %dma_wait3A_1421 = tpu.memref_slice %arg6[%add3A_95, %dma_wait3A] : memref<13056x128xf32, #tpu.memory_space<vmem_shared>> -> memref<16x128xf32, #tpu.memory_space<vmem_shared>>
        %dma_wait3A_1422 = arith.constant 0 : i32
        %dma_wait3A_1423 = tpu.memref_slice %arg6[%add3A_95, %dma_wait3A_1422] : memref<13056x128xf32, #tpu.memory_space<vmem_shared>> -> memref<16x128xf32, #tpu.memory_space<vmem_shared>>
        tpu.wait_dma2 semaphore(%run_scoped3A : memref<!tpu.dma_semaphore, #tpu.memory_space<semaphore_mem>>) src(%dma_wait3A_1423 : memref<16x128xf32, #tpu.memory_space<vmem_shared>>) dst(%arg15 : memref<16x128xf32, #tpu.memory_space<vmem>>)
        tpu.yield
      }) : () -> ()
      %mul3A_96 = arith.constant 16 : i32
      %mul3A_97 = arith.muli %scan3A_92, %mul3A_96 : i32
      %add3A_98 = arith.addi %mul3A_38, %mul3A_97 : i32
      "tpu.region"() ({
        %run_scoped3A = tpu.sem_alloc : memref<!tpu.dma_semaphore, #tpu.memory_space<semaphore_mem>>
        %dma_start3A = tpu.memref_slice %arg7[%add3A_98] : memref<13056xf32, #tpu.memory_space<vmem_shared>> -> memref<16xf32, #tpu.memory_space<vmem_shared>>
        %dma_start3A_1418 = tpu.memref_slice %arg7[%add3A_98] : memref<13056xf32, #tpu.memory_space<vmem_shared>> -> memref<16xf32, #tpu.memory_space<vmem_shared>>
        tpu.enqueue_dma source(%dma_start3A_1418 : memref<16xf32, #tpu.memory_space<vmem_shared>>) target(%arg16 : memref<16xf32, #tpu.memory_space<vmem>>) target_semaphore(%run_scoped3A : memref<!tpu.dma_semaphore, #tpu.memory_space<semaphore_mem>>)
        %dma_wait3A = tpu.memref_slice %arg7[%add3A_98] : memref<13056xf32, #tpu.memory_space<vmem_shared>> -> memref<16xf32, #tpu.memory_space<vmem_shared>>
        %dma_wait3A_1419 = tpu.memref_slice %arg7[%add3A_98] : memref<13056xf32, #tpu.memory_space<vmem_shared>> -> memref<16xf32, #tpu.memory_space<vmem_shared>>
        tpu.wait_dma2 semaphore(%run_scoped3A : memref<!tpu.dma_semaphore, #tpu.memory_space<semaphore_mem>>) src(%dma_wait3A_1419 : memref<16xf32, #tpu.memory_space<vmem_shared>>) dst(%arg16 : memref<16xf32, #tpu.memory_space<vmem>>)
        tpu.yield
      }) : () -> ()
      %get3A = arith.constant 0 : index
      %get3A_99 = tpu.vector_load %arg16[%get3A] {strides = array<i32>} : memref<16xf32, #tpu.memory_space<vmem>>, vector<16xf32>,
      %add3A_100 = arith.constant 9.99999971E-10 : f32
      %add3A_101 = vector.broadcast %add3A_100 : f32 to vector<16xf32>
      %add3A_102 = arith.addf %get3A_99, %add3A_101 : vector<16xf32>
      %div3A = arith.constant 1.000000e+00 : f32
      %div3A_103 = vector.broadcast %div3A : f32 to vector<16xf32>
      %div3A_104 = arith.divf %div3A_103, %add3A_102 : vector<16xf32>
      %slice3A = vector.extract_strided_slice %div3A_104 {offsets = [0], sizes = [1], strides = [1]} : vector<16xf32> to vector<1xf32>
      %squeeze3A = vector.extract %slice3A[0] : f32 from vector<1xf32>
      %get3A_105 = arith.constant 0 : i32
      %get3A_106 = arith.index_cast %get3A_105 : i32 to index
      %get3A_107 = arith.constant 0 : index
      %get3A_108 = tpu.vector_load %arg15[%get3A_106, %get3A_107] {strides = array<i32>} : memref<16x128xf32, #tpu.memory_space<vmem>>, vector<16xf32>,
      %mul3A_109 = vector.broadcast %squeeze3A : f32 to vector<16xf32>
      %mul3A_110 = arith.mulf %get3A_108, %mul3A_109 : vector<16xf32>
      %swap3A_111 = arith.constant 0 : i32
      %swap3A_112 = arith.index_cast %swap3A_111 : i32 to index
      %swap3A_113 = arith.constant 0 : index
      %swap3A_114 = tpu.vector_load %arg15[%swap3A_112, %swap3A_113] {strides = array<i32>} : memref<16x128xf32, #tpu.memory_space<vmem>>, vector<16xf32>,
      tpu.vector_store %arg15[%swap3A_112, %swap3A_113], %mul3A_110 {strides = array<i32>} : memref<16x128xf32, #tpu.memory_space<vmem>>, vector<16xf32>,
      %get3A_115 = arith.constant 0 : i32
      %get3A_116 = arith.index_cast %get3A_115 : i32 to index
      %get3A_117 = arith.constant 16 : index
      %get3A_118 = tpu.vector_load %arg15[%get3A_116, %get3A_117] {strides = array<i32>} : memref<16x128xf32, #tpu.memory_space<vmem>>, vector<16xf32>,
      %mul3A_119 = vector.broadcast %squeeze3A : f32 to vector<16xf32>
      %mul3A_120 = arith.mulf %get3A_118, %mul3A_119 : vector<16xf32>
      %swap3A_121 = arith.constant 0 : i32
      %swap3A_122 = arith.index_cast %swap3A_121 : i32 to index
      %swap3A_123 = arith.constant 16 : index
      %swap3A_124 = tpu.vector_load %arg15[%swap3A_122, %swap3A_123] {strides = array<i32>} : memref<16x128xf32, #tpu.memory_space<vmem>>, vector<16xf32>,
      tpu.vector_store %arg15[%swap3A_122, %swap3A_123], %mul3A_120 {strides = array<i32>} : memref<16x128xf32, #tpu.memory_space<vmem>>, vector<16xf32>,
      %get3A_125 = arith.constant 0 : i32
      %get3A_126 = arith.index_cast %get3A_125 : i32 to index
      %get3A_127 = arith.constant 32 : index
      %get3A_128 = tpu.vector_load %arg15[%get3A_126, %get3A_127] {strides = array<i32>} : memref<16x128xf32, #tpu.memory_space<vmem>>, vector<16xf32>,
      %mul3A_129 = vector.broadcast %squeeze3A : f32 to vector<16xf32>
      %mul3A_130 = arith.mulf %get3A_128, %mul3A_129 : vector<16xf32>
      %swap3A_131 = arith.constant 0 : i32
      %swap3A_132 = arith.index_cast %swap3A_131 : i32 to index
      %swap3A_133 = arith.constant 32 : index
      %swap3A_134 = tpu.vector_load %arg15[%swap3A_132, %swap3A_133] {strides = array<i32>} : memref<16x128xf32, #tpu.memory_space<vmem>>, vector<16xf32>,
      tpu.vector_store %arg15[%swap3A_132, %swap3A_133], %mul3A_130 {strides = array<i32>} : memref<16x128xf32, #tpu.memory_space<vmem>>, vector<16xf32>,
      %get3A_135 = arith.constant 0 : i32
      %get3A_136 = arith.index_cast %get3A_135 : i32 to index
      %get3A_137 = arith.constant 48 : index
      %get3A_138 = tpu.vector_load %arg15[%get3A_136, %get3A_137] {strides = array<i32>} : memref<16x128xf32, #tpu.memory_space<vmem>>, vector<16xf32>,
      %mul3A_139 = vector.broadcast %squeeze3A : f32 to vector<16xf32>
      %mul3A_140 = arith.mulf %get3A_138, %mul3A_139 : vector<16xf32>
      %swap3A_141 = arith.constant 0 : i32
      %swap3A_142 = arith.index_cast %swap3A_141 : i32 to index
      %swap3A_143 = arith.constant 48 : index
      %swap3A_144 = tpu.vector_load %arg15[%swap3A_142, %swap3A_143] {strides = array<i32>} : memref<16x128xf32, #tpu.memory_space<vmem>>, vector<16xf32>,
      tpu.vector_store %arg15[%swap3A_142, %swap3A_143], %mul3A_140 {strides = array<i32>} : memref<16x128xf32, #tpu.memory_space<vmem>>, vector<16xf32>,
      %get3A_145 = arith.constant 0 : i32
      %get3A_146 = arith.index_cast %get3A_145 : i32 to index
      %get3A_147 = arith.constant 64 : index
      %get3A_148 = tpu.vector_load %arg15[%get3A_146, %get3A_147] {strides = array<i32>} : memref<16x128xf32, #tpu.memory_space<vmem>>, vector<16xf32>,
      %mul3A_149 = vector.broadcast %squeeze3A : f32 to vector<16xf32>
      %mul3A_150 = arith.mulf %get3A_148, %mul3A_149 : vector<16xf32>
      %swap3A_151 = arith.constant 0 : i32
      %swap3A_152 = arith.index_cast %swap3A_151 : i32 to index
      %swap3A_153 = arith.constant 64 : index
      %swap3A_154 = tpu.vector_load %arg15[%swap3A_152, %swap3A_153] {strides = array<i32>} : memref<16x128xf32, #tpu.memory_space<vmem>>, vector<16xf32>,
      tpu.vector_store %arg15[%swap3A_152, %swap3A_153], %mul3A_150 {strides = array<i32>} : memref<16x128xf32, #tpu.memory_space<vmem>>, vector<16xf32>,
      %get3A_155 = arith.constant 0 : i32
      %get3A_156 = arith.index_cast %get3A_155 : i32 to index
      %get3A_157 = arith.constant 80 : index
      %get3A_158 = tpu.vector_load %arg15[%get3A_156, %get3A_157] {strides = array<i32>} : memref<16x128xf32, #tpu.memory_space<vmem>>, vector<16xf32>,
      %mul3A_159 = vector.broadcast %squeeze3A : f32 to vector<16xf32>
      %mul3A_160 = arith.mulf %get3A_158, %mul3A_159 : vector<16xf32>
      %swap3A_161 = arith.constant 0 : i32
      %swap3A_162 = arith.index_cast %swap3A_161 : i32 to index
      %swap3A_163 = arith.constant 80 : index
      %swap3A_164 = tpu.vector_load %arg15[%swap3A_162, %swap3A_163] {strides = array<i32>} : memref<16x128xf32, #tpu.memory_space<vmem>>, vector<16xf32>,
      tpu.vector_store %arg15[%swap3A_162, %swap3A_163], %mul3A_160 {strides = array<i32>} : memref<16x128xf32, #tpu.memory_space<vmem>>, vector<16xf32>,
      %get3A_165 = arith.constant 0 : i32
      %get3A_166 = arith.index_cast %get3A_165 : i32 to index
      %get3A_167 = arith.constant 96 : index
      %get3A_168 = tpu.vector_load %arg15[%get3A_166, %get3A_167] {strides = array<i32>} : memref<16x128xf32, #tpu.memory_space<vmem>>, vector<16xf32>,
      %mul3A_169 = vector.broadcast %squeeze3A : f32 to vector<16xf32>
      %mul3A_170 = arith.mulf %get3A_168, %mul3A_169 : vector<16xf32>
      %swap3A_171 = arith.constant 0 : i32
      %swap3A_172 = arith.index_cast %swap3A_171 : i32 to index
      %swap3A_173 = arith.constant 96 : index
      %swap3A_174 = tpu.vector_load %arg15[%swap3A_172, %swap3A_173] {strides = array<i32>} : memref<16x128xf32, #tpu.memory_space<vmem>>, vector<16xf32>,
      tpu.vector_store %arg15[%swap3A_172, %swap3A_173], %mul3A_170 {strides = array<i32>} : memref<16x128xf32, #tpu.memory_space<vmem>>, vector<16xf32>,
      %get3A_175 = arith.constant 0 : i32
      %get3A_176 = arith.index_cast %get3A_175 : i32 to index
      %get3A_177 = arith.constant 112 : index
      %get3A_178 = tpu.vector_load %arg15[%get3A_176, %get3A_177] {strides = array<i32>} : memref<16x128xf32, #tpu.memory_space<vmem>>, vector<16xf32>,
      %mul3A_179 = vector.broadcast %squeeze3A : f32 to vector<16xf32>
      %mul3A_180 = arith.mulf %get3A_178, %mul3A_179 : vector<16xf32>
      %swap3A_181 = arith.constant 0 : i32
      %swap3A_182 = arith.index_cast %swap3A_181 : i32 to index
      %swap3A_183 = arith.constant 112 : index
      %swap3A_184 = tpu.vector_load %arg15[%swap3A_182, %swap3A_183] {strides = array<i32>} : memref<16x128xf32, #tpu.memory_space<vmem>>, vector<16xf32>,
      tpu.vector_store %arg15[%swap3A_182, %swap3A_183], %mul3A_180 {strides = array<i32>} : memref<16x128xf32, #tpu.memory_space<vmem>>, vector<16xf32>,
      %slice3A_185 = vector.extract_strided_slice %div3A_104 {offsets = [1], sizes = [1], strides = [1]} : vector<16xf32> to vector<1xf32>
      %squeeze3A_186 = vector.extract %slice3A_185[0] : f32 from vector<1xf32>
      %get3A_187 = arith.constant 1 : i32
      %get3A_188 = arith.index_cast %get3A_187 : i32 to index
      %get3A_189 = arith.constant 0 : index
      %get3A_190 = tpu.vector_load %arg15[%get3A_188, %get3A_189] {strides = array<i32>} : memref<16x128xf32, #tpu.memory_space<vmem>>, vector<16xf32>,
      %mul3A_191 = vector.broadcast %squeeze3A_186 : f32 to vector<16xf32>
      %mul3A_192 = arith.mulf %get3A_190, %mul3A_191 : vector<16xf32>
      %swap3A_193 = arith.constant 1 : i32
      %swap3A_194 = arith.index_cast %swap3A_193 : i32 to index
      %swap3A_195 = arith.constant 0 : index
      %swap3A_196 = tpu.vector_load %arg15[%swap3A_194, %swap3A_195] {strides = array<i32>} : memref<16x128xf32, #tpu.memory_space<vmem>>, vector<16xf32>,
      tpu.vector_store %arg15[%swap3A_194, %swap3A_195], %mul3A_192 {strides = array<i32>} : memref<16x128xf32, #tpu.memory_space<vmem>>, vector<16xf32>,
      %get3A_197 = arith.constant 1 : i32
      %get3A_198 = arith.index_cast %get3A_197 : i32 to index
      %get3A_199 = arith.constant 16 : index
      %get3A_200 = tpu.vector_load %arg15[%get3A_198, %get3A_199] {strides = array<i32>} : memref<16x128xf32, #tpu.memory_space<vmem>>, vector<16xf32>,
      %mul3A_201 = vector.broadcast %squeeze3A_186 : f32 to vector<16xf32>
      %mul3A_202 = arith.mulf %get3A_200, %mul3A_201 : vector<16xf32>
      %swap3A_203 = arith.constant 1 : i32
      %swap3A_204 = arith.index_cast %swap3A_203 : i32 to index
      %swap3A_205 = arith.constant 16 : index
      %swap3A_206 = tpu.vector_load %arg15[%swap3A_204, %swap3A_205] {strides = array<i32>} : memref<16x128xf32, #tpu.memory_space<vmem>>, vector<16xf32>,
      tpu.vector_store %arg15[%swap3A_204, %swap3A_205], %mul3A_202 {strides = array<i32>} : memref<16x128xf32, #tpu.memory_space<vmem>>, vector<16xf32>,
      %get3A_207 = arith.constant 1 : i32
      %get3A_208 = arith.index_cast %get3A_207 : i32 to index
      %get3A_209 = arith.constant 32 : index
      %get3A_210 = tpu.vector_load %arg15[%get3A_208, %get3A_209] {strides = array<i32>} : memref<16x128xf32, #tpu.memory_space<vmem>>, vector<16xf32>,
      %mul3A_211 = vector.broadcast %squeeze3A_186 : f32 to vector<16xf32>
      %mul3A_212 = arith.mulf %get3A_210, %mul3A_211 : vector<16xf32>
      %swap3A_213 = arith.constant 1 : i32
      %swap3A_214 = arith.index_cast %swap3A_213 : i32 to index
      %swap3A_215 = arith.constant 32 : index
      %swap3A_216 = tpu.vector_load %arg15[%swap3A_214, %swap3A_215] {strides = array<i32>} : memref<16x128xf32, #tpu.memory_space<vmem>>, vector<16xf32>,
      tpu.vector_store %arg15[%swap3A_214, %swap3A_215], %mul3A_212 {strides = array<i32>} : memref<16x128xf32, #tpu.memory_space<vmem>>, vector<16xf32>,
      %get3A_217 = arith.constant 1 : i32
      %get3A_218 = arith.index_cast %get3A_217 : i32 to index
      %get3A_219 = arith.constant 48 : index
      %get3A_220 = tpu.vector_load %arg15[%get3A_218, %get3A_219] {strides = array<i32>} : memref<16x128xf32, #tpu.memory_space<vmem>>, vector<16xf32>,
      %mul3A_221 = vector.broadcast %squeeze3A_186 : f32 to vector<16xf32>
      %mul3A_222 = arith.mulf %get3A_220, %mul3A_221 : vector<16xf32>
      %swap3A_223 = arith.constant 1 : i32
      %swap3A_224 = arith.index_cast %swap3A_223 : i32 to index
      %swap3A_225 = arith.constant 48 : index
      %swap3A_226 = tpu.vector_load %arg15[%swap3A_224, %swap3A_225] {strides = array<i32>} : memref<16x128xf32, #tpu.memory_space<vmem>>, vector<16xf32>,
      tpu.vector_store %arg15[%swap3A_224, %swap3A_225], %mul3A_222 {strides = array<i32>} : memref<16x128xf32, #tpu.memory_space<vmem>>, vector<16xf32>,
      %get3A_227 = arith.constant 1 : i32
      %get3A_228 = arith.index_cast %get3A_227 : i32 to index
      %get3A_229 = arith.constant 64 : index
      %get3A_230 = tpu.vector_load %arg15[%get3A_228, %get3A_229] {strides = array<i32>} : memref<16x128xf32, #tpu.memory_space<vmem>>, vector<16xf32>,
      %mul3A_231 = vector.broadcast %squeeze3A_186 : f32 to vector<16xf32>
      %mul3A_232 = arith.mulf %get3A_230, %mul3A_231 : vector<16xf32>
      %swap3A_233 = arith.constant 1 : i32
      %swap3A_234 = arith.index_cast %swap3A_233 : i32 to index
      %swap3A_235 = arith.constant 64 : index
      %swap3A_236 = tpu.vector_load %arg15[%swap3A_234, %swap3A_235] {strides = array<i32>} : memref<16x128xf32, #tpu.memory_space<vmem>>, vector<16xf32>,
      tpu.vector_store %arg15[%swap3A_234, %swap3A_235], %mul3A_232 {strides = array<i32>} : memref<16x128xf32, #tpu.memory_space<vmem>>, vector<16xf32>,
      %get3A_237 = arith.constant 1 : i32
      %get3A_238 = arith.index_cast %get3A_237 : i32 to index
      %get3A_239 = arith.constant 80 : index
      %get3A_240 = tpu.vector_load %arg15[%get3A_238, %get3A_239] {strides = array<i32>} : memref<16x128xf32, #tpu.memory_space<vmem>>, vector<16xf32>,
      %mul3A_241 = vector.broadcast %squeeze3A_186 : f32 to vector<16xf32>
      %mul3A_242 = arith.mulf %get3A_240, %mul3A_241 : vector<16xf32>
      %swap3A_243 = arith.constant 1 : i32
      %swap3A_244 = arith.index_cast %swap3A_243 : i32 to index
      %swap3A_245 = arith.constant 80 : index
      %swap3A_246 = tpu.vector_load %arg15[%swap3A_244, %swap3A_245] {strides = array<i32>} : memref<16x128xf32, #tpu.memory_space<vmem>>, vector<16xf32>,
      tpu.vector_store %arg15[%swap3A_244, %swap3A_245], %mul3A_242 {strides = array<i32>} : memref<16x128xf32, #tpu.memory_space<vmem>>, vector<16xf32>,
      %get3A_247 = arith.constant 1 : i32
      %get3A_248 = arith.index_cast %get3A_247 : i32 to index
      %get3A_249 = arith.constant 96 : index
      %get3A_250 = tpu.vector_load %arg15[%get3A_248, %get3A_249] {strides = array<i32>} : memref<16x128xf32, #tpu.memory_space<vmem>>, vector<16xf32>,
      %mul3A_251 = vector.broadcast %squeeze3A_186 : f32 to vector<16xf32>
      %mul3A_252 = arith.mulf %get3A_250, %mul3A_251 : vector<16xf32>
      %swap3A_253 = arith.constant 1 : i32
      %swap3A_254 = arith.index_cast %swap3A_253 : i32 to index
      %swap3A_255 = arith.constant 96 : index
      %swap3A_256 = tpu.vector_load %arg15[%swap3A_254, %swap3A_255] {strides = array<i32>} : memref<16x128xf32, #tpu.memory_space<vmem>>, vector<16xf32>,
      tpu.vector_store %arg15[%swap3A_254, %swap3A_255], %mul3A_252 {strides = array<i32>} : memref<16x128xf32, #tpu.memory_space<vmem>>, vector<16xf32>,
      %get3A_257 = arith.constant 1 : i32
      %get3A_258 = arith.index_cast %get3A_257 : i32 to index
      %get3A_259 = arith.constant 112 : index
      %get3A_260 = tpu.vector_load %arg15[%get3A_258, %get3A_259] {strides = array<i32>} : memref<16x128xf32, #tpu.memory_space<vmem>>, vector<16xf32>,
      %mul3A_261 = vector.broadcast %squeeze3A_186 : f32 to vector<16xf32>
      %mul3A_262 = arith.mulf %get3A_260, %mul3A_261 : vector<16xf32>
      %swap3A_263 = arith.constant 1 : i32
      %swap3A_264 = arith.index_cast %swap3A_263 : i32 to index
      %swap3A_265 = arith.constant 112 : index
      %swap3A_266 = tpu.vector_load %arg15[%swap3A_264, %swap3A_265] {strides = array<i32>} : memref<16x128xf32, #tpu.memory_space<vmem>>, vector<16xf32>,
      tpu.vector_store %arg15[%swap3A_264, %swap3A_265], %mul3A_262 {strides = array<i32>} : memref<16x128xf32, #tpu.memory_space<vmem>>, vector<16xf32>,
      %slice3A_267 = vector.extract_strided_slice %div3A_104 {offsets = [2], sizes = [1], strides = [1]} : vector<16xf32> to vector<1xf32>
      %squeeze3A_268 = vector.extract %slice3A_267[0] : f32 from vector<1xf32>
      %get3A_269 = arith.constant 2 : i32
      %get3A_270 = arith.index_cast %get3A_269 : i32 to index
      %get3A_271 = arith.constant 0 : index
      %get3A_272 = tpu.vector_load %arg15[%get3A_270, %get3A_271] {strides = array<i32>} : memref<16x128xf32, #tpu.memory_space<vmem>>, vector<16xf32>,
      %mul3A_273 = vector.broadcast %squeeze3A_268 : f32 to vector<16xf32>
      %mul3A_274 = arith.mulf %get3A_272, %mul3A_273 : vector<16xf32>
      %swap3A_275 = arith.constant 2 : i32
      %swap3A_276 = arith.index_cast %swap3A_275 : i32 to index
      %swap3A_277 = arith.constant 0 : index
      %swap3A_278 = tpu.vector_load %arg15[%swap3A_276, %swap3A_277] {strides = array<i32>} : memref<16x128xf32, #tpu.memory_space<vmem>>, vector<16xf32>,
      tpu.vector_store %arg15[%swap3A_276, %swap3A_277], %mul3A_274 {strides = array<i32>} : memref<16x128xf32, #tpu.memory_space<vmem>>, vector<16xf32>,
      %get3A_279 = arith.constant 2 : i32
      %get3A_280 = arith.index_cast %get3A_279 : i32 to index
      %get3A_281 = arith.constant 16 : index
      %get3A_282 = tpu.vector_load %arg15[%get3A_280, %get3A_281] {strides = array<i32>} : memref<16x128xf32, #tpu.memory_space<vmem>>, vector<16xf32>,
      %mul3A_283 = vector.broadcast %squeeze3A_268 : f32 to vector<16xf32>
      %mul3A_284 = arith.mulf %get3A_282, %mul3A_283 : vector<16xf32>
      %swap3A_285 = arith.constant 2 : i32
      %swap3A_286 = arith.index_cast %swap3A_285 : i32 to index
      %swap3A_287 = arith.constant 16 : index
      %swap3A_288 = tpu.vector_load %arg15[%swap3A_286, %swap3A_287] {strides = array<i32>} : memref<16x128xf32, #tpu.memory_space<vmem>>, vector<16xf32>,
      tpu.vector_store %arg15[%swap3A_286, %swap3A_287], %mul3A_284 {strides = array<i32>} : memref<16x128xf32, #tpu.memory_space<vmem>>, vector<16xf32>,
      %get3A_289 = arith.constant 2 : i32
      %get3A_290 = arith.index_cast %get3A_289 : i32 to index
      %get3A_291 = arith.constant 32 : index
      %get3A_292 = tpu.vector_load %arg15[%get3A_290, %get3A_291] {strides = array<i32>} : memref<16x128xf32, #tpu.memory_space<vmem>>, vector<16xf32>,
      %mul3A_293 = vector.broadcast %squeeze3A_268 : f32 to vector<16xf32>
      %mul3A_294 = arith.mulf %get3A_292, %mul3A_293 : vector<16xf32>
      %swap3A_295 = arith.constant 2 : i32
      %swap3A_296 = arith.index_cast %swap3A_295 : i32 to index
      %swap3A_297 = arith.constant 32 : index
      %swap3A_298 = tpu.vector_load %arg15[%swap3A_296, %swap3A_297] {strides = array<i32>} : memref<16x128xf32, #tpu.memory_space<vmem>>, vector<16xf32>,
      tpu.vector_store %arg15[%swap3A_296, %swap3A_297], %mul3A_294 {strides = array<i32>} : memref<16x128xf32, #tpu.memory_space<vmem>>, vector<16xf32>,
      %get3A_299 = arith.constant 2 : i32
      %get3A_300 = arith.index_cast %get3A_299 : i32 to index
      %get3A_301 = arith.constant 48 : index
      %get3A_302 = tpu.vector_load %arg15[%get3A_300, %get3A_301] {strides = array<i32>} : memref<16x128xf32, #tpu.memory_space<vmem>>, vector<16xf32>,
      %mul3A_303 = vector.broadcast %squeeze3A_268 : f32 to vector<16xf32>
      %mul3A_304 = arith.mulf %get3A_302, %mul3A_303 : vector<16xf32>
      %swap3A_305 = arith.constant 2 : i32
      %swap3A_306 = arith.index_cast %swap3A_305 : i32 to index
      %swap3A_307 = arith.constant 48 : index
      %swap3A_308 = tpu.vector_load %arg15[%swap3A_306, %swap3A_307] {strides = array<i32>} : memref<16x128xf32, #tpu.memory_space<vmem>>, vector<16xf32>,
      tpu.vector_store %arg15[%swap3A_306, %swap3A_307], %mul3A_304 {strides = array<i32>} : memref<16x128xf32, #tpu.memory_space<vmem>>, vector<16xf32>,
      %get3A_309 = arith.constant 2 : i32
      %get3A_310 = arith.index_cast %get3A_309 : i32 to index
      %get3A_311 = arith.constant 64 : index
      %get3A_312 = tpu.vector_load %arg15[%get3A_310, %get3A_311] {strides = array<i32>} : memref<16x128xf32, #tpu.memory_space<vmem>>, vector<16xf32>,
      %mul3A_313 = vector.broadcast %squeeze3A_268 : f32 to vector<16xf32>
      %mul3A_314 = arith.mulf %get3A_312, %mul3A_313 : vector<16xf32>
      %swap3A_315 = arith.constant 2 : i32
      %swap3A_316 = arith.index_cast %swap3A_315 : i32 to index
      %swap3A_317 = arith.constant 64 : index
      %swap3A_318 = tpu.vector_load %arg15[%swap3A_316, %swap3A_317] {strides = array<i32>} : memref<16x128xf32, #tpu.memory_space<vmem>>, vector<16xf32>,
      tpu.vector_store %arg15[%swap3A_316, %swap3A_317], %mul3A_314 {strides = array<i32>} : memref<16x128xf32, #tpu.memory_space<vmem>>, vector<16xf32>,
      %get3A_319 = arith.constant 2 : i32
      %get3A_320 = arith.index_cast %get3A_319 : i32 to index
      %get3A_321 = arith.constant 80 : index
      %get3A_322 = tpu.vector_load %arg15[%get3A_320, %get3A_321] {strides = array<i32>} : memref<16x128xf32, #tpu.memory_space<vmem>>, vector<16xf32>,
      %mul3A_323 = vector.broadcast %squeeze3A_268 : f32 to vector<16xf32>
      %mul3A_324 = arith.mulf %get3A_322, %mul3A_323 : vector<16xf32>
      %swap3A_325 = arith.constant 2 : i32
      %swap3A_326 = arith.index_cast %swap3A_325 : i32 to index
      %swap3A_327 = arith.constant 80 : index
      %swap3A_328 = tpu.vector_load %arg15[%swap3A_326, %swap3A_327] {strides = array<i32>} : memref<16x128xf32, #tpu.memory_space<vmem>>, vector<16xf32>,
      tpu.vector_store %arg15[%swap3A_326, %swap3A_327], %mul3A_324 {strides = array<i32>} : memref<16x128xf32, #tpu.memory_space<vmem>>, vector<16xf32>,
      %get3A_329 = arith.constant 2 : i32
      %get3A_330 = arith.index_cast %get3A_329 : i32 to index
      %get3A_331 = arith.constant 96 : index
      %get3A_332 = tpu.vector_load %arg15[%get3A_330, %get3A_331] {strides = array<i32>} : memref<16x128xf32, #tpu.memory_space<vmem>>, vector<16xf32>,
      %mul3A_333 = vector.broadcast %squeeze3A_268 : f32 to vector<16xf32>
      %mul3A_334 = arith.mulf %get3A_332, %mul3A_333 : vector<16xf32>
      %swap3A_335 = arith.constant 2 : i32
      %swap3A_336 = arith.index_cast %swap3A_335 : i32 to index
      %swap3A_337 = arith.constant 96 : index
      %swap3A_338 = tpu.vector_load %arg15[%swap3A_336, %swap3A_337] {strides = array<i32>} : memref<16x128xf32, #tpu.memory_space<vmem>>, vector<16xf32>,
      tpu.vector_store %arg15[%swap3A_336, %swap3A_337], %mul3A_334 {strides = array<i32>} : memref<16x128xf32, #tpu.memory_space<vmem>>, vector<16xf32>,
      %get3A_339 = arith.constant 2 : i32
      %get3A_340 = arith.index_cast %get3A_339 : i32 to index
      %get3A_341 = arith.constant 112 : index
      %get3A_342 = tpu.vector_load %arg15[%get3A_340, %get3A_341] {strides = array<i32>} : memref<16x128xf32, #tpu.memory_space<vmem>>, vector<16xf32>,
      %mul3A_343 = vector.broadcast %squeeze3A_268 : f32 to vector<16xf32>
      %mul3A_344 = arith.mulf %get3A_342, %mul3A_343 : vector<16xf32>
      %swap3A_345 = arith.constant 2 : i32
      %swap3A_346 = arith.index_cast %swap3A_345 : i32 to index
      %swap3A_347 = arith.constant 112 : index
      %swap3A_348 = tpu.vector_load %arg15[%swap3A_346, %swap3A_347] {strides = array<i32>} : memref<16x128xf32, #tpu.memory_space<vmem>>, vector<16xf32>,
      tpu.vector_store %arg15[%swap3A_346, %swap3A_347], %mul3A_344 {strides = array<i32>} : memref<16x128xf32, #tpu.memory_space<vmem>>, vector<16xf32>,
      %slice3A_349 = vector.extract_strided_slice %div3A_104 {offsets = [3], sizes = [1], strides = [1]} : vector<16xf32> to vector<1xf32>
      %squeeze3A_350 = vector.extract %slice3A_349[0] : f32 from vector<1xf32>
      %get3A_351 = arith.constant 3 : i32
      %get3A_352 = arith.index_cast %get3A_351 : i32 to index
      %get3A_353 = arith.constant 0 : index
      %get3A_354 = tpu.vector_load %arg15[%get3A_352, %get3A_353] {strides = array<i32>} : memref<16x128xf32, #tpu.memory_space<vmem>>, vector<16xf32>,
      %mul3A_355 = vector.broadcast %squeeze3A_350 : f32 to vector<16xf32>
      %mul3A_356 = arith.mulf %get3A_354, %mul3A_355 : vector<16xf32>
      %swap3A_357 = arith.constant 3 : i32
      %swap3A_358 = arith.index_cast %swap3A_357 : i32 to index
      %swap3A_359 = arith.constant 0 : index
      %swap3A_360 = tpu.vector_load %arg15[%swap3A_358, %swap3A_359] {strides = array<i32>} : memref<16x128xf32, #tpu.memory_space<vmem>>, vector<16xf32>,
      tpu.vector_store %arg15[%swap3A_358, %swap3A_359], %mul3A_356 {strides = array<i32>} : memref<16x128xf32, #tpu.memory_space<vmem>>, vector<16xf32>,
      %get3A_361 = arith.constant 3 : i32
      %get3A_362 = arith.index_cast %get3A_361 : i32 to index
      %get3A_363 = arith.constant 16 : index
      %get3A_364 = tpu.vector_load %arg15[%get3A_362, %get3A_363] {strides = array<i32>} : memref<16x128xf32, #tpu.memory_space<vmem>>, vector<16xf32>,
      %mul3A_365 = vector.broadcast %squeeze3A_350 : f32 to vector<16xf32>
      %mul3A_366 = arith.mulf %get3A_364, %mul3A_365 : vector<16xf32>
      %swap3A_367 = arith.constant 3 : i32
      %swap3A_368 = arith.index_cast %swap3A_367 : i32 to index
      %swap3A_369 = arith.constant 16 : index
      %swap3A_370 = tpu.vector_load %arg15[%swap3A_368, %swap3A_369] {strides = array<i32>} : memref<16x128xf32, #tpu.memory_space<vmem>>, vector<16xf32>,
      tpu.vector_store %arg15[%swap3A_368, %swap3A_369], %mul3A_366 {strides = array<i32>} : memref<16x128xf32, #tpu.memory_space<vmem>>, vector<16xf32>,
      %get3A_371 = arith.constant 3 : i32
      %get3A_372 = arith.index_cast %get3A_371 : i32 to index
      %get3A_373 = arith.constant 32 : index
      %get3A_374 = tpu.vector_load %arg15[%get3A_372, %get3A_373] {strides = array<i32>} : memref<16x128xf32, #tpu.memory_space<vmem>>, vector<16xf32>,
      %mul3A_375 = vector.broadcast %squeeze3A_350 : f32 to vector<16xf32>
      %mul3A_376 = arith.mulf %get3A_374, %mul3A_375 : vector<16xf32>
      %swap3A_377 = arith.constant 3 : i32
      %swap3A_378 = arith.index_cast %swap3A_377 : i32 to index
      %swap3A_379 = arith.constant 32 : index
      %swap3A_380 = tpu.vector_load %arg15[%swap3A_378, %swap3A_379] {strides = array<i32>} : memref<16x128xf32, #tpu.memory_space<vmem>>, vector<16xf32>,
      tpu.vector_store %arg15[%swap3A_378, %swap3A_379], %mul3A_376 {strides = array<i32>} : memref<16x128xf32, #tpu.memory_space<vmem>>, vector<16xf32>,
      %get3A_381 = arith.constant 3 : i32
      %get3A_382 = arith.index_cast %get3A_381 : i32 to index
      %get3A_383 = arith.constant 48 : index
      %get3A_384 = tpu.vector_load %arg15[%get3A_382, %get3A_383] {strides = array<i32>} : memref<16x128xf32, #tpu.memory_space<vmem>>, vector<16xf32>,
      %mul3A_385 = vector.broadcast %squeeze3A_350 : f32 to vector<16xf32>
      %mul3A_386 = arith.mulf %get3A_384, %mul3A_385 : vector<16xf32>
      %swap3A_387 = arith.constant 3 : i32
      %swap3A_388 = arith.index_cast %swap3A_387 : i32 to index
      %swap3A_389 = arith.constant 48 : index
      %swap3A_390 = tpu.vector_load %arg15[%swap3A_388, %swap3A_389] {strides = array<i32>} : memref<16x128xf32, #tpu.memory_space<vmem>>, vector<16xf32>,
      tpu.vector_store %arg15[%swap3A_388, %swap3A_389], %mul3A_386 {strides = array<i32>} : memref<16x128xf32, #tpu.memory_space<vmem>>, vector<16xf32>,
      %get3A_391 = arith.constant 3 : i32
      %get3A_392 = arith.index_cast %get3A_391 : i32 to index
      %get3A_393 = arith.constant 64 : index
      %get3A_394 = tpu.vector_load %arg15[%get3A_392, %get3A_393] {strides = array<i32>} : memref<16x128xf32, #tpu.memory_space<vmem>>, vector<16xf32>,
      %mul3A_395 = vector.broadcast %squeeze3A_350 : f32 to vector<16xf32>
      %mul3A_396 = arith.mulf %get3A_394, %mul3A_395 : vector<16xf32>
      %swap3A_397 = arith.constant 3 : i32
      %swap3A_398 = arith.index_cast %swap3A_397 : i32 to index
      %swap3A_399 = arith.constant 64 : index
      %swap3A_400 = tpu.vector_load %arg15[%swap3A_398, %swap3A_399] {strides = array<i32>} : memref<16x128xf32, #tpu.memory_space<vmem>>, vector<16xf32>,
      tpu.vector_store %arg15[%swap3A_398, %swap3A_399], %mul3A_396 {strides = array<i32>} : memref<16x128xf32, #tpu.memory_space<vmem>>, vector<16xf32>,
      %get3A_401 = arith.constant 3 : i32
      %get3A_402 = arith.index_cast %get3A_401 : i32 to index
      %get3A_403 = arith.constant 80 : index
      %get3A_404 = tpu.vector_load %arg15[%get3A_402, %get3A_403] {strides = array<i32>} : memref<16x128xf32, #tpu.memory_space<vmem>>, vector<16xf32>,
      %mul3A_405 = vector.broadcast %squeeze3A_350 : f32 to vector<16xf32>
      %mul3A_406 = arith.mulf %get3A_404, %mul3A_405 : vector<16xf32>
      %swap3A_407 = arith.constant 3 : i32
      %swap3A_408 = arith.index_cast %swap3A_407 : i32 to index
      %swap3A_409 = arith.constant 80 : index
      %swap3A_410 = tpu.vector_load %arg15[%swap3A_408, %swap3A_409] {strides = array<i32>} : memref<16x128xf32, #tpu.memory_space<vmem>>, vector<16xf32>,
      tpu.vector_store %arg15[%swap3A_408, %swap3A_409], %mul3A_406 {strides = array<i32>} : memref<16x128xf32, #tpu.memory_space<vmem>>, vector<16xf32>,
      %get3A_411 = arith.constant 3 : i32
      %get3A_412 = arith.index_cast %get3A_411 : i32 to index
      %get3A_413 = arith.constant 96 : index
      %get3A_414 = tpu.vector_load %arg15[%get3A_412, %get3A_413] {strides = array<i32>} : memref<16x128xf32, #tpu.memory_space<vmem>>, vector<16xf32>,
      %mul3A_415 = vector.broadcast %squeeze3A_350 : f32 to vector<16xf32>
      %mul3A_416 = arith.mulf %get3A_414, %mul3A_415 : vector<16xf32>
      %swap3A_417 = arith.constant 3 : i32
      %swap3A_418 = arith.index_cast %swap3A_417 : i32 to index
      %swap3A_419 = arith.constant 96 : index
      %swap3A_420 = tpu.vector_load %arg15[%swap3A_418, %swap3A_419] {strides = array<i32>} : memref<16x128xf32, #tpu.memory_space<vmem>>, vector<16xf32>,
      tpu.vector_store %arg15[%swap3A_418, %swap3A_419], %mul3A_416 {strides = array<i32>} : memref<16x128xf32, #tpu.memory_space<vmem>>, vector<16xf32>,
      %get3A_421 = arith.constant 3 : i32
      %get3A_422 = arith.index_cast %get3A_421 : i32 to index
      %get3A_423 = arith.constant 112 : index
      %get3A_424 = tpu.vector_load %arg15[%get3A_422, %get3A_423] {strides = array<i32>} : memref<16x128xf32, #tpu.memory_space<vmem>>, vector<16xf32>,
      %mul3A_425 = vector.broadcast %squeeze3A_350 : f32 to vector<16xf32>
      %mul3A_426 = arith.mulf %get3A_424, %mul3A_425 : vector<16xf32>
      %swap3A_427 = arith.constant 3 : i32
      %swap3A_428 = arith.index_cast %swap3A_427 : i32 to index
      %swap3A_429 = arith.constant 112 : index
      %swap3A_430 = tpu.vector_load %arg15[%swap3A_428, %swap3A_429] {strides = array<i32>} : memref<16x128xf32, #tpu.memory_space<vmem>>, vector<16xf32>,
      tpu.vector_store %arg15[%swap3A_428, %swap3A_429], %mul3A_426 {strides = array<i32>} : memref<16x128xf32, #tpu.memory_space<vmem>>, vector<16xf32>,
      %slice3A_431 = vector.extract_strided_slice %div3A_104 {offsets = [4], sizes = [1], strides = [1]} : vector<16xf32> to vector<1xf32>
      %squeeze3A_432 = vector.extract %slice3A_431[0] : f32 from vector<1xf32>
      %get3A_433 = arith.constant 4 : i32
      %get3A_434 = arith.index_cast %get3A_433 : i32 to index
      %get3A_435 = arith.constant 0 : index
      %get3A_436 = tpu.vector_load %arg15[%get3A_434, %get3A_435] {strides = array<i32>} : memref<16x128xf32, #tpu.memory_space<vmem>>, vector<16xf32>,
      %mul3A_437 = vector.broadcast %squeeze3A_432 : f32 to vector<16xf32>
      %mul3A_438 = arith.mulf %get3A_436, %mul3A_437 : vector<16xf32>
      %swap3A_439 = arith.constant 4 : i32
      %swap3A_440 = arith.index_cast %swap3A_439 : i32 to index
      %swap3A_441 = arith.constant 0 : index
      %swap3A_442 = tpu.vector_load %arg15[%swap3A_440, %swap3A_441] {strides = array<i32>} : memref<16x128xf32, #tpu.memory_space<vmem>>, vector<16xf32>,
      tpu.vector_store %arg15[%swap3A_440, %swap3A_441], %mul3A_438 {strides = array<i32>} : memref<16x128xf32, #tpu.memory_space<vmem>>, vector<16xf32>,
      %get3A_443 = arith.constant 4 : i32
      %get3A_444 = arith.index_cast %get3A_443 : i32 to index
      %get3A_445 = arith.constant 16 : index
      %get3A_446 = tpu.vector_load %arg15[%get3A_444, %get3A_445] {strides = array<i32>} : memref<16x128xf32, #tpu.memory_space<vmem>>, vector<16xf32>,
      %mul3A_447 = vector.broadcast %squeeze3A_432 : f32 to vector<16xf32>
      %mul3A_448 = arith.mulf %get3A_446, %mul3A_447 : vector<16xf32>
      %swap3A_449 = arith.constant 4 : i32
      %swap3A_450 = arith.index_cast %swap3A_449 : i32 to index
      %swap3A_451 = arith.constant 16 : index
      %swap3A_452 = tpu.vector_load %arg15[%swap3A_450, %swap3A_451] {strides = array<i32>} : memref<16x128xf32, #tpu.memory_space<vmem>>, vector<16xf32>,
      tpu.vector_store %arg15[%swap3A_450, %swap3A_451], %mul3A_448 {strides = array<i32>} : memref<16x128xf32, #tpu.memory_space<vmem>>, vector<16xf32>,
      %get3A_453 = arith.constant 4 : i32
      %get3A_454 = arith.index_cast %get3A_453 : i32 to index
      %get3A_455 = arith.constant 32 : index
      %get3A_456 = tpu.vector_load %arg15[%get3A_454, %get3A_455] {strides = array<i32>} : memref<16x128xf32, #tpu.memory_space<vmem>>, vector<16xf32>,
      %mul3A_457 = vector.broadcast %squeeze3A_432 : f32 to vector<16xf32>
      %mul3A_458 = arith.mulf %get3A_456, %mul3A_457 : vector<16xf32>
      %swap3A_459 = arith.constant 4 : i32
      %swap3A_460 = arith.index_cast %swap3A_459 : i32 to index
      %swap3A_461 = arith.constant 32 : index
      %swap3A_462 = tpu.vector_load %arg15[%swap3A_460, %swap3A_461] {strides = array<i32>} : memref<16x128xf32, #tpu.memory_space<vmem>>, vector<16xf32>,
      tpu.vector_store %arg15[%swap3A_460, %swap3A_461], %mul3A_458 {strides = array<i32>} : memref<16x128xf32, #tpu.memory_space<vmem>>, vector<16xf32>,
      %get3A_463 = arith.constant 4 : i32
      %get3A_464 = arith.index_cast %get3A_463 : i32 to index
      %get3A_465 = arith.constant 48 : index
      %get3A_466 = tpu.vector_load %arg15[%get3A_464, %get3A_465] {strides = array<i32>} : memref<16x128xf32, #tpu.memory_space<vmem>>, vector<16xf32>,
      %mul3A_467 = vector.broadcast %squeeze3A_432 : f32 to vector<16xf32>
      %mul3A_468 = arith.mulf %get3A_466, %mul3A_467 : vector<16xf32>
      %swap3A_469 = arith.constant 4 : i32
      %swap3A_470 = arith.index_cast %swap3A_469 : i32 to index
      %swap3A_471 = arith.constant 48 : index
      %swap3A_472 = tpu.vector_load %arg15[%swap3A_470, %swap3A_471] {strides = array<i32>} : memref<16x128xf32, #tpu.memory_space<vmem>>, vector<16xf32>,
      tpu.vector_store %arg15[%swap3A_470, %swap3A_471], %mul3A_468 {strides = array<i32>} : memref<16x128xf32, #tpu.memory_space<vmem>>, vector<16xf32>,
      %get3A_473 = arith.constant 4 : i32
      %get3A_474 = arith.index_cast %get3A_473 : i32 to index
      %get3A_475 = arith.constant 64 : index
      %get3A_476 = tpu.vector_load %arg15[%get3A_474, %get3A_475] {strides = array<i32>} : memref<16x128xf32, #tpu.memory_space<vmem>>, vector<16xf32>,
      %mul3A_477 = vector.broadcast %squeeze3A_432 : f32 to vector<16xf32>
      %mul3A_478 = arith.mulf %get3A_476, %mul3A_477 : vector<16xf32>
      %swap3A_479 = arith.constant 4 : i32
      %swap3A_480 = arith.index_cast %swap3A_479 : i32 to index
      %swap3A_481 = arith.constant 64 : index
      %swap3A_482 = tpu.vector_load %arg15[%swap3A_480, %swap3A_481] {strides = array<i32>} : memref<16x128xf32, #tpu.memory_space<vmem>>, vector<16xf32>,
      tpu.vector_store %arg15[%swap3A_480, %swap3A_481], %mul3A_478 {strides = array<i32>} : memref<16x128xf32, #tpu.memory_space<vmem>>, vector<16xf32>,
      %get3A_483 = arith.constant 4 : i32
      %get3A_484 = arith.index_cast %get3A_483 : i32 to index
      %get3A_485 = arith.constant 80 : index
      %get3A_486 = tpu.vector_load %arg15[%get3A_484, %get3A_485] {strides = array<i32>} : memref<16x128xf32, #tpu.memory_space<vmem>>, vector<16xf32>,
      %mul3A_487 = vector.broadcast %squeeze3A_432 : f32 to vector<16xf32>
      %mul3A_488 = arith.mulf %get3A_486, %mul3A_487 : vector<16xf32>
      %swap3A_489 = arith.constant 4 : i32
      %swap3A_490 = arith.index_cast %swap3A_489 : i32 to index
      %swap3A_491 = arith.constant 80 : index
      %swap3A_492 = tpu.vector_load %arg15[%swap3A_490, %swap3A_491] {strides = array<i32>} : memref<16x128xf32, #tpu.memory_space<vmem>>, vector<16xf32>,
      tpu.vector_store %arg15[%swap3A_490, %swap3A_491], %mul3A_488 {strides = array<i32>} : memref<16x128xf32, #tpu.memory_space<vmem>>, vector<16xf32>,
      %get3A_493 = arith.constant 4 : i32
      %get3A_494 = arith.index_cast %get3A_493 : i32 to index
      %get3A_495 = arith.constant 96 : index
      %get3A_496 = tpu.vector_load %arg15[%get3A_494, %get3A_495] {strides = array<i32>} : memref<16x128xf32, #tpu.memory_space<vmem>>, vector<16xf32>,
      %mul3A_497 = vector.broadcast %squeeze3A_432 : f32 to vector<16xf32>
      %mul3A_498 = arith.mulf %get3A_496, %mul3A_497 : vector<16xf32>
      %swap3A_499 = arith.constant 4 : i32
      %swap3A_500 = arith.index_cast %swap3A_499 : i32 to index
      %swap3A_501 = arith.constant 96 : index
      %swap3A_502 = tpu.vector_load %arg15[%swap3A_500, %swap3A_501] {strides = array<i32>} : memref<16x128xf32, #tpu.memory_space<vmem>>, vector<16xf32>,
      tpu.vector_store %arg15[%swap3A_500, %swap3A_501], %mul3A_498 {strides = array<i32>} : memref<16x128xf32, #tpu.memory_space<vmem>>, vector<16xf32>,
      %get3A_503 = arith.constant 4 : i32
      %get3A_504 = arith.index_cast %get3A_503 : i32 to index
      %get3A_505 = arith.constant 112 : index
      %get3A_506 = tpu.vector_load %arg15[%get3A_504, %get3A_505] {strides = array<i32>} : memref<16x128xf32, #tpu.memory_space<vmem>>, vector<16xf32>,
      %mul3A_507 = vector.broadcast %squeeze3A_432 : f32 to vector<16xf32>
      %mul3A_508 = arith.mulf %get3A_506, %mul3A_507 : vector<16xf32>
      %swap3A_509 = arith.constant 4 : i32
      %swap3A_510 = arith.index_cast %swap3A_509 : i32 to index
      %swap3A_511 = arith.constant 112 : index
      %swap3A_512 = tpu.vector_load %arg15[%swap3A_510, %swap3A_511] {strides = array<i32>} : memref<16x128xf32, #tpu.memory_space<vmem>>, vector<16xf32>,
      tpu.vector_store %arg15[%swap3A_510, %swap3A_511], %mul3A_508 {strides = array<i32>} : memref<16x128xf32, #tpu.memory_space<vmem>>, vector<16xf32>,
      %slice3A_513 = vector.extract_strided_slice %div3A_104 {offsets = [5], sizes = [1], strides = [1]} : vector<16xf32> to vector<1xf32>
      %squeeze3A_514 = vector.extract %slice3A_513[0] : f32 from vector<1xf32>
      %get3A_515 = arith.constant 5 : i32
      %get3A_516 = arith.index_cast %get3A_515 : i32 to index
      %get3A_517 = arith.constant 0 : index
      %get3A_518 = tpu.vector_load %arg15[%get3A_516, %get3A_517] {strides = array<i32>} : memref<16x128xf32, #tpu.memory_space<vmem>>, vector<16xf32>,
      %mul3A_519 = vector.broadcast %squeeze3A_514 : f32 to vector<16xf32>
      %mul3A_520 = arith.mulf %get3A_518, %mul3A_519 : vector<16xf32>
      %swap3A_521 = arith.constant 5 : i32
      %swap3A_522 = arith.index_cast %swap3A_521 : i32 to index
      %swap3A_523 = arith.constant 0 : index
      %swap3A_524 = tpu.vector_load %arg15[%swap3A_522, %swap3A_523] {strides = array<i32>} : memref<16x128xf32, #tpu.memory_space<vmem>>, vector<16xf32>,
      tpu.vector_store %arg15[%swap3A_522, %swap3A_523], %mul3A_520 {strides = array<i32>} : memref<16x128xf32, #tpu.memory_space<vmem>>, vector<16xf32>,
      %get3A_525 = arith.constant 5 : i32
      %get3A_526 = arith.index_cast %get3A_525 : i32 to index
      %get3A_527 = arith.constant 16 : index
      %get3A_528 = tpu.vector_load %arg15[%get3A_526, %get3A_527] {strides = array<i32>} : memref<16x128xf32, #tpu.memory_space<vmem>>, vector<16xf32>,
      %mul3A_529 = vector.broadcast %squeeze3A_514 : f32 to vector<16xf32>
      %mul3A_530 = arith.mulf %get3A_528, %mul3A_529 : vector<16xf32>
      %swap3A_531 = arith.constant 5 : i32
      %swap3A_532 = arith.index_cast %swap3A_531 : i32 to index
      %swap3A_533 = arith.constant 16 : index
      %swap3A_534 = tpu.vector_load %arg15[%swap3A_532, %swap3A_533] {strides = array<i32>} : memref<16x128xf32, #tpu.memory_space<vmem>>, vector<16xf32>,
      tpu.vector_store %arg15[%swap3A_532, %swap3A_533], %mul3A_530 {strides = array<i32>} : memref<16x128xf32, #tpu.memory_space<vmem>>, vector<16xf32>,
      %get3A_535 = arith.constant 5 : i32
      %get3A_536 = arith.index_cast %get3A_535 : i32 to index
      %get3A_537 = arith.constant 32 : index
      %get3A_538 = tpu.vector_load %arg15[%get3A_536, %get3A_537] {strides = array<i32>} : memref<16x128xf32, #tpu.memory_space<vmem>>, vector<16xf32>,
      %mul3A_539 = vector.broadcast %squeeze3A_514 : f32 to vector<16xf32>
      %mul3A_540 = arith.mulf %get3A_538, %mul3A_539 : vector<16xf32>
      %swap3A_541 = arith.constant 5 : i32
      %swap3A_542 = arith.index_cast %swap3A_541 : i32 to index
      %swap3A_543 = arith.constant 32 : index
      %swap3A_544 = tpu.vector_load %arg15[%swap3A_542, %swap3A_543] {strides = array<i32>} : memref<16x128xf32, #tpu.memory_space<vmem>>, vector<16xf32>,
      tpu.vector_store %arg15[%swap3A_542, %swap3A_543], %mul3A_540 {strides = array<i32>} : memref<16x128xf32, #tpu.memory_space<vmem>>, vector<16xf32>,
      %get3A_545 = arith.constant 5 : i32
      %get3A_546 = arith.index_cast %get3A_545 : i32 to index
      %get3A_547 = arith.constant 48 : index
      %get3A_548 = tpu.vector_load %arg15[%get3A_546, %get3A_547] {strides = array<i32>} : memref<16x128xf32, #tpu.memory_space<vmem>>, vector<16xf32>,
      %mul3A_549 = vector.broadcast %squeeze3A_514 : f32 to vector<16xf32>
      %mul3A_550 = arith.mulf %get3A_548, %mul3A_549 : vector<16xf32>
      %swap3A_551 = arith.constant 5 : i32
      %swap3A_552 = arith.index_cast %swap3A_551 : i32 to index
      %swap3A_553 = arith.constant 48 : index
      %swap3A_554 = tpu.vector_load %arg15[%swap3A_552, %swap3A_553] {strides = array<i32>} : memref<16x128xf32, #tpu.memory_space<vmem>>, vector<16xf32>,
      tpu.vector_store %arg15[%swap3A_552, %swap3A_553], %mul3A_550 {strides = array<i32>} : memref<16x128xf32, #tpu.memory_space<vmem>>, vector<16xf32>,
      %get3A_555 = arith.constant 5 : i32
      %get3A_556 = arith.index_cast %get3A_555 : i32 to index
      %get3A_557 = arith.constant 64 : index
      %get3A_558 = tpu.vector_load %arg15[%get3A_556, %get3A_557] {strides = array<i32>} : memref<16x128xf32, #tpu.memory_space<vmem>>, vector<16xf32>,
      %mul3A_559 = vector.broadcast %squeeze3A_514 : f32 to vector<16xf32>
      %mul3A_560 = arith.mulf %get3A_558, %mul3A_559 : vector<16xf32>
      %swap3A_561 = arith.constant 5 : i32
      %swap3A_562 = arith.index_cast %swap3A_561 : i32 to index
      %swap3A_563 = arith.constant 64 : index
      %swap3A_564 = tpu.vector_load %arg15[%swap3A_562, %swap3A_563] {strides = array<i32>} : memref<16x128xf32, #tpu.memory_space<vmem>>, vector<16xf32>,
      tpu.vector_store %arg15[%swap3A_562, %swap3A_563], %mul3A_560 {strides = array<i32>} : memref<16x128xf32, #tpu.memory_space<vmem>>, vector<16xf32>,
      %get3A_565 = arith.constant 5 : i32
      %get3A_566 = arith.index_cast %get3A_565 : i32 to index
      %get3A_567 = arith.constant 80 : index
      %get3A_568 = tpu.vector_load %arg15[%get3A_566, %get3A_567] {strides = array<i32>} : memref<16x128xf32, #tpu.memory_space<vmem>>, vector<16xf32>,
      %mul3A_569 = vector.broadcast %squeeze3A_514 : f32 to vector<16xf32>
      %mul3A_570 = arith.mulf %get3A_568, %mul3A_569 : vector<16xf32>
      %swap3A_571 = arith.constant 5 : i32
      %swap3A_572 = arith.index_cast %swap3A_571 : i32 to index
      %swap3A_573 = arith.constant 80 : index
      %swap3A_574 = tpu.vector_load %arg15[%swap3A_572, %swap3A_573] {strides = array<i32>} : memref<16x128xf32, #tpu.memory_space<vmem>>, vector<16xf32>,
      tpu.vector_store %arg15[%swap3A_572, %swap3A_573], %mul3A_570 {strides = array<i32>} : memref<16x128xf32, #tpu.memory_space<vmem>>, vector<16xf32>,
      %get3A_575 = arith.constant 5 : i32
      %get3A_576 = arith.index_cast %get3A_575 : i32 to index
      %get3A_577 = arith.constant 96 : index
      %get3A_578 = tpu.vector_load %arg15[%get3A_576, %get3A_577] {strides = array<i32>} : memref<16x128xf32, #tpu.memory_space<vmem>>, vector<16xf32>,
      %mul3A_579 = vector.broadcast %squeeze3A_514 : f32 to vector<16xf32>
      %mul3A_580 = arith.mulf %get3A_578, %mul3A_579 : vector<16xf32>
      %swap3A_581 = arith.constant 5 : i32
      %swap3A_582 = arith.index_cast %swap3A_581 : i32 to index
      %swap3A_583 = arith.constant 96 : index
      %swap3A_584 = tpu.vector_load %arg15[%swap3A_582, %swap3A_583] {strides = array<i32>} : memref<16x128xf32, #tpu.memory_space<vmem>>, vector<16xf32>,
      tpu.vector_store %arg15[%swap3A_582, %swap3A_583], %mul3A_580 {strides = array<i32>} : memref<16x128xf32, #tpu.memory_space<vmem>>, vector<16xf32>,
      %get3A_585 = arith.constant 5 : i32
      %get3A_586 = arith.index_cast %get3A_585 : i32 to index
      %get3A_587 = arith.constant 112 : index
      %get3A_588 = tpu.vector_load %arg15[%get3A_586, %get3A_587] {strides = array<i32>} : memref<16x128xf32, #tpu.memory_space<vmem>>, vector<16xf32>,
      %mul3A_589 = vector.broadcast %squeeze3A_514 : f32 to vector<16xf32>
      %mul3A_590 = arith.mulf %get3A_588, %mul3A_589 : vector<16xf32>
      %swap3A_591 = arith.constant 5 : i32
      %swap3A_592 = arith.index_cast %swap3A_591 : i32 to index
      %swap3A_593 = arith.constant 112 : index
      %swap3A_594 = tpu.vector_load %arg15[%swap3A_592, %swap3A_593] {strides = array<i32>} : memref<16x128xf32, #tpu.memory_space<vmem>>, vector<16xf32>,
      tpu.vector_store %arg15[%swap3A_592, %swap3A_593], %mul3A_590 {strides = array<i32>} : memref<16x128xf32, #tpu.memory_space<vmem>>, vector<16xf32>,
      %slice3A_595 = vector.extract_strided_slice %div3A_104 {offsets = [6], sizes = [1], strides = [1]} : vector<16xf32> to vector<1xf32>
      %squeeze3A_596 = vector.extract %slice3A_595[0] : f32 from vector<1xf32>
      %get3A_597 = arith.constant 6 : i32
      %get3A_598 = arith.index_cast %get3A_597 : i32 to index
      %get3A_599 = arith.constant 0 : index
      %get3A_600 = tpu.vector_load %arg15[%get3A_598, %get3A_599] {strides = array<i32>} : memref<16x128xf32, #tpu.memory_space<vmem>>, vector<16xf32>,
      %mul3A_601 = vector.broadcast %squeeze3A_596 : f32 to vector<16xf32>
      %mul3A_602 = arith.mulf %get3A_600, %mul3A_601 : vector<16xf32>
      %swap3A_603 = arith.constant 6 : i32
      %swap3A_604 = arith.index_cast %swap3A_603 : i32 to index
      %swap3A_605 = arith.constant 0 : index
      %swap3A_606 = tpu.vector_load %arg15[%swap3A_604, %swap3A_605] {strides = array<i32>} : memref<16x128xf32, #tpu.memory_space<vmem>>, vector<16xf32>,
      tpu.vector_store %arg15[%swap3A_604, %swap3A_605], %mul3A_602 {strides = array<i32>} : memref<16x128xf32, #tpu.memory_space<vmem>>, vector<16xf32>,
      %get3A_607 = arith.constant 6 : i32
      %get3A_608 = arith.index_cast %get3A_607 : i32 to index
      %get3A_609 = arith.constant 16 : index
      %get3A_610 = tpu.vector_load %arg15[%get3A_608, %get3A_609] {strides = array<i32>} : memref<16x128xf32, #tpu.memory_space<vmem>>, vector<16xf32>,
      %mul3A_611 = vector.broadcast %squeeze3A_596 : f32 to vector<16xf32>
      %mul3A_612 = arith.mulf %get3A_610, %mul3A_611 : vector<16xf32>
      %swap3A_613 = arith.constant 6 : i32
      %swap3A_614 = arith.index_cast %swap3A_613 : i32 to index
      %swap3A_615 = arith.constant 16 : index
      %swap3A_616 = tpu.vector_load %arg15[%swap3A_614, %swap3A_615] {strides = array<i32>} : memref<16x128xf32, #tpu.memory_space<vmem>>, vector<16xf32>,
      tpu.vector_store %arg15[%swap3A_614, %swap3A_615], %mul3A_612 {strides = array<i32>} : memref<16x128xf32, #tpu.memory_space<vmem>>, vector<16xf32>,
      %get3A_617 = arith.constant 6 : i32
      %get3A_618 = arith.index_cast %get3A_617 : i32 to index
      %get3A_619 = arith.constant 32 : index
      %get3A_620 = tpu.vector_load %arg15[%get3A_618, %get3A_619] {strides = array<i32>} : memref<16x128xf32, #tpu.memory_space<vmem>>, vector<16xf32>,
      %mul3A_621 = vector.broadcast %squeeze3A_596 : f32 to vector<16xf32>
      %mul3A_622 = arith.mulf %get3A_620, %mul3A_621 : vector<16xf32>
      %swap3A_623 = arith.constant 6 : i32
      %swap3A_624 = arith.index_cast %swap3A_623 : i32 to index
      %swap3A_625 = arith.constant 32 : index
      %swap3A_626 = tpu.vector_load %arg15[%swap3A_624, %swap3A_625] {strides = array<i32>} : memref<16x128xf32, #tpu.memory_space<vmem>>, vector<16xf32>,
      tpu.vector_store %arg15[%swap3A_624, %swap3A_625], %mul3A_622 {strides = array<i32>} : memref<16x128xf32, #tpu.memory_space<vmem>>, vector<16xf32>,
      %get3A_627 = arith.constant 6 : i32
      %get3A_628 = arith.index_cast %get3A_627 : i32 to index
      %get3A_629 = arith.constant 48 : index
      %get3A_630 = tpu.vector_load %arg15[%get3A_628, %get3A_629] {strides = array<i32>} : memref<16x128xf32, #tpu.memory_space<vmem>>, vector<16xf32>,
      %mul3A_631 = vector.broadcast %squeeze3A_596 : f32 to vector<16xf32>
      %mul3A_632 = arith.mulf %get3A_630, %mul3A_631 : vector<16xf32>
      %swap3A_633 = arith.constant 6 : i32
      %swap3A_634 = arith.index_cast %swap3A_633 : i32 to index
      %swap3A_635 = arith.constant 48 : index
      %swap3A_636 = tpu.vector_load %arg15[%swap3A_634, %swap3A_635] {strides = array<i32>} : memref<16x128xf32, #tpu.memory_space<vmem>>, vector<16xf32>,
      tpu.vector_store %arg15[%swap3A_634, %swap3A_635], %mul3A_632 {strides = array<i32>} : memref<16x128xf32, #tpu.memory_space<vmem>>, vector<16xf32>,
      %get3A_637 = arith.constant 6 : i32
      %get3A_638 = arith.index_cast %get3A_637 : i32 to index
      %get3A_639 = arith.constant 64 : index
      %get3A_640 = tpu.vector_load %arg15[%get3A_638, %get3A_639] {strides = array<i32>} : memref<16x128xf32, #tpu.memory_space<vmem>>, vector<16xf32>,
      %mul3A_641 = vector.broadcast %squeeze3A_596 : f32 to vector<16xf32>
      %mul3A_642 = arith.mulf %get3A_640, %mul3A_641 : vector<16xf32>
      %swap3A_643 = arith.constant 6 : i32
      %swap3A_644 = arith.index_cast %swap3A_643 : i32 to index
      %swap3A_645 = arith.constant 64 : index
      %swap3A_646 = tpu.vector_load %arg15[%swap3A_644, %swap3A_645] {strides = array<i32>} : memref<16x128xf32, #tpu.memory_space<vmem>>, vector<16xf32>,
      tpu.vector_store %arg15[%swap3A_644, %swap3A_645], %mul3A_642 {strides = array<i32>} : memref<16x128xf32, #tpu.memory_space<vmem>>, vector<16xf32>,
      %get3A_647 = arith.constant 6 : i32
      %get3A_648 = arith.index_cast %get3A_647 : i32 to index
      %get3A_649 = arith.constant 80 : index
      %get3A_650 = tpu.vector_load %arg15[%get3A_648, %get3A_649] {strides = array<i32>} : memref<16x128xf32, #tpu.memory_space<vmem>>, vector<16xf32>,
      %mul3A_651 = vector.broadcast %squeeze3A_596 : f32 to vector<16xf32>
      %mul3A_652 = arith.mulf %get3A_650, %mul3A_651 : vector<16xf32>
      %swap3A_653 = arith.constant 6 : i32
      %swap3A_654 = arith.index_cast %swap3A_653 : i32 to index
      %swap3A_655 = arith.constant 80 : index
      %swap3A_656 = tpu.vector_load %arg15[%swap3A_654, %swap3A_655] {strides = array<i32>} : memref<16x128xf32, #tpu.memory_space<vmem>>, vector<16xf32>,
      tpu.vector_store %arg15[%swap3A_654, %swap3A_655], %mul3A_652 {strides = array<i32>} : memref<16x128xf32, #tpu.memory_space<vmem>>, vector<16xf32>,
      %get3A_657 = arith.constant 6 : i32
      %get3A_658 = arith.index_cast %get3A_657 : i32 to index
      %get3A_659 = arith.constant 96 : index
      %get3A_660 = tpu.vector_load %arg15[%get3A_658, %get3A_659] {strides = array<i32>} : memref<16x128xf32, #tpu.memory_space<vmem>>, vector<16xf32>,
      %mul3A_661 = vector.broadcast %squeeze3A_596 : f32 to vector<16xf32>
      %mul3A_662 = arith.mulf %get3A_660, %mul3A_661 : vector<16xf32>
      %swap3A_663 = arith.constant 6 : i32
      %swap3A_664 = arith.index_cast %swap3A_663 : i32 to index
      %swap3A_665 = arith.constant 96 : index
      %swap3A_666 = tpu.vector_load %arg15[%swap3A_664, %swap3A_665] {strides = array<i32>} : memref<16x128xf32, #tpu.memory_space<vmem>>, vector<16xf32>,
      tpu.vector_store %arg15[%swap3A_664, %swap3A_665], %mul3A_662 {strides = array<i32>} : memref<16x128xf32, #tpu.memory_space<vmem>>, vector<16xf32>,
      %get3A_667 = arith.constant 6 : i32
      %get3A_668 = arith.index_cast %get3A_667 : i32 to index
      %get3A_669 = arith.constant 112 : index
      %get3A_670 = tpu.vector_load %arg15[%get3A_668, %get3A_669] {strides = array<i32>} : memref<16x128xf32, #tpu.memory_space<vmem>>, vector<16xf32>,
      %mul3A_671 = vector.broadcast %squeeze3A_596 : f32 to vector<16xf32>
      %mul3A_672 = arith.mulf %get3A_670, %mul3A_671 : vector<16xf32>
      %swap3A_673 = arith.constant 6 : i32
      %swap3A_674 = arith.index_cast %swap3A_673 : i32 to index
      %swap3A_675 = arith.constant 112 : index
      %swap3A_676 = tpu.vector_load %arg15[%swap3A_674, %swap3A_675] {strides = array<i32>} : memref<16x128xf32, #tpu.memory_space<vmem>>, vector<16xf32>,
      tpu.vector_store %arg15[%swap3A_674, %swap3A_675], %mul3A_672 {strides = array<i32>} : memref<16x128xf32, #tpu.memory_space<vmem>>, vector<16xf32>,
      %slice3A_677 = vector.extract_strided_slice %div3A_104 {offsets = [7], sizes = [1], strides = [1]} : vector<16xf32> to vector<1xf32>
      %squeeze3A_678 = vector.extract %slice3A_677[0] : f32 from vector<1xf32>
      %get3A_679 = arith.constant 7 : i32
      %get3A_680 = arith.index_cast %get3A_679 : i32 to index
      %get3A_681 = arith.constant 0 : index
      %get3A_682 = tpu.vector_load %arg15[%get3A_680, %get3A_681] {strides = array<i32>} : memref<16x128xf32, #tpu.memory_space<vmem>>, vector<16xf32>,
      %mul3A_683 = vector.broadcast %squeeze3A_678 : f32 to vector<16xf32>
      %mul3A_684 = arith.mulf %get3A_682, %mul3A_683 : vector<16xf32>
      %swap3A_685 = arith.constant 7 : i32
      %swap3A_686 = arith.index_cast %swap3A_685 : i32 to index
      %swap3A_687 = arith.constant 0 : index
      %swap3A_688 = tpu.vector_load %arg15[%swap3A_686, %swap3A_687] {strides = array<i32>} : memref<16x128xf32, #tpu.memory_space<vmem>>, vector<16xf32>,
      tpu.vector_store %arg15[%swap3A_686, %swap3A_687], %mul3A_684 {strides = array<i32>} : memref<16x128xf32, #tpu.memory_space<vmem>>, vector<16xf32>,
      %get3A_689 = arith.constant 7 : i32
      %get3A_690 = arith.index_cast %get3A_689 : i32 to index
      %get3A_691 = arith.constant 16 : index
      %get3A_692 = tpu.vector_load %arg15[%get3A_690, %get3A_691] {strides = array<i32>} : memref<16x128xf32, #tpu.memory_space<vmem>>, vector<16xf32>,
      %mul3A_693 = vector.broadcast %squeeze3A_678 : f32 to vector<16xf32>
      %mul3A_694 = arith.mulf %get3A_692, %mul3A_693 : vector<16xf32>
      %swap3A_695 = arith.constant 7 : i32
      %swap3A_696 = arith.index_cast %swap3A_695 : i32 to index
      %swap3A_697 = arith.constant 16 : index
      %swap3A_698 = tpu.vector_load %arg15[%swap3A_696, %swap3A_697] {strides = array<i32>} : memref<16x128xf32, #tpu.memory_space<vmem>>, vector<16xf32>,
      tpu.vector_store %arg15[%swap3A_696, %swap3A_697], %mul3A_694 {strides = array<i32>} : memref<16x128xf32, #tpu.memory_space<vmem>>, vector<16xf32>,
      %get3A_699 = arith.constant 7 : i32
      %get3A_700 = arith.index_cast %get3A_699 : i32 to index
      %get3A_701 = arith.constant 32 : index
      %get3A_702 = tpu.vector_load %arg15[%get3A_700, %get3A_701] {strides = array<i32>} : memref<16x128xf32, #tpu.memory_space<vmem>>, vector<16xf32>,
      %mul3A_703 = vector.broadcast %squeeze3A_678 : f32 to vector<16xf32>
      %mul3A_704 = arith.mulf %get3A_702, %mul3A_703 : vector<16xf32>
      %swap3A_705 = arith.constant 7 : i32
      %swap3A_706 = arith.index_cast %swap3A_705 : i32 to index
      %swap3A_707 = arith.constant 32 : index
      %swap3A_708 = tpu.vector_load %arg15[%swap3A_706, %swap3A_707] {strides = array<i32>} : memref<16x128xf32, #tpu.memory_space<vmem>>, vector<16xf32>,
      tpu.vector_store %arg15[%swap3A_706, %swap3A_707], %mul3A_704 {strides = array<i32>} : memref<16x128xf32, #tpu.memory_space<vmem>>, vector<16xf32>,
      %get3A_709 = arith.constant 7 : i32
      %get3A_710 = arith.index_cast %get3A_709 : i32 to index
      %get3A_711 = arith.constant 48 : index
      %get3A_712 = tpu.vector_load %arg15[%get3A_710, %get3A_711] {strides = array<i32>} : memref<16x128xf32, #tpu.memory_space<vmem>>, vector<16xf32>,
      %mul3A_713 = vector.broadcast %squeeze3A_678 : f32 to vector<16xf32>
      %mul3A_714 = arith.mulf %get3A_712, %mul3A_713 : vector<16xf32>
      %swap3A_715 = arith.constant 7 : i32
      %swap3A_716 = arith.index_cast %swap3A_715 : i32 to index
      %swap3A_717 = arith.constant 48 : index
      %swap3A_718 = tpu.vector_load %arg15[%swap3A_716, %swap3A_717] {strides = array<i32>} : memref<16x128xf32, #tpu.memory_space<vmem>>, vector<16xf32>,
      tpu.vector_store %arg15[%swap3A_716, %swap3A_717], %mul3A_714 {strides = array<i32>} : memref<16x128xf32, #tpu.memory_space<vmem>>, vector<16xf32>,
      %get3A_719 = arith.constant 7 : i32
      %get3A_720 = arith.index_cast %get3A_719 : i32 to index
      %get3A_721 = arith.constant 64 : index
      %get3A_722 = tpu.vector_load %arg15[%get3A_720, %get3A_721] {strides = array<i32>} : memref<16x128xf32, #tpu.memory_space<vmem>>, vector<16xf32>,
      %mul3A_723 = vector.broadcast %squeeze3A_678 : f32 to vector<16xf32>
      %mul3A_724 = arith.mulf %get3A_722, %mul3A_723 : vector<16xf32>
      %swap3A_725 = arith.constant 7 : i32
      %swap3A_726 = arith.index_cast %swap3A_725 : i32 to index
      %swap3A_727 = arith.constant 64 : index
      %swap3A_728 = tpu.vector_load %arg15[%swap3A_726, %swap3A_727] {strides = array<i32>} : memref<16x128xf32, #tpu.memory_space<vmem>>, vector<16xf32>,
      tpu.vector_store %arg15[%swap3A_726, %swap3A_727], %mul3A_724 {strides = array<i32>} : memref<16x128xf32, #tpu.memory_space<vmem>>, vector<16xf32>,
      %get3A_729 = arith.constant 7 : i32
      %get3A_730 = arith.index_cast %get3A_729 : i32 to index
      %get3A_731 = arith.constant 80 : index
      %get3A_732 = tpu.vector_load %arg15[%get3A_730, %get3A_731] {strides = array<i32>} : memref<16x128xf32, #tpu.memory_space<vmem>>, vector<16xf32>,
      %mul3A_733 = vector.broadcast %squeeze3A_678 : f32 to vector<16xf32>
      %mul3A_734 = arith.mulf %get3A_732, %mul3A_733 : vector<16xf32>
      %swap3A_735 = arith.constant 7 : i32
      %swap3A_736 = arith.index_cast %swap3A_735 : i32 to index
      %swap3A_737 = arith.constant 80 : index
      %swap3A_738 = tpu.vector_load %arg15[%swap3A_736, %swap3A_737] {strides = array<i32>} : memref<16x128xf32, #tpu.memory_space<vmem>>, vector<16xf32>,
      tpu.vector_store %arg15[%swap3A_736, %swap3A_737], %mul3A_734 {strides = array<i32>} : memref<16x128xf32, #tpu.memory_space<vmem>>, vector<16xf32>,
      %get3A_739 = arith.constant 7 : i32
      %get3A_740 = arith.index_cast %get3A_739 : i32 to index
      %get3A_741 = arith.constant 96 : index
      %get3A_742 = tpu.vector_load %arg15[%get3A_740, %get3A_741] {strides = array<i32>} : memref<16x128xf32, #tpu.memory_space<vmem>>, vector<16xf32>,
      %mul3A_743 = vector.broadcast %squeeze3A_678 : f32 to vector<16xf32>
      %mul3A_744 = arith.mulf %get3A_742, %mul3A_743 : vector<16xf32>
      %swap3A_745 = arith.constant 7 : i32
      %swap3A_746 = arith.index_cast %swap3A_745 : i32 to index
      %swap3A_747 = arith.constant 96 : index
      %swap3A_748 = tpu.vector_load %arg15[%swap3A_746, %swap3A_747] {strides = array<i32>} : memref<16x128xf32, #tpu.memory_space<vmem>>, vector<16xf32>,
      tpu.vector_store %arg15[%swap3A_746, %swap3A_747], %mul3A_744 {strides = array<i32>} : memref<16x128xf32, #tpu.memory_space<vmem>>, vector<16xf32>,
      %get3A_749 = arith.constant 7 : i32
      %get3A_750 = arith.index_cast %get3A_749 : i32 to index
      %get3A_751 = arith.constant 112 : index
      %get3A_752 = tpu.vector_load %arg15[%get3A_750, %get3A_751] {strides = array<i32>} : memref<16x128xf32, #tpu.memory_space<vmem>>, vector<16xf32>,
      %mul3A_753 = vector.broadcast %squeeze3A_678 : f32 to vector<16xf32>
      %mul3A_754 = arith.mulf %get3A_752, %mul3A_753 : vector<16xf32>
      %swap3A_755 = arith.constant 7 : i32
      %swap3A_756 = arith.index_cast %swap3A_755 : i32 to index
      %swap3A_757 = arith.constant 112 : index
      %swap3A_758 = tpu.vector_load %arg15[%swap3A_756, %swap3A_757] {strides = array<i32>} : memref<16x128xf32, #tpu.memory_space<vmem>>, vector<16xf32>,
      tpu.vector_store %arg15[%swap3A_756, %swap3A_757], %mul3A_754 {strides = array<i32>} : memref<16x128xf32, #tpu.memory_space<vmem>>, vector<16xf32>,
      %slice3A_759 = vector.extract_strided_slice %div3A_104 {offsets = [8], sizes = [1], strides = [1]} : vector<16xf32> to vector<1xf32>
      %squeeze3A_760 = vector.extract %slice3A_759[0] : f32 from vector<1xf32>
      %get3A_761 = arith.constant 8 : i32
      %get3A_762 = arith.index_cast %get3A_761 : i32 to index
      %get3A_763 = arith.constant 0 : index
      %get3A_764 = tpu.vector_load %arg15[%get3A_762, %get3A_763] {strides = array<i32>} : memref<16x128xf32, #tpu.memory_space<vmem>>, vector<16xf32>,
      %mul3A_765 = vector.broadcast %squeeze3A_760 : f32 to vector<16xf32>
      %mul3A_766 = arith.mulf %get3A_764, %mul3A_765 : vector<16xf32>
      %swap3A_767 = arith.constant 8 : i32
      %swap3A_768 = arith.index_cast %swap3A_767 : i32 to index
      %swap3A_769 = arith.constant 0 : index
      %swap3A_770 = tpu.vector_load %arg15[%swap3A_768, %swap3A_769] {strides = array<i32>} : memref<16x128xf32, #tpu.memory_space<vmem>>, vector<16xf32>,
      tpu.vector_store %arg15[%swap3A_768, %swap3A_769], %mul3A_766 {strides = array<i32>} : memref<16x128xf32, #tpu.memory_space<vmem>>, vector<16xf32>,
      %get3A_771 = arith.constant 8 : i32
      %get3A_772 = arith.index_cast %get3A_771 : i32 to index
      %get3A_773 = arith.constant 16 : index
      %get3A_774 = tpu.vector_load %arg15[%get3A_772, %get3A_773] {strides = array<i32>} : memref<16x128xf32, #tpu.memory_space<vmem>>, vector<16xf32>,
      %mul3A_775 = vector.broadcast %squeeze3A_760 : f32 to vector<16xf32>
      %mul3A_776 = arith.mulf %get3A_774, %mul3A_775 : vector<16xf32>
      %swap3A_777 = arith.constant 8 : i32
      %swap3A_778 = arith.index_cast %swap3A_777 : i32 to index
      %swap3A_779 = arith.constant 16 : index
      %swap3A_780 = tpu.vector_load %arg15[%swap3A_778, %swap3A_779] {strides = array<i32>} : memref<16x128xf32, #tpu.memory_space<vmem>>, vector<16xf32>,
      tpu.vector_store %arg15[%swap3A_778, %swap3A_779], %mul3A_776 {strides = array<i32>} : memref<16x128xf32, #tpu.memory_space<vmem>>, vector<16xf32>,
      %get3A_781 = arith.constant 8 : i32
      %get3A_782 = arith.index_cast %get3A_781 : i32 to index
      %get3A_783 = arith.constant 32 : index
      %get3A_784 = tpu.vector_load %arg15[%get3A_782, %get3A_783] {strides = array<i32>} : memref<16x128xf32, #tpu.memory_space<vmem>>, vector<16xf32>,
      %mul3A_785 = vector.broadcast %squeeze3A_760 : f32 to vector<16xf32>
      %mul3A_786 = arith.mulf %get3A_784, %mul3A_785 : vector<16xf32>
      %swap3A_787 = arith.constant 8 : i32
      %swap3A_788 = arith.index_cast %swap3A_787 : i32 to index
      %swap3A_789 = arith.constant 32 : index
      %swap3A_790 = tpu.vector_load %arg15[%swap3A_788, %swap3A_789] {strides = array<i32>} : memref<16x128xf32, #tpu.memory_space<vmem>>, vector<16xf32>,
      tpu.vector_store %arg15[%swap3A_788, %swap3A_789], %mul3A_786 {strides = array<i32>} : memref<16x128xf32, #tpu.memory_space<vmem>>, vector<16xf32>,
      %get3A_791 = arith.constant 8 : i32
      %get3A_792 = arith.index_cast %get3A_791 : i32 to index
      %get3A_793 = arith.constant 48 : index
      %get3A_794 = tpu.vector_load %arg15[%get3A_792, %get3A_793] {strides = array<i32>} : memref<16x128xf32, #tpu.memory_space<vmem>>, vector<16xf32>,
      %mul3A_795 = vector.broadcast %squeeze3A_760 : f32 to vector<16xf32>
      %mul3A_796 = arith.mulf %get3A_794, %mul3A_795 : vector<16xf32>
      %swap3A_797 = arith.constant 8 : i32
      %swap3A_798 = arith.index_cast %swap3A_797 : i32 to index
      %swap3A_799 = arith.constant 48 : index
      %swap3A_800 = tpu.vector_load %arg15[%swap3A_798, %swap3A_799] {strides = array<i32>} : memref<16x128xf32, #tpu.memory_space<vmem>>, vector<16xf32>,
      tpu.vector_store %arg15[%swap3A_798, %swap3A_799], %mul3A_796 {strides = array<i32>} : memref<16x128xf32, #tpu.memory_space<vmem>>, vector<16xf32>,
      %get3A_801 = arith.constant 8 : i32
      %get3A_802 = arith.index_cast %get3A_801 : i32 to index
      %get3A_803 = arith.constant 64 : index
      %get3A_804 = tpu.vector_load %arg15[%get3A_802, %get3A_803] {strides = array<i32>} : memref<16x128xf32, #tpu.memory_space<vmem>>, vector<16xf32>,
      %mul3A_805 = vector.broadcast %squeeze3A_760 : f32 to vector<16xf32>
      %mul3A_806 = arith.mulf %get3A_804, %mul3A_805 : vector<16xf32>
      %swap3A_807 = arith.constant 8 : i32
      %swap3A_808 = arith.index_cast %swap3A_807 : i32 to index
      %swap3A_809 = arith.constant 64 : index
      %swap3A_810 = tpu.vector_load %arg15[%swap3A_808, %swap3A_809] {strides = array<i32>} : memref<16x128xf32, #tpu.memory_space<vmem>>, vector<16xf32>,
      tpu.vector_store %arg15[%swap3A_808, %swap3A_809], %mul3A_806 {strides = array<i32>} : memref<16x128xf32, #tpu.memory_space<vmem>>, vector<16xf32>,
      %get3A_811 = arith.constant 8 : i32
      %get3A_812 = arith.index_cast %get3A_811 : i32 to index
      %get3A_813 = arith.constant 80 : index
      %get3A_814 = tpu.vector_load %arg15[%get3A_812, %get3A_813] {strides = array<i32>} : memref<16x128xf32, #tpu.memory_space<vmem>>, vector<16xf32>,
      %mul3A_815 = vector.broadcast %squeeze3A_760 : f32 to vector<16xf32>
      %mul3A_816 = arith.mulf %get3A_814, %mul3A_815 : vector<16xf32>
      %swap3A_817 = arith.constant 8 : i32
      %swap3A_818 = arith.index_cast %swap3A_817 : i32 to index
      %swap3A_819 = arith.constant 80 : index
      %swap3A_820 = tpu.vector_load %arg15[%swap3A_818, %swap3A_819] {strides = array<i32>} : memref<16x128xf32, #tpu.memory_space<vmem>>, vector<16xf32>,
      tpu.vector_store %arg15[%swap3A_818, %swap3A_819], %mul3A_816 {strides = array<i32>} : memref<16x128xf32, #tpu.memory_space<vmem>>, vector<16xf32>,
      %get3A_821 = arith.constant 8 : i32
      %get3A_822 = arith.index_cast %get3A_821 : i32 to index
      %get3A_823 = arith.constant 96 : index
      %get3A_824 = tpu.vector_load %arg15[%get3A_822, %get3A_823] {strides = array<i32>} : memref<16x128xf32, #tpu.memory_space<vmem>>, vector<16xf32>,
      %mul3A_825 = vector.broadcast %squeeze3A_760 : f32 to vector<16xf32>
      %mul3A_826 = arith.mulf %get3A_824, %mul3A_825 : vector<16xf32>
      %swap3A_827 = arith.constant 8 : i32
      %swap3A_828 = arith.index_cast %swap3A_827 : i32 to index
      %swap3A_829 = arith.constant 96 : index
      %swap3A_830 = tpu.vector_load %arg15[%swap3A_828, %swap3A_829] {strides = array<i32>} : memref<16x128xf32, #tpu.memory_space<vmem>>, vector<16xf32>,
      tpu.vector_store %arg15[%swap3A_828, %swap3A_829], %mul3A_826 {strides = array<i32>} : memref<16x128xf32, #tpu.memory_space<vmem>>, vector<16xf32>,
      %get3A_831 = arith.constant 8 : i32
      %get3A_832 = arith.index_cast %get3A_831 : i32 to index
      %get3A_833 = arith.constant 112 : index
      %get3A_834 = tpu.vector_load %arg15[%get3A_832, %get3A_833] {strides = array<i32>} : memref<16x128xf32, #tpu.memory_space<vmem>>, vector<16xf32>,
      %mul3A_835 = vector.broadcast %squeeze3A_760 : f32 to vector<16xf32>
      %mul3A_836 = arith.mulf %get3A_834, %mul3A_835 : vector<16xf32>
      %swap3A_837 = arith.constant 8 : i32
      %swap3A_838 = arith.index_cast %swap3A_837 : i32 to index
      %swap3A_839 = arith.constant 112 : index
      %swap3A_840 = tpu.vector_load %arg15[%swap3A_838, %swap3A_839] {strides = array<i32>} : memref<16x128xf32, #tpu.memory_space<vmem>>, vector<16xf32>,
      tpu.vector_store %arg15[%swap3A_838, %swap3A_839], %mul3A_836 {strides = array<i32>} : memref<16x128xf32, #tpu.memory_space<vmem>>, vector<16xf32>,
      %slice3A_841 = vector.extract_strided_slice %div3A_104 {offsets = [9], sizes = [1], strides = [1]} : vector<16xf32> to vector<1xf32>
      %squeeze3A_842 = vector.extract %slice3A_841[0] : f32 from vector<1xf32>
      %get3A_843 = arith.constant 9 : i32
      %get3A_844 = arith.index_cast %get3A_843 : i32 to index
      %get3A_845 = arith.constant 0 : index
      %get3A_846 = tpu.vector_load %arg15[%get3A_844, %get3A_845] {strides = array<i32>} : memref<16x128xf32, #tpu.memory_space<vmem>>, vector<16xf32>,
      %mul3A_847 = vector.broadcast %squeeze3A_842 : f32 to vector<16xf32>
      %mul3A_848 = arith.mulf %get3A_846, %mul3A_847 : vector<16xf32>
      %swap3A_849 = arith.constant 9 : i32
      %swap3A_850 = arith.index_cast %swap3A_849 : i32 to index
      %swap3A_851 = arith.constant 0 : index
      %swap3A_852 = tpu.vector_load %arg15[%swap3A_850, %swap3A_851] {strides = array<i32>} : memref<16x128xf32, #tpu.memory_space<vmem>>, vector<16xf32>,
      tpu.vector_store %arg15[%swap3A_850, %swap3A_851], %mul3A_848 {strides = array<i32>} : memref<16x128xf32, #tpu.memory_space<vmem>>, vector<16xf32>,
      %get3A_853 = arith.constant 9 : i32
      %get3A_854 = arith.index_cast %get3A_853 : i32 to index
      %get3A_855 = arith.constant 16 : index
      %get3A_856 = tpu.vector_load %arg15[%get3A_854, %get3A_855] {strides = array<i32>} : memref<16x128xf32, #tpu.memory_space<vmem>>, vector<16xf32>,
      %mul3A_857 = vector.broadcast %squeeze3A_842 : f32 to vector<16xf32>
      %mul3A_858 = arith.mulf %get3A_856, %mul3A_857 : vector<16xf32>
      %swap3A_859 = arith.constant 9 : i32
      %swap3A_860 = arith.index_cast %swap3A_859 : i32 to index
      %swap3A_861 = arith.constant 16 : index
      %swap3A_862 = tpu.vector_load %arg15[%swap3A_860, %swap3A_861] {strides = array<i32>} : memref<16x128xf32, #tpu.memory_space<vmem>>, vector<16xf32>,
      tpu.vector_store %arg15[%swap3A_860, %swap3A_861], %mul3A_858 {strides = array<i32>} : memref<16x128xf32, #tpu.memory_space<vmem>>, vector<16xf32>,
      %get3A_863 = arith.constant 9 : i32
      %get3A_864 = arith.index_cast %get3A_863 : i32 to index
      %get3A_865 = arith.constant 32 : index
      %get3A_866 = tpu.vector_load %arg15[%get3A_864, %get3A_865] {strides = array<i32>} : memref<16x128xf32, #tpu.memory_space<vmem>>, vector<16xf32>,
      %mul3A_867 = vector.broadcast %squeeze3A_842 : f32 to vector<16xf32>
      %mul3A_868 = arith.mulf %get3A_866, %mul3A_867 : vector<16xf32>
      %swap3A_869 = arith.constant 9 : i32
      %swap3A_870 = arith.index_cast %swap3A_869 : i32 to index
      %swap3A_871 = arith.constant 32 : index
      %swap3A_872 = tpu.vector_load %arg15[%swap3A_870, %swap3A_871] {strides = array<i32>} : memref<16x128xf32, #tpu.memory_space<vmem>>, vector<16xf32>,
      tpu.vector_store %arg15[%swap3A_870, %swap3A_871], %mul3A_868 {strides = array<i32>} : memref<16x128xf32, #tpu.memory_space<vmem>>, vector<16xf32>,
      %get3A_873 = arith.constant 9 : i32
      %get3A_874 = arith.index_cast %get3A_873 : i32 to index
      %get3A_875 = arith.constant 48 : index
      %get3A_876 = tpu.vector_load %arg15[%get3A_874, %get3A_875] {strides = array<i32>} : memref<16x128xf32, #tpu.memory_space<vmem>>, vector<16xf32>,
      %mul3A_877 = vector.broadcast %squeeze3A_842 : f32 to vector<16xf32>
      %mul3A_878 = arith.mulf %get3A_876, %mul3A_877 : vector<16xf32>
      %swap3A_879 = arith.constant 9 : i32
      %swap3A_880 = arith.index_cast %swap3A_879 : i32 to index
      %swap3A_881 = arith.constant 48 : index
      %swap3A_882 = tpu.vector_load %arg15[%swap3A_880, %swap3A_881] {strides = array<i32>} : memref<16x128xf32, #tpu.memory_space<vmem>>, vector<16xf32>,
      tpu.vector_store %arg15[%swap3A_880, %swap3A_881], %mul3A_878 {strides = array<i32>} : memref<16x128xf32, #tpu.memory_space<vmem>>, vector<16xf32>,
      %get3A_883 = arith.constant 9 : i32
      %get3A_884 = arith.index_cast %get3A_883 : i32 to index
      %get3A_885 = arith.constant 64 : index
      %get3A_886 = tpu.vector_load %arg15[%get3A_884, %get3A_885] {strides = array<i32>} : memref<16x128xf32, #tpu.memory_space<vmem>>, vector<16xf32>,
      %mul3A_887 = vector.broadcast %squeeze3A_842 : f32 to vector<16xf32>
      %mul3A_888 = arith.mulf %get3A_886, %mul3A_887 : vector<16xf32>
      %swap3A_889 = arith.constant 9 : i32
      %swap3A_890 = arith.index_cast %swap3A_889 : i32 to index
      %swap3A_891 = arith.constant 64 : index
      %swap3A_892 = tpu.vector_load %arg15[%swap3A_890, %swap3A_891] {strides = array<i32>} : memref<16x128xf32, #tpu.memory_space<vmem>>, vector<16xf32>,
      tpu.vector_store %arg15[%swap3A_890, %swap3A_891], %mul3A_888 {strides = array<i32>} : memref<16x128xf32, #tpu.memory_space<vmem>>, vector<16xf32>,
      %get3A_893 = arith.constant 9 : i32
      %get3A_894 = arith.index_cast %get3A_893 : i32 to index
      %get3A_895 = arith.constant 80 : index
      %get3A_896 = tpu.vector_load %arg15[%get3A_894, %get3A_895] {strides = array<i32>} : memref<16x128xf32, #tpu.memory_space<vmem>>, vector<16xf32>,
      %mul3A_897 = vector.broadcast %squeeze3A_842 : f32 to vector<16xf32>
      %mul3A_898 = arith.mulf %get3A_896, %mul3A_897 : vector<16xf32>
      %swap3A_899 = arith.constant 9 : i32
      %swap3A_900 = arith.index_cast %swap3A_899 : i32 to index
      %swap3A_901 = arith.constant 80 : index
      %swap3A_902 = tpu.vector_load %arg15[%swap3A_900, %swap3A_901] {strides = array<i32>} : memref<16x128xf32, #tpu.memory_space<vmem>>, vector<16xf32>,
      tpu.vector_store %arg15[%swap3A_900, %swap3A_901], %mul3A_898 {strides = array<i32>} : memref<16x128xf32, #tpu.memory_space<vmem>>, vector<16xf32>,
      %get3A_903 = arith.constant 9 : i32
      %get3A_904 = arith.index_cast %get3A_903 : i32 to index
      %get3A_905 = arith.constant 96 : index
      %get3A_906 = tpu.vector_load %arg15[%get3A_904, %get3A_905] {strides = array<i32>} : memref<16x128xf32, #tpu.memory_space<vmem>>, vector<16xf32>,
      %mul3A_907 = vector.broadcast %squeeze3A_842 : f32 to vector<16xf32>
      %mul3A_908 = arith.mulf %get3A_906, %mul3A_907 : vector<16xf32>
      %swap3A_909 = arith.constant 9 : i32
      %swap3A_910 = arith.index_cast %swap3A_909 : i32 to index
      %swap3A_911 = arith.constant 96 : index
      %swap3A_912 = tpu.vector_load %arg15[%swap3A_910, %swap3A_911] {strides = array<i32>} : memref<16x128xf32, #tpu.memory_space<vmem>>, vector<16xf32>,
      tpu.vector_store %arg15[%swap3A_910, %swap3A_911], %mul3A_908 {strides = array<i32>} : memref<16x128xf32, #tpu.memory_space<vmem>>, vector<16xf32>,
      %get3A_913 = arith.constant 9 : i32
      %get3A_914 = arith.index_cast %get3A_913 : i32 to index
      %get3A_915 = arith.constant 112 : index
      %get3A_916 = tpu.vector_load %arg15[%get3A_914, %get3A_915] {strides = array<i32>} : memref<16x128xf32, #tpu.memory_space<vmem>>, vector<16xf32>,
      %mul3A_917 = vector.broadcast %squeeze3A_842 : f32 to vector<16xf32>
      %mul3A_918 = arith.mulf %get3A_916, %mul3A_917 : vector<16xf32>
      %swap3A_919 = arith.constant 9 : i32
      %swap3A_920 = arith.index_cast %swap3A_919 : i32 to index
      %swap3A_921 = arith.constant 112 : index
      %swap3A_922 = tpu.vector_load %arg15[%swap3A_920, %swap3A_921] {strides = array<i32>} : memref<16x128xf32, #tpu.memory_space<vmem>>, vector<16xf32>,
      tpu.vector_store %arg15[%swap3A_920, %swap3A_921], %mul3A_918 {strides = array<i32>} : memref<16x128xf32, #tpu.memory_space<vmem>>, vector<16xf32>,
      %slice3A_923 = vector.extract_strided_slice %div3A_104 {offsets = [10], sizes = [1], strides = [1]} : vector<16xf32> to vector<1xf32>
      %squeeze3A_924 = vector.extract %slice3A_923[0] : f32 from vector<1xf32>
      %get3A_925 = arith.constant 10 : i32
      %get3A_926 = arith.index_cast %get3A_925 : i32 to index
      %get3A_927 = arith.constant 0 : index
      %get3A_928 = tpu.vector_load %arg15[%get3A_926, %get3A_927] {strides = array<i32>} : memref<16x128xf32, #tpu.memory_space<vmem>>, vector<16xf32>,
      %mul3A_929 = vector.broadcast %squeeze3A_924 : f32 to vector<16xf32>
      %mul3A_930 = arith.mulf %get3A_928, %mul3A_929 : vector<16xf32>
      %swap3A_931 = arith.constant 10 : i32
      %swap3A_932 = arith.index_cast %swap3A_931 : i32 to index
      %swap3A_933 = arith.constant 0 : index
      %swap3A_934 = tpu.vector_load %arg15[%swap3A_932, %swap3A_933] {strides = array<i32>} : memref<16x128xf32, #tpu.memory_space<vmem>>, vector<16xf32>,
      tpu.vector_store %arg15[%swap3A_932, %swap3A_933], %mul3A_930 {strides = array<i32>} : memref<16x128xf32, #tpu.memory_space<vmem>>, vector<16xf32>,
      %get3A_935 = arith.constant 10 : i32
      %get3A_936 = arith.index_cast %get3A_935 : i32 to index
      %get3A_937 = arith.constant 16 : index
      %get3A_938 = tpu.vector_load %arg15[%get3A_936, %get3A_937] {strides = array<i32>} : memref<16x128xf32, #tpu.memory_space<vmem>>, vector<16xf32>,
      %mul3A_939 = vector.broadcast %squeeze3A_924 : f32 to vector<16xf32>
      %mul3A_940 = arith.mulf %get3A_938, %mul3A_939 : vector<16xf32>
      %swap3A_941 = arith.constant 10 : i32
      %swap3A_942 = arith.index_cast %swap3A_941 : i32 to index
      %swap3A_943 = arith.constant 16 : index
      %swap3A_944 = tpu.vector_load %arg15[%swap3A_942, %swap3A_943] {strides = array<i32>} : memref<16x128xf32, #tpu.memory_space<vmem>>, vector<16xf32>,
      tpu.vector_store %arg15[%swap3A_942, %swap3A_943], %mul3A_940 {strides = array<i32>} : memref<16x128xf32, #tpu.memory_space<vmem>>, vector<16xf32>,
      %get3A_945 = arith.constant 10 : i32
      %get3A_946 = arith.index_cast %get3A_945 : i32 to index
      %get3A_947 = arith.constant 32 : index
      %get3A_948 = tpu.vector_load %arg15[%get3A_946, %get3A_947] {strides = array<i32>} : memref<16x128xf32, #tpu.memory_space<vmem>>, vector<16xf32>,
      %mul3A_949 = vector.broadcast %squeeze3A_924 : f32 to vector<16xf32>
      %mul3A_950 = arith.mulf %get3A_948, %mul3A_949 : vector<16xf32>
      %swap3A_951 = arith.constant 10 : i32
      %swap3A_952 = arith.index_cast %swap3A_951 : i32 to index
      %swap3A_953 = arith.constant 32 : index
      %swap3A_954 = tpu.vector_load %arg15[%swap3A_952, %swap3A_953] {strides = array<i32>} : memref<16x128xf32, #tpu.memory_space<vmem>>, vector<16xf32>,
      tpu.vector_store %arg15[%swap3A_952, %swap3A_953], %mul3A_950 {strides = array<i32>} : memref<16x128xf32, #tpu.memory_space<vmem>>, vector<16xf32>,
      %get3A_955 = arith.constant 10 : i32
      %get3A_956 = arith.index_cast %get3A_955 : i32 to index
      %get3A_957 = arith.constant 48 : index
      %get3A_958 = tpu.vector_load %arg15[%get3A_956, %get3A_957] {strides = array<i32>} : memref<16x128xf32, #tpu.memory_space<vmem>>, vector<16xf32>,
      %mul3A_959 = vector.broadcast %squeeze3A_924 : f32 to vector<16xf32>
      %mul3A_960 = arith.mulf %get3A_958, %mul3A_959 : vector<16xf32>
      %swap3A_961 = arith.constant 10 : i32
      %swap3A_962 = arith.index_cast %swap3A_961 : i32 to index
      %swap3A_963 = arith.constant 48 : index
      %swap3A_964 = tpu.vector_load %arg15[%swap3A_962, %swap3A_963] {strides = array<i32>} : memref<16x128xf32, #tpu.memory_space<vmem>>, vector<16xf32>,
      tpu.vector_store %arg15[%swap3A_962, %swap3A_963], %mul3A_960 {strides = array<i32>} : memref<16x128xf32, #tpu.memory_space<vmem>>, vector<16xf32>,
      %get3A_965 = arith.constant 10 : i32
      %get3A_966 = arith.index_cast %get3A_965 : i32 to index
      %get3A_967 = arith.constant 64 : index
      %get3A_968 = tpu.vector_load %arg15[%get3A_966, %get3A_967] {strides = array<i32>} : memref<16x128xf32, #tpu.memory_space<vmem>>, vector<16xf32>,
      %mul3A_969 = vector.broadcast %squeeze3A_924 : f32 to vector<16xf32>
      %mul3A_970 = arith.mulf %get3A_968, %mul3A_969 : vector<16xf32>
      %swap3A_971 = arith.constant 10 : i32
      %swap3A_972 = arith.index_cast %swap3A_971 : i32 to index
      %swap3A_973 = arith.constant 64 : index
      %swap3A_974 = tpu.vector_load %arg15[%swap3A_972, %swap3A_973] {strides = array<i32>} : memref<16x128xf32, #tpu.memory_space<vmem>>, vector<16xf32>,
      tpu.vector_store %arg15[%swap3A_972, %swap3A_973], %mul3A_970 {strides = array<i32>} : memref<16x128xf32, #tpu.memory_space<vmem>>, vector<16xf32>,
      %get3A_975 = arith.constant 10 : i32
      %get3A_976 = arith.index_cast %get3A_975 : i32 to index
      %get3A_977 = arith.constant 80 : index
      %get3A_978 = tpu.vector_load %arg15[%get3A_976, %get3A_977] {strides = array<i32>} : memref<16x128xf32, #tpu.memory_space<vmem>>, vector<16xf32>,
      %mul3A_979 = vector.broadcast %squeeze3A_924 : f32 to vector<16xf32>
      %mul3A_980 = arith.mulf %get3A_978, %mul3A_979 : vector<16xf32>
      %swap3A_981 = arith.constant 10 : i32
      %swap3A_982 = arith.index_cast %swap3A_981 : i32 to index
      %swap3A_983 = arith.constant 80 : index
      %swap3A_984 = tpu.vector_load %arg15[%swap3A_982, %swap3A_983] {strides = array<i32>} : memref<16x128xf32, #tpu.memory_space<vmem>>, vector<16xf32>,
      tpu.vector_store %arg15[%swap3A_982, %swap3A_983], %mul3A_980 {strides = array<i32>} : memref<16x128xf32, #tpu.memory_space<vmem>>, vector<16xf32>,
      %get3A_985 = arith.constant 10 : i32
      %get3A_986 = arith.index_cast %get3A_985 : i32 to index
      %get3A_987 = arith.constant 96 : index
      %get3A_988 = tpu.vector_load %arg15[%get3A_986, %get3A_987] {strides = array<i32>} : memref<16x128xf32, #tpu.memory_space<vmem>>, vector<16xf32>,
      %mul3A_989 = vector.broadcast %squeeze3A_924 : f32 to vector<16xf32>
      %mul3A_990 = arith.mulf %get3A_988, %mul3A_989 : vector<16xf32>
      %swap3A_991 = arith.constant 10 : i32
      %swap3A_992 = arith.index_cast %swap3A_991 : i32 to index
      %swap3A_993 = arith.constant 96 : index
      %swap3A_994 = tpu.vector_load %arg15[%swap3A_992, %swap3A_993] {strides = array<i32>} : memref<16x128xf32, #tpu.memory_space<vmem>>, vector<16xf32>,
      tpu.vector_store %arg15[%swap3A_992, %swap3A_993], %mul3A_990 {strides = array<i32>} : memref<16x128xf32, #tpu.memory_space<vmem>>, vector<16xf32>,
      %get3A_995 = arith.constant 10 : i32
      %get3A_996 = arith.index_cast %get3A_995 : i32 to index
      %get3A_997 = arith.constant 112 : index
      %get3A_998 = tpu.vector_load %arg15[%get3A_996, %get3A_997] {strides = array<i32>} : memref<16x128xf32, #tpu.memory_space<vmem>>, vector<16xf32>,
      %mul3A_999 = vector.broadcast %squeeze3A_924 : f32 to vector<16xf32>
      %mul3A_1000 = arith.mulf %get3A_998, %mul3A_999 : vector<16xf32>
      %swap3A_1001 = arith.constant 10 : i32
      %swap3A_1002 = arith.index_cast %swap3A_1001 : i32 to index
      %swap3A_1003 = arith.constant 112 : index
      %swap3A_1004 = tpu.vector_load %arg15[%swap3A_1002, %swap3A_1003] {strides = array<i32>} : memref<16x128xf32, #tpu.memory_space<vmem>>, vector<16xf32>,
      tpu.vector_store %arg15[%swap3A_1002, %swap3A_1003], %mul3A_1000 {strides = array<i32>} : memref<16x128xf32, #tpu.memory_space<vmem>>, vector<16xf32>,
      %slice3A_1005 = vector.extract_strided_slice %div3A_104 {offsets = [11], sizes = [1], strides = [1]} : vector<16xf32> to vector<1xf32>
      %squeeze3A_1006 = vector.extract %slice3A_1005[0] : f32 from vector<1xf32>
      %get3A_1007 = arith.constant 11 : i32
      %get3A_1008 = arith.index_cast %get3A_1007 : i32 to index
      %get3A_1009 = arith.constant 0 : index
      %get3A_1010 = tpu.vector_load %arg15[%get3A_1008, %get3A_1009] {strides = array<i32>} : memref<16x128xf32, #tpu.memory_space<vmem>>, vector<16xf32>,
      %mul3A_1011 = vector.broadcast %squeeze3A_1006 : f32 to vector<16xf32>
      %mul3A_1012 = arith.mulf %get3A_1010, %mul3A_1011 : vector<16xf32>
      %swap3A_1013 = arith.constant 11 : i32
      %swap3A_1014 = arith.index_cast %swap3A_1013 : i32 to index
      %swap3A_1015 = arith.constant 0 : index
      %swap3A_1016 = tpu.vector_load %arg15[%swap3A_1014, %swap3A_1015] {strides = array<i32>} : memref<16x128xf32, #tpu.memory_space<vmem>>, vector<16xf32>,
      tpu.vector_store %arg15[%swap3A_1014, %swap3A_1015], %mul3A_1012 {strides = array<i32>} : memref<16x128xf32, #tpu.memory_space<vmem>>, vector<16xf32>,
      %get3A_1017 = arith.constant 11 : i32
      %get3A_1018 = arith.index_cast %get3A_1017 : i32 to index
      %get3A_1019 = arith.constant 16 : index
      %get3A_1020 = tpu.vector_load %arg15[%get3A_1018, %get3A_1019] {strides = array<i32>} : memref<16x128xf32, #tpu.memory_space<vmem>>, vector<16xf32>,
      %mul3A_1021 = vector.broadcast %squeeze3A_1006 : f32 to vector<16xf32>
      %mul3A_1022 = arith.mulf %get3A_1020, %mul3A_1021 : vector<16xf32>
      %swap3A_1023 = arith.constant 11 : i32
      %swap3A_1024 = arith.index_cast %swap3A_1023 : i32 to index
      %swap3A_1025 = arith.constant 16 : index
      %swap3A_1026 = tpu.vector_load %arg15[%swap3A_1024, %swap3A_1025] {strides = array<i32>} : memref<16x128xf32, #tpu.memory_space<vmem>>, vector<16xf32>,
      tpu.vector_store %arg15[%swap3A_1024, %swap3A_1025], %mul3A_1022 {strides = array<i32>} : memref<16x128xf32, #tpu.memory_space<vmem>>, vector<16xf32>,
      %get3A_1027 = arith.constant 11 : i32
      %get3A_1028 = arith.index_cast %get3A_1027 : i32 to index
      %get3A_1029 = arith.constant 32 : index
      %get3A_1030 = tpu.vector_load %arg15[%get3A_1028, %get3A_1029] {strides = array<i32>} : memref<16x128xf32, #tpu.memory_space<vmem>>, vector<16xf32>,
      %mul3A_1031 = vector.broadcast %squeeze3A_1006 : f32 to vector<16xf32>
      %mul3A_1032 = arith.mulf %get3A_1030, %mul3A_1031 : vector<16xf32>
      %swap3A_1033 = arith.constant 11 : i32
      %swap3A_1034 = arith.index_cast %swap3A_1033 : i32 to index
      %swap3A_1035 = arith.constant 32 : index
      %swap3A_1036 = tpu.vector_load %arg15[%swap3A_1034, %swap3A_1035] {strides = array<i32>} : memref<16x128xf32, #tpu.memory_space<vmem>>, vector<16xf32>,
      tpu.vector_store %arg15[%swap3A_1034, %swap3A_1035], %mul3A_1032 {strides = array<i32>} : memref<16x128xf32, #tpu.memory_space<vmem>>, vector<16xf32>,
      %get3A_1037 = arith.constant 11 : i32
      %get3A_1038 = arith.index_cast %get3A_1037 : i32 to index
      %get3A_1039 = arith.constant 48 : index
      %get3A_1040 = tpu.vector_load %arg15[%get3A_1038, %get3A_1039] {strides = array<i32>} : memref<16x128xf32, #tpu.memory_space<vmem>>, vector<16xf32>,
      %mul3A_1041 = vector.broadcast %squeeze3A_1006 : f32 to vector<16xf32>
      %mul3A_1042 = arith.mulf %get3A_1040, %mul3A_1041 : vector<16xf32>
      %swap3A_1043 = arith.constant 11 : i32
      %swap3A_1044 = arith.index_cast %swap3A_1043 : i32 to index
      %swap3A_1045 = arith.constant 48 : index
      %swap3A_1046 = tpu.vector_load %arg15[%swap3A_1044, %swap3A_1045] {strides = array<i32>} : memref<16x128xf32, #tpu.memory_space<vmem>>, vector<16xf32>,
      tpu.vector_store %arg15[%swap3A_1044, %swap3A_1045], %mul3A_1042 {strides = array<i32>} : memref<16x128xf32, #tpu.memory_space<vmem>>, vector<16xf32>,
      %get3A_1047 = arith.constant 11 : i32
      %get3A_1048 = arith.index_cast %get3A_1047 : i32 to index
      %get3A_1049 = arith.constant 64 : index
      %get3A_1050 = tpu.vector_load %arg15[%get3A_1048, %get3A_1049] {strides = array<i32>} : memref<16x128xf32, #tpu.memory_space<vmem>>, vector<16xf32>,
      %mul3A_1051 = vector.broadcast %squeeze3A_1006 : f32 to vector<16xf32>
      %mul3A_1052 = arith.mulf %get3A_1050, %mul3A_1051 : vector<16xf32>
      %swap3A_1053 = arith.constant 11 : i32
      %swap3A_1054 = arith.index_cast %swap3A_1053 : i32 to index
      %swap3A_1055 = arith.constant 64 : index
      %swap3A_1056 = tpu.vector_load %arg15[%swap3A_1054, %swap3A_1055] {strides = array<i32>} : memref<16x128xf32, #tpu.memory_space<vmem>>, vector<16xf32>,
      tpu.vector_store %arg15[%swap3A_1054, %swap3A_1055], %mul3A_1052 {strides = array<i32>} : memref<16x128xf32, #tpu.memory_space<vmem>>, vector<16xf32>,
      %get3A_1057 = arith.constant 11 : i32
      %get3A_1058 = arith.index_cast %get3A_1057 : i32 to index
      %get3A_1059 = arith.constant 80 : index
      %get3A_1060 = tpu.vector_load %arg15[%get3A_1058, %get3A_1059] {strides = array<i32>} : memref<16x128xf32, #tpu.memory_space<vmem>>, vector<16xf32>,
      %mul3A_1061 = vector.broadcast %squeeze3A_1006 : f32 to vector<16xf32>
      %mul3A_1062 = arith.mulf %get3A_1060, %mul3A_1061 : vector<16xf32>
      %swap3A_1063 = arith.constant 11 : i32
      %swap3A_1064 = arith.index_cast %swap3A_1063 : i32 to index
      %swap3A_1065 = arith.constant 80 : index
      %swap3A_1066 = tpu.vector_load %arg15[%swap3A_1064, %swap3A_1065] {strides = array<i32>} : memref<16x128xf32, #tpu.memory_space<vmem>>, vector<16xf32>,
      tpu.vector_store %arg15[%swap3A_1064, %swap3A_1065], %mul3A_1062 {strides = array<i32>} : memref<16x128xf32, #tpu.memory_space<vmem>>, vector<16xf32>,
      %get3A_1067 = arith.constant 11 : i32
      %get3A_1068 = arith.index_cast %get3A_1067 : i32 to index
      %get3A_1069 = arith.constant 96 : index
      %get3A_1070 = tpu.vector_load %arg15[%get3A_1068, %get3A_1069] {strides = array<i32>} : memref<16x128xf32, #tpu.memory_space<vmem>>, vector<16xf32>,
      %mul3A_1071 = vector.broadcast %squeeze3A_1006 : f32 to vector<16xf32>
      %mul3A_1072 = arith.mulf %get3A_1070, %mul3A_1071 : vector<16xf32>
      %swap3A_1073 = arith.constant 11 : i32
      %swap3A_1074 = arith.index_cast %swap3A_1073 : i32 to index
      %swap3A_1075 = arith.constant 96 : index
      %swap3A_1076 = tpu.vector_load %arg15[%swap3A_1074, %swap3A_1075] {strides = array<i32>} : memref<16x128xf32, #tpu.memory_space<vmem>>, vector<16xf32>,
      tpu.vector_store %arg15[%swap3A_1074, %swap3A_1075], %mul3A_1072 {strides = array<i32>} : memref<16x128xf32, #tpu.memory_space<vmem>>, vector<16xf32>,
      %get3A_1077 = arith.constant 11 : i32
      %get3A_1078 = arith.index_cast %get3A_1077 : i32 to index
      %get3A_1079 = arith.constant 112 : index
      %get3A_1080 = tpu.vector_load %arg15[%get3A_1078, %get3A_1079] {strides = array<i32>} : memref<16x128xf32, #tpu.memory_space<vmem>>, vector<16xf32>,
      %mul3A_1081 = vector.broadcast %squeeze3A_1006 : f32 to vector<16xf32>
      %mul3A_1082 = arith.mulf %get3A_1080, %mul3A_1081 : vector<16xf32>
      %swap3A_1083 = arith.constant 11 : i32
      %swap3A_1084 = arith.index_cast %swap3A_1083 : i32 to index
      %swap3A_1085 = arith.constant 112 : index
      %swap3A_1086 = tpu.vector_load %arg15[%swap3A_1084, %swap3A_1085] {strides = array<i32>} : memref<16x128xf32, #tpu.memory_space<vmem>>, vector<16xf32>,
      tpu.vector_store %arg15[%swap3A_1084, %swap3A_1085], %mul3A_1082 {strides = array<i32>} : memref<16x128xf32, #tpu.memory_space<vmem>>, vector<16xf32>,
      %slice3A_1087 = vector.extract_strided_slice %div3A_104 {offsets = [12], sizes = [1], strides = [1]} : vector<16xf32> to vector<1xf32>
      %squeeze3A_1088 = vector.extract %slice3A_1087[0] : f32 from vector<1xf32>
      %get3A_1089 = arith.constant 12 : i32
      %get3A_1090 = arith.index_cast %get3A_1089 : i32 to index
      %get3A_1091 = arith.constant 0 : index
      %get3A_1092 = tpu.vector_load %arg15[%get3A_1090, %get3A_1091] {strides = array<i32>} : memref<16x128xf32, #tpu.memory_space<vmem>>, vector<16xf32>,
      %mul3A_1093 = vector.broadcast %squeeze3A_1088 : f32 to vector<16xf32>
      %mul3A_1094 = arith.mulf %get3A_1092, %mul3A_1093 : vector<16xf32>
      %swap3A_1095 = arith.constant 12 : i32
      %swap3A_1096 = arith.index_cast %swap3A_1095 : i32 to index
      %swap3A_1097 = arith.constant 0 : index
      %swap3A_1098 = tpu.vector_load %arg15[%swap3A_1096, %swap3A_1097] {strides = array<i32>} : memref<16x128xf32, #tpu.memory_space<vmem>>, vector<16xf32>,
      tpu.vector_store %arg15[%swap3A_1096, %swap3A_1097], %mul3A_1094 {strides = array<i32>} : memref<16x128xf32, #tpu.memory_space<vmem>>, vector<16xf32>,
      %get3A_1099 = arith.constant 12 : i32
      %get3A_1100 = arith.index_cast %get3A_1099 : i32 to index
      %get3A_1101 = arith.constant 16 : index
      %get3A_1102 = tpu.vector_load %arg15[%get3A_1100, %get3A_1101] {strides = array<i32>} : memref<16x128xf32, #tpu.memory_space<vmem>>, vector<16xf32>,
      %mul3A_1103 = vector.broadcast %squeeze3A_1088 : f32 to vector<16xf32>
      %mul3A_1104 = arith.mulf %get3A_1102, %mul3A_1103 : vector<16xf32>
      %swap3A_1105 = arith.constant 12 : i32
      %swap3A_1106 = arith.index_cast %swap3A_1105 : i32 to index
      %swap3A_1107 = arith.constant 16 : index
      %swap3A_1108 = tpu.vector_load %arg15[%swap3A_1106, %swap3A_1107] {strides = array<i32>} : memref<16x128xf32, #tpu.memory_space<vmem>>, vector<16xf32>,
      tpu.vector_store %arg15[%swap3A_1106, %swap3A_1107], %mul3A_1104 {strides = array<i32>} : memref<16x128xf32, #tpu.memory_space<vmem>>, vector<16xf32>,
      %get3A_1109 = arith.constant 12 : i32
      %get3A_1110 = arith.index_cast %get3A_1109 : i32 to index
      %get3A_1111 = arith.constant 32 : index
      %get3A_1112 = tpu.vector_load %arg15[%get3A_1110, %get3A_1111] {strides = array<i32>} : memref<16x128xf32, #tpu.memory_space<vmem>>, vector<16xf32>,
      %mul3A_1113 = vector.broadcast %squeeze3A_1088 : f32 to vector<16xf32>
      %mul3A_1114 = arith.mulf %get3A_1112, %mul3A_1113 : vector<16xf32>
      %swap3A_1115 = arith.constant 12 : i32
      %swap3A_1116 = arith.index_cast %swap3A_1115 : i32 to index
      %swap3A_1117 = arith.constant 32 : index
      %swap3A_1118 = tpu.vector_load %arg15[%swap3A_1116, %swap3A_1117] {strides = array<i32>} : memref<16x128xf32, #tpu.memory_space<vmem>>, vector<16xf32>,
      tpu.vector_store %arg15[%swap3A_1116, %swap3A_1117], %mul3A_1114 {strides = array<i32>} : memref<16x128xf32, #tpu.memory_space<vmem>>, vector<16xf32>,
      %get3A_1119 = arith.constant 12 : i32
      %get3A_1120 = arith.index_cast %get3A_1119 : i32 to index
      %get3A_1121 = arith.constant 48 : index
      %get3A_1122 = tpu.vector_load %arg15[%get3A_1120, %get3A_1121] {strides = array<i32>} : memref<16x128xf32, #tpu.memory_space<vmem>>, vector<16xf32>,
      %mul3A_1123 = vector.broadcast %squeeze3A_1088 : f32 to vector<16xf32>
      %mul3A_1124 = arith.mulf %get3A_1122, %mul3A_1123 : vector<16xf32>
      %swap3A_1125 = arith.constant 12 : i32
      %swap3A_1126 = arith.index_cast %swap3A_1125 : i32 to index
      %swap3A_1127 = arith.constant 48 : index
      %swap3A_1128 = tpu.vector_load %arg15[%swap3A_1126, %swap3A_1127] {strides = array<i32>} : memref<16x128xf32, #tpu.memory_space<vmem>>, vector<16xf32>,
      tpu.vector_store %arg15[%swap3A_1126, %swap3A_1127], %mul3A_1124 {strides = array<i32>} : memref<16x128xf32, #tpu.memory_space<vmem>>, vector<16xf32>,
      %get3A_1129 = arith.constant 12 : i32
      %get3A_1130 = arith.index_cast %get3A_1129 : i32 to index
      %get3A_1131 = arith.constant 64 : index
      %get3A_1132 = tpu.vector_load %arg15[%get3A_1130, %get3A_1131] {strides = array<i32>} : memref<16x128xf32, #tpu.memory_space<vmem>>, vector<16xf32>,
      %mul3A_1133 = vector.broadcast %squeeze3A_1088 : f32 to vector<16xf32>
      %mul3A_1134 = arith.mulf %get3A_1132, %mul3A_1133 : vector<16xf32>
      %swap3A_1135 = arith.constant 12 : i32
      %swap3A_1136 = arith.index_cast %swap3A_1135 : i32 to index
      %swap3A_1137 = arith.constant 64 : index
      %swap3A_1138 = tpu.vector_load %arg15[%swap3A_1136, %swap3A_1137] {strides = array<i32>} : memref<16x128xf32, #tpu.memory_space<vmem>>, vector<16xf32>,
      tpu.vector_store %arg15[%swap3A_1136, %swap3A_1137], %mul3A_1134 {strides = array<i32>} : memref<16x128xf32, #tpu.memory_space<vmem>>, vector<16xf32>,
      %get3A_1139 = arith.constant 12 : i32
      %get3A_1140 = arith.index_cast %get3A_1139 : i32 to index
      %get3A_1141 = arith.constant 80 : index
      %get3A_1142 = tpu.vector_load %arg15[%get3A_1140, %get3A_1141] {strides = array<i32>} : memref<16x128xf32, #tpu.memory_space<vmem>>, vector<16xf32>,
      %mul3A_1143 = vector.broadcast %squeeze3A_1088 : f32 to vector<16xf32>
      %mul3A_1144 = arith.mulf %get3A_1142, %mul3A_1143 : vector<16xf32>
      %swap3A_1145 = arith.constant 12 : i32
      %swap3A_1146 = arith.index_cast %swap3A_1145 : i32 to index
      %swap3A_1147 = arith.constant 80 : index
      %swap3A_1148 = tpu.vector_load %arg15[%swap3A_1146, %swap3A_1147] {strides = array<i32>} : memref<16x128xf32, #tpu.memory_space<vmem>>, vector<16xf32>,
      tpu.vector_store %arg15[%swap3A_1146, %swap3A_1147], %mul3A_1144 {strides = array<i32>} : memref<16x128xf32, #tpu.memory_space<vmem>>, vector<16xf32>,
      %get3A_1149 = arith.constant 12 : i32
      %get3A_1150 = arith.index_cast %get3A_1149 : i32 to index
      %get3A_1151 = arith.constant 96 : index
      %get3A_1152 = tpu.vector_load %arg15[%get3A_1150, %get3A_1151] {strides = array<i32>} : memref<16x128xf32, #tpu.memory_space<vmem>>, vector<16xf32>,
      %mul3A_1153 = vector.broadcast %squeeze3A_1088 : f32 to vector<16xf32>
      %mul3A_1154 = arith.mulf %get3A_1152, %mul3A_1153 : vector<16xf32>
      %swap3A_1155 = arith.constant 12 : i32
      %swap3A_1156 = arith.index_cast %swap3A_1155 : i32 to index
      %swap3A_1157 = arith.constant 96 : index
      %swap3A_1158 = tpu.vector_load %arg15[%swap3A_1156, %swap3A_1157] {strides = array<i32>} : memref<16x128xf32, #tpu.memory_space<vmem>>, vector<16xf32>,
      tpu.vector_store %arg15[%swap3A_1156, %swap3A_1157], %mul3A_1154 {strides = array<i32>} : memref<16x128xf32, #tpu.memory_space<vmem>>, vector<16xf32>,
      %get3A_1159 = arith.constant 12 : i32
      %get3A_1160 = arith.index_cast %get3A_1159 : i32 to index
      %get3A_1161 = arith.constant 112 : index
      %get3A_1162 = tpu.vector_load %arg15[%get3A_1160, %get3A_1161] {strides = array<i32>} : memref<16x128xf32, #tpu.memory_space<vmem>>, vector<16xf32>,
      %mul3A_1163 = vector.broadcast %squeeze3A_1088 : f32 to vector<16xf32>
      %mul3A_1164 = arith.mulf %get3A_1162, %mul3A_1163 : vector<16xf32>
      %swap3A_1165 = arith.constant 12 : i32
      %swap3A_1166 = arith.index_cast %swap3A_1165 : i32 to index
      %swap3A_1167 = arith.constant 112 : index
      %swap3A_1168 = tpu.vector_load %arg15[%swap3A_1166, %swap3A_1167] {strides = array<i32>} : memref<16x128xf32, #tpu.memory_space<vmem>>, vector<16xf32>,
      tpu.vector_store %arg15[%swap3A_1166, %swap3A_1167], %mul3A_1164 {strides = array<i32>} : memref<16x128xf32, #tpu.memory_space<vmem>>, vector<16xf32>,
      %slice3A_1169 = vector.extract_strided_slice %div3A_104 {offsets = [13], sizes = [1], strides = [1]} : vector<16xf32> to vector<1xf32>
      %squeeze3A_1170 = vector.extract %slice3A_1169[0] : f32 from vector<1xf32>
      %get3A_1171 = arith.constant 13 : i32
      %get3A_1172 = arith.index_cast %get3A_1171 : i32 to index
      %get3A_1173 = arith.constant 0 : index
      %get3A_1174 = tpu.vector_load %arg15[%get3A_1172, %get3A_1173] {strides = array<i32>} : memref<16x128xf32, #tpu.memory_space<vmem>>, vector<16xf32>,
      %mul3A_1175 = vector.broadcast %squeeze3A_1170 : f32 to vector<16xf32>
      %mul3A_1176 = arith.mulf %get3A_1174, %mul3A_1175 : vector<16xf32>
      %swap3A_1177 = arith.constant 13 : i32
      %swap3A_1178 = arith.index_cast %swap3A_1177 : i32 to index
      %swap3A_1179 = arith.constant 0 : index
      %swap3A_1180 = tpu.vector_load %arg15[%swap3A_1178, %swap3A_1179] {strides = array<i32>} : memref<16x128xf32, #tpu.memory_space<vmem>>, vector<16xf32>,
      tpu.vector_store %arg15[%swap3A_1178, %swap3A_1179], %mul3A_1176 {strides = array<i32>} : memref<16x128xf32, #tpu.memory_space<vmem>>, vector<16xf32>,
      %get3A_1181 = arith.constant 13 : i32
      %get3A_1182 = arith.index_cast %get3A_1181 : i32 to index
      %get3A_1183 = arith.constant 16 : index
      %get3A_1184 = tpu.vector_load %arg15[%get3A_1182, %get3A_1183] {strides = array<i32>} : memref<16x128xf32, #tpu.memory_space<vmem>>, vector<16xf32>,
      %mul3A_1185 = vector.broadcast %squeeze3A_1170 : f32 to vector<16xf32>
      %mul3A_1186 = arith.mulf %get3A_1184, %mul3A_1185 : vector<16xf32>
      %swap3A_1187 = arith.constant 13 : i32
      %swap3A_1188 = arith.index_cast %swap3A_1187 : i32 to index
      %swap3A_1189 = arith.constant 16 : index
      %swap3A_1190 = tpu.vector_load %arg15[%swap3A_1188, %swap3A_1189] {strides = array<i32>} : memref<16x128xf32, #tpu.memory_space<vmem>>, vector<16xf32>,
      tpu.vector_store %arg15[%swap3A_1188, %swap3A_1189], %mul3A_1186 {strides = array<i32>} : memref<16x128xf32, #tpu.memory_space<vmem>>, vector<16xf32>,
      %get3A_1191 = arith.constant 13 : i32
      %get3A_1192 = arith.index_cast %get3A_1191 : i32 to index
      %get3A_1193 = arith.constant 32 : index
      %get3A_1194 = tpu.vector_load %arg15[%get3A_1192, %get3A_1193] {strides = array<i32>} : memref<16x128xf32, #tpu.memory_space<vmem>>, vector<16xf32>,
      %mul3A_1195 = vector.broadcast %squeeze3A_1170 : f32 to vector<16xf32>
      %mul3A_1196 = arith.mulf %get3A_1194, %mul3A_1195 : vector<16xf32>
      %swap3A_1197 = arith.constant 13 : i32
      %swap3A_1198 = arith.index_cast %swap3A_1197 : i32 to index
      %swap3A_1199 = arith.constant 32 : index
      %swap3A_1200 = tpu.vector_load %arg15[%swap3A_1198, %swap3A_1199] {strides = array<i32>} : memref<16x128xf32, #tpu.memory_space<vmem>>, vector<16xf32>,
      tpu.vector_store %arg15[%swap3A_1198, %swap3A_1199], %mul3A_1196 {strides = array<i32>} : memref<16x128xf32, #tpu.memory_space<vmem>>, vector<16xf32>,
      %get3A_1201 = arith.constant 13 : i32
      %get3A_1202 = arith.index_cast %get3A_1201 : i32 to index
      %get3A_1203 = arith.constant 48 : index
      %get3A_1204 = tpu.vector_load %arg15[%get3A_1202, %get3A_1203] {strides = array<i32>} : memref<16x128xf32, #tpu.memory_space<vmem>>, vector<16xf32>,
      %mul3A_1205 = vector.broadcast %squeeze3A_1170 : f32 to vector<16xf32>
      %mul3A_1206 = arith.mulf %get3A_1204, %mul3A_1205 : vector<16xf32>
      %swap3A_1207 = arith.constant 13 : i32
      %swap3A_1208 = arith.index_cast %swap3A_1207 : i32 to index
      %swap3A_1209 = arith.constant 48 : index
      %swap3A_1210 = tpu.vector_load %arg15[%swap3A_1208, %swap3A_1209] {strides = array<i32>} : memref<16x128xf32, #tpu.memory_space<vmem>>, vector<16xf32>,
      tpu.vector_store %arg15[%swap3A_1208, %swap3A_1209], %mul3A_1206 {strides = array<i32>} : memref<16x128xf32, #tpu.memory_space<vmem>>, vector<16xf32>,
      %get3A_1211 = arith.constant 13 : i32
      %get3A_1212 = arith.index_cast %get3A_1211 : i32 to index
      %get3A_1213 = arith.constant 64 : index
      %get3A_1214 = tpu.vector_load %arg15[%get3A_1212, %get3A_1213] {strides = array<i32>} : memref<16x128xf32, #tpu.memory_space<vmem>>, vector<16xf32>,
      %mul3A_1215 = vector.broadcast %squeeze3A_1170 : f32 to vector<16xf32>
      %mul3A_1216 = arith.mulf %get3A_1214, %mul3A_1215 : vector<16xf32>
      %swap3A_1217 = arith.constant 13 : i32
      %swap3A_1218 = arith.index_cast %swap3A_1217 : i32 to index
      %swap3A_1219 = arith.constant 64 : index
      %swap3A_1220 = tpu.vector_load %arg15[%swap3A_1218, %swap3A_1219] {strides = array<i32>} : memref<16x128xf32, #tpu.memory_space<vmem>>, vector<16xf32>,
      tpu.vector_store %arg15[%swap3A_1218, %swap3A_1219], %mul3A_1216 {strides = array<i32>} : memref<16x128xf32, #tpu.memory_space<vmem>>, vector<16xf32>,
      %get3A_1221 = arith.constant 13 : i32
      %get3A_1222 = arith.index_cast %get3A_1221 : i32 to index
      %get3A_1223 = arith.constant 80 : index
      %get3A_1224 = tpu.vector_load %arg15[%get3A_1222, %get3A_1223] {strides = array<i32>} : memref<16x128xf32, #tpu.memory_space<vmem>>, vector<16xf32>,
      %mul3A_1225 = vector.broadcast %squeeze3A_1170 : f32 to vector<16xf32>
      %mul3A_1226 = arith.mulf %get3A_1224, %mul3A_1225 : vector<16xf32>
      %swap3A_1227 = arith.constant 13 : i32
      %swap3A_1228 = arith.index_cast %swap3A_1227 : i32 to index
      %swap3A_1229 = arith.constant 80 : index
      %swap3A_1230 = tpu.vector_load %arg15[%swap3A_1228, %swap3A_1229] {strides = array<i32>} : memref<16x128xf32, #tpu.memory_space<vmem>>, vector<16xf32>,
      tpu.vector_store %arg15[%swap3A_1228, %swap3A_1229], %mul3A_1226 {strides = array<i32>} : memref<16x128xf32, #tpu.memory_space<vmem>>, vector<16xf32>,
      %get3A_1231 = arith.constant 13 : i32
      %get3A_1232 = arith.index_cast %get3A_1231 : i32 to index
      %get3A_1233 = arith.constant 96 : index
      %get3A_1234 = tpu.vector_load %arg15[%get3A_1232, %get3A_1233] {strides = array<i32>} : memref<16x128xf32, #tpu.memory_space<vmem>>, vector<16xf32>,
      %mul3A_1235 = vector.broadcast %squeeze3A_1170 : f32 to vector<16xf32>
      %mul3A_1236 = arith.mulf %get3A_1234, %mul3A_1235 : vector<16xf32>
      %swap3A_1237 = arith.constant 13 : i32
      %swap3A_1238 = arith.index_cast %swap3A_1237 : i32 to index
      %swap3A_1239 = arith.constant 96 : index
      %swap3A_1240 = tpu.vector_load %arg15[%swap3A_1238, %swap3A_1239] {strides = array<i32>} : memref<16x128xf32, #tpu.memory_space<vmem>>, vector<16xf32>,
      tpu.vector_store %arg15[%swap3A_1238, %swap3A_1239], %mul3A_1236 {strides = array<i32>} : memref<16x128xf32, #tpu.memory_space<vmem>>, vector<16xf32>,
      %get3A_1241 = arith.constant 13 : i32
      %get3A_1242 = arith.index_cast %get3A_1241 : i32 to index
      %get3A_1243 = arith.constant 112 : index
      %get3A_1244 = tpu.vector_load %arg15[%get3A_1242, %get3A_1243] {strides = array<i32>} : memref<16x128xf32, #tpu.memory_space<vmem>>, vector<16xf32>,
      %mul3A_1245 = vector.broadcast %squeeze3A_1170 : f32 to vector<16xf32>
      %mul3A_1246 = arith.mulf %get3A_1244, %mul3A_1245 : vector<16xf32>
      %swap3A_1247 = arith.constant 13 : i32
      %swap3A_1248 = arith.index_cast %swap3A_1247 : i32 to index
      %swap3A_1249 = arith.constant 112 : index
      %swap3A_1250 = tpu.vector_load %arg15[%swap3A_1248, %swap3A_1249] {strides = array<i32>} : memref<16x128xf32, #tpu.memory_space<vmem>>, vector<16xf32>,
      tpu.vector_store %arg15[%swap3A_1248, %swap3A_1249], %mul3A_1246 {strides = array<i32>} : memref<16x128xf32, #tpu.memory_space<vmem>>, vector<16xf32>,
      %slice3A_1251 = vector.extract_strided_slice %div3A_104 {offsets = [14], sizes = [1], strides = [1]} : vector<16xf32> to vector<1xf32>
      %squeeze3A_1252 = vector.extract %slice3A_1251[0] : f32 from vector<1xf32>
      %get3A_1253 = arith.constant 14 : i32
      %get3A_1254 = arith.index_cast %get3A_1253 : i32 to index
      %get3A_1255 = arith.constant 0 : index
      %get3A_1256 = tpu.vector_load %arg15[%get3A_1254, %get3A_1255] {strides = array<i32>} : memref<16x128xf32, #tpu.memory_space<vmem>>, vector<16xf32>,
      %mul3A_1257 = vector.broadcast %squeeze3A_1252 : f32 to vector<16xf32>
      %mul3A_1258 = arith.mulf %get3A_1256, %mul3A_1257 : vector<16xf32>
      %swap3A_1259 = arith.constant 14 : i32
      %swap3A_1260 = arith.index_cast %swap3A_1259 : i32 to index
      %swap3A_1261 = arith.constant 0 : index
      %swap3A_1262 = tpu.vector_load %arg15[%swap3A_1260, %swap3A_1261] {strides = array<i32>} : memref<16x128xf32, #tpu.memory_space<vmem>>, vector<16xf32>,
      tpu.vector_store %arg15[%swap3A_1260, %swap3A_1261], %mul3A_1258 {strides = array<i32>} : memref<16x128xf32, #tpu.memory_space<vmem>>, vector<16xf32>,
      %get3A_1263 = arith.constant 14 : i32
      %get3A_1264 = arith.index_cast %get3A_1263 : i32 to index
      %get3A_1265 = arith.constant 16 : index
      %get3A_1266 = tpu.vector_load %arg15[%get3A_1264, %get3A_1265] {strides = array<i32>} : memref<16x128xf32, #tpu.memory_space<vmem>>, vector<16xf32>,
      %mul3A_1267 = vector.broadcast %squeeze3A_1252 : f32 to vector<16xf32>
      %mul3A_1268 = arith.mulf %get3A_1266, %mul3A_1267 : vector<16xf32>
      %swap3A_1269 = arith.constant 14 : i32
      %swap3A_1270 = arith.index_cast %swap3A_1269 : i32 to index
      %swap3A_1271 = arith.constant 16 : index
      %swap3A_1272 = tpu.vector_load %arg15[%swap3A_1270, %swap3A_1271] {strides = array<i32>} : memref<16x128xf32, #tpu.memory_space<vmem>>, vector<16xf32>,
      tpu.vector_store %arg15[%swap3A_1270, %swap3A_1271], %mul3A_1268 {strides = array<i32>} : memref<16x128xf32, #tpu.memory_space<vmem>>, vector<16xf32>,
      %get3A_1273 = arith.constant 14 : i32
      %get3A_1274 = arith.index_cast %get3A_1273 : i32 to index
      %get3A_1275 = arith.constant 32 : index
      %get3A_1276 = tpu.vector_load %arg15[%get3A_1274, %get3A_1275] {strides = array<i32>} : memref<16x128xf32, #tpu.memory_space<vmem>>, vector<16xf32>,
      %mul3A_1277 = vector.broadcast %squeeze3A_1252 : f32 to vector<16xf32>
      %mul3A_1278 = arith.mulf %get3A_1276, %mul3A_1277 : vector<16xf32>
      %swap3A_1279 = arith.constant 14 : i32
      %swap3A_1280 = arith.index_cast %swap3A_1279 : i32 to index
      %swap3A_1281 = arith.constant 32 : index
      %swap3A_1282 = tpu.vector_load %arg15[%swap3A_1280, %swap3A_1281] {strides = array<i32>} : memref<16x128xf32, #tpu.memory_space<vmem>>, vector<16xf32>,
      tpu.vector_store %arg15[%swap3A_1280, %swap3A_1281], %mul3A_1278 {strides = array<i32>} : memref<16x128xf32, #tpu.memory_space<vmem>>, vector<16xf32>,
      %get3A_1283 = arith.constant 14 : i32
      %get3A_1284 = arith.index_cast %get3A_1283 : i32 to index
      %get3A_1285 = arith.constant 48 : index
      %get3A_1286 = tpu.vector_load %arg15[%get3A_1284, %get3A_1285] {strides = array<i32>} : memref<16x128xf32, #tpu.memory_space<vmem>>, vector<16xf32>,
      %mul3A_1287 = vector.broadcast %squeeze3A_1252 : f32 to vector<16xf32>
      %mul3A_1288 = arith.mulf %get3A_1286, %mul3A_1287 : vector<16xf32>
      %swap3A_1289 = arith.constant 14 : i32
      %swap3A_1290 = arith.index_cast %swap3A_1289 : i32 to index
      %swap3A_1291 = arith.constant 48 : index
      %swap3A_1292 = tpu.vector_load %arg15[%swap3A_1290, %swap3A_1291] {strides = array<i32>} : memref<16x128xf32, #tpu.memory_space<vmem>>, vector<16xf32>,
      tpu.vector_store %arg15[%swap3A_1290, %swap3A_1291], %mul3A_1288 {strides = array<i32>} : memref<16x128xf32, #tpu.memory_space<vmem>>, vector<16xf32>,
      %get3A_1293 = arith.constant 14 : i32
      %get3A_1294 = arith.index_cast %get3A_1293 : i32 to index
      %get3A_1295 = arith.constant 64 : index
      %get3A_1296 = tpu.vector_load %arg15[%get3A_1294, %get3A_1295] {strides = array<i32>} : memref<16x128xf32, #tpu.memory_space<vmem>>, vector<16xf32>,
      %mul3A_1297 = vector.broadcast %squeeze3A_1252 : f32 to vector<16xf32>
      %mul3A_1298 = arith.mulf %get3A_1296, %mul3A_1297 : vector<16xf32>
      %swap3A_1299 = arith.constant 14 : i32
      %swap3A_1300 = arith.index_cast %swap3A_1299 : i32 to index
      %swap3A_1301 = arith.constant 64 : index
      %swap3A_1302 = tpu.vector_load %arg15[%swap3A_1300, %swap3A_1301] {strides = array<i32>} : memref<16x128xf32, #tpu.memory_space<vmem>>, vector<16xf32>,
      tpu.vector_store %arg15[%swap3A_1300, %swap3A_1301], %mul3A_1298 {strides = array<i32>} : memref<16x128xf32, #tpu.memory_space<vmem>>, vector<16xf32>,
      %get3A_1303 = arith.constant 14 : i32
      %get3A_1304 = arith.index_cast %get3A_1303 : i32 to index
      %get3A_1305 = arith.constant 80 : index
      %get3A_1306 = tpu.vector_load %arg15[%get3A_1304, %get3A_1305] {strides = array<i32>} : memref<16x128xf32, #tpu.memory_space<vmem>>, vector<16xf32>,
      %mul3A_1307 = vector.broadcast %squeeze3A_1252 : f32 to vector<16xf32>
      %mul3A_1308 = arith.mulf %get3A_1306, %mul3A_1307 : vector<16xf32>
      %swap3A_1309 = arith.constant 14 : i32
      %swap3A_1310 = arith.index_cast %swap3A_1309 : i32 to index
      %swap3A_1311 = arith.constant 80 : index
      %swap3A_1312 = tpu.vector_load %arg15[%swap3A_1310, %swap3A_1311] {strides = array<i32>} : memref<16x128xf32, #tpu.memory_space<vmem>>, vector<16xf32>,
      tpu.vector_store %arg15[%swap3A_1310, %swap3A_1311], %mul3A_1308 {strides = array<i32>} : memref<16x128xf32, #tpu.memory_space<vmem>>, vector<16xf32>,
      %get3A_1313 = arith.constant 14 : i32
      %get3A_1314 = arith.index_cast %get3A_1313 : i32 to index
      %get3A_1315 = arith.constant 96 : index
      %get3A_1316 = tpu.vector_load %arg15[%get3A_1314, %get3A_1315] {strides = array<i32>} : memref<16x128xf32, #tpu.memory_space<vmem>>, vector<16xf32>,
      %mul3A_1317 = vector.broadcast %squeeze3A_1252 : f32 to vector<16xf32>
      %mul3A_1318 = arith.mulf %get3A_1316, %mul3A_1317 : vector<16xf32>
      %swap3A_1319 = arith.constant 14 : i32
      %swap3A_1320 = arith.index_cast %swap3A_1319 : i32 to index
      %swap3A_1321 = arith.constant 96 : index
      %swap3A_1322 = tpu.vector_load %arg15[%swap3A_1320, %swap3A_1321] {strides = array<i32>} : memref<16x128xf32, #tpu.memory_space<vmem>>, vector<16xf32>,
      tpu.vector_store %arg15[%swap3A_1320, %swap3A_1321], %mul3A_1318 {strides = array<i32>} : memref<16x128xf32, #tpu.memory_space<vmem>>, vector<16xf32>,
      %get3A_1323 = arith.constant 14 : i32
      %get3A_1324 = arith.index_cast %get3A_1323 : i32 to index
      %get3A_1325 = arith.constant 112 : index
      %get3A_1326 = tpu.vector_load %arg15[%get3A_1324, %get3A_1325] {strides = array<i32>} : memref<16x128xf32, #tpu.memory_space<vmem>>, vector<16xf32>,
      %mul3A_1327 = vector.broadcast %squeeze3A_1252 : f32 to vector<16xf32>
      %mul3A_1328 = arith.mulf %get3A_1326, %mul3A_1327 : vector<16xf32>
      %swap3A_1329 = arith.constant 14 : i32
      %swap3A_1330 = arith.index_cast %swap3A_1329 : i32 to index
      %swap3A_1331 = arith.constant 112 : index
      %swap3A_1332 = tpu.vector_load %arg15[%swap3A_1330, %swap3A_1331] {strides = array<i32>} : memref<16x128xf32, #tpu.memory_space<vmem>>, vector<16xf32>,
      tpu.vector_store %arg15[%swap3A_1330, %swap3A_1331], %mul3A_1328 {strides = array<i32>} : memref<16x128xf32, #tpu.memory_space<vmem>>, vector<16xf32>,
      %slice3A_1333 = vector.extract_strided_slice %div3A_104 {offsets = [15], sizes = [1], strides = [1]} : vector<16xf32> to vector<1xf32>
      %squeeze3A_1334 = vector.extract %slice3A_1333[0] : f32 from vector<1xf32>
      %get3A_1335 = arith.constant 15 : i32
      %get3A_1336 = arith.index_cast %get3A_1335 : i32 to index
      %get3A_1337 = arith.constant 0 : index
      %get3A_1338 = tpu.vector_load %arg15[%get3A_1336, %get3A_1337] {strides = array<i32>} : memref<16x128xf32, #tpu.memory_space<vmem>>, vector<16xf32>,
      %mul3A_1339 = vector.broadcast %squeeze3A_1334 : f32 to vector<16xf32>
      %mul3A_1340 = arith.mulf %get3A_1338, %mul3A_1339 : vector<16xf32>
      %swap3A_1341 = arith.constant 15 : i32
      %swap3A_1342 = arith.index_cast %swap3A_1341 : i32 to index
      %swap3A_1343 = arith.constant 0 : index
      %swap3A_1344 = tpu.vector_load %arg15[%swap3A_1342, %swap3A_1343] {strides = array<i32>} : memref<16x128xf32, #tpu.memory_space<vmem>>, vector<16xf32>,
      tpu.vector_store %arg15[%swap3A_1342, %swap3A_1343], %mul3A_1340 {strides = array<i32>} : memref<16x128xf32, #tpu.memory_space<vmem>>, vector<16xf32>,
      %get3A_1345 = arith.constant 15 : i32
      %get3A_1346 = arith.index_cast %get3A_1345 : i32 to index
      %get3A_1347 = arith.constant 16 : index
      %get3A_1348 = tpu.vector_load %arg15[%get3A_1346, %get3A_1347] {strides = array<i32>} : memref<16x128xf32, #tpu.memory_space<vmem>>, vector<16xf32>,
      %mul3A_1349 = vector.broadcast %squeeze3A_1334 : f32 to vector<16xf32>
      %mul3A_1350 = arith.mulf %get3A_1348, %mul3A_1349 : vector<16xf32>
      %swap3A_1351 = arith.constant 15 : i32
      %swap3A_1352 = arith.index_cast %swap3A_1351 : i32 to index
      %swap3A_1353 = arith.constant 16 : index
      %swap3A_1354 = tpu.vector_load %arg15[%swap3A_1352, %swap3A_1353] {strides = array<i32>} : memref<16x128xf32, #tpu.memory_space<vmem>>, vector<16xf32>,
      tpu.vector_store %arg15[%swap3A_1352, %swap3A_1353], %mul3A_1350 {strides = array<i32>} : memref<16x128xf32, #tpu.memory_space<vmem>>, vector<16xf32>,
      %get3A_1355 = arith.constant 15 : i32
      %get3A_1356 = arith.index_cast %get3A_1355 : i32 to index
      %get3A_1357 = arith.constant 32 : index
      %get3A_1358 = tpu.vector_load %arg15[%get3A_1356, %get3A_1357] {strides = array<i32>} : memref<16x128xf32, #tpu.memory_space<vmem>>, vector<16xf32>,
      %mul3A_1359 = vector.broadcast %squeeze3A_1334 : f32 to vector<16xf32>
      %mul3A_1360 = arith.mulf %get3A_1358, %mul3A_1359 : vector<16xf32>
      %swap3A_1361 = arith.constant 15 : i32
      %swap3A_1362 = arith.index_cast %swap3A_1361 : i32 to index
      %swap3A_1363 = arith.constant 32 : index
      %swap3A_1364 = tpu.vector_load %arg15[%swap3A_1362, %swap3A_1363] {strides = array<i32>} : memref<16x128xf32, #tpu.memory_space<vmem>>, vector<16xf32>,
      tpu.vector_store %arg15[%swap3A_1362, %swap3A_1363], %mul3A_1360 {strides = array<i32>} : memref<16x128xf32, #tpu.memory_space<vmem>>, vector<16xf32>,
      %get3A_1365 = arith.constant 15 : i32
      %get3A_1366 = arith.index_cast %get3A_1365 : i32 to index
      %get3A_1367 = arith.constant 48 : index
      %get3A_1368 = tpu.vector_load %arg15[%get3A_1366, %get3A_1367] {strides = array<i32>} : memref<16x128xf32, #tpu.memory_space<vmem>>, vector<16xf32>,
      %mul3A_1369 = vector.broadcast %squeeze3A_1334 : f32 to vector<16xf32>
      %mul3A_1370 = arith.mulf %get3A_1368, %mul3A_1369 : vector<16xf32>
      %swap3A_1371 = arith.constant 15 : i32
      %swap3A_1372 = arith.index_cast %swap3A_1371 : i32 to index
      %swap3A_1373 = arith.constant 48 : index
      %swap3A_1374 = tpu.vector_load %arg15[%swap3A_1372, %swap3A_1373] {strides = array<i32>} : memref<16x128xf32, #tpu.memory_space<vmem>>, vector<16xf32>,
      tpu.vector_store %arg15[%swap3A_1372, %swap3A_1373], %mul3A_1370 {strides = array<i32>} : memref<16x128xf32, #tpu.memory_space<vmem>>, vector<16xf32>,
      %get3A_1375 = arith.constant 15 : i32
      %get3A_1376 = arith.index_cast %get3A_1375 : i32 to index
      %get3A_1377 = arith.constant 64 : index
      %get3A_1378 = tpu.vector_load %arg15[%get3A_1376, %get3A_1377] {strides = array<i32>} : memref<16x128xf32, #tpu.memory_space<vmem>>, vector<16xf32>,
      %mul3A_1379 = vector.broadcast %squeeze3A_1334 : f32 to vector<16xf32>
      %mul3A_1380 = arith.mulf %get3A_1378, %mul3A_1379 : vector<16xf32>
      %swap3A_1381 = arith.constant 15 : i32
      %swap3A_1382 = arith.index_cast %swap3A_1381 : i32 to index
      %swap3A_1383 = arith.constant 64 : index
      %swap3A_1384 = tpu.vector_load %arg15[%swap3A_1382, %swap3A_1383] {strides = array<i32>} : memref<16x128xf32, #tpu.memory_space<vmem>>, vector<16xf32>,
      tpu.vector_store %arg15[%swap3A_1382, %swap3A_1383], %mul3A_1380 {strides = array<i32>} : memref<16x128xf32, #tpu.memory_space<vmem>>, vector<16xf32>,
      %get3A_1385 = arith.constant 15 : i32
      %get3A_1386 = arith.index_cast %get3A_1385 : i32 to index
      %get3A_1387 = arith.constant 80 : index
      %get3A_1388 = tpu.vector_load %arg15[%get3A_1386, %get3A_1387] {strides = array<i32>} : memref<16x128xf32, #tpu.memory_space<vmem>>, vector<16xf32>,
      %mul3A_1389 = vector.broadcast %squeeze3A_1334 : f32 to vector<16xf32>
      %mul3A_1390 = arith.mulf %get3A_1388, %mul3A_1389 : vector<16xf32>
      %swap3A_1391 = arith.constant 15 : i32
      %swap3A_1392 = arith.index_cast %swap3A_1391 : i32 to index
      %swap3A_1393 = arith.constant 80 : index
      %swap3A_1394 = tpu.vector_load %arg15[%swap3A_1392, %swap3A_1393] {strides = array<i32>} : memref<16x128xf32, #tpu.memory_space<vmem>>, vector<16xf32>,
      tpu.vector_store %arg15[%swap3A_1392, %swap3A_1393], %mul3A_1390 {strides = array<i32>} : memref<16x128xf32, #tpu.memory_space<vmem>>, vector<16xf32>,
      %get3A_1395 = arith.constant 15 : i32
      %get3A_1396 = arith.index_cast %get3A_1395 : i32 to index
      %get3A_1397 = arith.constant 96 : index
      %get3A_1398 = tpu.vector_load %arg15[%get3A_1396, %get3A_1397] {strides = array<i32>} : memref<16x128xf32, #tpu.memory_space<vmem>>, vector<16xf32>,
      %mul3A_1399 = vector.broadcast %squeeze3A_1334 : f32 to vector<16xf32>
      %mul3A_1400 = arith.mulf %get3A_1398, %mul3A_1399 : vector<16xf32>
      %swap3A_1401 = arith.constant 15 : i32
      %swap3A_1402 = arith.index_cast %swap3A_1401 : i32 to index
      %swap3A_1403 = arith.constant 96 : index
      %swap3A_1404 = tpu.vector_load %arg15[%swap3A_1402, %swap3A_1403] {strides = array<i32>} : memref<16x128xf32, #tpu.memory_space<vmem>>, vector<16xf32>,
      tpu.vector_store %arg15[%swap3A_1402, %swap3A_1403], %mul3A_1400 {strides = array<i32>} : memref<16x128xf32, #tpu.memory_space<vmem>>, vector<16xf32>,
      %get3A_1405 = arith.constant 15 : i32
      %get3A_1406 = arith.index_cast %get3A_1405 : i32 to index
      %get3A_1407 = arith.constant 112 : index
      %get3A_1408 = tpu.vector_load %arg15[%get3A_1406, %get3A_1407] {strides = array<i32>} : memref<16x128xf32, #tpu.memory_space<vmem>>, vector<16xf32>,
      %mul3A_1409 = vector.broadcast %squeeze3A_1334 : f32 to vector<16xf32>
      %mul3A_1410 = arith.mulf %get3A_1408, %mul3A_1409 : vector<16xf32>
      %swap3A_1411 = arith.constant 15 : i32
      %swap3A_1412 = arith.index_cast %swap3A_1411 : i32 to index
      %swap3A_1413 = arith.constant 112 : index
      %swap3A_1414 = tpu.vector_load %arg15[%swap3A_1412, %swap3A_1413] {strides = array<i32>} : memref<16x128xf32, #tpu.memory_space<vmem>>, vector<16xf32>,
      tpu.vector_store %arg15[%swap3A_1412, %swap3A_1413], %mul3A_1410 {strides = array<i32>} : memref<16x128xf32, #tpu.memory_space<vmem>>, vector<16xf32>,
      %mul3A_1415 = arith.constant 16 : i32
      %mul3A_1416 = arith.muli %scan3A_92, %mul3A_1415 : i32
      %add3A_1417 = arith.addi %add3A_36, %mul3A_1416 : i32
      "tpu.region"() ({
        %run_scoped3A = tpu.sem_alloc : memref<!tpu.dma_semaphore, #tpu.memory_space<semaphore_mem>>
        %dma_start3A = arith.constant 0 : i32
        %dma_start3A_1418 = tpu.memref_slice %arg5[%add3A_1417, %dma_start3A] : memref<51200x128xf32, #tpu.memory_space<hbm>> -> memref<16x128xf32, #tpu.memory_space<hbm>>
        %dma_start3A_1419 = arith.constant 0 : i32
        %dma_start3A_1420 = tpu.memref_slice %arg5[%add3A_1417, %dma_start3A_1419] : memref<51200x128xf32, #tpu.memory_space<hbm>> -> memref<16x128xf32, #tpu.memory_space<hbm>>
        tpu.enqueue_dma source(%arg15 : memref<16x128xf32, #tpu.memory_space<vmem>>) target(%dma_start3A_1420 : memref<16x128xf32, #tpu.memory_space<hbm>>) target_semaphore(%run_scoped3A : memref<!tpu.dma_semaphore, #tpu.memory_space<semaphore_mem>>)
        %dma_wait3A = arith.constant 0 : i32
        %dma_wait3A_1421 = tpu.memref_slice %arg5[%add3A_1417, %dma_wait3A] : memref<51200x128xf32, #tpu.memory_space<hbm>> -> memref<16x128xf32, #tpu.memory_space<hbm>>
        %dma_wait3A_1422 = arith.constant 0 : i32
        %dma_wait3A_1423 = tpu.memref_slice %arg5[%add3A_1417, %dma_wait3A_1422] : memref<51200x128xf32, #tpu.memory_space<hbm>> -> memref<16x128xf32, #tpu.memory_space<hbm>>
        tpu.wait_dma2 semaphore(%run_scoped3A : memref<!tpu.dma_semaphore, #tpu.memory_space<semaphore_mem>>) src(%arg15 : memref<16x128xf32, #tpu.memory_space<vmem>>) dst(%dma_wait3A_1423 : memref<16x128xf32, #tpu.memory_space<hbm>>)
        tpu.yield
      }) : () -> ()
    }
    %scan3A_44 = arith.constant 50 : i32
    %barrier3A_45 = arith.constant 0 : index
    tpu.barrier barrier_id(%barrier3A_45)
    %mul3A_46 = arith.constant 2 : i32
    %mul3A_47 = arith.muli %arg0, %mul3A_46 : i32
    %add3A_48 = arith.constant 1 : i32
    %add3A_49 = arith.addi %mul3A_47, %add3A_48 : i32
    %mul3A_50 = arith.constant 12800 : i32
    %mul3A_51 = arith.muli %add3A_49, %mul3A_50 : i32
    %add3A_52 = arith.constant 12800 : i32
    %add3A_53 = arith.addi %mul3A_51, %add3A_52 : i32
    %scan3A_54 = arith.constant 0 : i32
    %scan3A_55 = arith.constant 0 : i32
    %scan3A_56 = arith.constant 16 : i32
    %scan3A_57 = arith.addi %scan3A_55, %scan3A_56 : i32
    %scan3A_58 = arith.constant 1 : i32
    scf.for %scan3A_92 = %scan3A_55 to %scan3A_57 step %scan3A_58  : i32 {
      %broadcast_in_dim3A_93 = arith.constant 0.000000e+00 : f32
      %broadcast_in_dim3A_94 = vector.broadcast %broadcast_in_dim3A_93 : f32 to vector<16xf32>
      %swap3A_95 = arith.index_cast %scan3A_92 : i32 to index
      %swap3A_96 = arith.constant 0 : index
      %swap3A_97 = tpu.vector_load %arg15[%swap3A_95, %swap3A_96] {strides = array<i32>} : memref<16x128xf32, #tpu.memory_space<vmem>>, vector<16xf32>,
      tpu.vector_store %arg15[%swap3A_95, %swap3A_96], %broadcast_in_dim3A_94 {strides = array<i32>} : memref<16x128xf32, #tpu.memory_space<vmem>>, vector<16xf32>,
      %broadcast_in_dim3A_98 = arith.constant 0.000000e+00 : f32
      %broadcast_in_dim3A_99 = vector.broadcast %broadcast_in_dim3A_98 : f32 to vector<16xf32>
      %swap3A_100 = arith.index_cast %scan3A_92 : i32 to index
      %swap3A_101 = arith.constant 16 : index
      %swap3A_102 = tpu.vector_load %arg15[%swap3A_100, %swap3A_101] {strides = array<i32>} : memref<16x128xf32, #tpu.memory_space<vmem>>, vector<16xf32>,
      tpu.vector_store %arg15[%swap3A_100, %swap3A_101], %broadcast_in_dim3A_99 {strides = array<i32>} : memref<16x128xf32, #tpu.memory_space<vmem>>, vector<16xf32>,
      %broadcast_in_dim3A_103 = arith.constant 0.000000e+00 : f32
      %broadcast_in_dim3A_104 = vector.broadcast %broadcast_in_dim3A_103 : f32 to vector<16xf32>
      %swap3A_105 = arith.index_cast %scan3A_92 : i32 to index
      %swap3A_106 = arith.constant 32 : index
      %swap3A_107 = tpu.vector_load %arg15[%swap3A_105, %swap3A_106] {strides = array<i32>} : memref<16x128xf32, #tpu.memory_space<vmem>>, vector<16xf32>,
      tpu.vector_store %arg15[%swap3A_105, %swap3A_106], %broadcast_in_dim3A_104 {strides = array<i32>} : memref<16x128xf32, #tpu.memory_space<vmem>>, vector<16xf32>,
      %broadcast_in_dim3A_108 = arith.constant 0.000000e+00 : f32
      %broadcast_in_dim3A_109 = vector.broadcast %broadcast_in_dim3A_108 : f32 to vector<16xf32>
      %swap3A_110 = arith.index_cast %scan3A_92 : i32 to index
      %swap3A_111 = arith.constant 48 : index
      %swap3A_112 = tpu.vector_load %arg15[%swap3A_110, %swap3A_111] {strides = array<i32>} : memref<16x128xf32, #tpu.memory_space<vmem>>, vector<16xf32>,
      tpu.vector_store %arg15[%swap3A_110, %swap3A_111], %broadcast_in_dim3A_109 {strides = array<i32>} : memref<16x128xf32, #tpu.memory_space<vmem>>, vector<16xf32>,
      %broadcast_in_dim3A_113 = arith.constant 0.000000e+00 : f32
      %broadcast_in_dim3A_114 = vector.broadcast %broadcast_in_dim3A_113 : f32 to vector<16xf32>
      %swap3A_115 = arith.index_cast %scan3A_92 : i32 to index
      %swap3A_116 = arith.constant 64 : index
      %swap3A_117 = tpu.vector_load %arg15[%swap3A_115, %swap3A_116] {strides = array<i32>} : memref<16x128xf32, #tpu.memory_space<vmem>>, vector<16xf32>,
      tpu.vector_store %arg15[%swap3A_115, %swap3A_116], %broadcast_in_dim3A_114 {strides = array<i32>} : memref<16x128xf32, #tpu.memory_space<vmem>>, vector<16xf32>,
      %broadcast_in_dim3A_118 = arith.constant 0.000000e+00 : f32
      %broadcast_in_dim3A_119 = vector.broadcast %broadcast_in_dim3A_118 : f32 to vector<16xf32>
      %swap3A_120 = arith.index_cast %scan3A_92 : i32 to index
      %swap3A_121 = arith.constant 80 : index
      %swap3A_122 = tpu.vector_load %arg15[%swap3A_120, %swap3A_121] {strides = array<i32>} : memref<16x128xf32, #tpu.memory_space<vmem>>, vector<16xf32>,
      tpu.vector_store %arg15[%swap3A_120, %swap3A_121], %broadcast_in_dim3A_119 {strides = array<i32>} : memref<16x128xf32, #tpu.memory_space<vmem>>, vector<16xf32>,
      %broadcast_in_dim3A_123 = arith.constant 0.000000e+00 : f32
      %broadcast_in_dim3A_124 = vector.broadcast %broadcast_in_dim3A_123 : f32 to vector<16xf32>
      %swap3A_125 = arith.index_cast %scan3A_92 : i32 to index
      %swap3A_126 = arith.constant 96 : index
      %swap3A_127 = tpu.vector_load %arg15[%swap3A_125, %swap3A_126] {strides = array<i32>} : memref<16x128xf32, #tpu.memory_space<vmem>>, vector<16xf32>,
      tpu.vector_store %arg15[%swap3A_125, %swap3A_126], %broadcast_in_dim3A_124 {strides = array<i32>} : memref<16x128xf32, #tpu.memory_space<vmem>>, vector<16xf32>,
      %broadcast_in_dim3A_128 = arith.constant 0.000000e+00 : f32
      %broadcast_in_dim3A_129 = vector.broadcast %broadcast_in_dim3A_128 : f32 to vector<16xf32>
      %swap3A_130 = arith.index_cast %scan3A_92 : i32 to index
      %swap3A_131 = arith.constant 112 : index
      %swap3A_132 = tpu.vector_load %arg15[%swap3A_130, %swap3A_131] {strides = array<i32>} : memref<16x128xf32, #tpu.memory_space<vmem>>, vector<16xf32>,
      tpu.vector_store %arg15[%swap3A_130, %swap3A_131], %broadcast_in_dim3A_129 {strides = array<i32>} : memref<16x128xf32, #tpu.memory_space<vmem>>, vector<16xf32>,
    }
    %scan3A_59 = arith.constant 16 : i32
    %broadcast_in_dim3A_60 = arith.constant 0.000000e+00 : f32
    %broadcast_in_dim3A_61 = vector.broadcast %broadcast_in_dim3A_60 : f32 to vector<16xf32>
    %swap3A_62 = arith.constant 0 : index
    %swap3A_63 = tpu.vector_load %arg16[%swap3A_62] {strides = array<i32>} : memref<16xf32, #tpu.memory_space<vmem>>, vector<16xf32>,
    tpu.vector_store %arg16[%swap3A_62], %broadcast_in_dim3A_61 {strides = array<i32>} : memref<16xf32, #tpu.memory_space<vmem>>, vector<16xf32>,
    %scan3A_64 = arith.constant 0 : i32
    %scan3A_65 = arith.constant 0 : i32
    %scan3A_66 = arith.constant 51 : i32
    %scan3A_67 = arith.addi %scan3A_65, %scan3A_66 : i32
    %scan3A_68 = arith.constant 1 : i32
    scf.for %scan3A_92 = %scan3A_65 to %scan3A_67 step %scan3A_68  : i32 {
      %mul3A_93 = arith.constant 816 : i32
      %mul3A_94 = arith.muli %arg1, %mul3A_93 : i32
      %mul3A_95 = arith.constant 16 : i32
      %mul3A_96 = arith.muli %scan3A_92, %mul3A_95 : i32
      %add3A_97 = arith.addi %mul3A_94, %mul3A_96 : i32
      "tpu.region"() ({
        %run_scoped3A = tpu.sem_alloc : memref<!tpu.dma_semaphore, #tpu.memory_space<semaphore_mem>>
        %dma_start3A = arith.constant 0 : i32
        %dma_start3A_103 = tpu.memref_slice %arg6[%add3A_97, %dma_start3A] : memref<13056x128xf32, #tpu.memory_space<vmem_shared>> -> memref<16x128xf32, #tpu.memory_space<vmem_shared>>
        %dma_start3A_104 = arith.constant 0 : i32
        %dma_start3A_105 = tpu.memref_slice %arg6[%add3A_97, %dma_start3A_104] : memref<13056x128xf32, #tpu.memory_space<vmem_shared>> -> memref<16x128xf32, #tpu.memory_space<vmem_shared>>
        tpu.enqueue_dma source(%arg15 : memref<16x128xf32, #tpu.memory_space<vmem>>) target(%dma_start3A_105 : memref<16x128xf32, #tpu.memory_space<vmem_shared>>) target_semaphore(%run_scoped3A : memref<!tpu.dma_semaphore, #tpu.memory_space<semaphore_mem>>)
        %dma_wait3A = arith.constant 0 : i32
        %dma_wait3A_106 = tpu.memref_slice %arg6[%add3A_97, %dma_wait3A] : memref<13056x128xf32, #tpu.memory_space<vmem_shared>> -> memref<16x128xf32, #tpu.memory_space<vmem_shared>>
        %dma_wait3A_107 = arith.constant 0 : i32
        %dma_wait3A_108 = tpu.memref_slice %arg6[%add3A_97, %dma_wait3A_107] : memref<13056x128xf32, #tpu.memory_space<vmem_shared>> -> memref<16x128xf32, #tpu.memory_space<vmem_shared>>
        tpu.wait_dma2 semaphore(%run_scoped3A : memref<!tpu.dma_semaphore, #tpu.memory_space<semaphore_mem>>) src(%arg15 : memref<16x128xf32, #tpu.memory_space<vmem>>) dst(%dma_wait3A_108 : memref<16x128xf32, #tpu.memory_space<vmem_shared>>)
        tpu.yield
      }) : () -> ()
      %mul3A_98 = arith.constant 816 : i32
      %mul3A_99 = arith.muli %arg1, %mul3A_98 : i32
      %mul3A_100 = arith.constant 16 : i32
      %mul3A_101 = arith.muli %scan3A_92, %mul3A_100 : i32
      %add3A_102 = arith.addi %mul3A_99, %mul3A_101 : i32
      "tpu.region"() ({
        %run_scoped3A = tpu.sem_alloc : memref<!tpu.dma_semaphore, #tpu.memory_space<semaphore_mem>>
        %dma_start3A = tpu.memref_slice %arg7[%add3A_102] : memref<13056xf32, #tpu.memory_space<vmem_shared>> -> memref<16xf32, #tpu.memory_space<vmem_shared>>
        %dma_start3A_103 = tpu.memref_slice %arg7[%add3A_102] : memref<13056xf32, #tpu.memory_space<vmem_shared>> -> memref<16xf32, #tpu.memory_space<vmem_shared>>
        tpu.enqueue_dma source(%arg16 : memref<16xf32, #tpu.memory_space<vmem>>) target(%dma_start3A_103 : memref<16xf32, #tpu.memory_space<vmem_shared>>) target_semaphore(%run_scoped3A : memref<!tpu.dma_semaphore, #tpu.memory_space<semaphore_mem>>)
        %dma_wait3A = tpu.memref_slice %arg7[%add3A_102] : memref<13056xf32, #tpu.memory_space<vmem_shared>> -> memref<16xf32, #tpu.memory_space<vmem_shared>>
        %dma_wait3A_104 = tpu.memref_slice %arg7[%add3A_102] : memref<13056xf32, #tpu.memory_space<vmem_shared>> -> memref<16xf32, #tpu.memory_space<vmem_shared>>
        tpu.wait_dma2 semaphore(%run_scoped3A : memref<!tpu.dma_semaphore, #tpu.memory_space<semaphore_mem>>) src(%arg16 : memref<16xf32, #tpu.memory_space<vmem>>) dst(%dma_wait3A_104 : memref<16xf32, #tpu.memory_space<vmem_shared>>)
        tpu.yield
      }) : () -> ()
    }
    %scan3A_69 = arith.constant 51 : i32
    %barrier3A_70 = arith.constant 0 : index
    tpu.barrier barrier_id(%barrier3A_70)
    %scan3A_71 = arith.constant 0 : i32
    %scan3A_72 = arith.constant 0 : i32
    %scan3A_73 = arith.constant 32 : i32
    %scan3A_74 = arith.addi %scan3A_72, %scan3A_73 : i32
    %scan3A_75 = arith.constant 1 : i32
    scf.for %scan3A_92 = %scan3A_72 to %scan3A_74 step %scan3A_75  : i32 {
      %mul3A_93 = arith.constant 51200 : i32
      %mul3A_94 = arith.muli %arg1, %mul3A_93 : i32
      %mul3A_95 = arith.constant 1600 : i32
      %mul3A_96 = arith.muli %scan3A_92, %mul3A_95 : i32
      %add3A_97 = arith.addi %mul3A_94, %mul3A_96 : i32
      "tpu.region"() ({
        %run_scoped3A = tpu.sem_alloc : memref<!tpu.dma_semaphore, #tpu.memory_space<semaphore_mem>>
        %dma_start3A = arith.constant 0 : i32
        %dma_start3A_161 = tpu.memref_slice %arg8[%dma_start3A] : memref<3200xi32, #tpu.memory_space<vmem>> -> memref<1600xi32, #tpu.memory_space<vmem>>
        %dma_start3A_162 = tpu.memref_slice %arg2[%add3A_97] : memref<819200xi32, #tpu.memory_space<hbm>> -> memref<1600xi32, #tpu.memory_space<hbm>>
        %dma_start3A_163 = arith.constant 0 : i32
        %dma_start3A_164 = tpu.memref_slice %arg8[%dma_start3A_163] : memref<3200xi32, #tpu.memory_space<vmem>> -> memref<1600xi32, #tpu.memory_space<vmem>>
        %dma_start3A_165 = tpu.memref_slice %arg2[%add3A_97] : memref<819200xi32, #tpu.memory_space<hbm>> -> memref<1600xi32, #tpu.memory_space<hbm>>
        tpu.enqueue_dma source(%dma_start3A_165 : memref<1600xi32, #tpu.memory_space<hbm>>) target(%dma_start3A_164 : memref<1600xi32, #tpu.memory_space<vmem>>) target_semaphore(%run_scoped3A : memref<!tpu.dma_semaphore, #tpu.memory_space<semaphore_mem>>)
        %dma_wait3A = arith.constant 0 : i32
        %dma_wait3A_166 = tpu.memref_slice %arg8[%dma_wait3A] : memref<3200xi32, #tpu.memory_space<vmem>> -> memref<1600xi32, #tpu.memory_space<vmem>>
        %dma_wait3A_167 = tpu.memref_slice %arg2[%add3A_97] : memref<819200xi32, #tpu.memory_space<hbm>> -> memref<1600xi32, #tpu.memory_space<hbm>>
        %dma_wait3A_168 = arith.constant 0 : i32
        %dma_wait3A_169 = tpu.memref_slice %arg8[%dma_wait3A_168] : memref<3200xi32, #tpu.memory_space<vmem>> -> memref<1600xi32, #tpu.memory_space<vmem>>
        %dma_wait3A_170 = tpu.memref_slice %arg2[%add3A_97] : memref<819200xi32, #tpu.memory_space<hbm>> -> memref<1600xi32, #tpu.memory_space<hbm>>
        tpu.wait_dma2 semaphore(%run_scoped3A : memref<!tpu.dma_semaphore, #tpu.memory_space<semaphore_mem>>) src(%dma_wait3A_170 : memref<1600xi32, #tpu.memory_space<hbm>>) dst(%dma_wait3A_169 : memref<1600xi32, #tpu.memory_space<vmem>>)
        tpu.yield
      }) : () -> ()
      "tpu.region"() ({
        %run_scoped3A = tpu.sem_alloc : memref<!tpu.dma_semaphore, #tpu.memory_space<semaphore_mem>>
        %dma_start3A = arith.constant 0 : i32
        %dma_start3A_161 = tpu.memref_slice %arg9[%dma_start3A] : memref<3200xf32, #tpu.memory_space<vmem>> -> memref<1600xf32, #tpu.memory_space<vmem>>
        %dma_start3A_162 = tpu.memref_slice %arg3[%add3A_97] : memref<819200xf32, #tpu.memory_space<hbm>> -> memref<1600xf32, #tpu.memory_space<hbm>>
        %dma_start3A_163 = arith.constant 0 : i32
        %dma_start3A_164 = tpu.memref_slice %arg9[%dma_start3A_163] : memref<3200xf32, #tpu.memory_space<vmem>> -> memref<1600xf32, #tpu.memory_space<vmem>>
        %dma_start3A_165 = tpu.memref_slice %arg3[%add3A_97] : memref<819200xf32, #tpu.memory_space<hbm>> -> memref<1600xf32, #tpu.memory_space<hbm>>
        tpu.enqueue_dma source(%dma_start3A_165 : memref<1600xf32, #tpu.memory_space<hbm>>) target(%dma_start3A_164 : memref<1600xf32, #tpu.memory_space<vmem>>) target_semaphore(%run_scoped3A : memref<!tpu.dma_semaphore, #tpu.memory_space<semaphore_mem>>)
        %dma_wait3A = arith.constant 0 : i32
        %dma_wait3A_166 = tpu.memref_slice %arg9[%dma_wait3A] : memref<3200xf32, #tpu.memory_space<vmem>> -> memref<1600xf32, #tpu.memory_space<vmem>>
        %dma_wait3A_167 = tpu.memref_slice %arg3[%add3A_97] : memref<819200xf32, #tpu.memory_space<hbm>> -> memref<1600xf32, #tpu.memory_space<hbm>>
        %dma_wait3A_168 = arith.constant 0 : i32
        %dma_wait3A_169 = tpu.memref_slice %arg9[%dma_wait3A_168] : memref<3200xf32, #tpu.memory_space<vmem>> -> memref<1600xf32, #tpu.memory_space<vmem>>
        %dma_wait3A_170 = tpu.memref_slice %arg3[%add3A_97] : memref<819200xf32, #tpu.memory_space<hbm>> -> memref<1600xf32, #tpu.memory_space<hbm>>
        tpu.wait_dma2 semaphore(%run_scoped3A : memref<!tpu.dma_semaphore, #tpu.memory_space<semaphore_mem>>) src(%dma_wait3A_170 : memref<1600xf32, #tpu.memory_space<hbm>>) dst(%dma_wait3A_169 : memref<1600xf32, #tpu.memory_space<vmem>>)
        tpu.yield
      }) : () -> ()
      %broadcast_in_dim3A_98 = arith.constant 0 : i32
      %broadcast_in_dim3A_99 = vector.broadcast %broadcast_in_dim3A_98 : i32 to vector<16xi32>
      %scan3A_100 = arith.constant 0 : i32
      %scan3A_101 = arith.constant 50 : i32
      %scan3A_102 = arith.addi %scan3A_100, %scan3A_101 : i32
      %scan3A_103 = arith.constant 1 : i32
      %scan3A_104 = scf.for %scan3A_161 = %scan3A_100 to %scan3A_102 step %scan3A_103 iter_args(%scan3A_162 = %broadcast_in_dim3A_99) -> (vector<16xi32>)  : i32 {
        %iota3A_163 = tpu.iota {dimensions = array<i32: 0>} : vector<16xi32>
        %mul3A_164 = arith.constant 2 : i32
        %mul3A_165 = arith.muli %scan3A_161, %mul3A_164 : i32
        %add3A_166 = arith.constant 0 : i32
        %add3A_167 = arith.addi %mul3A_165, %add3A_166 : i32
        %mul3A_168 = arith.constant 16 : i32
        %mul3A_169 = arith.muli %add3A_167, %mul3A_168 : i32
        %add3A_170 = arith.constant 0 : i32
        %add3A_171 = arith.addi %add3A_170, %mul3A_169 : i32
        %get3A = arith.index_cast %add3A_171 : i32 to index
        %get3A_172 = tpu.vector_load %arg8[%get3A] {strides = array<i32>} : memref<3200xi32, #tpu.memory_space<vmem>>, vector<16xi32>,
        %mul3A_173 = arith.constant 16 : i32
        %mul3A_174 = arith.muli %add3A_167, %mul3A_173 : i32
        %add3A_175 = arith.constant 0 : i32
        %add3A_176 = arith.addi %add3A_175, %mul3A_174 : i32
        %get3A_177 = arith.index_cast %add3A_176 : i32 to index
        %get3A_178 = tpu.vector_load %arg9[%get3A_177] {strides = array<i32>} : memref<3200xf32, #tpu.memory_space<vmem>>, vector<16xf32>,
        %ge3A = vector.broadcast %mul3A_51 : i32 to vector<16xi32>
        %ge3A_179 = arith.cmpi sge, %get3A_172, %ge3A : vector<16xi32>
        %lt3A = vector.broadcast %add3A_53 : i32 to vector<16xi32>
        %lt3A_180 = arith.cmpi slt, %get3A_172, %lt3A : vector<16xi32>
        %and3A_181 = arith.andi %ge3A_179, %lt3A_180 : vector<16xi1>
        %convert_element_type3A = arith.extui %and3A_181 : vector<16xi1> to vector<16xi32>
        %broadcast_in_dim3A_182 = arith.constant true
        %broadcast_in_dim3A_183 = vector.broadcast %broadcast_in_dim3A_182 : i1 to vector<16xi1>
        %masked_cumsum3A = tpu.scan <sum>, %convert_element_type3A masked %broadcast_in_dim3A_183 : vector<16xi32>, vector<16xi1> -> vector<16xi32>
        %add3A_184 = arith.addi %scan3A_162, %masked_cumsum3A : vector<16xi32>
        %sub3A_185 = arith.constant 1 : i32
        %sub3A_186 = vector.broadcast %sub3A_185 : i32 to vector<16xi32>
        %sub3A_187 = arith.subi %add3A_184, %sub3A_186 : vector<16xi32>
        %mul3A_188 = arith.constant 16 : i32
        %mul3A_189 = arith.muli %add3A_167, %mul3A_188 : i32
        %add3A_190 = arith.addi %add3A_97, %mul3A_189 : i32
        %add3A_191 = vector.broadcast %add3A_190 : i32 to vector<16xi32>
        %add3A_192 = arith.addi %add3A_191, %iota3A_163 : vector<16xi32>
        tpu.vector_store_idx %arg10[%sub3A_187], %add3A_192 masked %and3A_181 : memref<2048xi32, #tpu.memory_space<vmem>>[vector<16xi32>], vector<16xi32>, vector<16xi1>
        %sub3A_193 = vector.broadcast %mul3A_51 : i32 to vector<16xi32>
        %sub3A_194 = arith.subi %get3A_172, %sub3A_193 : vector<16xi32>
        tpu.vector_store_idx %arg11[%sub3A_187], %sub3A_194 masked %and3A_181 : memref<2048xi32, #tpu.memory_space<vmem>>[vector<16xi32>], vector<16xi32>, vector<16xi1>
        tpu.vector_store_idx %arg12[%sub3A_187], %get3A_178 masked %and3A_181 : memref<2048xf32, #tpu.memory_space<vmem>>[vector<16xi32>], vector<16xf32>, vector<16xi1>
        %all_reduce_population_count3A = tpu.all_reduce %and3A_181 {dim = 0 : i64, kind = #tpu.reduction_kind<sum>} : vector<16xi1> -> vector<16xi32>
        %add3A_195 = arith.addi %scan3A_162, %all_reduce_population_count3A : vector<16xi32>
        %mul3A_196 = arith.constant 2 : i32
        %mul3A_197 = arith.muli %scan3A_161, %mul3A_196 : i32
        %add3A_198 = arith.constant 1 : i32
        %add3A_199 = arith.addi %mul3A_197, %add3A_198 : i32
        %mul3A_200 = arith.constant 16 : i32
        %mul3A_201 = arith.muli %add3A_199, %mul3A_200 : i32
        %add3A_202 = arith.constant 0 : i32
        %add3A_203 = arith.addi %add3A_202, %mul3A_201 : i32
        %get3A_204 = arith.index_cast %add3A_203 : i32 to index
        %get3A_205 = tpu.vector_load %arg8[%get3A_204] {strides = array<i32>} : memref<3200xi32, #tpu.memory_space<vmem>>, vector<16xi32>,
        %mul3A_206 = arith.constant 16 : i32
        %mul3A_207 = arith.muli %add3A_199, %mul3A_206 : i32
        %add3A_208 = arith.constant 0 : i32
        %add3A_209 = arith.addi %add3A_208, %mul3A_207 : i32
        %get3A_210 = arith.index_cast %add3A_209 : i32 to index
        %get3A_211 = tpu.vector_load %arg9[%get3A_210] {strides = array<i32>} : memref<3200xf32, #tpu.memory_space<vmem>>, vector<16xf32>,
        %ge3A_212 = vector.broadcast %mul3A_51 : i32 to vector<16xi32>
        %ge3A_213 = arith.cmpi sge, %get3A_205, %ge3A_212 : vector<16xi32>
        %lt3A_214 = vector.broadcast %add3A_53 : i32 to vector<16xi32>
        %lt3A_215 = arith.cmpi slt, %get3A_205, %lt3A_214 : vector<16xi32>
        %and3A_216 = arith.andi %ge3A_213, %lt3A_215 : vector<16xi1>
        %convert_element_type3A_217 = arith.extui %and3A_216 : vector<16xi1> to vector<16xi32>
        %broadcast_in_dim3A_218 = arith.constant true
        %broadcast_in_dim3A_219 = vector.broadcast %broadcast_in_dim3A_218 : i1 to vector<16xi1>
        %masked_cumsum3A_220 = tpu.scan <sum>, %convert_element_type3A_217 masked %broadcast_in_dim3A_219 : vector<16xi32>, vector<16xi1> -> vector<16xi32>
        %add3A_221 = arith.addi %add3A_195, %masked_cumsum3A_220 : vector<16xi32>
        %sub3A_222 = arith.constant 1 : i32
        %sub3A_223 = vector.broadcast %sub3A_222 : i32 to vector<16xi32>
        %sub3A_224 = arith.subi %add3A_221, %sub3A_223 : vector<16xi32>
        %mul3A_225 = arith.constant 16 : i32
        %mul3A_226 = arith.muli %add3A_199, %mul3A_225 : i32
        %add3A_227 = arith.addi %add3A_97, %mul3A_226 : i32
        %add3A_228 = vector.broadcast %add3A_227 : i32 to vector<16xi32>
        %add3A_229 = arith.addi %add3A_228, %iota3A_163 : vector<16xi32>
        tpu.vector_store_idx %arg10[%sub3A_224], %add3A_229 masked %and3A_216 : memref<2048xi32, #tpu.memory_space<vmem>>[vector<16xi32>], vector<16xi32>, vector<16xi1>
        %sub3A_230 = vector.broadcast %mul3A_51 : i32 to vector<16xi32>
        %sub3A_231 = arith.subi %get3A_205, %sub3A_230 : vector<16xi32>
        tpu.vector_store_idx %arg11[%sub3A_224], %sub3A_231 masked %and3A_216 : memref<2048xi32, #tpu.memory_space<vmem>>[vector<16xi32>], vector<16xi32>, vector<16xi1>
        tpu.vector_store_idx %arg12[%sub3A_224], %get3A_211 masked %and3A_216 : memref<2048xf32, #tpu.memory_space<vmem>>[vector<16xi32>], vector<16xf32>, vector<16xi1>
        %all_reduce_population_count3A_232 = tpu.all_reduce %and3A_216 {dim = 0 : i64, kind = #tpu.reduction_kind<sum>} : vector<16xi1> -> vector<16xi32>
        %add3A_233 = arith.addi %add3A_195, %all_reduce_population_count3A_232 : vector<16xi32>
        scf.yield %add3A_233 : vector<16xi32>
      }
      %scan3A_105 = arith.constant 50 : i32
      %reduce_max3A = arith.constant true
      %reduce_max3A_106 = vector.broadcast %reduce_max3A : i1 to vector<16xi1>
      %reduce_max3A_107 = arith.constant -2147483648 : i32
      %reduce_max3A_108 = vector.broadcast %reduce_max3A_107 : i32 to vector<16xi32>
      %reduce_max3A_109 = arith.xori %scan3A_104, %reduce_max3A_108 : vector<16xi32>
      %reduce_max3A_110 = tpu.scan <max>, %reduce_max3A_109 masked %reduce_max3A_106 : vector<16xi32>, vector<16xi1> -> vector<16xi32>
      %reduce_max3A_111 = arith.xori %reduce_max3A_110, %reduce_max3A_108 : vector<16xi32>
      %reduce_max3A_112 = vector.extract %reduce_max3A_111[15] : i32 from vector<16xi32>
      %iota3A = tpu.iota {dimensions = array<i32: 0>} : vector<16xi32>
      %add3A_113 = arith.constant 0 : i32
      %add3A_114 = arith.addi %reduce_max3A_112, %add3A_113 : i32
      %add3A_115 = vector.broadcast %add3A_114 : i32 to vector<16xi32>
      %add3A_116 = arith.addi %add3A_115, %iota3A : vector<16xi32>
      tpu.vector_store_idx %arg10[%add3A_116], %iota3A : memref<2048xi32, #tpu.memory_space<vmem>>[vector<16xi32>], vector<16xi32>,
      %add3A_117 = arith.constant 12800 : i32
      %add3A_118 = vector.broadcast %add3A_117 : i32 to vector<16xi32>
      %add3A_119 = arith.addi %add3A_118, %iota3A : vector<16xi32>
      tpu.vector_store_idx %arg11[%add3A_116], %add3A_119 : memref<2048xi32, #tpu.memory_space<vmem>>[vector<16xi32>], vector<16xi32>,
      %broadcast_in_dim3A_120 = arith.constant 0.000000e+00 : f32
      %broadcast_in_dim3A_121 = vector.broadcast %broadcast_in_dim3A_120 : f32 to vector<16xf32>
      tpu.vector_store_idx %arg12[%add3A_116], %broadcast_in_dim3A_121 : memref<2048xf32, #tpu.memory_space<vmem>>[vector<16xi32>], vector<16xf32>,
      %iota3A_122 = tpu.iota {dimensions = array<i32: 0>} : vector<16xi32>
      %add3A_123 = arith.constant 16 : i32
      %add3A_124 = arith.addi %reduce_max3A_112, %add3A_123 : i32
      %add3A_125 = vector.broadcast %add3A_124 : i32 to vector<16xi32>
      %add3A_126 = arith.addi %add3A_125, %iota3A_122 : vector<16xi32>
      tpu.vector_store_idx %arg10[%add3A_126], %iota3A_122 : memref<2048xi32, #tpu.memory_space<vmem>>[vector<16xi32>], vector<16xi32>,
      %add3A_127 = arith.constant 12800 : i32
      %add3A_128 = vector.broadcast %add3A_127 : i32 to vector<16xi32>
      %add3A_129 = arith.addi %add3A_128, %iota3A_122 : vector<16xi32>
      tpu.vector_store_idx %arg11[%add3A_126], %add3A_129 : memref<2048xi32, #tpu.memory_space<vmem>>[vector<16xi32>], vector<16xi32>,
      %broadcast_in_dim3A_130 = arith.constant 0.000000e+00 : f32
      %broadcast_in_dim3A_131 = vector.broadcast %broadcast_in_dim3A_130 : f32 to vector<16xf32>
      tpu.vector_store_idx %arg12[%add3A_126], %broadcast_in_dim3A_131 : memref<2048xf32, #tpu.memory_space<vmem>>[vector<16xi32>], vector<16xf32>,
      %add3A_132 = arith.constant 32 : i32
      %add3A_133 = arith.addi %reduce_max3A_112, %add3A_132 : i32
      %sub3A = arith.constant 1 : i32
      %sub3A_134 = arith.subi %add3A_133, %sub3A : i32
      %jit3A = arith.constant 32 : i32
      %div3A = arith.divsi %sub3A_134, %jit3A : i32
      %sign3A = arith.constant 0 : i32
      %sign3A_135 = arith.cmpi sgt, %sub3A_134, %sign3A : i32
      %sign3A_136 = arith.extui %sign3A_135 : i1 to i32
      %sign3A_137 = arith.constant 0 : i32
      %sign3A_138 = arith.cmpi slt, %sub3A_134, %sign3A_137 : i32
      %sign3A_139 = arith.extui %sign3A_138 : i1 to i32
      %sign3A_140 = arith.subi %sign3A_136, %sign3A_139 : i32
      %sign3A_141 = arith.constant 0 : i32
      %sign3A_142 = arith.cmpi sgt, %jit3A, %sign3A_141 : i32
      %sign3A_143 = arith.extui %sign3A_142 : i1 to i32
      %sign3A_144 = arith.constant 0 : i32
      %sign3A_145 = arith.cmpi slt, %jit3A, %sign3A_144 : i32
      %sign3A_146 = arith.extui %sign3A_145 : i1 to i32
      %sign3A_147 = arith.subi %sign3A_143, %sign3A_146 : i32
      %ne3A = arith.cmpi ne, %sign3A_140, %sign3A_147 : i32
      %rem3A = arith.remsi %sub3A_134, %jit3A : i32
      %ne3A_148 = arith.constant 0 : i32
      %ne3A_149 = arith.cmpi ne, %rem3A, %ne3A_148 : i32
      %and3A = arith.andi %ne3A, %ne3A_149 : i1
      %sub3A_150 = arith.constant 1 : i32
      %sub3A_151 = arith.subi %div3A, %sub3A_150 : i32
      %select_n3A = arith.select %and3A, %sub3A_151, %div3A : i32
      %while3A = arith.constant 0 : i32
      %while3A_152 = arith.constant 0 : i32
      %while3A_153 = arith.subi %select_n3A, %while3A_152 : i32
      %while3A_154 = arith.addi %while3A_152, %while3A_153 : i32
      %while3A_155 = arith.constant 1 : i32
      %while3A_156 = arith.divsi %while3A_153, %while3A_155 : i32
      %while3A_157 = arith.muli %while3A_156, %while3A_155 : i32
      %while3A_158 = arith.addi %while3A_152, %while3A_157 : i32
      %while3A_159 = arith.constant 1 : i32
      scf.for %while3A_161 = %while3A_152 to %while3A_158 step %while3A_159  : i32 {
        %mul3A_162 = arith.constant 32 : i32
        %mul3A_163 = arith.muli %while3A_161, %mul3A_162 : i32
        "tpu.region"() ({
          %run_scoped3A = tpu.sem_alloc : memref<!tpu.dma_semaphore, #tpu.memory_space<semaphore_mem>>
          %dma_start3A = tpu.memref_slice %arg10[%mul3A_163] : memref<2048xi32, #tpu.memory_space<vmem>> -> memref<32xi32, #tpu.memory_space<vmem>>
          %dma_start3A_170 = arith.constant 0 : i32
          %dma_start3A_171 = arith.constant 0 : i32
          %dma_start3A_172 = tpu.memref_slice %arg4[%dma_start3A_170, %dma_start3A_171] : memref<819200x128xf32, #tpu.memory_space<hbm>> -> memref<819200x128xf32, #tpu.memory_space<hbm>>
          tpu.enqueue_indirect_dma source(%dma_start3A_172 : memref<819200x128xf32, #tpu.memory_space<hbm>>) target(%arg13 : memref<32x128xf32, #tpu.memory_space<vmem>>) offsets(%dma_start3A : memref<32xi32, #tpu.memory_space<vmem>>) semaphore(%run_scoped3A : memref<!tpu.dma_semaphore, #tpu.memory_space<semaphore_mem>>)
          %dma_wait3A = tpu.memref_slice %arg10[%mul3A_163] : memref<2048xi32, #tpu.memory_space<vmem>> -> memref<32xi32, #tpu.memory_space<vmem>>
          %dma_wait3A_173 = arith.constant 0 : i32
          %dma_wait3A_174 = arith.constant 0 : i32
          %dma_wait3A_175 = tpu.memref_slice %arg4[%dma_wait3A_173, %dma_wait3A_174] : memref<819200x128xf32, #tpu.memory_space<hbm>> -> memref<819200x128xf32, #tpu.memory_space<hbm>>
          tpu.wait_indirect_dma semaphore(%run_scoped3A : memref<!tpu.dma_semaphore, #tpu.memory_space<semaphore_mem>>) src(%dma_wait3A_175 : memref<819200x128xf32, #tpu.memory_space<hbm>>) dst(%arg13 : memref<32x128xf32, #tpu.memory_space<vmem>>)
          tpu.yield
        }) : () -> ()
        %mul3A_164 = arith.constant 32 : i32
        %mul3A_165 = arith.muli %while3A_161, %mul3A_164 : i32
        "tpu.region"() ({
          %run_scoped3A = tpu.sem_alloc : memref<!tpu.dma_semaphore, #tpu.memory_space<semaphore_mem>>
          %dma_start3A = tpu.memref_slice %arg11[%mul3A_165] : memref<2048xi32, #tpu.memory_space<vmem>> -> memref<32xi32, #tpu.memory_space<vmem>>
          %dma_start3A_170 = arith.constant 0 : i32
          %dma_start3A_171 = arith.constant 0 : i32
          %dma_start3A_172 = tpu.memref_slice %arg6[%dma_start3A_170, %dma_start3A_171] : memref<13056x128xf32, #tpu.memory_space<vmem_shared>> -> memref<13056x128xf32, #tpu.memory_space<vmem_shared>>
          tpu.enqueue_indirect_dma source(%arg13 : memref<32x128xf32, #tpu.memory_space<vmem>>) target(%dma_start3A_172 : memref<13056x128xf32, #tpu.memory_space<vmem_shared>>) offsets(%dma_start3A : memref<32xi32, #tpu.memory_space<vmem>>) semaphore(%run_scoped3A : memref<!tpu.dma_semaphore, #tpu.memory_space<semaphore_mem>>) {add = true}
          %dma_wait3A = tpu.memref_slice %arg11[%mul3A_165] : memref<2048xi32, #tpu.memory_space<vmem>> -> memref<32xi32, #tpu.memory_space<vmem>>
          %dma_wait3A_173 = arith.constant 0 : i32
          %dma_wait3A_174 = arith.constant 0 : i32
          %dma_wait3A_175 = tpu.memref_slice %arg6[%dma_wait3A_173, %dma_wait3A_174] : memref<13056x128xf32, #tpu.memory_space<vmem_shared>> -> memref<13056x128xf32, #tpu.memory_space<vmem_shared>>
          tpu.wait_indirect_dma semaphore(%run_scoped3A : memref<!tpu.dma_semaphore, #tpu.memory_space<semaphore_mem>>) src(%arg13 : memref<32x128xf32, #tpu.memory_space<vmem>>) dst(%dma_wait3A_175 : memref<13056x128xf32, #tpu.memory_space<vmem_shared>>)
          tpu.yield
        }) : () -> ()
        %mul3A_166 = arith.constant 32 : i32
        %mul3A_167 = arith.muli %while3A_161, %mul3A_166 : i32
        %mul3A_168 = arith.constant 32 : i32
        %mul3A_169 = arith.muli %while3A_161, %mul3A_168 : i32
        "tpu.region"() ({
          %run_scoped3A = tpu.sem_alloc : memref<!tpu.dma_semaphore, #tpu.memory_space<semaphore_mem>>
          %dma_start3A = tpu.memref_slice %arg12[%mul3A_167] : memref<2048xf32, #tpu.memory_space<vmem>> -> memref<32xf32, #tpu.memory_space<vmem>>
          %dma_start3A_170 = tpu.memref_slice %arg11[%mul3A_169] : memref<2048xi32, #tpu.memory_space<vmem>> -> memref<32xi32, #tpu.memory_space<vmem>>
          %dma_start3A_171 = arith.constant 0 : i32
          %dma_start3A_172 = tpu.memref_slice %arg7[%dma_start3A_171] : memref<13056xf32, #tpu.memory_space<vmem_shared>> -> memref<13056xf32, #tpu.memory_space<vmem_shared>>
          tpu.enqueue_indirect_dma source(%dma_start3A : memref<32xf32, #tpu.memory_space<vmem>>) target(%dma_start3A_172 : memref<13056xf32, #tpu.memory_space<vmem_shared>>) offsets(%dma_start3A_170 : memref<32xi32, #tpu.memory_space<vmem>>) semaphore(%run_scoped3A : memref<!tpu.dma_semaphore, #tpu.memory_space<semaphore_mem>>) {add = true}
          %dma_wait3A = tpu.memref_slice %arg12[%mul3A_167] : memref<2048xf32, #tpu.memory_space<vmem>> -> memref<32xf32, #tpu.memory_space<vmem>>
          %dma_wait3A_173 = tpu.memref_slice %arg11[%mul3A_169] : memref<2048xi32, #tpu.memory_space<vmem>> -> memref<32xi32, #tpu.memory_space<vmem>>
          %dma_wait3A_174 = arith.constant 0 : i32
          %dma_wait3A_175 = tpu.memref_slice %arg7[%dma_wait3A_174] : memref<13056xf32, #tpu.memory_space<vmem_shared>> -> memref<13056xf32, #tpu.memory_space<vmem_shared>>
          tpu.wait_indirect_dma semaphore(%run_scoped3A : memref<!tpu.dma_semaphore, #tpu.memory_space<semaphore_mem>>) src(%dma_wait3A : memref<32xf32, #tpu.memory_space<vmem>>) dst(%dma_wait3A_175 : memref<13056xf32, #tpu.memory_space<vmem_shared>>)
          tpu.yield
        }) : () -> ()
      }
      %while3A_160 = arith.constant 1 : i32
      scf.for %while3A_161 = %while3A_158 to %while3A_154 step %while3A_160  : i32 {
        %mul3A_162 = arith.constant 32 : i32
        %mul3A_163 = arith.muli %while3A_161, %mul3A_162 : i32
        "tpu.region"() ({
          %run_scoped3A = tpu.sem_alloc : memref<!tpu.dma_semaphore, #tpu.memory_space<semaphore_mem>>
          %dma_start3A = tpu.memref_slice %arg10[%mul3A_163] : memref<2048xi32, #tpu.memory_space<vmem>> -> memref<32xi32, #tpu.memory_space<vmem>>
          %dma_start3A_170 = arith.constant 0 : i32
          %dma_start3A_171 = arith.constant 0 : i32
          %dma_start3A_172 = tpu.memref_slice %arg4[%dma_start3A_170, %dma_start3A_171] : memref<819200x128xf32, #tpu.memory_space<hbm>> -> memref<819200x128xf32, #tpu.memory_space<hbm>>
          tpu.enqueue_indirect_dma source(%dma_start3A_172 : memref<819200x128xf32, #tpu.memory_space<hbm>>) target(%arg13 : memref<32x128xf32, #tpu.memory_space<vmem>>) offsets(%dma_start3A : memref<32xi32, #tpu.memory_space<vmem>>) semaphore(%run_scoped3A : memref<!tpu.dma_semaphore, #tpu.memory_space<semaphore_mem>>)
          %dma_wait3A = tpu.memref_slice %arg10[%mul3A_163] : memref<2048xi32, #tpu.memory_space<vmem>> -> memref<32xi32, #tpu.memory_space<vmem>>
          %dma_wait3A_173 = arith.constant 0 : i32
          %dma_wait3A_174 = arith.constant 0 : i32
          %dma_wait3A_175 = tpu.memref_slice %arg4[%dma_wait3A_173, %dma_wait3A_174] : memref<819200x128xf32, #tpu.memory_space<hbm>> -> memref<819200x128xf32, #tpu.memory_space<hbm>>
          tpu.wait_indirect_dma semaphore(%run_scoped3A : memref<!tpu.dma_semaphore, #tpu.memory_space<semaphore_mem>>) src(%dma_wait3A_175 : memref<819200x128xf32, #tpu.memory_space<hbm>>) dst(%arg13 : memref<32x128xf32, #tpu.memory_space<vmem>>)
          tpu.yield
        }) : () -> ()
        %mul3A_164 = arith.constant 32 : i32
        %mul3A_165 = arith.muli %while3A_161, %mul3A_164 : i32
        "tpu.region"() ({
          %run_scoped3A = tpu.sem_alloc : memref<!tpu.dma_semaphore, #tpu.memory_space<semaphore_mem>>
          %dma_start3A = tpu.memref_slice %arg11[%mul3A_165] : memref<2048xi32, #tpu.memory_space<vmem>> -> memref<32xi32, #tpu.memory_space<vmem>>
          %dma_start3A_170 = arith.constant 0 : i32
          %dma_start3A_171 = arith.constant 0 : i32
          %dma_start3A_172 = tpu.memref_slice %arg6[%dma_start3A_170, %dma_start3A_171] : memref<13056x128xf32, #tpu.memory_space<vmem_shared>> -> memref<13056x128xf32, #tpu.memory_space<vmem_shared>>
          tpu.enqueue_indirect_dma source(%arg13 : memref<32x128xf32, #tpu.memory_space<vmem>>) target(%dma_start3A_172 : memref<13056x128xf32, #tpu.memory_space<vmem_shared>>) offsets(%dma_start3A : memref<32xi32, #tpu.memory_space<vmem>>) semaphore(%run_scoped3A : memref<!tpu.dma_semaphore, #tpu.memory_space<semaphore_mem>>) {add = true}
          %dma_wait3A = tpu.memref_slice %arg11[%mul3A_165] : memref<2048xi32, #tpu.memory_space<vmem>> -> memref<32xi32, #tpu.memory_space<vmem>>
          %dma_wait3A_173 = arith.constant 0 : i32
          %dma_wait3A_174 = arith.constant 0 : i32
          %dma_wait3A_175 = tpu.memref_slice %arg6[%dma_wait3A_173, %dma_wait3A_174] : memref<13056x128xf32, #tpu.memory_space<vmem_shared>> -> memref<13056x128xf32, #tpu.memory_space<vmem_shared>>
          tpu.wait_indirect_dma semaphore(%run_scoped3A : memref<!tpu.dma_semaphore, #tpu.memory_space<semaphore_mem>>) src(%arg13 : memref<32x128xf32, #tpu.memory_space<vmem>>) dst(%dma_wait3A_175 : memref<13056x128xf32, #tpu.memory_space<vmem_shared>>)
          tpu.yield
        }) : () -> ()
        %mul3A_166 = arith.constant 32 : i32
        %mul3A_167 = arith.muli %while3A_161, %mul3A_166 : i32
        %mul3A_168 = arith.constant 32 : i32
        %mul3A_169 = arith.muli %while3A_161, %mul3A_168 : i32
        "tpu.region"() ({
          %run_scoped3A = tpu.sem_alloc : memref<!tpu.dma_semaphore, #tpu.memory_space<semaphore_mem>>
          %dma_start3A = tpu.memref_slice %arg12[%mul3A_167] : memref<2048xf32, #tpu.memory_space<vmem>> -> memref<32xf32, #tpu.memory_space<vmem>>
          %dma_start3A_170 = tpu.memref_slice %arg11[%mul3A_169] : memref<2048xi32, #tpu.memory_space<vmem>> -> memref<32xi32, #tpu.memory_space<vmem>>
          %dma_start3A_171 = arith.constant 0 : i32
          %dma_start3A_172 = tpu.memref_slice %arg7[%dma_start3A_171] : memref<13056xf32, #tpu.memory_space<vmem_shared>> -> memref<13056xf32, #tpu.memory_space<vmem_shared>>
          tpu.enqueue_indirect_dma source(%dma_start3A : memref<32xf32, #tpu.memory_space<vmem>>) target(%dma_start3A_172 : memref<13056xf32, #tpu.memory_space<vmem_shared>>) offsets(%dma_start3A_170 : memref<32xi32, #tpu.memory_space<vmem>>) semaphore(%run_scoped3A : memref<!tpu.dma_semaphore, #tpu.memory_space<semaphore_mem>>) {add = true}
          %dma_wait3A = tpu.memref_slice %arg12[%mul3A_167] : memref<2048xf32, #tpu.memory_space<vmem>> -> memref<32xf32, #tpu.memory_space<vmem>>
          %dma_wait3A_173 = tpu.memref_slice %arg11[%mul3A_169] : memref<2048xi32, #tpu.memory_space<vmem>> -> memref<32xi32, #tpu.memory_space<vmem>>
          %dma_wait3A_174 = arith.constant 0 : i32
          %dma_wait3A_175 = tpu.memref_slice %arg7[%dma_wait3A_174] : memref<13056xf32, #tpu.memory_space<vmem_shared>> -> memref<13056xf32, #tpu.memory_space<vmem_shared>>
          tpu.wait_indirect_dma semaphore(%run_scoped3A : memref<!tpu.dma_semaphore, #tpu.memory_space<semaphore_mem>>) src(%dma_wait3A : memref<32xf32, #tpu.memory_space<vmem>>) dst(%dma_wait3A_175 : memref<13056xf32, #tpu.memory_space<vmem_shared>>)
          tpu.yield
        }) : () -> ()
      }
    }
    %scan3A_76 = arith.constant 32 : i32
    %barrier3A_77 = arith.constant 0 : index
    tpu.barrier barrier_id(%barrier3A_77)
    %mul3A_78 = arith.constant 12800 : i32
    %mul3A_79 = arith.muli %add3A_49, %mul3A_78 : i32
    %mul3A_80 = arith.constant 800 : i32
    %mul3A_81 = arith.muli %arg1, %mul3A_80 : i32
    %add3A_82 = arith.addi %mul3A_79, %mul3A_81 : i32
    %mul3A_83 = arith.constant 800 : i32
    %mul3A_84 = arith.muli %arg1, %mul3A_83 : i32
    %scan3A_85 = arith.constant 0 : i32
    %scan3A_86 = arith.constant 0 : i32
    %scan3A_87 = arith.constant 50 : i32
    %scan3A_88 = arith.addi %scan3A_86, %scan3A_87 : i32
    %scan3A_89 = arith.constant 1 : i32
    scf.for %scan3A_92 = %scan3A_86 to %scan3A_88 step %scan3A_89  : i32 {
      %mul3A_93 = arith.constant 16 : i32
      %mul3A_94 = arith.muli %scan3A_92, %mul3A_93 : i32
      %add3A_95 = arith.addi %mul3A_84, %mul3A_94 : i32
      "tpu.region"() ({
        %run_scoped3A = tpu.sem_alloc : memref<!tpu.dma_semaphore, #tpu.memory_space<semaphore_mem>>
        %dma_start3A = arith.constant 0 : i32
        %dma_start3A_1418 = tpu.memref_slice %arg6[%add3A_95, %dma_start3A] : memref<13056x128xf32, #tpu.memory_space<vmem_shared>> -> memref<16x128xf32, #tpu.memory_space<vmem_shared>>
        %dma_start3A_1419 = arith.constant 0 : i32
        %dma_start3A_1420 = tpu.memref_slice %arg6[%add3A_95, %dma_start3A_1419] : memref<13056x128xf32, #tpu.memory_space<vmem_shared>> -> memref<16x128xf32, #tpu.memory_space<vmem_shared>>
        tpu.enqueue_dma source(%dma_start3A_1420 : memref<16x128xf32, #tpu.memory_space<vmem_shared>>) target(%arg15 : memref<16x128xf32, #tpu.memory_space<vmem>>) target_semaphore(%run_scoped3A : memref<!tpu.dma_semaphore, #tpu.memory_space<semaphore_mem>>)
        %dma_wait3A = arith.constant 0 : i32
        %dma_wait3A_1421 = tpu.memref_slice %arg6[%add3A_95, %dma_wait3A] : memref<13056x128xf32, #tpu.memory_space<vmem_shared>> -> memref<16x128xf32, #tpu.memory_space<vmem_shared>>
        %dma_wait3A_1422 = arith.constant 0 : i32
        %dma_wait3A_1423 = tpu.memref_slice %arg6[%add3A_95, %dma_wait3A_1422] : memref<13056x128xf32, #tpu.memory_space<vmem_shared>> -> memref<16x128xf32, #tpu.memory_space<vmem_shared>>
        tpu.wait_dma2 semaphore(%run_scoped3A : memref<!tpu.dma_semaphore, #tpu.memory_space<semaphore_mem>>) src(%dma_wait3A_1423 : memref<16x128xf32, #tpu.memory_space<vmem_shared>>) dst(%arg15 : memref<16x128xf32, #tpu.memory_space<vmem>>)
        tpu.yield
      }) : () -> ()
      %mul3A_96 = arith.constant 16 : i32
      %mul3A_97 = arith.muli %scan3A_92, %mul3A_96 : i32
      %add3A_98 = arith.addi %mul3A_84, %mul3A_97 : i32
      "tpu.region"() ({
        %run_scoped3A = tpu.sem_alloc : memref<!tpu.dma_semaphore, #tpu.memory_space<semaphore_mem>>
        %dma_start3A = tpu.memref_slice %arg7[%add3A_98] : memref<13056xf32, #tpu.memory_space<vmem_shared>> -> memref<16xf32, #tpu.memory_space<vmem_shared>>
        %dma_start3A_1418 = tpu.memref_slice %arg7[%add3A_98] : memref<13056xf32, #tpu.memory_space<vmem_shared>> -> memref<16xf32, #tpu.memory_space<vmem_shared>>
        tpu.enqueue_dma source(%dma_start3A_1418 : memref<16xf32, #tpu.memory_space<vmem_shared>>) target(%arg16 : memref<16xf32, #tpu.memory_space<vmem>>) target_semaphore(%run_scoped3A : memref<!tpu.dma_semaphore, #tpu.memory_space<semaphore_mem>>)
        %dma_wait3A = tpu.memref_slice %arg7[%add3A_98] : memref<13056xf32, #tpu.memory_space<vmem_shared>> -> memref<16xf32, #tpu.memory_space<vmem_shared>>
        %dma_wait3A_1419 = tpu.memref_slice %arg7[%add3A_98] : memref<13056xf32, #tpu.memory_space<vmem_shared>> -> memref<16xf32, #tpu.memory_space<vmem_shared>>
        tpu.wait_dma2 semaphore(%run_scoped3A : memref<!tpu.dma_semaphore, #tpu.memory_space<semaphore_mem>>) src(%dma_wait3A_1419 : memref<16xf32, #tpu.memory_space<vmem_shared>>) dst(%arg16 : memref<16xf32, #tpu.memory_space<vmem>>)
        tpu.yield
      }) : () -> ()
      %get3A = arith.constant 0 : index
      %get3A_99 = tpu.vector_load %arg16[%get3A] {strides = array<i32>} : memref<16xf32, #tpu.memory_space<vmem>>, vector<16xf32>,
      %add3A_100 = arith.constant 9.99999971E-10 : f32
      %add3A_101 = vector.broadcast %add3A_100 : f32 to vector<16xf32>
      %add3A_102 = arith.addf %get3A_99, %add3A_101 : vector<16xf32>
      %div3A = arith.constant 1.000000e+00 : f32
      %div3A_103 = vector.broadcast %div3A : f32 to vector<16xf32>
      %div3A_104 = arith.divf %div3A_103, %add3A_102 : vector<16xf32>
      %slice3A = vector.extract_strided_slice %div3A_104 {offsets = [0], sizes = [1], strides = [1]} : vector<16xf32> to vector<1xf32>
      %squeeze3A = vector.extract %slice3A[0] : f32 from vector<1xf32>
      %get3A_105 = arith.constant 0 : i32
      %get3A_106 = arith.index_cast %get3A_105 : i32 to index
      %get3A_107 = arith.constant 0 : index
      %get3A_108 = tpu.vector_load %arg15[%get3A_106, %get3A_107] {strides = array<i32>} : memref<16x128xf32, #tpu.memory_space<vmem>>, vector<16xf32>,
      %mul3A_109 = vector.broadcast %squeeze3A : f32 to vector<16xf32>
      %mul3A_110 = arith.mulf %get3A_108, %mul3A_109 : vector<16xf32>
      %swap3A_111 = arith.constant 0 : i32
      %swap3A_112 = arith.index_cast %swap3A_111 : i32 to index
      %swap3A_113 = arith.constant 0 : index
      %swap3A_114 = tpu.vector_load %arg15[%swap3A_112, %swap3A_113] {strides = array<i32>} : memref<16x128xf32, #tpu.memory_space<vmem>>, vector<16xf32>,
      tpu.vector_store %arg15[%swap3A_112, %swap3A_113], %mul3A_110 {strides = array<i32>} : memref<16x128xf32, #tpu.memory_space<vmem>>, vector<16xf32>,
      %get3A_115 = arith.constant 0 : i32
      %get3A_116 = arith.index_cast %get3A_115 : i32 to index
      %get3A_117 = arith.constant 16 : index
      %get3A_118 = tpu.vector_load %arg15[%get3A_116, %get3A_117] {strides = array<i32>} : memref<16x128xf32, #tpu.memory_space<vmem>>, vector<16xf32>,
      %mul3A_119 = vector.broadcast %squeeze3A : f32 to vector<16xf32>
      %mul3A_120 = arith.mulf %get3A_118, %mul3A_119 : vector<16xf32>
      %swap3A_121 = arith.constant 0 : i32
      %swap3A_122 = arith.index_cast %swap3A_121 : i32 to index
      %swap3A_123 = arith.constant 16 : index
      %swap3A_124 = tpu.vector_load %arg15[%swap3A_122, %swap3A_123] {strides = array<i32>} : memref<16x128xf32, #tpu.memory_space<vmem>>, vector<16xf32>,
      tpu.vector_store %arg15[%swap3A_122, %swap3A_123], %mul3A_120 {strides = array<i32>} : memref<16x128xf32, #tpu.memory_space<vmem>>, vector<16xf32>,
      %get3A_125 = arith.constant 0 : i32
      %get3A_126 = arith.index_cast %get3A_125 : i32 to index
      %get3A_127 = arith.constant 32 : index
      %get3A_128 = tpu.vector_load %arg15[%get3A_126, %get3A_127] {strides = array<i32>} : memref<16x128xf32, #tpu.memory_space<vmem>>, vector<16xf32>,
      %mul3A_129 = vector.broadcast %squeeze3A : f32 to vector<16xf32>
      %mul3A_130 = arith.mulf %get3A_128, %mul3A_129 : vector<16xf32>
      %swap3A_131 = arith.constant 0 : i32
      %swap3A_132 = arith.index_cast %swap3A_131 : i32 to index
      %swap3A_133 = arith.constant 32 : index
      %swap3A_134 = tpu.vector_load %arg15[%swap3A_132, %swap3A_133] {strides = array<i32>} : memref<16x128xf32, #tpu.memory_space<vmem>>, vector<16xf32>,
      tpu.vector_store %arg15[%swap3A_132, %swap3A_133], %mul3A_130 {strides = array<i32>} : memref<16x128xf32, #tpu.memory_space<vmem>>, vector<16xf32>,
      %get3A_135 = arith.constant 0 : i32
      %get3A_136 = arith.index_cast %get3A_135 : i32 to index
      %get3A_137 = arith.constant 48 : index
      %get3A_138 = tpu.vector_load %arg15[%get3A_136, %get3A_137] {strides = array<i32>} : memref<16x128xf32, #tpu.memory_space<vmem>>, vector<16xf32>,
      %mul3A_139 = vector.broadcast %squeeze3A : f32 to vector<16xf32>
      %mul3A_140 = arith.mulf %get3A_138, %mul3A_139 : vector<16xf32>
      %swap3A_141 = arith.constant 0 : i32
      %swap3A_142 = arith.index_cast %swap3A_141 : i32 to index
      %swap3A_143 = arith.constant 48 : index
      %swap3A_144 = tpu.vector_load %arg15[%swap3A_142, %swap3A_143] {strides = array<i32>} : memref<16x128xf32, #tpu.memory_space<vmem>>, vector<16xf32>,
      tpu.vector_store %arg15[%swap3A_142, %swap3A_143], %mul3A_140 {strides = array<i32>} : memref<16x128xf32, #tpu.memory_space<vmem>>, vector<16xf32>,
      %get3A_145 = arith.constant 0 : i32
      %get3A_146 = arith.index_cast %get3A_145 : i32 to index
      %get3A_147 = arith.constant 64 : index
      %get3A_148 = tpu.vector_load %arg15[%get3A_146, %get3A_147] {strides = array<i32>} : memref<16x128xf32, #tpu.memory_space<vmem>>, vector<16xf32>,
      %mul3A_149 = vector.broadcast %squeeze3A : f32 to vector<16xf32>
      %mul3A_150 = arith.mulf %get3A_148, %mul3A_149 : vector<16xf32>
      %swap3A_151 = arith.constant 0 : i32
      %swap3A_152 = arith.index_cast %swap3A_151 : i32 to index
      %swap3A_153 = arith.constant 64 : index
      %swap3A_154 = tpu.vector_load %arg15[%swap3A_152, %swap3A_153] {strides = array<i32>} : memref<16x128xf32, #tpu.memory_space<vmem>>, vector<16xf32>,
      tpu.vector_store %arg15[%swap3A_152, %swap3A_153], %mul3A_150 {strides = array<i32>} : memref<16x128xf32, #tpu.memory_space<vmem>>, vector<16xf32>,
      %get3A_155 = arith.constant 0 : i32
      %get3A_156 = arith.index_cast %get3A_155 : i32 to index
      %get3A_157 = arith.constant 80 : index
      %get3A_158 = tpu.vector_load %arg15[%get3A_156, %get3A_157] {strides = array<i32>} : memref<16x128xf32, #tpu.memory_space<vmem>>, vector<16xf32>,
      %mul3A_159 = vector.broadcast %squeeze3A : f32 to vector<16xf32>
      %mul3A_160 = arith.mulf %get3A_158, %mul3A_159 : vector<16xf32>
      %swap3A_161 = arith.constant 0 : i32
      %swap3A_162 = arith.index_cast %swap3A_161 : i32 to index
      %swap3A_163 = arith.constant 80 : index
      %swap3A_164 = tpu.vector_load %arg15[%swap3A_162, %swap3A_163] {strides = array<i32>} : memref<16x128xf32, #tpu.memory_space<vmem>>, vector<16xf32>,
      tpu.vector_store %arg15[%swap3A_162, %swap3A_163], %mul3A_160 {strides = array<i32>} : memref<16x128xf32, #tpu.memory_space<vmem>>, vector<16xf32>,
      %get3A_165 = arith.constant 0 : i32
      %get3A_166 = arith.index_cast %get3A_165 : i32 to index
      %get3A_167 = arith.constant 96 : index
      %get3A_168 = tpu.vector_load %arg15[%get3A_166, %get3A_167] {strides = array<i32>} : memref<16x128xf32, #tpu.memory_space<vmem>>, vector<16xf32>,
      %mul3A_169 = vector.broadcast %squeeze3A : f32 to vector<16xf32>
      %mul3A_170 = arith.mulf %get3A_168, %mul3A_169 : vector<16xf32>
      %swap3A_171 = arith.constant 0 : i32
      %swap3A_172 = arith.index_cast %swap3A_171 : i32 to index
      %swap3A_173 = arith.constant 96 : index
      %swap3A_174 = tpu.vector_load %arg15[%swap3A_172, %swap3A_173] {strides = array<i32>} : memref<16x128xf32, #tpu.memory_space<vmem>>, vector<16xf32>,
      tpu.vector_store %arg15[%swap3A_172, %swap3A_173], %mul3A_170 {strides = array<i32>} : memref<16x128xf32, #tpu.memory_space<vmem>>, vector<16xf32>,
      %get3A_175 = arith.constant 0 : i32
      %get3A_176 = arith.index_cast %get3A_175 : i32 to index
      %get3A_177 = arith.constant 112 : index
      %get3A_178 = tpu.vector_load %arg15[%get3A_176, %get3A_177] {strides = array<i32>} : memref<16x128xf32, #tpu.memory_space<vmem>>, vector<16xf32>,
      %mul3A_179 = vector.broadcast %squeeze3A : f32 to vector<16xf32>
      %mul3A_180 = arith.mulf %get3A_178, %mul3A_179 : vector<16xf32>
      %swap3A_181 = arith.constant 0 : i32
      %swap3A_182 = arith.index_cast %swap3A_181 : i32 to index
      %swap3A_183 = arith.constant 112 : index
      %swap3A_184 = tpu.vector_load %arg15[%swap3A_182, %swap3A_183] {strides = array<i32>} : memref<16x128xf32, #tpu.memory_space<vmem>>, vector<16xf32>,
      tpu.vector_store %arg15[%swap3A_182, %swap3A_183], %mul3A_180 {strides = array<i32>} : memref<16x128xf32, #tpu.memory_space<vmem>>, vector<16xf32>,
      %slice3A_185 = vector.extract_strided_slice %div3A_104 {offsets = [1], sizes = [1], strides = [1]} : vector<16xf32> to vector<1xf32>
      %squeeze3A_186 = vector.extract %slice3A_185[0] : f32 from vector<1xf32>
      %get3A_187 = arith.constant 1 : i32
      %get3A_188 = arith.index_cast %get3A_187 : i32 to index
      %get3A_189 = arith.constant 0 : index
      %get3A_190 = tpu.vector_load %arg15[%get3A_188, %get3A_189] {strides = array<i32>} : memref<16x128xf32, #tpu.memory_space<vmem>>, vector<16xf32>,
      %mul3A_191 = vector.broadcast %squeeze3A_186 : f32 to vector<16xf32>
      %mul3A_192 = arith.mulf %get3A_190, %mul3A_191 : vector<16xf32>
      %swap3A_193 = arith.constant 1 : i32
      %swap3A_194 = arith.index_cast %swap3A_193 : i32 to index
      %swap3A_195 = arith.constant 0 : index
      %swap3A_196 = tpu.vector_load %arg15[%swap3A_194, %swap3A_195] {strides = array<i32>} : memref<16x128xf32, #tpu.memory_space<vmem>>, vector<16xf32>,
      tpu.vector_store %arg15[%swap3A_194, %swap3A_195], %mul3A_192 {strides = array<i32>} : memref<16x128xf32, #tpu.memory_space<vmem>>, vector<16xf32>,
      %get3A_197 = arith.constant 1 : i32
      %get3A_198 = arith.index_cast %get3A_197 : i32 to index
      %get3A_199 = arith.constant 16 : index
      %get3A_200 = tpu.vector_load %arg15[%get3A_198, %get3A_199] {strides = array<i32>} : memref<16x128xf32, #tpu.memory_space<vmem>>, vector<16xf32>,
      %mul3A_201 = vector.broadcast %squeeze3A_186 : f32 to vector<16xf32>
      %mul3A_202 = arith.mulf %get3A_200, %mul3A_201 : vector<16xf32>
      %swap3A_203 = arith.constant 1 : i32
      %swap3A_204 = arith.index_cast %swap3A_203 : i32 to index
      %swap3A_205 = arith.constant 16 : index
      %swap3A_206 = tpu.vector_load %arg15[%swap3A_204, %swap3A_205] {strides = array<i32>} : memref<16x128xf32, #tpu.memory_space<vmem>>, vector<16xf32>,
      tpu.vector_store %arg15[%swap3A_204, %swap3A_205], %mul3A_202 {strides = array<i32>} : memref<16x128xf32, #tpu.memory_space<vmem>>, vector<16xf32>,
      %get3A_207 = arith.constant 1 : i32
      %get3A_208 = arith.index_cast %get3A_207 : i32 to index
      %get3A_209 = arith.constant 32 : index
      %get3A_210 = tpu.vector_load %arg15[%get3A_208, %get3A_209] {strides = array<i32>} : memref<16x128xf32, #tpu.memory_space<vmem>>, vector<16xf32>,
      %mul3A_211 = vector.broadcast %squeeze3A_186 : f32 to vector<16xf32>
      %mul3A_212 = arith.mulf %get3A_210, %mul3A_211 : vector<16xf32>
      %swap3A_213 = arith.constant 1 : i32
      %swap3A_214 = arith.index_cast %swap3A_213 : i32 to index
      %swap3A_215 = arith.constant 32 : index
      %swap3A_216 = tpu.vector_load %arg15[%swap3A_214, %swap3A_215] {strides = array<i32>} : memref<16x128xf32, #tpu.memory_space<vmem>>, vector<16xf32>,
      tpu.vector_store %arg15[%swap3A_214, %swap3A_215], %mul3A_212 {strides = array<i32>} : memref<16x128xf32, #tpu.memory_space<vmem>>, vector<16xf32>,
      %get3A_217 = arith.constant 1 : i32
      %get3A_218 = arith.index_cast %get3A_217 : i32 to index
      %get3A_219 = arith.constant 48 : index
      %get3A_220 = tpu.vector_load %arg15[%get3A_218, %get3A_219] {strides = array<i32>} : memref<16x128xf32, #tpu.memory_space<vmem>>, vector<16xf32>,
      %mul3A_221 = vector.broadcast %squeeze3A_186 : f32 to vector<16xf32>
      %mul3A_222 = arith.mulf %get3A_220, %mul3A_221 : vector<16xf32>
      %swap3A_223 = arith.constant 1 : i32
      %swap3A_224 = arith.index_cast %swap3A_223 : i32 to index
      %swap3A_225 = arith.constant 48 : index
      %swap3A_226 = tpu.vector_load %arg15[%swap3A_224, %swap3A_225] {strides = array<i32>} : memref<16x128xf32, #tpu.memory_space<vmem>>, vector<16xf32>,
      tpu.vector_store %arg15[%swap3A_224, %swap3A_225], %mul3A_222 {strides = array<i32>} : memref<16x128xf32, #tpu.memory_space<vmem>>, vector<16xf32>,
      %get3A_227 = arith.constant 1 : i32
      %get3A_228 = arith.index_cast %get3A_227 : i32 to index
      %get3A_229 = arith.constant 64 : index
      %get3A_230 = tpu.vector_load %arg15[%get3A_228, %get3A_229] {strides = array<i32>} : memref<16x128xf32, #tpu.memory_space<vmem>>, vector<16xf32>,
      %mul3A_231 = vector.broadcast %squeeze3A_186 : f32 to vector<16xf32>
      %mul3A_232 = arith.mulf %get3A_230, %mul3A_231 : vector<16xf32>
      %swap3A_233 = arith.constant 1 : i32
      %swap3A_234 = arith.index_cast %swap3A_233 : i32 to index
      %swap3A_235 = arith.constant 64 : index
      %swap3A_236 = tpu.vector_load %arg15[%swap3A_234, %swap3A_235] {strides = array<i32>} : memref<16x128xf32, #tpu.memory_space<vmem>>, vector<16xf32>,
      tpu.vector_store %arg15[%swap3A_234, %swap3A_235], %mul3A_232 {strides = array<i32>} : memref<16x128xf32, #tpu.memory_space<vmem>>, vector<16xf32>,
      %get3A_237 = arith.constant 1 : i32
      %get3A_238 = arith.index_cast %get3A_237 : i32 to index
      %get3A_239 = arith.constant 80 : index
      %get3A_240 = tpu.vector_load %arg15[%get3A_238, %get3A_239] {strides = array<i32>} : memref<16x128xf32, #tpu.memory_space<vmem>>, vector<16xf32>,
      %mul3A_241 = vector.broadcast %squeeze3A_186 : f32 to vector<16xf32>
      %mul3A_242 = arith.mulf %get3A_240, %mul3A_241 : vector<16xf32>
      %swap3A_243 = arith.constant 1 : i32
      %swap3A_244 = arith.index_cast %swap3A_243 : i32 to index
      %swap3A_245 = arith.constant 80 : index
      %swap3A_246 = tpu.vector_load %arg15[%swap3A_244, %swap3A_245] {strides = array<i32>} : memref<16x128xf32, #tpu.memory_space<vmem>>, vector<16xf32>,
      tpu.vector_store %arg15[%swap3A_244, %swap3A_245], %mul3A_242 {strides = array<i32>} : memref<16x128xf32, #tpu.memory_space<vmem>>, vector<16xf32>,
      %get3A_247 = arith.constant 1 : i32
      %get3A_248 = arith.index_cast %get3A_247 : i32 to index
      %get3A_249 = arith.constant 96 : index
      %get3A_250 = tpu.vector_load %arg15[%get3A_248, %get3A_249] {strides = array<i32>} : memref<16x128xf32, #tpu.memory_space<vmem>>, vector<16xf32>,
      %mul3A_251 = vector.broadcast %squeeze3A_186 : f32 to vector<16xf32>
      %mul3A_252 = arith.mulf %get3A_250, %mul3A_251 : vector<16xf32>
      %swap3A_253 = arith.constant 1 : i32
      %swap3A_254 = arith.index_cast %swap3A_253 : i32 to index
      %swap3A_255 = arith.constant 96 : index
      %swap3A_256 = tpu.vector_load %arg15[%swap3A_254, %swap3A_255] {strides = array<i32>} : memref<16x128xf32, #tpu.memory_space<vmem>>, vector<16xf32>,
      tpu.vector_store %arg15[%swap3A_254, %swap3A_255], %mul3A_252 {strides = array<i32>} : memref<16x128xf32, #tpu.memory_space<vmem>>, vector<16xf32>,
      %get3A_257 = arith.constant 1 : i32
      %get3A_258 = arith.index_cast %get3A_257 : i32 to index
      %get3A_259 = arith.constant 112 : index
      %get3A_260 = tpu.vector_load %arg15[%get3A_258, %get3A_259] {strides = array<i32>} : memref<16x128xf32, #tpu.memory_space<vmem>>, vector<16xf32>,
      %mul3A_261 = vector.broadcast %squeeze3A_186 : f32 to vector<16xf32>
      %mul3A_262 = arith.mulf %get3A_260, %mul3A_261 : vector<16xf32>
      %swap3A_263 = arith.constant 1 : i32
      %swap3A_264 = arith.index_cast %swap3A_263 : i32 to index
      %swap3A_265 = arith.constant 112 : index
      %swap3A_266 = tpu.vector_load %arg15[%swap3A_264, %swap3A_265] {strides = array<i32>} : memref<16x128xf32, #tpu.memory_space<vmem>>, vector<16xf32>,
      tpu.vector_store %arg15[%swap3A_264, %swap3A_265], %mul3A_262 {strides = array<i32>} : memref<16x128xf32, #tpu.memory_space<vmem>>, vector<16xf32>,
      %slice3A_267 = vector.extract_strided_slice %div3A_104 {offsets = [2], sizes = [1], strides = [1]} : vector<16xf32> to vector<1xf32>
      %squeeze3A_268 = vector.extract %slice3A_267[0] : f32 from vector<1xf32>
      %get3A_269 = arith.constant 2 : i32
      %get3A_270 = arith.index_cast %get3A_269 : i32 to index
      %get3A_271 = arith.constant 0 : index
      %get3A_272 = tpu.vector_load %arg15[%get3A_270, %get3A_271] {strides = array<i32>} : memref<16x128xf32, #tpu.memory_space<vmem>>, vector<16xf32>,
      %mul3A_273 = vector.broadcast %squeeze3A_268 : f32 to vector<16xf32>
      %mul3A_274 = arith.mulf %get3A_272, %mul3A_273 : vector<16xf32>
      %swap3A_275 = arith.constant 2 : i32
      %swap3A_276 = arith.index_cast %swap3A_275 : i32 to index
      %swap3A_277 = arith.constant 0 : index
      %swap3A_278 = tpu.vector_load %arg15[%swap3A_276, %swap3A_277] {strides = array<i32>} : memref<16x128xf32, #tpu.memory_space<vmem>>, vector<16xf32>,
      tpu.vector_store %arg15[%swap3A_276, %swap3A_277], %mul3A_274 {strides = array<i32>} : memref<16x128xf32, #tpu.memory_space<vmem>>, vector<16xf32>,
      %get3A_279 = arith.constant 2 : i32
      %get3A_280 = arith.index_cast %get3A_279 : i32 to index
      %get3A_281 = arith.constant 16 : index
      %get3A_282 = tpu.vector_load %arg15[%get3A_280, %get3A_281] {strides = array<i32>} : memref<16x128xf32, #tpu.memory_space<vmem>>, vector<16xf32>,
      %mul3A_283 = vector.broadcast %squeeze3A_268 : f32 to vector<16xf32>
      %mul3A_284 = arith.mulf %get3A_282, %mul3A_283 : vector<16xf32>
      %swap3A_285 = arith.constant 2 : i32
      %swap3A_286 = arith.index_cast %swap3A_285 : i32 to index
      %swap3A_287 = arith.constant 16 : index
      %swap3A_288 = tpu.vector_load %arg15[%swap3A_286, %swap3A_287] {strides = array<i32>} : memref<16x128xf32, #tpu.memory_space<vmem>>, vector<16xf32>,
      tpu.vector_store %arg15[%swap3A_286, %swap3A_287], %mul3A_284 {strides = array<i32>} : memref<16x128xf32, #tpu.memory_space<vmem>>, vector<16xf32>,
      %get3A_289 = arith.constant 2 : i32
      %get3A_290 = arith.index_cast %get3A_289 : i32 to index
      %get3A_291 = arith.constant 32 : index
      %get3A_292 = tpu.vector_load %arg15[%get3A_290, %get3A_291] {strides = array<i32>} : memref<16x128xf32, #tpu.memory_space<vmem>>, vector<16xf32>,
      %mul3A_293 = vector.broadcast %squeeze3A_268 : f32 to vector<16xf32>
      %mul3A_294 = arith.mulf %get3A_292, %mul3A_293 : vector<16xf32>
      %swap3A_295 = arith.constant 2 : i32
      %swap3A_296 = arith.index_cast %swap3A_295 : i32 to index
      %swap3A_297 = arith.constant 32 : index
      %swap3A_298 = tpu.vector_load %arg15[%swap3A_296, %swap3A_297] {strides = array<i32>} : memref<16x128xf32, #tpu.memory_space<vmem>>, vector<16xf32>,
      tpu.vector_store %arg15[%swap3A_296, %swap3A_297], %mul3A_294 {strides = array<i32>} : memref<16x128xf32, #tpu.memory_space<vmem>>, vector<16xf32>,
      %get3A_299 = arith.constant 2 : i32
      %get3A_300 = arith.index_cast %get3A_299 : i32 to index
      %get3A_301 = arith.constant 48 : index
      %get3A_302 = tpu.vector_load %arg15[%get3A_300, %get3A_301] {strides = array<i32>} : memref<16x128xf32, #tpu.memory_space<vmem>>, vector<16xf32>,
      %mul3A_303 = vector.broadcast %squeeze3A_268 : f32 to vector<16xf32>
      %mul3A_304 = arith.mulf %get3A_302, %mul3A_303 : vector<16xf32>
      %swap3A_305 = arith.constant 2 : i32
      %swap3A_306 = arith.index_cast %swap3A_305 : i32 to index
      %swap3A_307 = arith.constant 48 : index
      %swap3A_308 = tpu.vector_load %arg15[%swap3A_306, %swap3A_307] {strides = array<i32>} : memref<16x128xf32, #tpu.memory_space<vmem>>, vector<16xf32>,
      tpu.vector_store %arg15[%swap3A_306, %swap3A_307], %mul3A_304 {strides = array<i32>} : memref<16x128xf32, #tpu.memory_space<vmem>>, vector<16xf32>,
      %get3A_309 = arith.constant 2 : i32
      %get3A_310 = arith.index_cast %get3A_309 : i32 to index
      %get3A_311 = arith.constant 64 : index
      %get3A_312 = tpu.vector_load %arg15[%get3A_310, %get3A_311] {strides = array<i32>} : memref<16x128xf32, #tpu.memory_space<vmem>>, vector<16xf32>,
      %mul3A_313 = vector.broadcast %squeeze3A_268 : f32 to vector<16xf32>
      %mul3A_314 = arith.mulf %get3A_312, %mul3A_313 : vector<16xf32>
      %swap3A_315 = arith.constant 2 : i32
      %swap3A_316 = arith.index_cast %swap3A_315 : i32 to index
      %swap3A_317 = arith.constant 64 : index
      %swap3A_318 = tpu.vector_load %arg15[%swap3A_316, %swap3A_317] {strides = array<i32>} : memref<16x128xf32, #tpu.memory_space<vmem>>, vector<16xf32>,
      tpu.vector_store %arg15[%swap3A_316, %swap3A_317], %mul3A_314 {strides = array<i32>} : memref<16x128xf32, #tpu.memory_space<vmem>>, vector<16xf32>,
      %get3A_319 = arith.constant 2 : i32
      %get3A_320 = arith.index_cast %get3A_319 : i32 to index
      %get3A_321 = arith.constant 80 : index
      %get3A_322 = tpu.vector_load %arg15[%get3A_320, %get3A_321] {strides = array<i32>} : memref<16x128xf32, #tpu.memory_space<vmem>>, vector<16xf32>,
      %mul3A_323 = vector.broadcast %squeeze3A_268 : f32 to vector<16xf32>
      %mul3A_324 = arith.mulf %get3A_322, %mul3A_323 : vector<16xf32>
      %swap3A_325 = arith.constant 2 : i32
      %swap3A_326 = arith.index_cast %swap3A_325 : i32 to index
      %swap3A_327 = arith.constant 80 : index
      %swap3A_328 = tpu.vector_load %arg15[%swap3A_326, %swap3A_327] {strides = array<i32>} : memref<16x128xf32, #tpu.memory_space<vmem>>, vector<16xf32>,
      tpu.vector_store %arg15[%swap3A_326, %swap3A_327], %mul3A_324 {strides = array<i32>} : memref<16x128xf32, #tpu.memory_space<vmem>>, vector<16xf32>,
      %get3A_329 = arith.constant 2 : i32
      %get3A_330 = arith.index_cast %get3A_329 : i32 to index
      %get3A_331 = arith.constant 96 : index
      %get3A_332 = tpu.vector_load %arg15[%get3A_330, %get3A_331] {strides = array<i32>} : memref<16x128xf32, #tpu.memory_space<vmem>>, vector<16xf32>,
      %mul3A_333 = vector.broadcast %squeeze3A_268 : f32 to vector<16xf32>
      %mul3A_334 = arith.mulf %get3A_332, %mul3A_333 : vector<16xf32>
      %swap3A_335 = arith.constant 2 : i32
      %swap3A_336 = arith.index_cast %swap3A_335 : i32 to index
      %swap3A_337 = arith.constant 96 : index
      %swap3A_338 = tpu.vector_load %arg15[%swap3A_336, %swap3A_337] {strides = array<i32>} : memref<16x128xf32, #tpu.memory_space<vmem>>, vector<16xf32>,
      tpu.vector_store %arg15[%swap3A_336, %swap3A_337], %mul3A_334 {strides = array<i32>} : memref<16x128xf32, #tpu.memory_space<vmem>>, vector<16xf32>,
      %get3A_339 = arith.constant 2 : i32
      %get3A_340 = arith.index_cast %get3A_339 : i32 to index
      %get3A_341 = arith.constant 112 : index
      %get3A_342 = tpu.vector_load %arg15[%get3A_340, %get3A_341] {strides = array<i32>} : memref<16x128xf32, #tpu.memory_space<vmem>>, vector<16xf32>,
      %mul3A_343 = vector.broadcast %squeeze3A_268 : f32 to vector<16xf32>
      %mul3A_344 = arith.mulf %get3A_342, %mul3A_343 : vector<16xf32>
      %swap3A_345 = arith.constant 2 : i32
      %swap3A_346 = arith.index_cast %swap3A_345 : i32 to index
      %swap3A_347 = arith.constant 112 : index
      %swap3A_348 = tpu.vector_load %arg15[%swap3A_346, %swap3A_347] {strides = array<i32>} : memref<16x128xf32, #tpu.memory_space<vmem>>, vector<16xf32>,
      tpu.vector_store %arg15[%swap3A_346, %swap3A_347], %mul3A_344 {strides = array<i32>} : memref<16x128xf32, #tpu.memory_space<vmem>>, vector<16xf32>,
      %slice3A_349 = vector.extract_strided_slice %div3A_104 {offsets = [3], sizes = [1], strides = [1]} : vector<16xf32> to vector<1xf32>
      %squeeze3A_350 = vector.extract %slice3A_349[0] : f32 from vector<1xf32>
      %get3A_351 = arith.constant 3 : i32
      %get3A_352 = arith.index_cast %get3A_351 : i32 to index
      %get3A_353 = arith.constant 0 : index
      %get3A_354 = tpu.vector_load %arg15[%get3A_352, %get3A_353] {strides = array<i32>} : memref<16x128xf32, #tpu.memory_space<vmem>>, vector<16xf32>,
      %mul3A_355 = vector.broadcast %squeeze3A_350 : f32 to vector<16xf32>
      %mul3A_356 = arith.mulf %get3A_354, %mul3A_355 : vector<16xf32>
      %swap3A_357 = arith.constant 3 : i32
      %swap3A_358 = arith.index_cast %swap3A_357 : i32 to index
      %swap3A_359 = arith.constant 0 : index
      %swap3A_360 = tpu.vector_load %arg15[%swap3A_358, %swap3A_359] {strides = array<i32>} : memref<16x128xf32, #tpu.memory_space<vmem>>, vector<16xf32>,
      tpu.vector_store %arg15[%swap3A_358, %swap3A_359], %mul3A_356 {strides = array<i32>} : memref<16x128xf32, #tpu.memory_space<vmem>>, vector<16xf32>,
      %get3A_361 = arith.constant 3 : i32
      %get3A_362 = arith.index_cast %get3A_361 : i32 to index
      %get3A_363 = arith.constant 16 : index
      %get3A_364 = tpu.vector_load %arg15[%get3A_362, %get3A_363] {strides = array<i32>} : memref<16x128xf32, #tpu.memory_space<vmem>>, vector<16xf32>,
      %mul3A_365 = vector.broadcast %squeeze3A_350 : f32 to vector<16xf32>
      %mul3A_366 = arith.mulf %get3A_364, %mul3A_365 : vector<16xf32>
      %swap3A_367 = arith.constant 3 : i32
      %swap3A_368 = arith.index_cast %swap3A_367 : i32 to index
      %swap3A_369 = arith.constant 16 : index
      %swap3A_370 = tpu.vector_load %arg15[%swap3A_368, %swap3A_369] {strides = array<i32>} : memref<16x128xf32, #tpu.memory_space<vmem>>, vector<16xf32>,
      tpu.vector_store %arg15[%swap3A_368, %swap3A_369], %mul3A_366 {strides = array<i32>} : memref<16x128xf32, #tpu.memory_space<vmem>>, vector<16xf32>,
      %get3A_371 = arith.constant 3 : i32
      %get3A_372 = arith.index_cast %get3A_371 : i32 to index
      %get3A_373 = arith.constant 32 : index
      %get3A_374 = tpu.vector_load %arg15[%get3A_372, %get3A_373] {strides = array<i32>} : memref<16x128xf32, #tpu.memory_space<vmem>>, vector<16xf32>,
      %mul3A_375 = vector.broadcast %squeeze3A_350 : f32 to vector<16xf32>
      %mul3A_376 = arith.mulf %get3A_374, %mul3A_375 : vector<16xf32>
      %swap3A_377 = arith.constant 3 : i32
      %swap3A_378 = arith.index_cast %swap3A_377 : i32 to index
      %swap3A_379 = arith.constant 32 : index
      %swap3A_380 = tpu.vector_load %arg15[%swap3A_378, %swap3A_379] {strides = array<i32>} : memref<16x128xf32, #tpu.memory_space<vmem>>, vector<16xf32>,
      tpu.vector_store %arg15[%swap3A_378, %swap3A_379], %mul3A_376 {strides = array<i32>} : memref<16x128xf32, #tpu.memory_space<vmem>>, vector<16xf32>,
      %get3A_381 = arith.constant 3 : i32
      %get3A_382 = arith.index_cast %get3A_381 : i32 to index
      %get3A_383 = arith.constant 48 : index
      %get3A_384 = tpu.vector_load %arg15[%get3A_382, %get3A_383] {strides = array<i32>} : memref<16x128xf32, #tpu.memory_space<vmem>>, vector<16xf32>,
      %mul3A_385 = vector.broadcast %squeeze3A_350 : f32 to vector<16xf32>
      %mul3A_386 = arith.mulf %get3A_384, %mul3A_385 : vector<16xf32>
      %swap3A_387 = arith.constant 3 : i32
      %swap3A_388 = arith.index_cast %swap3A_387 : i32 to index
      %swap3A_389 = arith.constant 48 : index
      %swap3A_390 = tpu.vector_load %arg15[%swap3A_388, %swap3A_389] {strides = array<i32>} : memref<16x128xf32, #tpu.memory_space<vmem>>, vector<16xf32>,
      tpu.vector_store %arg15[%swap3A_388, %swap3A_389], %mul3A_386 {strides = array<i32>} : memref<16x128xf32, #tpu.memory_space<vmem>>, vector<16xf32>,
      %get3A_391 = arith.constant 3 : i32
      %get3A_392 = arith.index_cast %get3A_391 : i32 to index
      %get3A_393 = arith.constant 64 : index
      %get3A_394 = tpu.vector_load %arg15[%get3A_392, %get3A_393] {strides = array<i32>} : memref<16x128xf32, #tpu.memory_space<vmem>>, vector<16xf32>,
      %mul3A_395 = vector.broadcast %squeeze3A_350 : f32 to vector<16xf32>
      %mul3A_396 = arith.mulf %get3A_394, %mul3A_395 : vector<16xf32>
      %swap3A_397 = arith.constant 3 : i32
      %swap3A_398 = arith.index_cast %swap3A_397 : i32 to index
      %swap3A_399 = arith.constant 64 : index
      %swap3A_400 = tpu.vector_load %arg15[%swap3A_398, %swap3A_399] {strides = array<i32>} : memref<16x128xf32, #tpu.memory_space<vmem>>, vector<16xf32>,
      tpu.vector_store %arg15[%swap3A_398, %swap3A_399], %mul3A_396 {strides = array<i32>} : memref<16x128xf32, #tpu.memory_space<vmem>>, vector<16xf32>,
      %get3A_401 = arith.constant 3 : i32
      %get3A_402 = arith.index_cast %get3A_401 : i32 to index
      %get3A_403 = arith.constant 80 : index
      %get3A_404 = tpu.vector_load %arg15[%get3A_402, %get3A_403] {strides = array<i32>} : memref<16x128xf32, #tpu.memory_space<vmem>>, vector<16xf32>,
      %mul3A_405 = vector.broadcast %squeeze3A_350 : f32 to vector<16xf32>
      %mul3A_406 = arith.mulf %get3A_404, %mul3A_405 : vector<16xf32>
      %swap3A_407 = arith.constant 3 : i32
      %swap3A_408 = arith.index_cast %swap3A_407 : i32 to index
      %swap3A_409 = arith.constant 80 : index
      %swap3A_410 = tpu.vector_load %arg15[%swap3A_408, %swap3A_409] {strides = array<i32>} : memref<16x128xf32, #tpu.memory_space<vmem>>, vector<16xf32>,
      tpu.vector_store %arg15[%swap3A_408, %swap3A_409], %mul3A_406 {strides = array<i32>} : memref<16x128xf32, #tpu.memory_space<vmem>>, vector<16xf32>,
      %get3A_411 = arith.constant 3 : i32
      %get3A_412 = arith.index_cast %get3A_411 : i32 to index
      %get3A_413 = arith.constant 96 : index
      %get3A_414 = tpu.vector_load %arg15[%get3A_412, %get3A_413] {strides = array<i32>} : memref<16x128xf32, #tpu.memory_space<vmem>>, vector<16xf32>,
      %mul3A_415 = vector.broadcast %squeeze3A_350 : f32 to vector<16xf32>
      %mul3A_416 = arith.mulf %get3A_414, %mul3A_415 : vector<16xf32>
      %swap3A_417 = arith.constant 3 : i32
      %swap3A_418 = arith.index_cast %swap3A_417 : i32 to index
      %swap3A_419 = arith.constant 96 : index
      %swap3A_420 = tpu.vector_load %arg15[%swap3A_418, %swap3A_419] {strides = array<i32>} : memref<16x128xf32, #tpu.memory_space<vmem>>, vector<16xf32>,
      tpu.vector_store %arg15[%swap3A_418, %swap3A_419], %mul3A_416 {strides = array<i32>} : memref<16x128xf32, #tpu.memory_space<vmem>>, vector<16xf32>,
      %get3A_421 = arith.constant 3 : i32
      %get3A_422 = arith.index_cast %get3A_421 : i32 to index
      %get3A_423 = arith.constant 112 : index
      %get3A_424 = tpu.vector_load %arg15[%get3A_422, %get3A_423] {strides = array<i32>} : memref<16x128xf32, #tpu.memory_space<vmem>>, vector<16xf32>,
      %mul3A_425 = vector.broadcast %squeeze3A_350 : f32 to vector<16xf32>
      %mul3A_426 = arith.mulf %get3A_424, %mul3A_425 : vector<16xf32>
      %swap3A_427 = arith.constant 3 : i32
      %swap3A_428 = arith.index_cast %swap3A_427 : i32 to index
      %swap3A_429 = arith.constant 112 : index
      %swap3A_430 = tpu.vector_load %arg15[%swap3A_428, %swap3A_429] {strides = array<i32>} : memref<16x128xf32, #tpu.memory_space<vmem>>, vector<16xf32>,
      tpu.vector_store %arg15[%swap3A_428, %swap3A_429], %mul3A_426 {strides = array<i32>} : memref<16x128xf32, #tpu.memory_space<vmem>>, vector<16xf32>,
      %slice3A_431 = vector.extract_strided_slice %div3A_104 {offsets = [4], sizes = [1], strides = [1]} : vector<16xf32> to vector<1xf32>
      %squeeze3A_432 = vector.extract %slice3A_431[0] : f32 from vector<1xf32>
      %get3A_433 = arith.constant 4 : i32
      %get3A_434 = arith.index_cast %get3A_433 : i32 to index
      %get3A_435 = arith.constant 0 : index
      %get3A_436 = tpu.vector_load %arg15[%get3A_434, %get3A_435] {strides = array<i32>} : memref<16x128xf32, #tpu.memory_space<vmem>>, vector<16xf32>,
      %mul3A_437 = vector.broadcast %squeeze3A_432 : f32 to vector<16xf32>
      %mul3A_438 = arith.mulf %get3A_436, %mul3A_437 : vector<16xf32>
      %swap3A_439 = arith.constant 4 : i32
      %swap3A_440 = arith.index_cast %swap3A_439 : i32 to index
      %swap3A_441 = arith.constant 0 : index
      %swap3A_442 = tpu.vector_load %arg15[%swap3A_440, %swap3A_441] {strides = array<i32>} : memref<16x128xf32, #tpu.memory_space<vmem>>, vector<16xf32>,
      tpu.vector_store %arg15[%swap3A_440, %swap3A_441], %mul3A_438 {strides = array<i32>} : memref<16x128xf32, #tpu.memory_space<vmem>>, vector<16xf32>,
      %get3A_443 = arith.constant 4 : i32
      %get3A_444 = arith.index_cast %get3A_443 : i32 to index
      %get3A_445 = arith.constant 16 : index
      %get3A_446 = tpu.vector_load %arg15[%get3A_444, %get3A_445] {strides = array<i32>} : memref<16x128xf32, #tpu.memory_space<vmem>>, vector<16xf32>,
      %mul3A_447 = vector.broadcast %squeeze3A_432 : f32 to vector<16xf32>
      %mul3A_448 = arith.mulf %get3A_446, %mul3A_447 : vector<16xf32>
      %swap3A_449 = arith.constant 4 : i32
      %swap3A_450 = arith.index_cast %swap3A_449 : i32 to index
      %swap3A_451 = arith.constant 16 : index
      %swap3A_452 = tpu.vector_load %arg15[%swap3A_450, %swap3A_451] {strides = array<i32>} : memref<16x128xf32, #tpu.memory_space<vmem>>, vector<16xf32>,
      tpu.vector_store %arg15[%swap3A_450, %swap3A_451], %mul3A_448 {strides = array<i32>} : memref<16x128xf32, #tpu.memory_space<vmem>>, vector<16xf32>,
      %get3A_453 = arith.constant 4 : i32
      %get3A_454 = arith.index_cast %get3A_453 : i32 to index
      %get3A_455 = arith.constant 32 : index
      %get3A_456 = tpu.vector_load %arg15[%get3A_454, %get3A_455] {strides = array<i32>} : memref<16x128xf32, #tpu.memory_space<vmem>>, vector<16xf32>,
      %mul3A_457 = vector.broadcast %squeeze3A_432 : f32 to vector<16xf32>
      %mul3A_458 = arith.mulf %get3A_456, %mul3A_457 : vector<16xf32>
      %swap3A_459 = arith.constant 4 : i32
      %swap3A_460 = arith.index_cast %swap3A_459 : i32 to index
      %swap3A_461 = arith.constant 32 : index
      %swap3A_462 = tpu.vector_load %arg15[%swap3A_460, %swap3A_461] {strides = array<i32>} : memref<16x128xf32, #tpu.memory_space<vmem>>, vector<16xf32>,
      tpu.vector_store %arg15[%swap3A_460, %swap3A_461], %mul3A_458 {strides = array<i32>} : memref<16x128xf32, #tpu.memory_space<vmem>>, vector<16xf32>,
      %get3A_463 = arith.constant 4 : i32
      %get3A_464 = arith.index_cast %get3A_463 : i32 to index
      %get3A_465 = arith.constant 48 : index
      %get3A_466 = tpu.vector_load %arg15[%get3A_464, %get3A_465] {strides = array<i32>} : memref<16x128xf32, #tpu.memory_space<vmem>>, vector<16xf32>,
      %mul3A_467 = vector.broadcast %squeeze3A_432 : f32 to vector<16xf32>
      %mul3A_468 = arith.mulf %get3A_466, %mul3A_467 : vector<16xf32>
      %swap3A_469 = arith.constant 4 : i32
      %swap3A_470 = arith.index_cast %swap3A_469 : i32 to index
      %swap3A_471 = arith.constant 48 : index
      %swap3A_472 = tpu.vector_load %arg15[%swap3A_470, %swap3A_471] {strides = array<i32>} : memref<16x128xf32, #tpu.memory_space<vmem>>, vector<16xf32>,
      tpu.vector_store %arg15[%swap3A_470, %swap3A_471], %mul3A_468 {strides = array<i32>} : memref<16x128xf32, #tpu.memory_space<vmem>>, vector<16xf32>,
      %get3A_473 = arith.constant 4 : i32
      %get3A_474 = arith.index_cast %get3A_473 : i32 to index
      %get3A_475 = arith.constant 64 : index
      %get3A_476 = tpu.vector_load %arg15[%get3A_474, %get3A_475] {strides = array<i32>} : memref<16x128xf32, #tpu.memory_space<vmem>>, vector<16xf32>,
      %mul3A_477 = vector.broadcast %squeeze3A_432 : f32 to vector<16xf32>
      %mul3A_478 = arith.mulf %get3A_476, %mul3A_477 : vector<16xf32>
      %swap3A_479 = arith.constant 4 : i32
      %swap3A_480 = arith.index_cast %swap3A_479 : i32 to index
      %swap3A_481 = arith.constant 64 : index
      %swap3A_482 = tpu.vector_load %arg15[%swap3A_480, %swap3A_481] {strides = array<i32>} : memref<16x128xf32, #tpu.memory_space<vmem>>, vector<16xf32>,
      tpu.vector_store %arg15[%swap3A_480, %swap3A_481], %mul3A_478 {strides = array<i32>} : memref<16x128xf32, #tpu.memory_space<vmem>>, vector<16xf32>,
      %get3A_483 = arith.constant 4 : i32
      %get3A_484 = arith.index_cast %get3A_483 : i32 to index
      %get3A_485 = arith.constant 80 : index
      %get3A_486 = tpu.vector_load %arg15[%get3A_484, %get3A_485] {strides = array<i32>} : memref<16x128xf32, #tpu.memory_space<vmem>>, vector<16xf32>,
      %mul3A_487 = vector.broadcast %squeeze3A_432 : f32 to vector<16xf32>
      %mul3A_488 = arith.mulf %get3A_486, %mul3A_487 : vector<16xf32>
      %swap3A_489 = arith.constant 4 : i32
      %swap3A_490 = arith.index_cast %swap3A_489 : i32 to index
      %swap3A_491 = arith.constant 80 : index
      %swap3A_492 = tpu.vector_load %arg15[%swap3A_490, %swap3A_491] {strides = array<i32>} : memref<16x128xf32, #tpu.memory_space<vmem>>, vector<16xf32>,
      tpu.vector_store %arg15[%swap3A_490, %swap3A_491], %mul3A_488 {strides = array<i32>} : memref<16x128xf32, #tpu.memory_space<vmem>>, vector<16xf32>,
      %get3A_493 = arith.constant 4 : i32
      %get3A_494 = arith.index_cast %get3A_493 : i32 to index
      %get3A_495 = arith.constant 96 : index
      %get3A_496 = tpu.vector_load %arg15[%get3A_494, %get3A_495] {strides = array<i32>} : memref<16x128xf32, #tpu.memory_space<vmem>>, vector<16xf32>,
      %mul3A_497 = vector.broadcast %squeeze3A_432 : f32 to vector<16xf32>
      %mul3A_498 = arith.mulf %get3A_496, %mul3A_497 : vector<16xf32>
      %swap3A_499 = arith.constant 4 : i32
      %swap3A_500 = arith.index_cast %swap3A_499 : i32 to index
      %swap3A_501 = arith.constant 96 : index
      %swap3A_502 = tpu.vector_load %arg15[%swap3A_500, %swap3A_501] {strides = array<i32>} : memref<16x128xf32, #tpu.memory_space<vmem>>, vector<16xf32>,
      tpu.vector_store %arg15[%swap3A_500, %swap3A_501], %mul3A_498 {strides = array<i32>} : memref<16x128xf32, #tpu.memory_space<vmem>>, vector<16xf32>,
      %get3A_503 = arith.constant 4 : i32
      %get3A_504 = arith.index_cast %get3A_503 : i32 to index
      %get3A_505 = arith.constant 112 : index
      %get3A_506 = tpu.vector_load %arg15[%get3A_504, %get3A_505] {strides = array<i32>} : memref<16x128xf32, #tpu.memory_space<vmem>>, vector<16xf32>,
      %mul3A_507 = vector.broadcast %squeeze3A_432 : f32 to vector<16xf32>
      %mul3A_508 = arith.mulf %get3A_506, %mul3A_507 : vector<16xf32>
      %swap3A_509 = arith.constant 4 : i32
      %swap3A_510 = arith.index_cast %swap3A_509 : i32 to index
      %swap3A_511 = arith.constant 112 : index
      %swap3A_512 = tpu.vector_load %arg15[%swap3A_510, %swap3A_511] {strides = array<i32>} : memref<16x128xf32, #tpu.memory_space<vmem>>, vector<16xf32>,
      tpu.vector_store %arg15[%swap3A_510, %swap3A_511], %mul3A_508 {strides = array<i32>} : memref<16x128xf32, #tpu.memory_space<vmem>>, vector<16xf32>,
      %slice3A_513 = vector.extract_strided_slice %div3A_104 {offsets = [5], sizes = [1], strides = [1]} : vector<16xf32> to vector<1xf32>
      %squeeze3A_514 = vector.extract %slice3A_513[0] : f32 from vector<1xf32>
      %get3A_515 = arith.constant 5 : i32
      %get3A_516 = arith.index_cast %get3A_515 : i32 to index
      %get3A_517 = arith.constant 0 : index
      %get3A_518 = tpu.vector_load %arg15[%get3A_516, %get3A_517] {strides = array<i32>} : memref<16x128xf32, #tpu.memory_space<vmem>>, vector<16xf32>,
      %mul3A_519 = vector.broadcast %squeeze3A_514 : f32 to vector<16xf32>
      %mul3A_520 = arith.mulf %get3A_518, %mul3A_519 : vector<16xf32>
      %swap3A_521 = arith.constant 5 : i32
      %swap3A_522 = arith.index_cast %swap3A_521 : i32 to index
      %swap3A_523 = arith.constant 0 : index
      %swap3A_524 = tpu.vector_load %arg15[%swap3A_522, %swap3A_523] {strides = array<i32>} : memref<16x128xf32, #tpu.memory_space<vmem>>, vector<16xf32>,
      tpu.vector_store %arg15[%swap3A_522, %swap3A_523], %mul3A_520 {strides = array<i32>} : memref<16x128xf32, #tpu.memory_space<vmem>>, vector<16xf32>,
      %get3A_525 = arith.constant 5 : i32
      %get3A_526 = arith.index_cast %get3A_525 : i32 to index
      %get3A_527 = arith.constant 16 : index
      %get3A_528 = tpu.vector_load %arg15[%get3A_526, %get3A_527] {strides = array<i32>} : memref<16x128xf32, #tpu.memory_space<vmem>>, vector<16xf32>,
      %mul3A_529 = vector.broadcast %squeeze3A_514 : f32 to vector<16xf32>
      %mul3A_530 = arith.mulf %get3A_528, %mul3A_529 : vector<16xf32>
      %swap3A_531 = arith.constant 5 : i32
      %swap3A_532 = arith.index_cast %swap3A_531 : i32 to index
      %swap3A_533 = arith.constant 16 : index
      %swap3A_534 = tpu.vector_load %arg15[%swap3A_532, %swap3A_533] {strides = array<i32>} : memref<16x128xf32, #tpu.memory_space<vmem>>, vector<16xf32>,
      tpu.vector_store %arg15[%swap3A_532, %swap3A_533], %mul3A_530 {strides = array<i32>} : memref<16x128xf32, #tpu.memory_space<vmem>>, vector<16xf32>,
      %get3A_535 = arith.constant 5 : i32
      %get3A_536 = arith.index_cast %get3A_535 : i32 to index
      %get3A_537 = arith.constant 32 : index
      %get3A_538 = tpu.vector_load %arg15[%get3A_536, %get3A_537] {strides = array<i32>} : memref<16x128xf32, #tpu.memory_space<vmem>>, vector<16xf32>,
      %mul3A_539 = vector.broadcast %squeeze3A_514 : f32 to vector<16xf32>
      %mul3A_540 = arith.mulf %get3A_538, %mul3A_539 : vector<16xf32>
      %swap3A_541 = arith.constant 5 : i32
      %swap3A_542 = arith.index_cast %swap3A_541 : i32 to index
      %swap3A_543 = arith.constant 32 : index
      %swap3A_544 = tpu.vector_load %arg15[%swap3A_542, %swap3A_543] {strides = array<i32>} : memref<16x128xf32, #tpu.memory_space<vmem>>, vector<16xf32>,
      tpu.vector_store %arg15[%swap3A_542, %swap3A_543], %mul3A_540 {strides = array<i32>} : memref<16x128xf32, #tpu.memory_space<vmem>>, vector<16xf32>,
      %get3A_545 = arith.constant 5 : i32
      %get3A_546 = arith.index_cast %get3A_545 : i32 to index
      %get3A_547 = arith.constant 48 : index
      %get3A_548 = tpu.vector_load %arg15[%get3A_546, %get3A_547] {strides = array<i32>} : memref<16x128xf32, #tpu.memory_space<vmem>>, vector<16xf32>,
      %mul3A_549 = vector.broadcast %squeeze3A_514 : f32 to vector<16xf32>
      %mul3A_550 = arith.mulf %get3A_548, %mul3A_549 : vector<16xf32>
      %swap3A_551 = arith.constant 5 : i32
      %swap3A_552 = arith.index_cast %swap3A_551 : i32 to index
      %swap3A_553 = arith.constant 48 : index
      %swap3A_554 = tpu.vector_load %arg15[%swap3A_552, %swap3A_553] {strides = array<i32>} : memref<16x128xf32, #tpu.memory_space<vmem>>, vector<16xf32>,
      tpu.vector_store %arg15[%swap3A_552, %swap3A_553], %mul3A_550 {strides = array<i32>} : memref<16x128xf32, #tpu.memory_space<vmem>>, vector<16xf32>,
      %get3A_555 = arith.constant 5 : i32
      %get3A_556 = arith.index_cast %get3A_555 : i32 to index
      %get3A_557 = arith.constant 64 : index
      %get3A_558 = tpu.vector_load %arg15[%get3A_556, %get3A_557] {strides = array<i32>} : memref<16x128xf32, #tpu.memory_space<vmem>>, vector<16xf32>,
      %mul3A_559 = vector.broadcast %squeeze3A_514 : f32 to vector<16xf32>
      %mul3A_560 = arith.mulf %get3A_558, %mul3A_559 : vector<16xf32>
      %swap3A_561 = arith.constant 5 : i32
      %swap3A_562 = arith.index_cast %swap3A_561 : i32 to index
      %swap3A_563 = arith.constant 64 : index
      %swap3A_564 = tpu.vector_load %arg15[%swap3A_562, %swap3A_563] {strides = array<i32>} : memref<16x128xf32, #tpu.memory_space<vmem>>, vector<16xf32>,
      tpu.vector_store %arg15[%swap3A_562, %swap3A_563], %mul3A_560 {strides = array<i32>} : memref<16x128xf32, #tpu.memory_space<vmem>>, vector<16xf32>,
      %get3A_565 = arith.constant 5 : i32
      %get3A_566 = arith.index_cast %get3A_565 : i32 to index
      %get3A_567 = arith.constant 80 : index
      %get3A_568 = tpu.vector_load %arg15[%get3A_566, %get3A_567] {strides = array<i32>} : memref<16x128xf32, #tpu.memory_space<vmem>>, vector<16xf32>,
      %mul3A_569 = vector.broadcast %squeeze3A_514 : f32 to vector<16xf32>
      %mul3A_570 = arith.mulf %get3A_568, %mul3A_569 : vector<16xf32>
      %swap3A_571 = arith.constant 5 : i32
      %swap3A_572 = arith.index_cast %swap3A_571 : i32 to index
      %swap3A_573 = arith.constant 80 : index
      %swap3A_574 = tpu.vector_load %arg15[%swap3A_572, %swap3A_573] {strides = array<i32>} : memref<16x128xf32, #tpu.memory_space<vmem>>, vector<16xf32>,
      tpu.vector_store %arg15[%swap3A_572, %swap3A_573], %mul3A_570 {strides = array<i32>} : memref<16x128xf32, #tpu.memory_space<vmem>>, vector<16xf32>,
      %get3A_575 = arith.constant 5 : i32
      %get3A_576 = arith.index_cast %get3A_575 : i32 to index
      %get3A_577 = arith.constant 96 : index
      %get3A_578 = tpu.vector_load %arg15[%get3A_576, %get3A_577] {strides = array<i32>} : memref<16x128xf32, #tpu.memory_space<vmem>>, vector<16xf32>,
      %mul3A_579 = vector.broadcast %squeeze3A_514 : f32 to vector<16xf32>
      %mul3A_580 = arith.mulf %get3A_578, %mul3A_579 : vector<16xf32>
      %swap3A_581 = arith.constant 5 : i32
      %swap3A_582 = arith.index_cast %swap3A_581 : i32 to index
      %swap3A_583 = arith.constant 96 : index
      %swap3A_584 = tpu.vector_load %arg15[%swap3A_582, %swap3A_583] {strides = array<i32>} : memref<16x128xf32, #tpu.memory_space<vmem>>, vector<16xf32>,
      tpu.vector_store %arg15[%swap3A_582, %swap3A_583], %mul3A_580 {strides = array<i32>} : memref<16x128xf32, #tpu.memory_space<vmem>>, vector<16xf32>,
      %get3A_585 = arith.constant 5 : i32
      %get3A_586 = arith.index_cast %get3A_585 : i32 to index
      %get3A_587 = arith.constant 112 : index
      %get3A_588 = tpu.vector_load %arg15[%get3A_586, %get3A_587] {strides = array<i32>} : memref<16x128xf32, #tpu.memory_space<vmem>>, vector<16xf32>,
      %mul3A_589 = vector.broadcast %squeeze3A_514 : f32 to vector<16xf32>
      %mul3A_590 = arith.mulf %get3A_588, %mul3A_589 : vector<16xf32>
      %swap3A_591 = arith.constant 5 : i32
      %swap3A_592 = arith.index_cast %swap3A_591 : i32 to index
      %swap3A_593 = arith.constant 112 : index
      %swap3A_594 = tpu.vector_load %arg15[%swap3A_592, %swap3A_593] {strides = array<i32>} : memref<16x128xf32, #tpu.memory_space<vmem>>, vector<16xf32>,
      tpu.vector_store %arg15[%swap3A_592, %swap3A_593], %mul3A_590 {strides = array<i32>} : memref<16x128xf32, #tpu.memory_space<vmem>>, vector<16xf32>,
      %slice3A_595 = vector.extract_strided_slice %div3A_104 {offsets = [6], sizes = [1], strides = [1]} : vector<16xf32> to vector<1xf32>
      %squeeze3A_596 = vector.extract %slice3A_595[0] : f32 from vector<1xf32>
      %get3A_597 = arith.constant 6 : i32
      %get3A_598 = arith.index_cast %get3A_597 : i32 to index
      %get3A_599 = arith.constant 0 : index
      %get3A_600 = tpu.vector_load %arg15[%get3A_598, %get3A_599] {strides = array<i32>} : memref<16x128xf32, #tpu.memory_space<vmem>>, vector<16xf32>,
      %mul3A_601 = vector.broadcast %squeeze3A_596 : f32 to vector<16xf32>
      %mul3A_602 = arith.mulf %get3A_600, %mul3A_601 : vector<16xf32>
      %swap3A_603 = arith.constant 6 : i32
      %swap3A_604 = arith.index_cast %swap3A_603 : i32 to index
      %swap3A_605 = arith.constant 0 : index
      %swap3A_606 = tpu.vector_load %arg15[%swap3A_604, %swap3A_605] {strides = array<i32>} : memref<16x128xf32, #tpu.memory_space<vmem>>, vector<16xf32>,
      tpu.vector_store %arg15[%swap3A_604, %swap3A_605], %mul3A_602 {strides = array<i32>} : memref<16x128xf32, #tpu.memory_space<vmem>>, vector<16xf32>,
      %get3A_607 = arith.constant 6 : i32
      %get3A_608 = arith.index_cast %get3A_607 : i32 to index
      %get3A_609 = arith.constant 16 : index
      %get3A_610 = tpu.vector_load %arg15[%get3A_608, %get3A_609] {strides = array<i32>} : memref<16x128xf32, #tpu.memory_space<vmem>>, vector<16xf32>,
      %mul3A_611 = vector.broadcast %squeeze3A_596 : f32 to vector<16xf32>
      %mul3A_612 = arith.mulf %get3A_610, %mul3A_611 : vector<16xf32>
      %swap3A_613 = arith.constant 6 : i32
      %swap3A_614 = arith.index_cast %swap3A_613 : i32 to index
      %swap3A_615 = arith.constant 16 : index
      %swap3A_616 = tpu.vector_load %arg15[%swap3A_614, %swap3A_615] {strides = array<i32>} : memref<16x128xf32, #tpu.memory_space<vmem>>, vector<16xf32>,
      tpu.vector_store %arg15[%swap3A_614, %swap3A_615], %mul3A_612 {strides = array<i32>} : memref<16x128xf32, #tpu.memory_space<vmem>>, vector<16xf32>,
      %get3A_617 = arith.constant 6 : i32
      %get3A_618 = arith.index_cast %get3A_617 : i32 to index
      %get3A_619 = arith.constant 32 : index
      %get3A_620 = tpu.vector_load %arg15[%get3A_618, %get3A_619] {strides = array<i32>} : memref<16x128xf32, #tpu.memory_space<vmem>>, vector<16xf32>,
      %mul3A_621 = vector.broadcast %squeeze3A_596 : f32 to vector<16xf32>
      %mul3A_622 = arith.mulf %get3A_620, %mul3A_621 : vector<16xf32>
      %swap3A_623 = arith.constant 6 : i32
      %swap3A_624 = arith.index_cast %swap3A_623 : i32 to index
      %swap3A_625 = arith.constant 32 : index
      %swap3A_626 = tpu.vector_load %arg15[%swap3A_624, %swap3A_625] {strides = array<i32>} : memref<16x128xf32, #tpu.memory_space<vmem>>, vector<16xf32>,
      tpu.vector_store %arg15[%swap3A_624, %swap3A_625], %mul3A_622 {strides = array<i32>} : memref<16x128xf32, #tpu.memory_space<vmem>>, vector<16xf32>,
      %get3A_627 = arith.constant 6 : i32
      %get3A_628 = arith.index_cast %get3A_627 : i32 to index
      %get3A_629 = arith.constant 48 : index
      %get3A_630 = tpu.vector_load %arg15[%get3A_628, %get3A_629] {strides = array<i32>} : memref<16x128xf32, #tpu.memory_space<vmem>>, vector<16xf32>,
      %mul3A_631 = vector.broadcast %squeeze3A_596 : f32 to vector<16xf32>
      %mul3A_632 = arith.mulf %get3A_630, %mul3A_631 : vector<16xf32>
      %swap3A_633 = arith.constant 6 : i32
      %swap3A_634 = arith.index_cast %swap3A_633 : i32 to index
      %swap3A_635 = arith.constant 48 : index
      %swap3A_636 = tpu.vector_load %arg15[%swap3A_634, %swap3A_635] {strides = array<i32>} : memref<16x128xf32, #tpu.memory_space<vmem>>, vector<16xf32>,
      tpu.vector_store %arg15[%swap3A_634, %swap3A_635], %mul3A_632 {strides = array<i32>} : memref<16x128xf32, #tpu.memory_space<vmem>>, vector<16xf32>,
      %get3A_637 = arith.constant 6 : i32
      %get3A_638 = arith.index_cast %get3A_637 : i32 to index
      %get3A_639 = arith.constant 64 : index
      %get3A_640 = tpu.vector_load %arg15[%get3A_638, %get3A_639] {strides = array<i32>} : memref<16x128xf32, #tpu.memory_space<vmem>>, vector<16xf32>,
      %mul3A_641 = vector.broadcast %squeeze3A_596 : f32 to vector<16xf32>
      %mul3A_642 = arith.mulf %get3A_640, %mul3A_641 : vector<16xf32>
      %swap3A_643 = arith.constant 6 : i32
      %swap3A_644 = arith.index_cast %swap3A_643 : i32 to index
      %swap3A_645 = arith.constant 64 : index
      %swap3A_646 = tpu.vector_load %arg15[%swap3A_644, %swap3A_645] {strides = array<i32>} : memref<16x128xf32, #tpu.memory_space<vmem>>, vector<16xf32>,
      tpu.vector_store %arg15[%swap3A_644, %swap3A_645], %mul3A_642 {strides = array<i32>} : memref<16x128xf32, #tpu.memory_space<vmem>>, vector<16xf32>,
      %get3A_647 = arith.constant 6 : i32
      %get3A_648 = arith.index_cast %get3A_647 : i32 to index
      %get3A_649 = arith.constant 80 : index
      %get3A_650 = tpu.vector_load %arg15[%get3A_648, %get3A_649] {strides = array<i32>} : memref<16x128xf32, #tpu.memory_space<vmem>>, vector<16xf32>,
      %mul3A_651 = vector.broadcast %squeeze3A_596 : f32 to vector<16xf32>
      %mul3A_652 = arith.mulf %get3A_650, %mul3A_651 : vector<16xf32>
      %swap3A_653 = arith.constant 6 : i32
      %swap3A_654 = arith.index_cast %swap3A_653 : i32 to index
      %swap3A_655 = arith.constant 80 : index
      %swap3A_656 = tpu.vector_load %arg15[%swap3A_654, %swap3A_655] {strides = array<i32>} : memref<16x128xf32, #tpu.memory_space<vmem>>, vector<16xf32>,
      tpu.vector_store %arg15[%swap3A_654, %swap3A_655], %mul3A_652 {strides = array<i32>} : memref<16x128xf32, #tpu.memory_space<vmem>>, vector<16xf32>,
      %get3A_657 = arith.constant 6 : i32
      %get3A_658 = arith.index_cast %get3A_657 : i32 to index
      %get3A_659 = arith.constant 96 : index
      %get3A_660 = tpu.vector_load %arg15[%get3A_658, %get3A_659] {strides = array<i32>} : memref<16x128xf32, #tpu.memory_space<vmem>>, vector<16xf32>,
      %mul3A_661 = vector.broadcast %squeeze3A_596 : f32 to vector<16xf32>
      %mul3A_662 = arith.mulf %get3A_660, %mul3A_661 : vector<16xf32>
      %swap3A_663 = arith.constant 6 : i32
      %swap3A_664 = arith.index_cast %swap3A_663 : i32 to index
      %swap3A_665 = arith.constant 96 : index
      %swap3A_666 = tpu.vector_load %arg15[%swap3A_664, %swap3A_665] {strides = array<i32>} : memref<16x128xf32, #tpu.memory_space<vmem>>, vector<16xf32>,
      tpu.vector_store %arg15[%swap3A_664, %swap3A_665], %mul3A_662 {strides = array<i32>} : memref<16x128xf32, #tpu.memory_space<vmem>>, vector<16xf32>,
      %get3A_667 = arith.constant 6 : i32
      %get3A_668 = arith.index_cast %get3A_667 : i32 to index
      %get3A_669 = arith.constant 112 : index
      %get3A_670 = tpu.vector_load %arg15[%get3A_668, %get3A_669] {strides = array<i32>} : memref<16x128xf32, #tpu.memory_space<vmem>>, vector<16xf32>,
      %mul3A_671 = vector.broadcast %squeeze3A_596 : f32 to vector<16xf32>
      %mul3A_672 = arith.mulf %get3A_670, %mul3A_671 : vector<16xf32>
      %swap3A_673 = arith.constant 6 : i32
      %swap3A_674 = arith.index_cast %swap3A_673 : i32 to index
      %swap3A_675 = arith.constant 112 : index
      %swap3A_676 = tpu.vector_load %arg15[%swap3A_674, %swap3A_675] {strides = array<i32>} : memref<16x128xf32, #tpu.memory_space<vmem>>, vector<16xf32>,
      tpu.vector_store %arg15[%swap3A_674, %swap3A_675], %mul3A_672 {strides = array<i32>} : memref<16x128xf32, #tpu.memory_space<vmem>>, vector<16xf32>,
      %slice3A_677 = vector.extract_strided_slice %div3A_104 {offsets = [7], sizes = [1], strides = [1]} : vector<16xf32> to vector<1xf32>
      %squeeze3A_678 = vector.extract %slice3A_677[0] : f32 from vector<1xf32>
      %get3A_679 = arith.constant 7 : i32
      %get3A_680 = arith.index_cast %get3A_679 : i32 to index
      %get3A_681 = arith.constant 0 : index
      %get3A_682 = tpu.vector_load %arg15[%get3A_680, %get3A_681] {strides = array<i32>} : memref<16x128xf32, #tpu.memory_space<vmem>>, vector<16xf32>,
      %mul3A_683 = vector.broadcast %squeeze3A_678 : f32 to vector<16xf32>
      %mul3A_684 = arith.mulf %get3A_682, %mul3A_683 : vector<16xf32>
      %swap3A_685 = arith.constant 7 : i32
      %swap3A_686 = arith.index_cast %swap3A_685 : i32 to index
      %swap3A_687 = arith.constant 0 : index
      %swap3A_688 = tpu.vector_load %arg15[%swap3A_686, %swap3A_687] {strides = array<i32>} : memref<16x128xf32, #tpu.memory_space<vmem>>, vector<16xf32>,
      tpu.vector_store %arg15[%swap3A_686, %swap3A_687], %mul3A_684 {strides = array<i32>} : memref<16x128xf32, #tpu.memory_space<vmem>>, vector<16xf32>,
      %get3A_689 = arith.constant 7 : i32
      %get3A_690 = arith.index_cast %get3A_689 : i32 to index
      %get3A_691 = arith.constant 16 : index
      %get3A_692 = tpu.vector_load %arg15[%get3A_690, %get3A_691] {strides = array<i32>} : memref<16x128xf32, #tpu.memory_space<vmem>>, vector<16xf32>,
      %mul3A_693 = vector.broadcast %squeeze3A_678 : f32 to vector<16xf32>
      %mul3A_694 = arith.mulf %get3A_692, %mul3A_693 : vector<16xf32>
      %swap3A_695 = arith.constant 7 : i32
      %swap3A_696 = arith.index_cast %swap3A_695 : i32 to index
      %swap3A_697 = arith.constant 16 : index
      %swap3A_698 = tpu.vector_load %arg15[%swap3A_696, %swap3A_697] {strides = array<i32>} : memref<16x128xf32, #tpu.memory_space<vmem>>, vector<16xf32>,
      tpu.vector_store %arg15[%swap3A_696, %swap3A_697], %mul3A_694 {strides = array<i32>} : memref<16x128xf32, #tpu.memory_space<vmem>>, vector<16xf32>,
      %get3A_699 = arith.constant 7 : i32
      %get3A_700 = arith.index_cast %get3A_699 : i32 to index
      %get3A_701 = arith.constant 32 : index
      %get3A_702 = tpu.vector_load %arg15[%get3A_700, %get3A_701] {strides = array<i32>} : memref<16x128xf32, #tpu.memory_space<vmem>>, vector<16xf32>,
      %mul3A_703 = vector.broadcast %squeeze3A_678 : f32 to vector<16xf32>
      %mul3A_704 = arith.mulf %get3A_702, %mul3A_703 : vector<16xf32>
      %swap3A_705 = arith.constant 7 : i32
      %swap3A_706 = arith.index_cast %swap3A_705 : i32 to index
      %swap3A_707 = arith.constant 32 : index
      %swap3A_708 = tpu.vector_load %arg15[%swap3A_706, %swap3A_707] {strides = array<i32>} : memref<16x128xf32, #tpu.memory_space<vmem>>, vector<16xf32>,
      tpu.vector_store %arg15[%swap3A_706, %swap3A_707], %mul3A_704 {strides = array<i32>} : memref<16x128xf32, #tpu.memory_space<vmem>>, vector<16xf32>,
      %get3A_709 = arith.constant 7 : i32
      %get3A_710 = arith.index_cast %get3A_709 : i32 to index
      %get3A_711 = arith.constant 48 : index
      %get3A_712 = tpu.vector_load %arg15[%get3A_710, %get3A_711] {strides = array<i32>} : memref<16x128xf32, #tpu.memory_space<vmem>>, vector<16xf32>,
      %mul3A_713 = vector.broadcast %squeeze3A_678 : f32 to vector<16xf32>
      %mul3A_714 = arith.mulf %get3A_712, %mul3A_713 : vector<16xf32>
      %swap3A_715 = arith.constant 7 : i32
      %swap3A_716 = arith.index_cast %swap3A_715 : i32 to index
      %swap3A_717 = arith.constant 48 : index
      %swap3A_718 = tpu.vector_load %arg15[%swap3A_716, %swap3A_717] {strides = array<i32>} : memref<16x128xf32, #tpu.memory_space<vmem>>, vector<16xf32>,
      tpu.vector_store %arg15[%swap3A_716, %swap3A_717], %mul3A_714 {strides = array<i32>} : memref<16x128xf32, #tpu.memory_space<vmem>>, vector<16xf32>,
      %get3A_719 = arith.constant 7 : i32
      %get3A_720 = arith.index_cast %get3A_719 : i32 to index
      %get3A_721 = arith.constant 64 : index
      %get3A_722 = tpu.vector_load %arg15[%get3A_720, %get3A_721] {strides = array<i32>} : memref<16x128xf32, #tpu.memory_space<vmem>>, vector<16xf32>,
      %mul3A_723 = vector.broadcast %squeeze3A_678 : f32 to vector<16xf32>
      %mul3A_724 = arith.mulf %get3A_722, %mul3A_723 : vector<16xf32>
      %swap3A_725 = arith.constant 7 : i32
      %swap3A_726 = arith.index_cast %swap3A_725 : i32 to index
      %swap3A_727 = arith.constant 64 : index
      %swap3A_728 = tpu.vector_load %arg15[%swap3A_726, %swap3A_727] {strides = array<i32>} : memref<16x128xf32, #tpu.memory_space<vmem>>, vector<16xf32>,
      tpu.vector_store %arg15[%swap3A_726, %swap3A_727], %mul3A_724 {strides = array<i32>} : memref<16x128xf32, #tpu.memory_space<vmem>>, vector<16xf32>,
      %get3A_729 = arith.constant 7 : i32
      %get3A_730 = arith.index_cast %get3A_729 : i32 to index
      %get3A_731 = arith.constant 80 : index
      %get3A_732 = tpu.vector_load %arg15[%get3A_730, %get3A_731] {strides = array<i32>} : memref<16x128xf32, #tpu.memory_space<vmem>>, vector<16xf32>,
      %mul3A_733 = vector.broadcast %squeeze3A_678 : f32 to vector<16xf32>
      %mul3A_734 = arith.mulf %get3A_732, %mul3A_733 : vector<16xf32>
      %swap3A_735 = arith.constant 7 : i32
      %swap3A_736 = arith.index_cast %swap3A_735 : i32 to index
      %swap3A_737 = arith.constant 80 : index
      %swap3A_738 = tpu.vector_load %arg15[%swap3A_736, %swap3A_737] {strides = array<i32>} : memref<16x128xf32, #tpu.memory_space<vmem>>, vector<16xf32>,
      tpu.vector_store %arg15[%swap3A_736, %swap3A_737], %mul3A_734 {strides = array<i32>} : memref<16x128xf32, #tpu.memory_space<vmem>>, vector<16xf32>,
      %get3A_739 = arith.constant 7 : i32
      %get3A_740 = arith.index_cast %get3A_739 : i32 to index
      %get3A_741 = arith.constant 96 : index
      %get3A_742 = tpu.vector_load %arg15[%get3A_740, %get3A_741] {strides = array<i32>} : memref<16x128xf32, #tpu.memory_space<vmem>>, vector<16xf32>,
      %mul3A_743 = vector.broadcast %squeeze3A_678 : f32 to vector<16xf32>
      %mul3A_744 = arith.mulf %get3A_742, %mul3A_743 : vector<16xf32>
      %swap3A_745 = arith.constant 7 : i32
      %swap3A_746 = arith.index_cast %swap3A_745 : i32 to index
      %swap3A_747 = arith.constant 96 : index
      %swap3A_748 = tpu.vector_load %arg15[%swap3A_746, %swap3A_747] {strides = array<i32>} : memref<16x128xf32, #tpu.memory_space<vmem>>, vector<16xf32>,
      tpu.vector_store %arg15[%swap3A_746, %swap3A_747], %mul3A_744 {strides = array<i32>} : memref<16x128xf32, #tpu.memory_space<vmem>>, vector<16xf32>,
      %get3A_749 = arith.constant 7 : i32
      %get3A_750 = arith.index_cast %get3A_749 : i32 to index
      %get3A_751 = arith.constant 112 : index
      %get3A_752 = tpu.vector_load %arg15[%get3A_750, %get3A_751] {strides = array<i32>} : memref<16x128xf32, #tpu.memory_space<vmem>>, vector<16xf32>,
      %mul3A_753 = vector.broadcast %squeeze3A_678 : f32 to vector<16xf32>
      %mul3A_754 = arith.mulf %get3A_752, %mul3A_753 : vector<16xf32>
      %swap3A_755 = arith.constant 7 : i32
      %swap3A_756 = arith.index_cast %swap3A_755 : i32 to index
      %swap3A_757 = arith.constant 112 : index
      %swap3A_758 = tpu.vector_load %arg15[%swap3A_756, %swap3A_757] {strides = array<i32>} : memref<16x128xf32, #tpu.memory_space<vmem>>, vector<16xf32>,
      tpu.vector_store %arg15[%swap3A_756, %swap3A_757], %mul3A_754 {strides = array<i32>} : memref<16x128xf32, #tpu.memory_space<vmem>>, vector<16xf32>,
      %slice3A_759 = vector.extract_strided_slice %div3A_104 {offsets = [8], sizes = [1], strides = [1]} : vector<16xf32> to vector<1xf32>
      %squeeze3A_760 = vector.extract %slice3A_759[0] : f32 from vector<1xf32>
      %get3A_761 = arith.constant 8 : i32
      %get3A_762 = arith.index_cast %get3A_761 : i32 to index
      %get3A_763 = arith.constant 0 : index
      %get3A_764 = tpu.vector_load %arg15[%get3A_762, %get3A_763] {strides = array<i32>} : memref<16x128xf32, #tpu.memory_space<vmem>>, vector<16xf32>,
      %mul3A_765 = vector.broadcast %squeeze3A_760 : f32 to vector<16xf32>
      %mul3A_766 = arith.mulf %get3A_764, %mul3A_765 : vector<16xf32>
      %swap3A_767 = arith.constant 8 : i32
      %swap3A_768 = arith.index_cast %swap3A_767 : i32 to index
      %swap3A_769 = arith.constant 0 : index
      %swap3A_770 = tpu.vector_load %arg15[%swap3A_768, %swap3A_769] {strides = array<i32>} : memref<16x128xf32, #tpu.memory_space<vmem>>, vector<16xf32>,
      tpu.vector_store %arg15[%swap3A_768, %swap3A_769], %mul3A_766 {strides = array<i32>} : memref<16x128xf32, #tpu.memory_space<vmem>>, vector<16xf32>,
      %get3A_771 = arith.constant 8 : i32
      %get3A_772 = arith.index_cast %get3A_771 : i32 to index
      %get3A_773 = arith.constant 16 : index
      %get3A_774 = tpu.vector_load %arg15[%get3A_772, %get3A_773] {strides = array<i32>} : memref<16x128xf32, #tpu.memory_space<vmem>>, vector<16xf32>,
      %mul3A_775 = vector.broadcast %squeeze3A_760 : f32 to vector<16xf32>
      %mul3A_776 = arith.mulf %get3A_774, %mul3A_775 : vector<16xf32>
      %swap3A_777 = arith.constant 8 : i32
      %swap3A_778 = arith.index_cast %swap3A_777 : i32 to index
      %swap3A_779 = arith.constant 16 : index
      %swap3A_780 = tpu.vector_load %arg15[%swap3A_778, %swap3A_779] {strides = array<i32>} : memref<16x128xf32, #tpu.memory_space<vmem>>, vector<16xf32>,
      tpu.vector_store %arg15[%swap3A_778, %swap3A_779], %mul3A_776 {strides = array<i32>} : memref<16x128xf32, #tpu.memory_space<vmem>>, vector<16xf32>,
      %get3A_781 = arith.constant 8 : i32
      %get3A_782 = arith.index_cast %get3A_781 : i32 to index
      %get3A_783 = arith.constant 32 : index
      %get3A_784 = tpu.vector_load %arg15[%get3A_782, %get3A_783] {strides = array<i32>} : memref<16x128xf32, #tpu.memory_space<vmem>>, vector<16xf32>,
      %mul3A_785 = vector.broadcast %squeeze3A_760 : f32 to vector<16xf32>
      %mul3A_786 = arith.mulf %get3A_784, %mul3A_785 : vector<16xf32>
      %swap3A_787 = arith.constant 8 : i32
      %swap3A_788 = arith.index_cast %swap3A_787 : i32 to index
      %swap3A_789 = arith.constant 32 : index
      %swap3A_790 = tpu.vector_load %arg15[%swap3A_788, %swap3A_789] {strides = array<i32>} : memref<16x128xf32, #tpu.memory_space<vmem>>, vector<16xf32>,
      tpu.vector_store %arg15[%swap3A_788, %swap3A_789], %mul3A_786 {strides = array<i32>} : memref<16x128xf32, #tpu.memory_space<vmem>>, vector<16xf32>,
      %get3A_791 = arith.constant 8 : i32
      %get3A_792 = arith.index_cast %get3A_791 : i32 to index
      %get3A_793 = arith.constant 48 : index
      %get3A_794 = tpu.vector_load %arg15[%get3A_792, %get3A_793] {strides = array<i32>} : memref<16x128xf32, #tpu.memory_space<vmem>>, vector<16xf32>,
      %mul3A_795 = vector.broadcast %squeeze3A_760 : f32 to vector<16xf32>
      %mul3A_796 = arith.mulf %get3A_794, %mul3A_795 : vector<16xf32>
      %swap3A_797 = arith.constant 8 : i32
      %swap3A_798 = arith.index_cast %swap3A_797 : i32 to index
      %swap3A_799 = arith.constant 48 : index
      %swap3A_800 = tpu.vector_load %arg15[%swap3A_798, %swap3A_799] {strides = array<i32>} : memref<16x128xf32, #tpu.memory_space<vmem>>, vector<16xf32>,
      tpu.vector_store %arg15[%swap3A_798, %swap3A_799], %mul3A_796 {strides = array<i32>} : memref<16x128xf32, #tpu.memory_space<vmem>>, vector<16xf32>,
      %get3A_801 = arith.constant 8 : i32
      %get3A_802 = arith.index_cast %get3A_801 : i32 to index
      %get3A_803 = arith.constant 64 : index
      %get3A_804 = tpu.vector_load %arg15[%get3A_802, %get3A_803] {strides = array<i32>} : memref<16x128xf32, #tpu.memory_space<vmem>>, vector<16xf32>,
      %mul3A_805 = vector.broadcast %squeeze3A_760 : f32 to vector<16xf32>
      %mul3A_806 = arith.mulf %get3A_804, %mul3A_805 : vector<16xf32>
      %swap3A_807 = arith.constant 8 : i32
      %swap3A_808 = arith.index_cast %swap3A_807 : i32 to index
      %swap3A_809 = arith.constant 64 : index
      %swap3A_810 = tpu.vector_load %arg15[%swap3A_808, %swap3A_809] {strides = array<i32>} : memref<16x128xf32, #tpu.memory_space<vmem>>, vector<16xf32>,
      tpu.vector_store %arg15[%swap3A_808, %swap3A_809], %mul3A_806 {strides = array<i32>} : memref<16x128xf32, #tpu.memory_space<vmem>>, vector<16xf32>,
      %get3A_811 = arith.constant 8 : i32
      %get3A_812 = arith.index_cast %get3A_811 : i32 to index
      %get3A_813 = arith.constant 80 : index
      %get3A_814 = tpu.vector_load %arg15[%get3A_812, %get3A_813] {strides = array<i32>} : memref<16x128xf32, #tpu.memory_space<vmem>>, vector<16xf32>,
      %mul3A_815 = vector.broadcast %squeeze3A_760 : f32 to vector<16xf32>
      %mul3A_816 = arith.mulf %get3A_814, %mul3A_815 : vector<16xf32>
      %swap3A_817 = arith.constant 8 : i32
      %swap3A_818 = arith.index_cast %swap3A_817 : i32 to index
      %swap3A_819 = arith.constant 80 : index
      %swap3A_820 = tpu.vector_load %arg15[%swap3A_818, %swap3A_819] {strides = array<i32>} : memref<16x128xf32, #tpu.memory_space<vmem>>, vector<16xf32>,
      tpu.vector_store %arg15[%swap3A_818, %swap3A_819], %mul3A_816 {strides = array<i32>} : memref<16x128xf32, #tpu.memory_space<vmem>>, vector<16xf32>,
      %get3A_821 = arith.constant 8 : i32
      %get3A_822 = arith.index_cast %get3A_821 : i32 to index
      %get3A_823 = arith.constant 96 : index
      %get3A_824 = tpu.vector_load %arg15[%get3A_822, %get3A_823] {strides = array<i32>} : memref<16x128xf32, #tpu.memory_space<vmem>>, vector<16xf32>,
      %mul3A_825 = vector.broadcast %squeeze3A_760 : f32 to vector<16xf32>
      %mul3A_826 = arith.mulf %get3A_824, %mul3A_825 : vector<16xf32>
      %swap3A_827 = arith.constant 8 : i32
      %swap3A_828 = arith.index_cast %swap3A_827 : i32 to index
      %swap3A_829 = arith.constant 96 : index
      %swap3A_830 = tpu.vector_load %arg15[%swap3A_828, %swap3A_829] {strides = array<i32>} : memref<16x128xf32, #tpu.memory_space<vmem>>, vector<16xf32>,
      tpu.vector_store %arg15[%swap3A_828, %swap3A_829], %mul3A_826 {strides = array<i32>} : memref<16x128xf32, #tpu.memory_space<vmem>>, vector<16xf32>,
      %get3A_831 = arith.constant 8 : i32
      %get3A_832 = arith.index_cast %get3A_831 : i32 to index
      %get3A_833 = arith.constant 112 : index
      %get3A_834 = tpu.vector_load %arg15[%get3A_832, %get3A_833] {strides = array<i32>} : memref<16x128xf32, #tpu.memory_space<vmem>>, vector<16xf32>,
      %mul3A_835 = vector.broadcast %squeeze3A_760 : f32 to vector<16xf32>
      %mul3A_836 = arith.mulf %get3A_834, %mul3A_835 : vector<16xf32>
      %swap3A_837 = arith.constant 8 : i32
      %swap3A_838 = arith.index_cast %swap3A_837 : i32 to index
      %swap3A_839 = arith.constant 112 : index
      %swap3A_840 = tpu.vector_load %arg15[%swap3A_838, %swap3A_839] {strides = array<i32>} : memref<16x128xf32, #tpu.memory_space<vmem>>, vector<16xf32>,
      tpu.vector_store %arg15[%swap3A_838, %swap3A_839], %mul3A_836 {strides = array<i32>} : memref<16x128xf32, #tpu.memory_space<vmem>>, vector<16xf32>,
      %slice3A_841 = vector.extract_strided_slice %div3A_104 {offsets = [9], sizes = [1], strides = [1]} : vector<16xf32> to vector<1xf32>
      %squeeze3A_842 = vector.extract %slice3A_841[0] : f32 from vector<1xf32>
      %get3A_843 = arith.constant 9 : i32
      %get3A_844 = arith.index_cast %get3A_843 : i32 to index
      %get3A_845 = arith.constant 0 : index
      %get3A_846 = tpu.vector_load %arg15[%get3A_844, %get3A_845] {strides = array<i32>} : memref<16x128xf32, #tpu.memory_space<vmem>>, vector<16xf32>,
      %mul3A_847 = vector.broadcast %squeeze3A_842 : f32 to vector<16xf32>
      %mul3A_848 = arith.mulf %get3A_846, %mul3A_847 : vector<16xf32>
      %swap3A_849 = arith.constant 9 : i32
      %swap3A_850 = arith.index_cast %swap3A_849 : i32 to index
      %swap3A_851 = arith.constant 0 : index
      %swap3A_852 = tpu.vector_load %arg15[%swap3A_850, %swap3A_851] {strides = array<i32>} : memref<16x128xf32, #tpu.memory_space<vmem>>, vector<16xf32>,
      tpu.vector_store %arg15[%swap3A_850, %swap3A_851], %mul3A_848 {strides = array<i32>} : memref<16x128xf32, #tpu.memory_space<vmem>>, vector<16xf32>,
      %get3A_853 = arith.constant 9 : i32
      %get3A_854 = arith.index_cast %get3A_853 : i32 to index
      %get3A_855 = arith.constant 16 : index
      %get3A_856 = tpu.vector_load %arg15[%get3A_854, %get3A_855] {strides = array<i32>} : memref<16x128xf32, #tpu.memory_space<vmem>>, vector<16xf32>,
      %mul3A_857 = vector.broadcast %squeeze3A_842 : f32 to vector<16xf32>
      %mul3A_858 = arith.mulf %get3A_856, %mul3A_857 : vector<16xf32>
      %swap3A_859 = arith.constant 9 : i32
      %swap3A_860 = arith.index_cast %swap3A_859 : i32 to index
      %swap3A_861 = arith.constant 16 : index
      %swap3A_862 = tpu.vector_load %arg15[%swap3A_860, %swap3A_861] {strides = array<i32>} : memref<16x128xf32, #tpu.memory_space<vmem>>, vector<16xf32>,
      tpu.vector_store %arg15[%swap3A_860, %swap3A_861], %mul3A_858 {strides = array<i32>} : memref<16x128xf32, #tpu.memory_space<vmem>>, vector<16xf32>,
      %get3A_863 = arith.constant 9 : i32
      %get3A_864 = arith.index_cast %get3A_863 : i32 to index
      %get3A_865 = arith.constant 32 : index
      %get3A_866 = tpu.vector_load %arg15[%get3A_864, %get3A_865] {strides = array<i32>} : memref<16x128xf32, #tpu.memory_space<vmem>>, vector<16xf32>,
      %mul3A_867 = vector.broadcast %squeeze3A_842 : f32 to vector<16xf32>
      %mul3A_868 = arith.mulf %get3A_866, %mul3A_867 : vector<16xf32>
      %swap3A_869 = arith.constant 9 : i32
      %swap3A_870 = arith.index_cast %swap3A_869 : i32 to index
      %swap3A_871 = arith.constant 32 : index
      %swap3A_872 = tpu.vector_load %arg15[%swap3A_870, %swap3A_871] {strides = array<i32>} : memref<16x128xf32, #tpu.memory_space<vmem>>, vector<16xf32>,
      tpu.vector_store %arg15[%swap3A_870, %swap3A_871], %mul3A_868 {strides = array<i32>} : memref<16x128xf32, #tpu.memory_space<vmem>>, vector<16xf32>,
      %get3A_873 = arith.constant 9 : i32
      %get3A_874 = arith.index_cast %get3A_873 : i32 to index
      %get3A_875 = arith.constant 48 : index
      %get3A_876 = tpu.vector_load %arg15[%get3A_874, %get3A_875] {strides = array<i32>} : memref<16x128xf32, #tpu.memory_space<vmem>>, vector<16xf32>,
      %mul3A_877 = vector.broadcast %squeeze3A_842 : f32 to vector<16xf32>
      %mul3A_878 = arith.mulf %get3A_876, %mul3A_877 : vector<16xf32>
      %swap3A_879 = arith.constant 9 : i32
      %swap3A_880 = arith.index_cast %swap3A_879 : i32 to index
      %swap3A_881 = arith.constant 48 : index
      %swap3A_882 = tpu.vector_load %arg15[%swap3A_880, %swap3A_881] {strides = array<i32>} : memref<16x128xf32, #tpu.memory_space<vmem>>, vector<16xf32>,
      tpu.vector_store %arg15[%swap3A_880, %swap3A_881], %mul3A_878 {strides = array<i32>} : memref<16x128xf32, #tpu.memory_space<vmem>>, vector<16xf32>,
      %get3A_883 = arith.constant 9 : i32
      %get3A_884 = arith.index_cast %get3A_883 : i32 to index
      %get3A_885 = arith.constant 64 : index
      %get3A_886 = tpu.vector_load %arg15[%get3A_884, %get3A_885] {strides = array<i32>} : memref<16x128xf32, #tpu.memory_space<vmem>>, vector<16xf32>,
      %mul3A_887 = vector.broadcast %squeeze3A_842 : f32 to vector<16xf32>
      %mul3A_888 = arith.mulf %get3A_886, %mul3A_887 : vector<16xf32>
      %swap3A_889 = arith.constant 9 : i32
      %swap3A_890 = arith.index_cast %swap3A_889 : i32 to index
      %swap3A_891 = arith.constant 64 : index
      %swap3A_892 = tpu.vector_load %arg15[%swap3A_890, %swap3A_891] {strides = array<i32>} : memref<16x128xf32, #tpu.memory_space<vmem>>, vector<16xf32>,
      tpu.vector_store %arg15[%swap3A_890, %swap3A_891], %mul3A_888 {strides = array<i32>} : memref<16x128xf32, #tpu.memory_space<vmem>>, vector<16xf32>,
      %get3A_893 = arith.constant 9 : i32
      %get3A_894 = arith.index_cast %get3A_893 : i32 to index
      %get3A_895 = arith.constant 80 : index
      %get3A_896 = tpu.vector_load %arg15[%get3A_894, %get3A_895] {strides = array<i32>} : memref<16x128xf32, #tpu.memory_space<vmem>>, vector<16xf32>,
      %mul3A_897 = vector.broadcast %squeeze3A_842 : f32 to vector<16xf32>
      %mul3A_898 = arith.mulf %get3A_896, %mul3A_897 : vector<16xf32>
      %swap3A_899 = arith.constant 9 : i32
      %swap3A_900 = arith.index_cast %swap3A_899 : i32 to index
      %swap3A_901 = arith.constant 80 : index
      %swap3A_902 = tpu.vector_load %arg15[%swap3A_900, %swap3A_901] {strides = array<i32>} : memref<16x128xf32, #tpu.memory_space<vmem>>, vector<16xf32>,
      tpu.vector_store %arg15[%swap3A_900, %swap3A_901], %mul3A_898 {strides = array<i32>} : memref<16x128xf32, #tpu.memory_space<vmem>>, vector<16xf32>,
      %get3A_903 = arith.constant 9 : i32
      %get3A_904 = arith.index_cast %get3A_903 : i32 to index
      %get3A_905 = arith.constant 96 : index
      %get3A_906 = tpu.vector_load %arg15[%get3A_904, %get3A_905] {strides = array<i32>} : memref<16x128xf32, #tpu.memory_space<vmem>>, vector<16xf32>,
      %mul3A_907 = vector.broadcast %squeeze3A_842 : f32 to vector<16xf32>
      %mul3A_908 = arith.mulf %get3A_906, %mul3A_907 : vector<16xf32>
      %swap3A_909 = arith.constant 9 : i32
      %swap3A_910 = arith.index_cast %swap3A_909 : i32 to index
      %swap3A_911 = arith.constant 96 : index
      %swap3A_912 = tpu.vector_load %arg15[%swap3A_910, %swap3A_911] {strides = array<i32>} : memref<16x128xf32, #tpu.memory_space<vmem>>, vector<16xf32>,
      tpu.vector_store %arg15[%swap3A_910, %swap3A_911], %mul3A_908 {strides = array<i32>} : memref<16x128xf32, #tpu.memory_space<vmem>>, vector<16xf32>,
      %get3A_913 = arith.constant 9 : i32
      %get3A_914 = arith.index_cast %get3A_913 : i32 to index
      %get3A_915 = arith.constant 112 : index
      %get3A_916 = tpu.vector_load %arg15[%get3A_914, %get3A_915] {strides = array<i32>} : memref<16x128xf32, #tpu.memory_space<vmem>>, vector<16xf32>,
      %mul3A_917 = vector.broadcast %squeeze3A_842 : f32 to vector<16xf32>
      %mul3A_918 = arith.mulf %get3A_916, %mul3A_917 : vector<16xf32>
      %swap3A_919 = arith.constant 9 : i32
      %swap3A_920 = arith.index_cast %swap3A_919 : i32 to index
      %swap3A_921 = arith.constant 112 : index
      %swap3A_922 = tpu.vector_load %arg15[%swap3A_920, %swap3A_921] {strides = array<i32>} : memref<16x128xf32, #tpu.memory_space<vmem>>, vector<16xf32>,
      tpu.vector_store %arg15[%swap3A_920, %swap3A_921], %mul3A_918 {strides = array<i32>} : memref<16x128xf32, #tpu.memory_space<vmem>>, vector<16xf32>,
      %slice3A_923 = vector.extract_strided_slice %div3A_104 {offsets = [10], sizes = [1], strides = [1]} : vector<16xf32> to vector<1xf32>
      %squeeze3A_924 = vector.extract %slice3A_923[0] : f32 from vector<1xf32>
      %get3A_925 = arith.constant 10 : i32
      %get3A_926 = arith.index_cast %get3A_925 : i32 to index
      %get3A_927 = arith.constant 0 : index
      %get3A_928 = tpu.vector_load %arg15[%get3A_926, %get3A_927] {strides = array<i32>} : memref<16x128xf32, #tpu.memory_space<vmem>>, vector<16xf32>,
      %mul3A_929 = vector.broadcast %squeeze3A_924 : f32 to vector<16xf32>
      %mul3A_930 = arith.mulf %get3A_928, %mul3A_929 : vector<16xf32>
      %swap3A_931 = arith.constant 10 : i32
      %swap3A_932 = arith.index_cast %swap3A_931 : i32 to index
      %swap3A_933 = arith.constant 0 : index
      %swap3A_934 = tpu.vector_load %arg15[%swap3A_932, %swap3A_933] {strides = array<i32>} : memref<16x128xf32, #tpu.memory_space<vmem>>, vector<16xf32>,
      tpu.vector_store %arg15[%swap3A_932, %swap3A_933], %mul3A_930 {strides = array<i32>} : memref<16x128xf32, #tpu.memory_space<vmem>>, vector<16xf32>,
      %get3A_935 = arith.constant 10 : i32
      %get3A_936 = arith.index_cast %get3A_935 : i32 to index
      %get3A_937 = arith.constant 16 : index
      %get3A_938 = tpu.vector_load %arg15[%get3A_936, %get3A_937] {strides = array<i32>} : memref<16x128xf32, #tpu.memory_space<vmem>>, vector<16xf32>,
      %mul3A_939 = vector.broadcast %squeeze3A_924 : f32 to vector<16xf32>
      %mul3A_940 = arith.mulf %get3A_938, %mul3A_939 : vector<16xf32>
      %swap3A_941 = arith.constant 10 : i32
      %swap3A_942 = arith.index_cast %swap3A_941 : i32 to index
      %swap3A_943 = arith.constant 16 : index
      %swap3A_944 = tpu.vector_load %arg15[%swap3A_942, %swap3A_943] {strides = array<i32>} : memref<16x128xf32, #tpu.memory_space<vmem>>, vector<16xf32>,
      tpu.vector_store %arg15[%swap3A_942, %swap3A_943], %mul3A_940 {strides = array<i32>} : memref<16x128xf32, #tpu.memory_space<vmem>>, vector<16xf32>,
      %get3A_945 = arith.constant 10 : i32
      %get3A_946 = arith.index_cast %get3A_945 : i32 to index
      %get3A_947 = arith.constant 32 : index
      %get3A_948 = tpu.vector_load %arg15[%get3A_946, %get3A_947] {strides = array<i32>} : memref<16x128xf32, #tpu.memory_space<vmem>>, vector<16xf32>,
      %mul3A_949 = vector.broadcast %squeeze3A_924 : f32 to vector<16xf32>
      %mul3A_950 = arith.mulf %get3A_948, %mul3A_949 : vector<16xf32>
      %swap3A_951 = arith.constant 10 : i32
      %swap3A_952 = arith.index_cast %swap3A_951 : i32 to index
      %swap3A_953 = arith.constant 32 : index
      %swap3A_954 = tpu.vector_load %arg15[%swap3A_952, %swap3A_953] {strides = array<i32>} : memref<16x128xf32, #tpu.memory_space<vmem>>, vector<16xf32>,
      tpu.vector_store %arg15[%swap3A_952, %swap3A_953], %mul3A_950 {strides = array<i32>} : memref<16x128xf32, #tpu.memory_space<vmem>>, vector<16xf32>,
      %get3A_955 = arith.constant 10 : i32
      %get3A_956 = arith.index_cast %get3A_955 : i32 to index
      %get3A_957 = arith.constant 48 : index
      %get3A_958 = tpu.vector_load %arg15[%get3A_956, %get3A_957] {strides = array<i32>} : memref<16x128xf32, #tpu.memory_space<vmem>>, vector<16xf32>,
      %mul3A_959 = vector.broadcast %squeeze3A_924 : f32 to vector<16xf32>
      %mul3A_960 = arith.mulf %get3A_958, %mul3A_959 : vector<16xf32>
      %swap3A_961 = arith.constant 10 : i32
      %swap3A_962 = arith.index_cast %swap3A_961 : i32 to index
      %swap3A_963 = arith.constant 48 : index
      %swap3A_964 = tpu.vector_load %arg15[%swap3A_962, %swap3A_963] {strides = array<i32>} : memref<16x128xf32, #tpu.memory_space<vmem>>, vector<16xf32>,
      tpu.vector_store %arg15[%swap3A_962, %swap3A_963], %mul3A_960 {strides = array<i32>} : memref<16x128xf32, #tpu.memory_space<vmem>>, vector<16xf32>,
      %get3A_965 = arith.constant 10 : i32
      %get3A_966 = arith.index_cast %get3A_965 : i32 to index
      %get3A_967 = arith.constant 64 : index
      %get3A_968 = tpu.vector_load %arg15[%get3A_966, %get3A_967] {strides = array<i32>} : memref<16x128xf32, #tpu.memory_space<vmem>>, vector<16xf32>,
      %mul3A_969 = vector.broadcast %squeeze3A_924 : f32 to vector<16xf32>
      %mul3A_970 = arith.mulf %get3A_968, %mul3A_969 : vector<16xf32>
      %swap3A_971 = arith.constant 10 : i32
      %swap3A_972 = arith.index_cast %swap3A_971 : i32 to index
      %swap3A_973 = arith.constant 64 : index
      %swap3A_974 = tpu.vector_load %arg15[%swap3A_972, %swap3A_973] {strides = array<i32>} : memref<16x128xf32, #tpu.memory_space<vmem>>, vector<16xf32>,
      tpu.vector_store %arg15[%swap3A_972, %swap3A_973], %mul3A_970 {strides = array<i32>} : memref<16x128xf32, #tpu.memory_space<vmem>>, vector<16xf32>,
      %get3A_975 = arith.constant 10 : i32
      %get3A_976 = arith.index_cast %get3A_975 : i32 to index
      %get3A_977 = arith.constant 80 : index
      %get3A_978 = tpu.vector_load %arg15[%get3A_976, %get3A_977] {strides = array<i32>} : memref<16x128xf32, #tpu.memory_space<vmem>>, vector<16xf32>,
      %mul3A_979 = vector.broadcast %squeeze3A_924 : f32 to vector<16xf32>
      %mul3A_980 = arith.mulf %get3A_978, %mul3A_979 : vector<16xf32>
      %swap3A_981 = arith.constant 10 : i32
      %swap3A_982 = arith.index_cast %swap3A_981 : i32 to index
      %swap3A_983 = arith.constant 80 : index
      %swap3A_984 = tpu.vector_load %arg15[%swap3A_982, %swap3A_983] {strides = array<i32>} : memref<16x128xf32, #tpu.memory_space<vmem>>, vector<16xf32>,
      tpu.vector_store %arg15[%swap3A_982, %swap3A_983], %mul3A_980 {strides = array<i32>} : memref<16x128xf32, #tpu.memory_space<vmem>>, vector<16xf32>,
      %get3A_985 = arith.constant 10 : i32
      %get3A_986 = arith.index_cast %get3A_985 : i32 to index
      %get3A_987 = arith.constant 96 : index
      %get3A_988 = tpu.vector_load %arg15[%get3A_986, %get3A_987] {strides = array<i32>} : memref<16x128xf32, #tpu.memory_space<vmem>>, vector<16xf32>,
      %mul3A_989 = vector.broadcast %squeeze3A_924 : f32 to vector<16xf32>
      %mul3A_990 = arith.mulf %get3A_988, %mul3A_989 : vector<16xf32>
      %swap3A_991 = arith.constant 10 : i32
      %swap3A_992 = arith.index_cast %swap3A_991 : i32 to index
      %swap3A_993 = arith.constant 96 : index
      %swap3A_994 = tpu.vector_load %arg15[%swap3A_992, %swap3A_993] {strides = array<i32>} : memref<16x128xf32, #tpu.memory_space<vmem>>, vector<16xf32>,
      tpu.vector_store %arg15[%swap3A_992, %swap3A_993], %mul3A_990 {strides = array<i32>} : memref<16x128xf32, #tpu.memory_space<vmem>>, vector<16xf32>,
      %get3A_995 = arith.constant 10 : i32
      %get3A_996 = arith.index_cast %get3A_995 : i32 to index
      %get3A_997 = arith.constant 112 : index
      %get3A_998 = tpu.vector_load %arg15[%get3A_996, %get3A_997] {strides = array<i32>} : memref<16x128xf32, #tpu.memory_space<vmem>>, vector<16xf32>,
      %mul3A_999 = vector.broadcast %squeeze3A_924 : f32 to vector<16xf32>
      %mul3A_1000 = arith.mulf %get3A_998, %mul3A_999 : vector<16xf32>
      %swap3A_1001 = arith.constant 10 : i32
      %swap3A_1002 = arith.index_cast %swap3A_1001 : i32 to index
      %swap3A_1003 = arith.constant 112 : index
      %swap3A_1004 = tpu.vector_load %arg15[%swap3A_1002, %swap3A_1003] {strides = array<i32>} : memref<16x128xf32, #tpu.memory_space<vmem>>, vector<16xf32>,
      tpu.vector_store %arg15[%swap3A_1002, %swap3A_1003], %mul3A_1000 {strides = array<i32>} : memref<16x128xf32, #tpu.memory_space<vmem>>, vector<16xf32>,
      %slice3A_1005 = vector.extract_strided_slice %div3A_104 {offsets = [11], sizes = [1], strides = [1]} : vector<16xf32> to vector<1xf32>
      %squeeze3A_1006 = vector.extract %slice3A_1005[0] : f32 from vector<1xf32>
      %get3A_1007 = arith.constant 11 : i32
      %get3A_1008 = arith.index_cast %get3A_1007 : i32 to index
      %get3A_1009 = arith.constant 0 : index
      %get3A_1010 = tpu.vector_load %arg15[%get3A_1008, %get3A_1009] {strides = array<i32>} : memref<16x128xf32, #tpu.memory_space<vmem>>, vector<16xf32>,
      %mul3A_1011 = vector.broadcast %squeeze3A_1006 : f32 to vector<16xf32>
      %mul3A_1012 = arith.mulf %get3A_1010, %mul3A_1011 : vector<16xf32>
      %swap3A_1013 = arith.constant 11 : i32
      %swap3A_1014 = arith.index_cast %swap3A_1013 : i32 to index
      %swap3A_1015 = arith.constant 0 : index
      %swap3A_1016 = tpu.vector_load %arg15[%swap3A_1014, %swap3A_1015] {strides = array<i32>} : memref<16x128xf32, #tpu.memory_space<vmem>>, vector<16xf32>,
      tpu.vector_store %arg15[%swap3A_1014, %swap3A_1015], %mul3A_1012 {strides = array<i32>} : memref<16x128xf32, #tpu.memory_space<vmem>>, vector<16xf32>,
      %get3A_1017 = arith.constant 11 : i32
      %get3A_1018 = arith.index_cast %get3A_1017 : i32 to index
      %get3A_1019 = arith.constant 16 : index
      %get3A_1020 = tpu.vector_load %arg15[%get3A_1018, %get3A_1019] {strides = array<i32>} : memref<16x128xf32, #tpu.memory_space<vmem>>, vector<16xf32>,
      %mul3A_1021 = vector.broadcast %squeeze3A_1006 : f32 to vector<16xf32>
      %mul3A_1022 = arith.mulf %get3A_1020, %mul3A_1021 : vector<16xf32>
      %swap3A_1023 = arith.constant 11 : i32
      %swap3A_1024 = arith.index_cast %swap3A_1023 : i32 to index
      %swap3A_1025 = arith.constant 16 : index
      %swap3A_1026 = tpu.vector_load %arg15[%swap3A_1024, %swap3A_1025] {strides = array<i32>} : memref<16x128xf32, #tpu.memory_space<vmem>>, vector<16xf32>,
      tpu.vector_store %arg15[%swap3A_1024, %swap3A_1025], %mul3A_1022 {strides = array<i32>} : memref<16x128xf32, #tpu.memory_space<vmem>>, vector<16xf32>,
      %get3A_1027 = arith.constant 11 : i32
      %get3A_1028 = arith.index_cast %get3A_1027 : i32 to index
      %get3A_1029 = arith.constant 32 : index
      %get3A_1030 = tpu.vector_load %arg15[%get3A_1028, %get3A_1029] {strides = array<i32>} : memref<16x128xf32, #tpu.memory_space<vmem>>, vector<16xf32>,
      %mul3A_1031 = vector.broadcast %squeeze3A_1006 : f32 to vector<16xf32>
      %mul3A_1032 = arith.mulf %get3A_1030, %mul3A_1031 : vector<16xf32>
      %swap3A_1033 = arith.constant 11 : i32
      %swap3A_1034 = arith.index_cast %swap3A_1033 : i32 to index
      %swap3A_1035 = arith.constant 32 : index
      %swap3A_1036 = tpu.vector_load %arg15[%swap3A_1034, %swap3A_1035] {strides = array<i32>} : memref<16x128xf32, #tpu.memory_space<vmem>>, vector<16xf32>,
      tpu.vector_store %arg15[%swap3A_1034, %swap3A_1035], %mul3A_1032 {strides = array<i32>} : memref<16x128xf32, #tpu.memory_space<vmem>>, vector<16xf32>,
      %get3A_1037 = arith.constant 11 : i32
      %get3A_1038 = arith.index_cast %get3A_1037 : i32 to index
      %get3A_1039 = arith.constant 48 : index
      %get3A_1040 = tpu.vector_load %arg15[%get3A_1038, %get3A_1039] {strides = array<i32>} : memref<16x128xf32, #tpu.memory_space<vmem>>, vector<16xf32>,
      %mul3A_1041 = vector.broadcast %squeeze3A_1006 : f32 to vector<16xf32>
      %mul3A_1042 = arith.mulf %get3A_1040, %mul3A_1041 : vector<16xf32>
      %swap3A_1043 = arith.constant 11 : i32
      %swap3A_1044 = arith.index_cast %swap3A_1043 : i32 to index
      %swap3A_1045 = arith.constant 48 : index
      %swap3A_1046 = tpu.vector_load %arg15[%swap3A_1044, %swap3A_1045] {strides = array<i32>} : memref<16x128xf32, #tpu.memory_space<vmem>>, vector<16xf32>,
      tpu.vector_store %arg15[%swap3A_1044, %swap3A_1045], %mul3A_1042 {strides = array<i32>} : memref<16x128xf32, #tpu.memory_space<vmem>>, vector<16xf32>,
      %get3A_1047 = arith.constant 11 : i32
      %get3A_1048 = arith.index_cast %get3A_1047 : i32 to index
      %get3A_1049 = arith.constant 64 : index
      %get3A_1050 = tpu.vector_load %arg15[%get3A_1048, %get3A_1049] {strides = array<i32>} : memref<16x128xf32, #tpu.memory_space<vmem>>, vector<16xf32>,
      %mul3A_1051 = vector.broadcast %squeeze3A_1006 : f32 to vector<16xf32>
      %mul3A_1052 = arith.mulf %get3A_1050, %mul3A_1051 : vector<16xf32>
      %swap3A_1053 = arith.constant 11 : i32
      %swap3A_1054 = arith.index_cast %swap3A_1053 : i32 to index
      %swap3A_1055 = arith.constant 64 : index
      %swap3A_1056 = tpu.vector_load %arg15[%swap3A_1054, %swap3A_1055] {strides = array<i32>} : memref<16x128xf32, #tpu.memory_space<vmem>>, vector<16xf32>,
      tpu.vector_store %arg15[%swap3A_1054, %swap3A_1055], %mul3A_1052 {strides = array<i32>} : memref<16x128xf32, #tpu.memory_space<vmem>>, vector<16xf32>,
      %get3A_1057 = arith.constant 11 : i32
      %get3A_1058 = arith.index_cast %get3A_1057 : i32 to index
      %get3A_1059 = arith.constant 80 : index
      %get3A_1060 = tpu.vector_load %arg15[%get3A_1058, %get3A_1059] {strides = array<i32>} : memref<16x128xf32, #tpu.memory_space<vmem>>, vector<16xf32>,
      %mul3A_1061 = vector.broadcast %squeeze3A_1006 : f32 to vector<16xf32>
      %mul3A_1062 = arith.mulf %get3A_1060, %mul3A_1061 : vector<16xf32>
      %swap3A_1063 = arith.constant 11 : i32
      %swap3A_1064 = arith.index_cast %swap3A_1063 : i32 to index
      %swap3A_1065 = arith.constant 80 : index
      %swap3A_1066 = tpu.vector_load %arg15[%swap3A_1064, %swap3A_1065] {strides = array<i32>} : memref<16x128xf32, #tpu.memory_space<vmem>>, vector<16xf32>,
      tpu.vector_store %arg15[%swap3A_1064, %swap3A_1065], %mul3A_1062 {strides = array<i32>} : memref<16x128xf32, #tpu.memory_space<vmem>>, vector<16xf32>,
      %get3A_1067 = arith.constant 11 : i32
      %get3A_1068 = arith.index_cast %get3A_1067 : i32 to index
      %get3A_1069 = arith.constant 96 : index
      %get3A_1070 = tpu.vector_load %arg15[%get3A_1068, %get3A_1069] {strides = array<i32>} : memref<16x128xf32, #tpu.memory_space<vmem>>, vector<16xf32>,
      %mul3A_1071 = vector.broadcast %squeeze3A_1006 : f32 to vector<16xf32>
      %mul3A_1072 = arith.mulf %get3A_1070, %mul3A_1071 : vector<16xf32>
      %swap3A_1073 = arith.constant 11 : i32
      %swap3A_1074 = arith.index_cast %swap3A_1073 : i32 to index
      %swap3A_1075 = arith.constant 96 : index
      %swap3A_1076 = tpu.vector_load %arg15[%swap3A_1074, %swap3A_1075] {strides = array<i32>} : memref<16x128xf32, #tpu.memory_space<vmem>>, vector<16xf32>,
      tpu.vector_store %arg15[%swap3A_1074, %swap3A_1075], %mul3A_1072 {strides = array<i32>} : memref<16x128xf32, #tpu.memory_space<vmem>>, vector<16xf32>,
      %get3A_1077 = arith.constant 11 : i32
      %get3A_1078 = arith.index_cast %get3A_1077 : i32 to index
      %get3A_1079 = arith.constant 112 : index
      %get3A_1080 = tpu.vector_load %arg15[%get3A_1078, %get3A_1079] {strides = array<i32>} : memref<16x128xf32, #tpu.memory_space<vmem>>, vector<16xf32>,
      %mul3A_1081 = vector.broadcast %squeeze3A_1006 : f32 to vector<16xf32>
      %mul3A_1082 = arith.mulf %get3A_1080, %mul3A_1081 : vector<16xf32>
      %swap3A_1083 = arith.constant 11 : i32
      %swap3A_1084 = arith.index_cast %swap3A_1083 : i32 to index
      %swap3A_1085 = arith.constant 112 : index
      %swap3A_1086 = tpu.vector_load %arg15[%swap3A_1084, %swap3A_1085] {strides = array<i32>} : memref<16x128xf32, #tpu.memory_space<vmem>>, vector<16xf32>,
      tpu.vector_store %arg15[%swap3A_1084, %swap3A_1085], %mul3A_1082 {strides = array<i32>} : memref<16x128xf32, #tpu.memory_space<vmem>>, vector<16xf32>,
      %slice3A_1087 = vector.extract_strided_slice %div3A_104 {offsets = [12], sizes = [1], strides = [1]} : vector<16xf32> to vector<1xf32>
      %squeeze3A_1088 = vector.extract %slice3A_1087[0] : f32 from vector<1xf32>
      %get3A_1089 = arith.constant 12 : i32
      %get3A_1090 = arith.index_cast %get3A_1089 : i32 to index
      %get3A_1091 = arith.constant 0 : index
      %get3A_1092 = tpu.vector_load %arg15[%get3A_1090, %get3A_1091] {strides = array<i32>} : memref<16x128xf32, #tpu.memory_space<vmem>>, vector<16xf32>,
      %mul3A_1093 = vector.broadcast %squeeze3A_1088 : f32 to vector<16xf32>
      %mul3A_1094 = arith.mulf %get3A_1092, %mul3A_1093 : vector<16xf32>
      %swap3A_1095 = arith.constant 12 : i32
      %swap3A_1096 = arith.index_cast %swap3A_1095 : i32 to index
      %swap3A_1097 = arith.constant 0 : index
      %swap3A_1098 = tpu.vector_load %arg15[%swap3A_1096, %swap3A_1097] {strides = array<i32>} : memref<16x128xf32, #tpu.memory_space<vmem>>, vector<16xf32>,
      tpu.vector_store %arg15[%swap3A_1096, %swap3A_1097], %mul3A_1094 {strides = array<i32>} : memref<16x128xf32, #tpu.memory_space<vmem>>, vector<16xf32>,
      %get3A_1099 = arith.constant 12 : i32
      %get3A_1100 = arith.index_cast %get3A_1099 : i32 to index
      %get3A_1101 = arith.constant 16 : index
      %get3A_1102 = tpu.vector_load %arg15[%get3A_1100, %get3A_1101] {strides = array<i32>} : memref<16x128xf32, #tpu.memory_space<vmem>>, vector<16xf32>,
      %mul3A_1103 = vector.broadcast %squeeze3A_1088 : f32 to vector<16xf32>
      %mul3A_1104 = arith.mulf %get3A_1102, %mul3A_1103 : vector<16xf32>
      %swap3A_1105 = arith.constant 12 : i32
      %swap3A_1106 = arith.index_cast %swap3A_1105 : i32 to index
      %swap3A_1107 = arith.constant 16 : index
      %swap3A_1108 = tpu.vector_load %arg15[%swap3A_1106, %swap3A_1107] {strides = array<i32>} : memref<16x128xf32, #tpu.memory_space<vmem>>, vector<16xf32>,
      tpu.vector_store %arg15[%swap3A_1106, %swap3A_1107], %mul3A_1104 {strides = array<i32>} : memref<16x128xf32, #tpu.memory_space<vmem>>, vector<16xf32>,
      %get3A_1109 = arith.constant 12 : i32
      %get3A_1110 = arith.index_cast %get3A_1109 : i32 to index
      %get3A_1111 = arith.constant 32 : index
      %get3A_1112 = tpu.vector_load %arg15[%get3A_1110, %get3A_1111] {strides = array<i32>} : memref<16x128xf32, #tpu.memory_space<vmem>>, vector<16xf32>,
      %mul3A_1113 = vector.broadcast %squeeze3A_1088 : f32 to vector<16xf32>
      %mul3A_1114 = arith.mulf %get3A_1112, %mul3A_1113 : vector<16xf32>
      %swap3A_1115 = arith.constant 12 : i32
      %swap3A_1116 = arith.index_cast %swap3A_1115 : i32 to index
      %swap3A_1117 = arith.constant 32 : index
      %swap3A_1118 = tpu.vector_load %arg15[%swap3A_1116, %swap3A_1117] {strides = array<i32>} : memref<16x128xf32, #tpu.memory_space<vmem>>, vector<16xf32>,
      tpu.vector_store %arg15[%swap3A_1116, %swap3A_1117], %mul3A_1114 {strides = array<i32>} : memref<16x128xf32, #tpu.memory_space<vmem>>, vector<16xf32>,
      %get3A_1119 = arith.constant 12 : i32
      %get3A_1120 = arith.index_cast %get3A_1119 : i32 to index
      %get3A_1121 = arith.constant 48 : index
      %get3A_1122 = tpu.vector_load %arg15[%get3A_1120, %get3A_1121] {strides = array<i32>} : memref<16x128xf32, #tpu.memory_space<vmem>>, vector<16xf32>,
      %mul3A_1123 = vector.broadcast %squeeze3A_1088 : f32 to vector<16xf32>
      %mul3A_1124 = arith.mulf %get3A_1122, %mul3A_1123 : vector<16xf32>
      %swap3A_1125 = arith.constant 12 : i32
      %swap3A_1126 = arith.index_cast %swap3A_1125 : i32 to index
      %swap3A_1127 = arith.constant 48 : index
      %swap3A_1128 = tpu.vector_load %arg15[%swap3A_1126, %swap3A_1127] {strides = array<i32>} : memref<16x128xf32, #tpu.memory_space<vmem>>, vector<16xf32>,
      tpu.vector_store %arg15[%swap3A_1126, %swap3A_1127], %mul3A_1124 {strides = array<i32>} : memref<16x128xf32, #tpu.memory_space<vmem>>, vector<16xf32>,
      %get3A_1129 = arith.constant 12 : i32
      %get3A_1130 = arith.index_cast %get3A_1129 : i32 to index
      %get3A_1131 = arith.constant 64 : index
      %get3A_1132 = tpu.vector_load %arg15[%get3A_1130, %get3A_1131] {strides = array<i32>} : memref<16x128xf32, #tpu.memory_space<vmem>>, vector<16xf32>,
      %mul3A_1133 = vector.broadcast %squeeze3A_1088 : f32 to vector<16xf32>
      %mul3A_1134 = arith.mulf %get3A_1132, %mul3A_1133 : vector<16xf32>
      %swap3A_1135 = arith.constant 12 : i32
      %swap3A_1136 = arith.index_cast %swap3A_1135 : i32 to index
      %swap3A_1137 = arith.constant 64 : index
      %swap3A_1138 = tpu.vector_load %arg15[%swap3A_1136, %swap3A_1137] {strides = array<i32>} : memref<16x128xf32, #tpu.memory_space<vmem>>, vector<16xf32>,
      tpu.vector_store %arg15[%swap3A_1136, %swap3A_1137], %mul3A_1134 {strides = array<i32>} : memref<16x128xf32, #tpu.memory_space<vmem>>, vector<16xf32>,
      %get3A_1139 = arith.constant 12 : i32
      %get3A_1140 = arith.index_cast %get3A_1139 : i32 to index
      %get3A_1141 = arith.constant 80 : index
      %get3A_1142 = tpu.vector_load %arg15[%get3A_1140, %get3A_1141] {strides = array<i32>} : memref<16x128xf32, #tpu.memory_space<vmem>>, vector<16xf32>,
      %mul3A_1143 = vector.broadcast %squeeze3A_1088 : f32 to vector<16xf32>
      %mul3A_1144 = arith.mulf %get3A_1142, %mul3A_1143 : vector<16xf32>
      %swap3A_1145 = arith.constant 12 : i32
      %swap3A_1146 = arith.index_cast %swap3A_1145 : i32 to index
      %swap3A_1147 = arith.constant 80 : index
      %swap3A_1148 = tpu.vector_load %arg15[%swap3A_1146, %swap3A_1147] {strides = array<i32>} : memref<16x128xf32, #tpu.memory_space<vmem>>, vector<16xf32>,
      tpu.vector_store %arg15[%swap3A_1146, %swap3A_1147], %mul3A_1144 {strides = array<i32>} : memref<16x128xf32, #tpu.memory_space<vmem>>, vector<16xf32>,
      %get3A_1149 = arith.constant 12 : i32
      %get3A_1150 = arith.index_cast %get3A_1149 : i32 to index
      %get3A_1151 = arith.constant 96 : index
      %get3A_1152 = tpu.vector_load %arg15[%get3A_1150, %get3A_1151] {strides = array<i32>} : memref<16x128xf32, #tpu.memory_space<vmem>>, vector<16xf32>,
      %mul3A_1153 = vector.broadcast %squeeze3A_1088 : f32 to vector<16xf32>
      %mul3A_1154 = arith.mulf %get3A_1152, %mul3A_1153 : vector<16xf32>
      %swap3A_1155 = arith.constant 12 : i32
      %swap3A_1156 = arith.index_cast %swap3A_1155 : i32 to index
      %swap3A_1157 = arith.constant 96 : index
      %swap3A_1158 = tpu.vector_load %arg15[%swap3A_1156, %swap3A_1157] {strides = array<i32>} : memref<16x128xf32, #tpu.memory_space<vmem>>, vector<16xf32>,
      tpu.vector_store %arg15[%swap3A_1156, %swap3A_1157], %mul3A_1154 {strides = array<i32>} : memref<16x128xf32, #tpu.memory_space<vmem>>, vector<16xf32>,
      %get3A_1159 = arith.constant 12 : i32
      %get3A_1160 = arith.index_cast %get3A_1159 : i32 to index
      %get3A_1161 = arith.constant 112 : index
      %get3A_1162 = tpu.vector_load %arg15[%get3A_1160, %get3A_1161] {strides = array<i32>} : memref<16x128xf32, #tpu.memory_space<vmem>>, vector<16xf32>,
      %mul3A_1163 = vector.broadcast %squeeze3A_1088 : f32 to vector<16xf32>
      %mul3A_1164 = arith.mulf %get3A_1162, %mul3A_1163 : vector<16xf32>
      %swap3A_1165 = arith.constant 12 : i32
      %swap3A_1166 = arith.index_cast %swap3A_1165 : i32 to index
      %swap3A_1167 = arith.constant 112 : index
      %swap3A_1168 = tpu.vector_load %arg15[%swap3A_1166, %swap3A_1167] {strides = array<i32>} : memref<16x128xf32, #tpu.memory_space<vmem>>, vector<16xf32>,
      tpu.vector_store %arg15[%swap3A_1166, %swap3A_1167], %mul3A_1164 {strides = array<i32>} : memref<16x128xf32, #tpu.memory_space<vmem>>, vector<16xf32>,
      %slice3A_1169 = vector.extract_strided_slice %div3A_104 {offsets = [13], sizes = [1], strides = [1]} : vector<16xf32> to vector<1xf32>
      %squeeze3A_1170 = vector.extract %slice3A_1169[0] : f32 from vector<1xf32>
      %get3A_1171 = arith.constant 13 : i32
      %get3A_1172 = arith.index_cast %get3A_1171 : i32 to index
      %get3A_1173 = arith.constant 0 : index
      %get3A_1174 = tpu.vector_load %arg15[%get3A_1172, %get3A_1173] {strides = array<i32>} : memref<16x128xf32, #tpu.memory_space<vmem>>, vector<16xf32>,
      %mul3A_1175 = vector.broadcast %squeeze3A_1170 : f32 to vector<16xf32>
      %mul3A_1176 = arith.mulf %get3A_1174, %mul3A_1175 : vector<16xf32>
      %swap3A_1177 = arith.constant 13 : i32
      %swap3A_1178 = arith.index_cast %swap3A_1177 : i32 to index
      %swap3A_1179 = arith.constant 0 : index
      %swap3A_1180 = tpu.vector_load %arg15[%swap3A_1178, %swap3A_1179] {strides = array<i32>} : memref<16x128xf32, #tpu.memory_space<vmem>>, vector<16xf32>,
      tpu.vector_store %arg15[%swap3A_1178, %swap3A_1179], %mul3A_1176 {strides = array<i32>} : memref<16x128xf32, #tpu.memory_space<vmem>>, vector<16xf32>,
      %get3A_1181 = arith.constant 13 : i32
      %get3A_1182 = arith.index_cast %get3A_1181 : i32 to index
      %get3A_1183 = arith.constant 16 : index
      %get3A_1184 = tpu.vector_load %arg15[%get3A_1182, %get3A_1183] {strides = array<i32>} : memref<16x128xf32, #tpu.memory_space<vmem>>, vector<16xf32>,
      %mul3A_1185 = vector.broadcast %squeeze3A_1170 : f32 to vector<16xf32>
      %mul3A_1186 = arith.mulf %get3A_1184, %mul3A_1185 : vector<16xf32>
      %swap3A_1187 = arith.constant 13 : i32
      %swap3A_1188 = arith.index_cast %swap3A_1187 : i32 to index
      %swap3A_1189 = arith.constant 16 : index
      %swap3A_1190 = tpu.vector_load %arg15[%swap3A_1188, %swap3A_1189] {strides = array<i32>} : memref<16x128xf32, #tpu.memory_space<vmem>>, vector<16xf32>,
      tpu.vector_store %arg15[%swap3A_1188, %swap3A_1189], %mul3A_1186 {strides = array<i32>} : memref<16x128xf32, #tpu.memory_space<vmem>>, vector<16xf32>,
      %get3A_1191 = arith.constant 13 : i32
      %get3A_1192 = arith.index_cast %get3A_1191 : i32 to index
      %get3A_1193 = arith.constant 32 : index
      %get3A_1194 = tpu.vector_load %arg15[%get3A_1192, %get3A_1193] {strides = array<i32>} : memref<16x128xf32, #tpu.memory_space<vmem>>, vector<16xf32>,
      %mul3A_1195 = vector.broadcast %squeeze3A_1170 : f32 to vector<16xf32>
      %mul3A_1196 = arith.mulf %get3A_1194, %mul3A_1195 : vector<16xf32>
      %swap3A_1197 = arith.constant 13 : i32
      %swap3A_1198 = arith.index_cast %swap3A_1197 : i32 to index
      %swap3A_1199 = arith.constant 32 : index
      %swap3A_1200 = tpu.vector_load %arg15[%swap3A_1198, %swap3A_1199] {strides = array<i32>} : memref<16x128xf32, #tpu.memory_space<vmem>>, vector<16xf32>,
      tpu.vector_store %arg15[%swap3A_1198, %swap3A_1199], %mul3A_1196 {strides = array<i32>} : memref<16x128xf32, #tpu.memory_space<vmem>>, vector<16xf32>,
      %get3A_1201 = arith.constant 13 : i32
      %get3A_1202 = arith.index_cast %get3A_1201 : i32 to index
      %get3A_1203 = arith.constant 48 : index
      %get3A_1204 = tpu.vector_load %arg15[%get3A_1202, %get3A_1203] {strides = array<i32>} : memref<16x128xf32, #tpu.memory_space<vmem>>, vector<16xf32>,
      %mul3A_1205 = vector.broadcast %squeeze3A_1170 : f32 to vector<16xf32>
      %mul3A_1206 = arith.mulf %get3A_1204, %mul3A_1205 : vector<16xf32>
      %swap3A_1207 = arith.constant 13 : i32
      %swap3A_1208 = arith.index_cast %swap3A_1207 : i32 to index
      %swap3A_1209 = arith.constant 48 : index
      %swap3A_1210 = tpu.vector_load %arg15[%swap3A_1208, %swap3A_1209] {strides = array<i32>} : memref<16x128xf32, #tpu.memory_space<vmem>>, vector<16xf32>,
      tpu.vector_store %arg15[%swap3A_1208, %swap3A_1209], %mul3A_1206 {strides = array<i32>} : memref<16x128xf32, #tpu.memory_space<vmem>>, vector<16xf32>,
      %get3A_1211 = arith.constant 13 : i32
      %get3A_1212 = arith.index_cast %get3A_1211 : i32 to index
      %get3A_1213 = arith.constant 64 : index
      %get3A_1214 = tpu.vector_load %arg15[%get3A_1212, %get3A_1213] {strides = array<i32>} : memref<16x128xf32, #tpu.memory_space<vmem>>, vector<16xf32>,
      %mul3A_1215 = vector.broadcast %squeeze3A_1170 : f32 to vector<16xf32>
      %mul3A_1216 = arith.mulf %get3A_1214, %mul3A_1215 : vector<16xf32>
      %swap3A_1217 = arith.constant 13 : i32
      %swap3A_1218 = arith.index_cast %swap3A_1217 : i32 to index
      %swap3A_1219 = arith.constant 64 : index
      %swap3A_1220 = tpu.vector_load %arg15[%swap3A_1218, %swap3A_1219] {strides = array<i32>} : memref<16x128xf32, #tpu.memory_space<vmem>>, vector<16xf32>,
      tpu.vector_store %arg15[%swap3A_1218, %swap3A_1219], %mul3A_1216 {strides = array<i32>} : memref<16x128xf32, #tpu.memory_space<vmem>>, vector<16xf32>,
      %get3A_1221 = arith.constant 13 : i32
      %get3A_1222 = arith.index_cast %get3A_1221 : i32 to index
      %get3A_1223 = arith.constant 80 : index
      %get3A_1224 = tpu.vector_load %arg15[%get3A_1222, %get3A_1223] {strides = array<i32>} : memref<16x128xf32, #tpu.memory_space<vmem>>, vector<16xf32>,
      %mul3A_1225 = vector.broadcast %squeeze3A_1170 : f32 to vector<16xf32>
      %mul3A_1226 = arith.mulf %get3A_1224, %mul3A_1225 : vector<16xf32>
      %swap3A_1227 = arith.constant 13 : i32
      %swap3A_1228 = arith.index_cast %swap3A_1227 : i32 to index
      %swap3A_1229 = arith.constant 80 : index
      %swap3A_1230 = tpu.vector_load %arg15[%swap3A_1228, %swap3A_1229] {strides = array<i32>} : memref<16x128xf32, #tpu.memory_space<vmem>>, vector<16xf32>,
      tpu.vector_store %arg15[%swap3A_1228, %swap3A_1229], %mul3A_1226 {strides = array<i32>} : memref<16x128xf32, #tpu.memory_space<vmem>>, vector<16xf32>,
      %get3A_1231 = arith.constant 13 : i32
      %get3A_1232 = arith.index_cast %get3A_1231 : i32 to index
      %get3A_1233 = arith.constant 96 : index
      %get3A_1234 = tpu.vector_load %arg15[%get3A_1232, %get3A_1233] {strides = array<i32>} : memref<16x128xf32, #tpu.memory_space<vmem>>, vector<16xf32>,
      %mul3A_1235 = vector.broadcast %squeeze3A_1170 : f32 to vector<16xf32>
      %mul3A_1236 = arith.mulf %get3A_1234, %mul3A_1235 : vector<16xf32>
      %swap3A_1237 = arith.constant 13 : i32
      %swap3A_1238 = arith.index_cast %swap3A_1237 : i32 to index
      %swap3A_1239 = arith.constant 96 : index
      %swap3A_1240 = tpu.vector_load %arg15[%swap3A_1238, %swap3A_1239] {strides = array<i32>} : memref<16x128xf32, #tpu.memory_space<vmem>>, vector<16xf32>,
      tpu.vector_store %arg15[%swap3A_1238, %swap3A_1239], %mul3A_1236 {strides = array<i32>} : memref<16x128xf32, #tpu.memory_space<vmem>>, vector<16xf32>,
      %get3A_1241 = arith.constant 13 : i32
      %get3A_1242 = arith.index_cast %get3A_1241 : i32 to index
      %get3A_1243 = arith.constant 112 : index
      %get3A_1244 = tpu.vector_load %arg15[%get3A_1242, %get3A_1243] {strides = array<i32>} : memref<16x128xf32, #tpu.memory_space<vmem>>, vector<16xf32>,
      %mul3A_1245 = vector.broadcast %squeeze3A_1170 : f32 to vector<16xf32>
      %mul3A_1246 = arith.mulf %get3A_1244, %mul3A_1245 : vector<16xf32>
      %swap3A_1247 = arith.constant 13 : i32
      %swap3A_1248 = arith.index_cast %swap3A_1247 : i32 to index
      %swap3A_1249 = arith.constant 112 : index
      %swap3A_1250 = tpu.vector_load %arg15[%swap3A_1248, %swap3A_1249] {strides = array<i32>} : memref<16x128xf32, #tpu.memory_space<vmem>>, vector<16xf32>,
      tpu.vector_store %arg15[%swap3A_1248, %swap3A_1249], %mul3A_1246 {strides = array<i32>} : memref<16x128xf32, #tpu.memory_space<vmem>>, vector<16xf32>,
      %slice3A_1251 = vector.extract_strided_slice %div3A_104 {offsets = [14], sizes = [1], strides = [1]} : vector<16xf32> to vector<1xf32>
      %squeeze3A_1252 = vector.extract %slice3A_1251[0] : f32 from vector<1xf32>
      %get3A_1253 = arith.constant 14 : i32
      %get3A_1254 = arith.index_cast %get3A_1253 : i32 to index
      %get3A_1255 = arith.constant 0 : index
      %get3A_1256 = tpu.vector_load %arg15[%get3A_1254, %get3A_1255] {strides = array<i32>} : memref<16x128xf32, #tpu.memory_space<vmem>>, vector<16xf32>,
      %mul3A_1257 = vector.broadcast %squeeze3A_1252 : f32 to vector<16xf32>
      %mul3A_1258 = arith.mulf %get3A_1256, %mul3A_1257 : vector<16xf32>
      %swap3A_1259 = arith.constant 14 : i32
      %swap3A_1260 = arith.index_cast %swap3A_1259 : i32 to index
      %swap3A_1261 = arith.constant 0 : index
      %swap3A_1262 = tpu.vector_load %arg15[%swap3A_1260, %swap3A_1261] {strides = array<i32>} : memref<16x128xf32, #tpu.memory_space<vmem>>, vector<16xf32>,
      tpu.vector_store %arg15[%swap3A_1260, %swap3A_1261], %mul3A_1258 {strides = array<i32>} : memref<16x128xf32, #tpu.memory_space<vmem>>, vector<16xf32>,
      %get3A_1263 = arith.constant 14 : i32
      %get3A_1264 = arith.index_cast %get3A_1263 : i32 to index
      %get3A_1265 = arith.constant 16 : index
      %get3A_1266 = tpu.vector_load %arg15[%get3A_1264, %get3A_1265] {strides = array<i32>} : memref<16x128xf32, #tpu.memory_space<vmem>>, vector<16xf32>,
      %mul3A_1267 = vector.broadcast %squeeze3A_1252 : f32 to vector<16xf32>
      %mul3A_1268 = arith.mulf %get3A_1266, %mul3A_1267 : vector<16xf32>
      %swap3A_1269 = arith.constant 14 : i32
      %swap3A_1270 = arith.index_cast %swap3A_1269 : i32 to index
      %swap3A_1271 = arith.constant 16 : index
      %swap3A_1272 = tpu.vector_load %arg15[%swap3A_1270, %swap3A_1271] {strides = array<i32>} : memref<16x128xf32, #tpu.memory_space<vmem>>, vector<16xf32>,
      tpu.vector_store %arg15[%swap3A_1270, %swap3A_1271], %mul3A_1268 {strides = array<i32>} : memref<16x128xf32, #tpu.memory_space<vmem>>, vector<16xf32>,
      %get3A_1273 = arith.constant 14 : i32
      %get3A_1274 = arith.index_cast %get3A_1273 : i32 to index
      %get3A_1275 = arith.constant 32 : index
      %get3A_1276 = tpu.vector_load %arg15[%get3A_1274, %get3A_1275] {strides = array<i32>} : memref<16x128xf32, #tpu.memory_space<vmem>>, vector<16xf32>,
      %mul3A_1277 = vector.broadcast %squeeze3A_1252 : f32 to vector<16xf32>
      %mul3A_1278 = arith.mulf %get3A_1276, %mul3A_1277 : vector<16xf32>
      %swap3A_1279 = arith.constant 14 : i32
      %swap3A_1280 = arith.index_cast %swap3A_1279 : i32 to index
      %swap3A_1281 = arith.constant 32 : index
      %swap3A_1282 = tpu.vector_load %arg15[%swap3A_1280, %swap3A_1281] {strides = array<i32>} : memref<16x128xf32, #tpu.memory_space<vmem>>, vector<16xf32>,
      tpu.vector_store %arg15[%swap3A_1280, %swap3A_1281], %mul3A_1278 {strides = array<i32>} : memref<16x128xf32, #tpu.memory_space<vmem>>, vector<16xf32>,
      %get3A_1283 = arith.constant 14 : i32
      %get3A_1284 = arith.index_cast %get3A_1283 : i32 to index
      %get3A_1285 = arith.constant 48 : index
      %get3A_1286 = tpu.vector_load %arg15[%get3A_1284, %get3A_1285] {strides = array<i32>} : memref<16x128xf32, #tpu.memory_space<vmem>>, vector<16xf32>,
      %mul3A_1287 = vector.broadcast %squeeze3A_1252 : f32 to vector<16xf32>
      %mul3A_1288 = arith.mulf %get3A_1286, %mul3A_1287 : vector<16xf32>
      %swap3A_1289 = arith.constant 14 : i32
      %swap3A_1290 = arith.index_cast %swap3A_1289 : i32 to index
      %swap3A_1291 = arith.constant 48 : index
      %swap3A_1292 = tpu.vector_load %arg15[%swap3A_1290, %swap3A_1291] {strides = array<i32>} : memref<16x128xf32, #tpu.memory_space<vmem>>, vector<16xf32>,
      tpu.vector_store %arg15[%swap3A_1290, %swap3A_1291], %mul3A_1288 {strides = array<i32>} : memref<16x128xf32, #tpu.memory_space<vmem>>, vector<16xf32>,
      %get3A_1293 = arith.constant 14 : i32
      %get3A_1294 = arith.index_cast %get3A_1293 : i32 to index
      %get3A_1295 = arith.constant 64 : index
      %get3A_1296 = tpu.vector_load %arg15[%get3A_1294, %get3A_1295] {strides = array<i32>} : memref<16x128xf32, #tpu.memory_space<vmem>>, vector<16xf32>,
      %mul3A_1297 = vector.broadcast %squeeze3A_1252 : f32 to vector<16xf32>
      %mul3A_1298 = arith.mulf %get3A_1296, %mul3A_1297 : vector<16xf32>
      %swap3A_1299 = arith.constant 14 : i32
      %swap3A_1300 = arith.index_cast %swap3A_1299 : i32 to index
      %swap3A_1301 = arith.constant 64 : index
      %swap3A_1302 = tpu.vector_load %arg15[%swap3A_1300, %swap3A_1301] {strides = array<i32>} : memref<16x128xf32, #tpu.memory_space<vmem>>, vector<16xf32>,
      tpu.vector_store %arg15[%swap3A_1300, %swap3A_1301], %mul3A_1298 {strides = array<i32>} : memref<16x128xf32, #tpu.memory_space<vmem>>, vector<16xf32>,
      %get3A_1303 = arith.constant 14 : i32
      %get3A_1304 = arith.index_cast %get3A_1303 : i32 to index
      %get3A_1305 = arith.constant 80 : index
      %get3A_1306 = tpu.vector_load %arg15[%get3A_1304, %get3A_1305] {strides = array<i32>} : memref<16x128xf32, #tpu.memory_space<vmem>>, vector<16xf32>,
      %mul3A_1307 = vector.broadcast %squeeze3A_1252 : f32 to vector<16xf32>
      %mul3A_1308 = arith.mulf %get3A_1306, %mul3A_1307 : vector<16xf32>
      %swap3A_1309 = arith.constant 14 : i32
      %swap3A_1310 = arith.index_cast %swap3A_1309 : i32 to index
      %swap3A_1311 = arith.constant 80 : index
      %swap3A_1312 = tpu.vector_load %arg15[%swap3A_1310, %swap3A_1311] {strides = array<i32>} : memref<16x128xf32, #tpu.memory_space<vmem>>, vector<16xf32>,
      tpu.vector_store %arg15[%swap3A_1310, %swap3A_1311], %mul3A_1308 {strides = array<i32>} : memref<16x128xf32, #tpu.memory_space<vmem>>, vector<16xf32>,
      %get3A_1313 = arith.constant 14 : i32
      %get3A_1314 = arith.index_cast %get3A_1313 : i32 to index
      %get3A_1315 = arith.constant 96 : index
      %get3A_1316 = tpu.vector_load %arg15[%get3A_1314, %get3A_1315] {strides = array<i32>} : memref<16x128xf32, #tpu.memory_space<vmem>>, vector<16xf32>,
      %mul3A_1317 = vector.broadcast %squeeze3A_1252 : f32 to vector<16xf32>
      %mul3A_1318 = arith.mulf %get3A_1316, %mul3A_1317 : vector<16xf32>
      %swap3A_1319 = arith.constant 14 : i32
      %swap3A_1320 = arith.index_cast %swap3A_1319 : i32 to index
      %swap3A_1321 = arith.constant 96 : index
      %swap3A_1322 = tpu.vector_load %arg15[%swap3A_1320, %swap3A_1321] {strides = array<i32>} : memref<16x128xf32, #tpu.memory_space<vmem>>, vector<16xf32>,
      tpu.vector_store %arg15[%swap3A_1320, %swap3A_1321], %mul3A_1318 {strides = array<i32>} : memref<16x128xf32, #tpu.memory_space<vmem>>, vector<16xf32>,
      %get3A_1323 = arith.constant 14 : i32
      %get3A_1324 = arith.index_cast %get3A_1323 : i32 to index
      %get3A_1325 = arith.constant 112 : index
      %get3A_1326 = tpu.vector_load %arg15[%get3A_1324, %get3A_1325] {strides = array<i32>} : memref<16x128xf32, #tpu.memory_space<vmem>>, vector<16xf32>,
      %mul3A_1327 = vector.broadcast %squeeze3A_1252 : f32 to vector<16xf32>
      %mul3A_1328 = arith.mulf %get3A_1326, %mul3A_1327 : vector<16xf32>
      %swap3A_1329 = arith.constant 14 : i32
      %swap3A_1330 = arith.index_cast %swap3A_1329 : i32 to index
      %swap3A_1331 = arith.constant 112 : index
      %swap3A_1332 = tpu.vector_load %arg15[%swap3A_1330, %swap3A_1331] {strides = array<i32>} : memref<16x128xf32, #tpu.memory_space<vmem>>, vector<16xf32>,
      tpu.vector_store %arg15[%swap3A_1330, %swap3A_1331], %mul3A_1328 {strides = array<i32>} : memref<16x128xf32, #tpu.memory_space<vmem>>, vector<16xf32>,
      %slice3A_1333 = vector.extract_strided_slice %div3A_104 {offsets = [15], sizes = [1], strides = [1]} : vector<16xf32> to vector<1xf32>
      %squeeze3A_1334 = vector.extract %slice3A_1333[0] : f32 from vector<1xf32>
      %get3A_1335 = arith.constant 15 : i32
      %get3A_1336 = arith.index_cast %get3A_1335 : i32 to index
      %get3A_1337 = arith.constant 0 : index
      %get3A_1338 = tpu.vector_load %arg15[%get3A_1336, %get3A_1337] {strides = array<i32>} : memref<16x128xf32, #tpu.memory_space<vmem>>, vector<16xf32>,
      %mul3A_1339 = vector.broadcast %squeeze3A_1334 : f32 to vector<16xf32>
      %mul3A_1340 = arith.mulf %get3A_1338, %mul3A_1339 : vector<16xf32>
      %swap3A_1341 = arith.constant 15 : i32
      %swap3A_1342 = arith.index_cast %swap3A_1341 : i32 to index
      %swap3A_1343 = arith.constant 0 : index
      %swap3A_1344 = tpu.vector_load %arg15[%swap3A_1342, %swap3A_1343] {strides = array<i32>} : memref<16x128xf32, #tpu.memory_space<vmem>>, vector<16xf32>,
      tpu.vector_store %arg15[%swap3A_1342, %swap3A_1343], %mul3A_1340 {strides = array<i32>} : memref<16x128xf32, #tpu.memory_space<vmem>>, vector<16xf32>,
      %get3A_1345 = arith.constant 15 : i32
      %get3A_1346 = arith.index_cast %get3A_1345 : i32 to index
      %get3A_1347 = arith.constant 16 : index
      %get3A_1348 = tpu.vector_load %arg15[%get3A_1346, %get3A_1347] {strides = array<i32>} : memref<16x128xf32, #tpu.memory_space<vmem>>, vector<16xf32>,
      %mul3A_1349 = vector.broadcast %squeeze3A_1334 : f32 to vector<16xf32>
      %mul3A_1350 = arith.mulf %get3A_1348, %mul3A_1349 : vector<16xf32>
      %swap3A_1351 = arith.constant 15 : i32
      %swap3A_1352 = arith.index_cast %swap3A_1351 : i32 to index
      %swap3A_1353 = arith.constant 16 : index
      %swap3A_1354 = tpu.vector_load %arg15[%swap3A_1352, %swap3A_1353] {strides = array<i32>} : memref<16x128xf32, #tpu.memory_space<vmem>>, vector<16xf32>,
      tpu.vector_store %arg15[%swap3A_1352, %swap3A_1353], %mul3A_1350 {strides = array<i32>} : memref<16x128xf32, #tpu.memory_space<vmem>>, vector<16xf32>,
      %get3A_1355 = arith.constant 15 : i32
      %get3A_1356 = arith.index_cast %get3A_1355 : i32 to index
      %get3A_1357 = arith.constant 32 : index
      %get3A_1358 = tpu.vector_load %arg15[%get3A_1356, %get3A_1357] {strides = array<i32>} : memref<16x128xf32, #tpu.memory_space<vmem>>, vector<16xf32>,
      %mul3A_1359 = vector.broadcast %squeeze3A_1334 : f32 to vector<16xf32>
      %mul3A_1360 = arith.mulf %get3A_1358, %mul3A_1359 : vector<16xf32>
      %swap3A_1361 = arith.constant 15 : i32
      %swap3A_1362 = arith.index_cast %swap3A_1361 : i32 to index
      %swap3A_1363 = arith.constant 32 : index
      %swap3A_1364 = tpu.vector_load %arg15[%swap3A_1362, %swap3A_1363] {strides = array<i32>} : memref<16x128xf32, #tpu.memory_space<vmem>>, vector<16xf32>,
      tpu.vector_store %arg15[%swap3A_1362, %swap3A_1363], %mul3A_1360 {strides = array<i32>} : memref<16x128xf32, #tpu.memory_space<vmem>>, vector<16xf32>,
      %get3A_1365 = arith.constant 15 : i32
      %get3A_1366 = arith.index_cast %get3A_1365 : i32 to index
      %get3A_1367 = arith.constant 48 : index
      %get3A_1368 = tpu.vector_load %arg15[%get3A_1366, %get3A_1367] {strides = array<i32>} : memref<16x128xf32, #tpu.memory_space<vmem>>, vector<16xf32>,
      %mul3A_1369 = vector.broadcast %squeeze3A_1334 : f32 to vector<16xf32>
      %mul3A_1370 = arith.mulf %get3A_1368, %mul3A_1369 : vector<16xf32>
      %swap3A_1371 = arith.constant 15 : i32
      %swap3A_1372 = arith.index_cast %swap3A_1371 : i32 to index
      %swap3A_1373 = arith.constant 48 : index
      %swap3A_1374 = tpu.vector_load %arg15[%swap3A_1372, %swap3A_1373] {strides = array<i32>} : memref<16x128xf32, #tpu.memory_space<vmem>>, vector<16xf32>,
      tpu.vector_store %arg15[%swap3A_1372, %swap3A_1373], %mul3A_1370 {strides = array<i32>} : memref<16x128xf32, #tpu.memory_space<vmem>>, vector<16xf32>,
      %get3A_1375 = arith.constant 15 : i32
      %get3A_1376 = arith.index_cast %get3A_1375 : i32 to index
      %get3A_1377 = arith.constant 64 : index
      %get3A_1378 = tpu.vector_load %arg15[%get3A_1376, %get3A_1377] {strides = array<i32>} : memref<16x128xf32, #tpu.memory_space<vmem>>, vector<16xf32>,
      %mul3A_1379 = vector.broadcast %squeeze3A_1334 : f32 to vector<16xf32>
      %mul3A_1380 = arith.mulf %get3A_1378, %mul3A_1379 : vector<16xf32>
      %swap3A_1381 = arith.constant 15 : i32
      %swap3A_1382 = arith.index_cast %swap3A_1381 : i32 to index
      %swap3A_1383 = arith.constant 64 : index
      %swap3A_1384 = tpu.vector_load %arg15[%swap3A_1382, %swap3A_1383] {strides = array<i32>} : memref<16x128xf32, #tpu.memory_space<vmem>>, vector<16xf32>,
      tpu.vector_store %arg15[%swap3A_1382, %swap3A_1383], %mul3A_1380 {strides = array<i32>} : memref<16x128xf32, #tpu.memory_space<vmem>>, vector<16xf32>,
      %get3A_1385 = arith.constant 15 : i32
      %get3A_1386 = arith.index_cast %get3A_1385 : i32 to index
      %get3A_1387 = arith.constant 80 : index
      %get3A_1388 = tpu.vector_load %arg15[%get3A_1386, %get3A_1387] {strides = array<i32>} : memref<16x128xf32, #tpu.memory_space<vmem>>, vector<16xf32>,
      %mul3A_1389 = vector.broadcast %squeeze3A_1334 : f32 to vector<16xf32>
      %mul3A_1390 = arith.mulf %get3A_1388, %mul3A_1389 : vector<16xf32>
      %swap3A_1391 = arith.constant 15 : i32
      %swap3A_1392 = arith.index_cast %swap3A_1391 : i32 to index
      %swap3A_1393 = arith.constant 80 : index
      %swap3A_1394 = tpu.vector_load %arg15[%swap3A_1392, %swap3A_1393] {strides = array<i32>} : memref<16x128xf32, #tpu.memory_space<vmem>>, vector<16xf32>,
      tpu.vector_store %arg15[%swap3A_1392, %swap3A_1393], %mul3A_1390 {strides = array<i32>} : memref<16x128xf32, #tpu.memory_space<vmem>>, vector<16xf32>,
      %get3A_1395 = arith.constant 15 : i32
      %get3A_1396 = arith.index_cast %get3A_1395 : i32 to index
      %get3A_1397 = arith.constant 96 : index
      %get3A_1398 = tpu.vector_load %arg15[%get3A_1396, %get3A_1397] {strides = array<i32>} : memref<16x128xf32, #tpu.memory_space<vmem>>, vector<16xf32>,
      %mul3A_1399 = vector.broadcast %squeeze3A_1334 : f32 to vector<16xf32>
      %mul3A_1400 = arith.mulf %get3A_1398, %mul3A_1399 : vector<16xf32>
      %swap3A_1401 = arith.constant 15 : i32
      %swap3A_1402 = arith.index_cast %swap3A_1401 : i32 to index
      %swap3A_1403 = arith.constant 96 : index
      %swap3A_1404 = tpu.vector_load %arg15[%swap3A_1402, %swap3A_1403] {strides = array<i32>} : memref<16x128xf32, #tpu.memory_space<vmem>>, vector<16xf32>,
      tpu.vector_store %arg15[%swap3A_1402, %swap3A_1403], %mul3A_1400 {strides = array<i32>} : memref<16x128xf32, #tpu.memory_space<vmem>>, vector<16xf32>,
      %get3A_1405 = arith.constant 15 : i32
      %get3A_1406 = arith.index_cast %get3A_1405 : i32 to index
      %get3A_1407 = arith.constant 112 : index
      %get3A_1408 = tpu.vector_load %arg15[%get3A_1406, %get3A_1407] {strides = array<i32>} : memref<16x128xf32, #tpu.memory_space<vmem>>, vector<16xf32>,
      %mul3A_1409 = vector.broadcast %squeeze3A_1334 : f32 to vector<16xf32>
      %mul3A_1410 = arith.mulf %get3A_1408, %mul3A_1409 : vector<16xf32>
      %swap3A_1411 = arith.constant 15 : i32
      %swap3A_1412 = arith.index_cast %swap3A_1411 : i32 to index
      %swap3A_1413 = arith.constant 112 : index
      %swap3A_1414 = tpu.vector_load %arg15[%swap3A_1412, %swap3A_1413] {strides = array<i32>} : memref<16x128xf32, #tpu.memory_space<vmem>>, vector<16xf32>,
      tpu.vector_store %arg15[%swap3A_1412, %swap3A_1413], %mul3A_1410 {strides = array<i32>} : memref<16x128xf32, #tpu.memory_space<vmem>>, vector<16xf32>,
      %mul3A_1415 = arith.constant 16 : i32
      %mul3A_1416 = arith.muli %scan3A_92, %mul3A_1415 : i32
      %add3A_1417 = arith.addi %add3A_82, %mul3A_1416 : i32
      "tpu.region"() ({
        %run_scoped3A = tpu.sem_alloc : memref<!tpu.dma_semaphore, #tpu.memory_space<semaphore_mem>>
        %dma_start3A = arith.constant 0 : i32
        %dma_start3A_1418 = tpu.memref_slice %arg5[%add3A_1417, %dma_start3A] : memref<51200x128xf32, #tpu.memory_space<hbm>> -> memref<16x128xf32, #tpu.memory_space<hbm>>
        %dma_start3A_1419 = arith.constant 0 : i32
        %dma_start3A_1420 = tpu.memref_slice %arg5[%add3A_1417, %dma_start3A_1419] : memref<51200x128xf32, #tpu.memory_space<hbm>> -> memref<16x128xf32, #tpu.memory_space<hbm>>
        tpu.enqueue_dma source(%arg15 : memref<16x128xf32, #tpu.memory_space<vmem>>) target(%dma_start3A_1420 : memref<16x128xf32, #tpu.memory_space<hbm>>) target_semaphore(%run_scoped3A : memref<!tpu.dma_semaphore, #tpu.memory_space<semaphore_mem>>)
        %dma_wait3A = arith.constant 0 : i32
        %dma_wait3A_1421 = tpu.memref_slice %arg5[%add3A_1417, %dma_wait3A] : memref<51200x128xf32, #tpu.memory_space<hbm>> -> memref<16x128xf32, #tpu.memory_space<hbm>>
        %dma_wait3A_1422 = arith.constant 0 : i32
        %dma_wait3A_1423 = tpu.memref_slice %arg5[%add3A_1417, %dma_wait3A_1422] : memref<51200x128xf32, #tpu.memory_space<hbm>> -> memref<16x128xf32, #tpu.memory_space<hbm>>
        tpu.wait_dma2 semaphore(%run_scoped3A : memref<!tpu.dma_semaphore, #tpu.memory_space<semaphore_mem>>) src(%arg15 : memref<16x128xf32, #tpu.memory_space<vmem>>) dst(%dma_wait3A_1423 : memref<16x128xf32, #tpu.memory_space<hbm>>)
        tpu.yield
      }) : () -> ()
    }
    %scan3A_90 = arith.constant 50 : i32
    %barrier3A_91 = arith.constant 0 : index
    tpu.barrier barrier_id(%barrier3A_91)
    return
  }
}

module attributes {stable_mosaic.version = 14 : i64} {
  func.func @_k_update(%arg0: i32, %arg1: memref<400x128xf32, #tpu.memory_space<vmem>>, %arg2: memref<128x256xf32, #tpu.memory_space<vmem>>, %arg3: memref<1x256xf32, #tpu.memory_space<vmem>>, %arg4: memref<256x256xf32, #tpu.memory_space<vmem>>, %arg5: memref<1x256xf32, #tpu.memory_space<vmem>>, %arg6: memref<256x1xf32, #tpu.memory_space<vmem>>, %arg7: memref<1x1xf32, #tpu.memory_space<vmem>>, %arg8: memref<400x1xf32, #tpu.memory_space<vmem>>) attributes {dimension_semantics = [#tpu.dimension_semantics<arbitrary>], iteration_bounds = array<i64: 125>, scalar_prefetch = 0 : i64, scratch_operands = 0 : i64, tpu.core_type = #tpu.core_type<tc>, window_params = [{transform_indices = @transform_0, window_bounds = array<i64: 400, 128>}, {pipeline_mode = #tpu.pipeline_mode<synchronous>, transform_indices = @transform_1, window_bounds = array<i64: 128, 256>}, {pipeline_mode = #tpu.pipeline_mode<synchronous>, transform_indices = @transform_2, window_bounds = array<i64: 1, 256>}, {pipeline_mode = #tpu.pipeline_mode<synchronous>, transform_indices = @transform_3, window_bounds = array<i64: 256, 256>}, {pipeline_mode = #tpu.pipeline_mode<synchronous>, transform_indices = @transform_4, window_bounds = array<i64: 1, 256>}, {pipeline_mode = #tpu.pipeline_mode<synchronous>, transform_indices = @transform_5, window_bounds = array<i64: 256, 1>}, {pipeline_mode = #tpu.pipeline_mode<synchronous>, transform_indices = @transform_6, window_bounds = array<i64: 1, 1>}, {transform_indices = @transform_7, window_bounds = array<i64: 400, 1>}]} {
    %get3A = arith.constant 0 : index
    %get3A_0 = arith.constant 0 : index
    %get3A_1 = vector.load %arg1[%get3A, %get3A_0] : memref<400x128xf32, #tpu.memory_space<vmem>>, vector<400x128xf32>
    %get3A_2 = arith.constant 0 : index
    %get3A_3 = arith.constant 0 : index
    %get3A_4 = vector.load %arg2[%get3A_2, %get3A_3] : memref<128x256xf32, #tpu.memory_space<vmem>>, vector<128x256xf32>
    %convert_element_type3A = arith.truncf %get3A_1 : vector<400x128xf32> to vector<400x128xbf16>
    %convert_element_type3A_5 = arith.truncf %get3A_4 : vector<128x256xf32> to vector<128x256xbf16>
    %dot_general3A = arith.constant dense<0.000000e+00> : vector<400x256xf32>
    %dot_general3A_6 = tpu.matmul %convert_element_type3A, %convert_element_type3A_5, %dot_general3A {dimension_numbers = #tpu.dot_dimension_numbers<[1], [0], [0], [1], [0, 0, 1, 1], [], []>, transpose_lhs_hint = false} : vector<400x128xbf16>, vector<128x256xbf16>, vector<400x256xf32> -> vector<400x256xf32>
    %get3A_7 = arith.constant 0 : index
    %get3A_8 = arith.constant 0 : index
    %get3A_9 = vector.load %arg3[%get3A_7, %get3A_8] : memref<1x256xf32, #tpu.memory_space<vmem>>, vector<1x256xf32>
    %add3A = vector.broadcast %get3A_9 : vector<1x256xf32> to vector<400x256xf32>
    %add3A_10 = arith.addf %dot_general3A_6, %add3A : vector<400x256xf32>
    %max3A = arith.constant 0.000000e+00 : f32
    %max3A_11 = vector.broadcast %max3A : f32 to vector<400x256xf32>
    %max3A_12 = arith.maximumf %add3A_10, %max3A_11 : vector<400x256xf32>
    %get3A_13 = arith.constant 0 : index
    %get3A_14 = arith.constant 0 : index
    %get3A_15 = vector.load %arg4[%get3A_13, %get3A_14] : memref<256x256xf32, #tpu.memory_space<vmem>>, vector<256x256xf32>
    %convert_element_type3A_16 = arith.truncf %max3A_12 : vector<400x256xf32> to vector<400x256xbf16>
    %convert_element_type3A_17 = arith.truncf %get3A_15 : vector<256x256xf32> to vector<256x256xbf16>
    %dot_general3A_18 = arith.constant dense<0.000000e+00> : vector<400x256xf32>
    %dot_general3A_19 = tpu.matmul %convert_element_type3A_16, %convert_element_type3A_17, %dot_general3A_18 {dimension_numbers = #tpu.dot_dimension_numbers<[1], [0], [0], [1], [0, 0, 1, 1], [], []>, transpose_lhs_hint = false} : vector<400x256xbf16>, vector<256x256xbf16>, vector<400x256xf32> -> vector<400x256xf32>
    %get3A_20 = arith.constant 0 : index
    %get3A_21 = arith.constant 0 : index
    %get3A_22 = vector.load %arg5[%get3A_20, %get3A_21] : memref<1x256xf32, #tpu.memory_space<vmem>>, vector<1x256xf32>
    %add3A_23 = vector.broadcast %get3A_22 : vector<1x256xf32> to vector<400x256xf32>
    %add3A_24 = arith.addf %dot_general3A_19, %add3A_23 : vector<400x256xf32>
    %max3A_25 = arith.constant 0.000000e+00 : f32
    %max3A_26 = vector.broadcast %max3A_25 : f32 to vector<400x256xf32>
    %max3A_27 = arith.maximumf %add3A_24, %max3A_26 : vector<400x256xf32>
    %get3A_28 = arith.constant 0 : index
    %get3A_29 = arith.constant 0 : index
    %get3A_30 = vector.load %arg6[%get3A_28, %get3A_29] : memref<256x1xf32, #tpu.memory_space<vmem>>, vector<256x1xf32>
    %convert_element_type3A_31 = arith.truncf %max3A_27 : vector<400x256xf32> to vector<400x256xbf16>
    %convert_element_type3A_32 = arith.truncf %get3A_30 : vector<256x1xf32> to vector<256x1xbf16>
    %dot_general3A_33 = arith.constant dense<0.000000e+00> : vector<400x1xf32>
    %dot_general3A_34 = tpu.matmul %convert_element_type3A_31, %convert_element_type3A_32, %dot_general3A_33 {dimension_numbers = #tpu.dot_dimension_numbers<[1], [0], [0], [1], [0, 0, 1, 1], [], []>, transpose_lhs_hint = false} : vector<400x256xbf16>, vector<256x1xbf16>, vector<400x1xf32> -> vector<400x1xf32>
    %get3A_35 = arith.constant 0 : index
    %get3A_36 = arith.constant 0 : index
    %get3A_37 = vector.load %arg7[%get3A_35, %get3A_36] : memref<1x1xf32, #tpu.memory_space<vmem>>, vector<1x1xf32>
    %add3A_38 = vector.broadcast %get3A_37 : vector<1x1xf32> to vector<400x1xf32>
    %add3A_39 = arith.addf %dot_general3A_34, %add3A_38 : vector<400x1xf32>
    %swap3A = arith.constant 0 : index
    %swap3A_40 = arith.constant 0 : index
    %swap3A_41 = vector.load %arg8[%swap3A, %swap3A_40] : memref<400x1xf32, #tpu.memory_space<vmem>>, vector<400x1xf32>
    tpu.vector_store %arg8[%swap3A, %swap3A_40], %add3A_39 {strides = array<i32>} : memref<400x1xf32, #tpu.memory_space<vmem>>, vector<400x1xf32>,
    return
  }
  func.func @transform_0(%arg0: i32) -> (i32, i32) {
    %c0_i32 = arith.constant 0 : i32
    %c0_i32_0 = arith.constant 0 : i32
    return %arg0, %c0_i32 : i32, i32
  }
  func.func @transform_1(%arg0: i32) -> (i32, i32) {
    %c0_i32 = arith.constant 0 : i32
    %c0_i32_0 = arith.constant 0 : i32
    %c0_i32_1 = arith.constant 0 : i32
    return %c0_i32, %c0_i32_0 : i32, i32
  }
  func.func @transform_2(%arg0: i32) -> (i32, i32) {
    %c0_i32 = arith.constant 0 : i32
    %c0_i32_0 = arith.constant 0 : i32
    %c0_i32_1 = arith.constant 0 : i32
    return %c0_i32, %c0_i32_0 : i32, i32
  }
  func.func @transform_3(%arg0: i32) -> (i32, i32) {
    %c0_i32 = arith.constant 0 : i32
    %c0_i32_0 = arith.constant 0 : i32
    %c0_i32_1 = arith.constant 0 : i32
    return %c0_i32, %c0_i32_0 : i32, i32
  }
  func.func @transform_4(%arg0: i32) -> (i32, i32) {
    %c0_i32 = arith.constant 0 : i32
    %c0_i32_0 = arith.constant 0 : i32
    %c0_i32_1 = arith.constant 0 : i32
    return %c0_i32, %c0_i32_0 : i32, i32
  }
  func.func @transform_5(%arg0: i32) -> (i32, i32) {
    %c0_i32 = arith.constant 0 : i32
    %c0_i32_0 = arith.constant 0 : i32
    %c0_i32_1 = arith.constant 0 : i32
    return %c0_i32, %c0_i32_0 : i32, i32
  }
  func.func @transform_6(%arg0: i32) -> (i32, i32) {
    %c0_i32 = arith.constant 0 : i32
    %c0_i32_0 = arith.constant 0 : i32
    %c0_i32_1 = arith.constant 0 : i32
    return %c0_i32, %c0_i32_0 : i32, i32
  }
  func.func @transform_7(%arg0: i32) -> (i32, i32) {
    %c0_i32 = arith.constant 0 : i32
    %c0_i32_0 = arith.constant 0 : i32
    return %arg0, %c0_i32 : i32, i32
  }
}

module attributes {stable_mosaic.version = 14 : i64} {
  func.func @_k_edge(%arg0: i32, %arg1: memref<4x4096xf32, #tpu.memory_space<vmem>>, %arg2: memref<4x128xf32, #tpu.memory_space<vmem>>, %arg3: memref<1x128xf32, #tpu.memory_space<vmem>>, %arg4: memref<128x128xf32, #tpu.memory_space<vmem>>, %arg5: memref<1x128xf32, #tpu.memory_space<vmem>>, %arg6: memref<128x1xf32, #tpu.memory_space<vmem>>, %arg7: memref<1x1xf32, #tpu.memory_space<vmem>>, %arg8: memref<4x256xf32, #tpu.memory_space<vmem>>, %arg9: memref<1x256xf32, #tpu.memory_space<vmem>>, %arg10: memref<256x256xf32, #tpu.memory_space<vmem>>, %arg11: memref<1x256xf32, #tpu.memory_space<vmem>>, %arg12: memref<256x128xf32, #tpu.memory_space<vmem>>, %arg13: memref<1x128xf32, #tpu.memory_space<vmem>>, %arg14: memref<4096x128xf32, #tpu.memory_space<vmem>>, %arg15: memref<1x32x128xf32, #tpu.memory_space<vmem>>) attributes {dimension_semantics = [#tpu.dimension_semantics<arbitrary>], iteration_bounds = array<i64: 200>, scalar_prefetch = 0 : i64, scratch_operands = 0 : i64, tpu.core_type = #tpu.core_type<tc>, window_params = [{transform_indices = @transform_0, window_bounds = array<i64: 4, 4096>}, {pipeline_mode = #tpu.pipeline_mode<synchronous>, transform_indices = @transform_1, window_bounds = array<i64: 4, 128>}, {pipeline_mode = #tpu.pipeline_mode<synchronous>, transform_indices = @transform_2, window_bounds = array<i64: 1, 128>}, {pipeline_mode = #tpu.pipeline_mode<synchronous>, transform_indices = @transform_3, window_bounds = array<i64: 128, 128>}, {pipeline_mode = #tpu.pipeline_mode<synchronous>, transform_indices = @transform_4, window_bounds = array<i64: 1, 128>}, {pipeline_mode = #tpu.pipeline_mode<synchronous>, transform_indices = @transform_5, window_bounds = array<i64: 128, 1>}, {pipeline_mode = #tpu.pipeline_mode<synchronous>, transform_indices = @transform_6, window_bounds = array<i64: 1, 1>}, {pipeline_mode = #tpu.pipeline_mode<synchronous>, transform_indices = @transform_7, window_bounds = array<i64: 4, 256>}, {pipeline_mode = #tpu.pipeline_mode<synchronous>, transform_indices = @transform_8, window_bounds = array<i64: 1, 256>}, {pipeline_mode = #tpu.pipeline_mode<synchronous>, transform_indices = @transform_9, window_bounds = array<i64: 256, 256>}, {pipeline_mode = #tpu.pipeline_mode<synchronous>, transform_indices = @transform_10, window_bounds = array<i64: 1, 256>}, {pipeline_mode = #tpu.pipeline_mode<synchronous>, transform_indices = @transform_11, window_bounds = array<i64: 256, 128>}, {pipeline_mode = #tpu.pipeline_mode<synchronous>, transform_indices = @transform_12, window_bounds = array<i64: 1, 128>}, {transform_indices = @transform_13, window_bounds = array<i64: 4096, 128>}, {transform_indices = @transform_14, window_bounds = array<i64: 1, 32, 128>}]} {
    %get3A = arith.constant 0 : index
    %get3A_0 = arith.constant 0 : index
    %get3A_1 = vector.load %arg1[%get3A, %get3A_0] : memref<4x4096xf32, #tpu.memory_space<vmem>>, vector<4x4096xf32>
    %get3A_2 = arith.constant 0 : index
    %get3A_3 = arith.constant 0 : index
    %get3A_4 = vector.load %arg2[%get3A_2, %get3A_3] : memref<4x128xf32, #tpu.memory_space<vmem>>, vector<4x128xf32>
    %convert_element_type3A = arith.truncf %get3A_1 : vector<4x4096xf32> to vector<4x4096xbf16>
    %convert_element_type3A_5 = arith.truncf %get3A_4 : vector<4x128xf32> to vector<4x128xbf16>
    %dot_general3A = arith.constant dense<0.000000e+00> : vector<4096x128xf32>
    %dot_general3A_6 = tpu.matmul %convert_element_type3A, %convert_element_type3A_5, %dot_general3A {dimension_numbers = #tpu.dot_dimension_numbers<[0], [0], [1], [1], [0, 1, 1, 1], [], []>, transpose_lhs_hint = false} : vector<4x4096xbf16>, vector<4x128xbf16>, vector<4096x128xf32> -> vector<4096x128xf32>
    %get3A_7 = arith.constant 0 : index
    %get3A_8 = arith.constant 0 : index
    %get3A_9 = vector.load %arg3[%get3A_7, %get3A_8] : memref<1x128xf32, #tpu.memory_space<vmem>>, vector<1x128xf32>
    %add3A = vector.broadcast %get3A_9 : vector<1x128xf32> to vector<4096x128xf32>
    %add3A_10 = arith.addf %dot_general3A_6, %add3A : vector<4096x128xf32>
    %max3A = arith.constant 0.000000e+00 : f32
    %max3A_11 = vector.broadcast %max3A : f32 to vector<4096x128xf32>
    %max3A_12 = arith.maximumf %add3A_10, %max3A_11 : vector<4096x128xf32>
    %get3A_13 = arith.constant 0 : index
    %get3A_14 = arith.constant 0 : index
    %get3A_15 = vector.load %arg4[%get3A_13, %get3A_14] : memref<128x128xf32, #tpu.memory_space<vmem>>, vector<128x128xf32>
    %convert_element_type3A_16 = arith.truncf %max3A_12 : vector<4096x128xf32> to vector<4096x128xbf16>
    %convert_element_type3A_17 = arith.truncf %get3A_15 : vector<128x128xf32> to vector<128x128xbf16>
    %dot_general3A_18 = arith.constant dense<0.000000e+00> : vector<4096x128xf32>
    %dot_general3A_19 = tpu.matmul %convert_element_type3A_16, %convert_element_type3A_17, %dot_general3A_18 {dimension_numbers = #tpu.dot_dimension_numbers<[1], [0], [0], [1], [0, 0, 1, 1], [], []>, transpose_lhs_hint = false} : vector<4096x128xbf16>, vector<128x128xbf16>, vector<4096x128xf32> -> vector<4096x128xf32>
    %get3A_20 = arith.constant 0 : index
    %get3A_21 = arith.constant 0 : index
    %get3A_22 = vector.load %arg5[%get3A_20, %get3A_21] : memref<1x128xf32, #tpu.memory_space<vmem>>, vector<1x128xf32>
    %add3A_23 = vector.broadcast %get3A_22 : vector<1x128xf32> to vector<4096x128xf32>
    %add3A_24 = arith.addf %dot_general3A_19, %add3A_23 : vector<4096x128xf32>
    %max3A_25 = arith.constant 0.000000e+00 : f32
    %max3A_26 = vector.broadcast %max3A_25 : f32 to vector<4096x128xf32>
    %max3A_27 = arith.maximumf %add3A_24, %max3A_26 : vector<4096x128xf32>
    %get3A_28 = arith.constant 0 : index
    %get3A_29 = arith.constant 0 : index
    %get3A_30 = vector.load %arg6[%get3A_28, %get3A_29] : memref<128x1xf32, #tpu.memory_space<vmem>>, vector<128x1xf32>
    %convert_element_type3A_31 = arith.truncf %max3A_27 : vector<4096x128xf32> to vector<4096x128xbf16>
    %convert_element_type3A_32 = arith.truncf %get3A_30 : vector<128x1xf32> to vector<128x1xbf16>
    %dot_general3A_33 = arith.constant dense<0.000000e+00> : vector<4096x1xf32>
    %dot_general3A_34 = tpu.matmul %convert_element_type3A_31, %convert_element_type3A_32, %dot_general3A_33 {dimension_numbers = #tpu.dot_dimension_numbers<[1], [0], [0], [1], [0, 0, 1, 1], [], []>, transpose_lhs_hint = false} : vector<4096x128xbf16>, vector<128x1xbf16>, vector<4096x1xf32> -> vector<4096x1xf32>
    %get3A_35 = arith.constant 0 : index
    %get3A_36 = arith.constant 0 : index
    %get3A_37 = vector.load %arg7[%get3A_35, %get3A_36] : memref<1x1xf32, #tpu.memory_space<vmem>>, vector<1x1xf32>
    %add3A_38 = vector.broadcast %get3A_37 : vector<1x1xf32> to vector<4096x1xf32>
    %add3A_39 = arith.addf %dot_general3A_34, %add3A_38 : vector<4096x1xf32>
    %exp3A = math.exp %add3A_39 : vector<4096x1xf32>
    %get3A_40 = arith.constant 0 : index
    %get3A_41 = arith.constant 0 : index
    %get3A_42 = vector.load %arg8[%get3A_40, %get3A_41] : memref<4x256xf32, #tpu.memory_space<vmem>>, vector<4x256xf32>
    %convert_element_type3A_43 = arith.truncf %get3A_1 : vector<4x4096xf32> to vector<4x4096xbf16>
    %convert_element_type3A_44 = arith.truncf %get3A_42 : vector<4x256xf32> to vector<4x256xbf16>
    %dot_general3A_45 = arith.constant dense<0.000000e+00> : vector<4096x256xf32>
    %dot_general3A_46 = tpu.matmul %convert_element_type3A_43, %convert_element_type3A_44, %dot_general3A_45 {dimension_numbers = #tpu.dot_dimension_numbers<[0], [0], [1], [1], [0, 1, 1, 1], [], []>, transpose_lhs_hint = false} : vector<4x4096xbf16>, vector<4x256xbf16>, vector<4096x256xf32> -> vector<4096x256xf32>
    %get3A_47 = arith.constant 0 : index
    %get3A_48 = arith.constant 0 : index
    %get3A_49 = vector.load %arg9[%get3A_47, %get3A_48] : memref<1x256xf32, #tpu.memory_space<vmem>>, vector<1x256xf32>
    %add3A_50 = vector.broadcast %get3A_49 : vector<1x256xf32> to vector<4096x256xf32>
    %add3A_51 = arith.addf %dot_general3A_46, %add3A_50 : vector<4096x256xf32>
    %max3A_52 = arith.constant 0.000000e+00 : f32
    %max3A_53 = vector.broadcast %max3A_52 : f32 to vector<4096x256xf32>
    %max3A_54 = arith.maximumf %add3A_51, %max3A_53 : vector<4096x256xf32>
    %get3A_55 = arith.constant 0 : index
    %get3A_56 = arith.constant 0 : index
    %get3A_57 = vector.load %arg10[%get3A_55, %get3A_56] : memref<256x256xf32, #tpu.memory_space<vmem>>, vector<256x256xf32>
    %convert_element_type3A_58 = arith.truncf %max3A_54 : vector<4096x256xf32> to vector<4096x256xbf16>
    %convert_element_type3A_59 = arith.truncf %get3A_57 : vector<256x256xf32> to vector<256x256xbf16>
    %dot_general3A_60 = arith.constant dense<0.000000e+00> : vector<4096x256xf32>
    %dot_general3A_61 = tpu.matmul %convert_element_type3A_58, %convert_element_type3A_59, %dot_general3A_60 {dimension_numbers = #tpu.dot_dimension_numbers<[1], [0], [0], [1], [0, 0, 1, 1], [], []>, transpose_lhs_hint = false} : vector<4096x256xbf16>, vector<256x256xbf16>, vector<4096x256xf32> -> vector<4096x256xf32>
    %get3A_62 = arith.constant 0 : index
    %get3A_63 = arith.constant 0 : index
    %get3A_64 = vector.load %arg11[%get3A_62, %get3A_63] : memref<1x256xf32, #tpu.memory_space<vmem>>, vector<1x256xf32>
    %add3A_65 = vector.broadcast %get3A_64 : vector<1x256xf32> to vector<4096x256xf32>
    %add3A_66 = arith.addf %dot_general3A_61, %add3A_65 : vector<4096x256xf32>
    %max3A_67 = arith.constant 0.000000e+00 : f32
    %max3A_68 = vector.broadcast %max3A_67 : f32 to vector<4096x256xf32>
    %max3A_69 = arith.maximumf %add3A_66, %max3A_68 : vector<4096x256xf32>
    %get3A_70 = arith.constant 0 : index
    %get3A_71 = arith.constant 0 : index
    %get3A_72 = vector.load %arg12[%get3A_70, %get3A_71] : memref<256x128xf32, #tpu.memory_space<vmem>>, vector<256x128xf32>
    %convert_element_type3A_73 = arith.truncf %max3A_69 : vector<4096x256xf32> to vector<4096x256xbf16>
    %convert_element_type3A_74 = arith.truncf %get3A_72 : vector<256x128xf32> to vector<256x128xbf16>
    %dot_general3A_75 = arith.constant dense<0.000000e+00> : vector<4096x128xf32>
    %dot_general3A_76 = tpu.matmul %convert_element_type3A_73, %convert_element_type3A_74, %dot_general3A_75 {dimension_numbers = #tpu.dot_dimension_numbers<[1], [0], [0], [1], [0, 0, 1, 1], [], []>, transpose_lhs_hint = false} : vector<4096x256xbf16>, vector<256x128xbf16>, vector<4096x128xf32> -> vector<4096x128xf32>
    %get3A_77 = arith.constant 0 : index
    %get3A_78 = arith.constant 0 : index
    %get3A_79 = vector.load %arg13[%get3A_77, %get3A_78] : memref<1x128xf32, #tpu.memory_space<vmem>>, vector<1x128xf32>
    %add3A_80 = vector.broadcast %get3A_79 : vector<1x128xf32> to vector<4096x128xf32>
    %add3A_81 = arith.addf %dot_general3A_76, %add3A_80 : vector<4096x128xf32>
    %mul3A = vector.broadcast %exp3A : vector<4096x1xf32> to vector<4096x128xf32>
    %mul3A_82 = arith.mulf %add3A_81, %mul3A : vector<4096x128xf32>
    %swap3A = arith.constant 0 : index
    %swap3A_83 = arith.constant 0 : index
    %swap3A_84 = vector.load %arg14[%swap3A, %swap3A_83] : memref<4096x128xf32, #tpu.memory_space<vmem>>, vector<4096x128xf32>
    tpu.vector_store %arg14[%swap3A, %swap3A_83], %mul3A_82 {strides = array<i32>} : memref<4096x128xf32, #tpu.memory_space<vmem>>, vector<4096x128xf32>,
    %reshape3A = vector.shape_cast %exp3A : vector<4096x1xf32> to vector<1x32x128xf32>
    %swap3A_85 = arith.constant 0 : index
    %swap3A_86 = arith.constant 0 : index
    %swap3A_87 = arith.constant 0 : index
    %swap3A_88 = vector.load %arg15[%swap3A_85, %swap3A_86, %swap3A_87] : memref<1x32x128xf32, #tpu.memory_space<vmem>>, vector<1x32x128xf32>
    tpu.vector_store %arg15[%swap3A_85, %swap3A_86, %swap3A_87], %reshape3A {strides = array<i32>} : memref<1x32x128xf32, #tpu.memory_space<vmem>>, vector<1x32x128xf32>,
    return
  }
  func.func @transform_0(%arg0: i32) -> (i32, i32) {
    %c0_i32 = arith.constant 0 : i32
    %c0_i32_0 = arith.constant 0 : i32
    return %c0_i32, %arg0 : i32, i32
  }
  func.func @transform_1(%arg0: i32) -> (i32, i32) {
    %c0_i32 = arith.constant 0 : i32
    %c0_i32_0 = arith.constant 0 : i32
    %c0_i32_1 = arith.constant 0 : i32
    return %c0_i32, %c0_i32_0 : i32, i32
  }
  func.func @transform_2(%arg0: i32) -> (i32, i32) {
    %c0_i32 = arith.constant 0 : i32
    %c0_i32_0 = arith.constant 0 : i32
    %c0_i32_1 = arith.constant 0 : i32
    return %c0_i32, %c0_i32_0 : i32, i32
  }
  func.func @transform_3(%arg0: i32) -> (i32, i32) {
    %c0_i32 = arith.constant 0 : i32
    %c0_i32_0 = arith.constant 0 : i32
    %c0_i32_1 = arith.constant 0 : i32
    return %c0_i32, %c0_i32_0 : i32, i32
  }
  func.func @transform_4(%arg0: i32) -> (i32, i32) {
    %c0_i32 = arith.constant 0 : i32
    %c0_i32_0 = arith.constant 0 : i32
    %c0_i32_1 = arith.constant 0 : i32
    return %c0_i32, %c0_i32_0 : i32, i32
  }
  func.func @transform_5(%arg0: i32) -> (i32, i32) {
    %c0_i32 = arith.constant 0 : i32
    %c0_i32_0 = arith.constant 0 : i32
    %c0_i32_1 = arith.constant 0 : i32
    return %c0_i32, %c0_i32_0 : i32, i32
  }
  func.func @transform_6(%arg0: i32) -> (i32, i32) {
    %c0_i32 = arith.constant 0 : i32
    %c0_i32_0 = arith.constant 0 : i32
    %c0_i32_1 = arith.constant 0 : i32
    return %c0_i32, %c0_i32_0 : i32, i32
  }
  func.func @transform_7(%arg0: i32) -> (i32, i32) {
    %c0_i32 = arith.constant 0 : i32
    %c0_i32_0 = arith.constant 0 : i32
    %c0_i32_1 = arith.constant 0 : i32
    return %c0_i32, %c0_i32_0 : i32, i32
  }
  func.func @transform_8(%arg0: i32) -> (i32, i32) {
    %c0_i32 = arith.constant 0 : i32
    %c0_i32_0 = arith.constant 0 : i32
    %c0_i32_1 = arith.constant 0 : i32
    return %c0_i32, %c0_i32_0 : i32, i32
  }
  func.func @transform_9(%arg0: i32) -> (i32, i32) {
    %c0_i32 = arith.constant 0 : i32
    %c0_i32_0 = arith.constant 0 : i32
    %c0_i32_1 = arith.constant 0 : i32
    return %c0_i32, %c0_i32_0 : i32, i32
  }
  func.func @transform_10(%arg0: i32) -> (i32, i32) {
    %c0_i32 = arith.constant 0 : i32
    %c0_i32_0 = arith.constant 0 : i32
    %c0_i32_1 = arith.constant 0 : i32
    return %c0_i32, %c0_i32_0 : i32, i32
  }
  func.func @transform_11(%arg0: i32) -> (i32, i32) {
    %c0_i32 = arith.constant 0 : i32
    %c0_i32_0 = arith.constant 0 : i32
    %c0_i32_1 = arith.constant 0 : i32
    return %c0_i32, %c0_i32_0 : i32, i32
  }
  func.func @transform_12(%arg0: i32) -> (i32, i32) {
    %c0_i32 = arith.constant 0 : i32
    %c0_i32_0 = arith.constant 0 : i32
    %c0_i32_1 = arith.constant 0 : i32
    return %c0_i32, %c0_i32_0 : i32, i32
  }
  func.func @transform_13(%arg0: i32) -> (i32, i32) {
    %c0_i32 = arith.constant 0 : i32
    %c0_i32_0 = arith.constant 0 : i32
    return %arg0, %c0_i32 : i32, i32
  }
  func.func @transform_14(%arg0: i32) -> (i32, i32, i32) {
    %c0_i32 = arith.constant 0 : i32
    %c0_i32_0 = arith.constant 0 : i32
    %c0_i32_1 = arith.constant 0 : i32
    return %arg0, %c0_i32, %c0_i32_0 : i32, i32, i32
  }
}

</mosaic_0001>

<sc_bundles>
// kernel: kernel.5.cloned.1.call-start
scs
__scs_entry_jumppad:
0x0: {  	(pc) =	sbr.rel $0x88, $3  }
0x1: {  	(tag) =	ssettag $0x0;
	lr =	simm.s32 $0x1  }
0x2: {  	[smem:$0x3F8D] =	sst lr;
	_ =	strace $0xD0000000  }
0x3: {  	_ = 	snop  }
0x4: {  	_ = 	snop  }
0x5: {  	_ = 	snop  }
0x6: {  	_ = 	snop  }
0x7: {  	_ = 	snop  }
__scs_overlays_trampoline_lowered:
0x8: {  	[smem:$0x3F9C] =	sst s0  }
0x9: {  	[smem:$0x3F9D] =	sst s1  }
0xa: {  	[smem:$0x3F9E] =	sst s2  }
0xb: {  	[smem:$0x3F9F] =	sst s3  }
0xc: {  	[smem:$0x3FA0] =	sst s4  }
0xd: {  	[smem:$0x3FA1] =	sst s5  }
0xe: {  	[smem:$0x3FA2] =	sst s6  }
0xf: {  	[smem:$0x3FA3] =	sst s7  }
0x10: {  	[smem:$0x3FA4] =	sst s8  }
0x11: {  	[smem:$0x3FA5] =	sst s9;
	s0 =	simm.s32 @!p0 $0x0  }
0x12: {  	s1 =	sld [smem:$0x3F8B];
	s0 =	simm.s32 @p0 $0x1  }
0x13: {  	[smem:$0x3FA6] =	sst s0;
	s0 =	simm.s32 @!p1 $0x0  }
0x14: {  	s2 =	sld [smem:$0x3F8A];
	s0 =	simm.s32 @p1 $0x1  }
0x15: {  	[smem:$0x3FA7] =	sst s0;
	s0 =	simm.s32 @!p2 $0x0  }
0x16: {  	s3 =	sld [smem:$0x3FDB];
	s0 =	simm.s32 @p2 $0x1  }
0x17: {  	s4 =	simm.s32 $0x1BF5;
	[smem:$0x3FA9] =	sst s0  }
0x18: {  	s0 =	sld [smem:$0x3F8C];
	_ =	swait.ge [sflag:s4], $0x0  }
0x19: {  	s7 =	sld [smem:$0x3F8D]  }
0x1a: {  	s8 =	sadd.s32 $0xFFFFE003, lr  }
0x1b: {  	s9 =	sadd.s32 $0xFFFFFEF7, lr;
	s5 =	simm.s32 $0xFFFFFFFF;
	p2 =	slt.u32 s8, $0xFFFFF086  }
0x1c: {  	p1 =	slt.u32 s9, $0xF7A;
	s5 =	simm.s32 @!p2 $0x0  }
0x1d: {  	s5 =	simm.s32 @p1 $0x1;
	p0 =	seq.s32 s7, s2  }
0x1e: {  	s7 =	smul.u32 @!p0 $0xF7A, s2;
	p2 =	seq.s32 @!p0 s5, $0x0  }
0x1f: {  	s9 =	smul.u32 $0xF7A, s1;
	s8 =	simm.s32 @!p0 $0x1BF5;
	p2 =	por !p2, p0  }
0x20: {  	[sflag:s8] =	ssyncset.s32 @!p0 $0xFFFFF086;
	s6 =	sadd.s32 @!p0 s3, s7;
	s7 =	simm.s32 @!p0 $0x108  }
0x21: {  	s3 =	sadd.s32 s3, s9;
	s6 =	sadd.s32 @!p0 $0x88, s6;
	s7 =	simm.s32 @p2 $0x1082  }
0x22: {  	[simem:s7], [sflag:s8] =	dma.local @!p0 [hbm:s6], $0xF7A  }
0x23: {  	s9 =	sor.u32 $0xD0000000, s2;
	s6 =	simm.s32 $0x108;
	_ =	swait.ge @!p0 [sflag:s8], $0x0  }
0x24: {  	s3 =	sadd.s32 $0x88, s3;
	s6 =	simm.s32 @!p1 $0x1082;
	[sflag:s4] =	ssyncset.s32 $0xFFFFF086  }
0x25: {  	[simem:s6], [sflag:s4] =	dma.local [hbm:s3], $0xF7A  }
0x26: {  	[smem:$0x3F8D] =	sst s1;
	(tag) =	ssettag s2;
	_ =	strace s9  }
0x27: {  	s1 =	sld [smem:$0x3F9D]  }
0x28: {  	s2 =	sld [smem:$0x3F9E]  }
0x29: {  	s4 =	sld [smem:$0x3FA0]  }
0x2a: {  	p0 =	seq.s32 s5, $0x0;
	s5 =	sld [smem:$0x3FA1]  }
0x2b: {  	s6 =	sld [smem:$0x3FA2]  }
0x2c: {  	s7 =	sld [smem:$0x3FA3]  }
0x2d: {  	s3 =	simm.s32 $0x108;
	s8 =	sld [smem:$0x3FA4]  }
0x2e: {  	s3 =	simm.s32 @!p0 $0x1082;
	s9 =	sld [smem:$0x3FA5]  }
0x2f: {  	lr =	sadd.s32 s0, s3;
	s0 =	sld [smem:$0x3F9C]  }
0x30: {  	s3 =	sld [smem:$0x3F9F]  }
0x31: {  	[smem:$0x3FA8] =	sst s10  }
0x32: {  	s10 =	sld [smem:$0x3FA6];
	_ =	sdelay $0x3  }
0x33: {  	p0 =	seq.s32 s10, $0x1;
	s10 =	sld [smem:$0x3FA8];
	_ =	sdelay $0x3  }
0x34: {  	[smem:$0x3FA8] =	sst s10  }
0x35: {  	s10 =	sld [smem:$0x3FA7];
	_ =	sdelay $0x3  }
0x36: {  	p1 =	seq.s32 s10, $0x1;
	s10 =	sld [smem:$0x3FA8];
	_ =	sdelay $0x3  }
0x37: {  	[smem:$0x3FA8] =	sst s10  }
0x38: {  	s10 =	sld [smem:$0x3FA9]  }
0x39: {  	_ = 	snop;
	(pc) =	sbr.ind lr, $3  }
0x3a: {  	_ = 	snop  }
0x3b: {  	_ = 	snop  }
0x3c: {  	p2 =	seq.s32 s10, $0x1;
	s10 =	sld [smem:$0x3FA8]  }
0x3d: {  	_ =	shalt  }
0x3e: {  	_ =	shalt  }
0x3f: {  	_ =	shalt  }
0x40: {  	_ =	shalt  }
0x41: {  	_ =	shalt  }
0x42: {  	_ =	shalt  }
0x43: {  	_ =	shalt  }
0x44: {  	_ =	shalt  }
0x45: {  	_ =	shalt  }
0x46: {  	_ =	shalt  }
0x47: {  	_ =	shalt  }
0x48: {  	_ =	shalt  }
0x49: {  	_ =	shalt  }
0x4a: {  	_ =	shalt  }
0x4b: {  	_ =	shalt  }
0x4c: {  	_ =	shalt  }
0x4d: {  	_ =	shalt  }
0x4e: {  	_ =	shalt  }
0x4f: {  	_ =	shalt  }
0x50: {  	_ =	shalt  }
0x51: {  	_ =	shalt  }
0x52: {  	_ =	shalt  }
0x53: {  	_ =	shalt  }
0x54: {  	_ =	shalt  }
0x55: {  	_ =	shalt  }
0x56: {  	_ =	shalt  }
0x57: {  	_ =	shalt  }
0x58: {  	_ =	shalt  }
0x59: {  	_ =	shalt  }
0x5a: {  	_ =	shalt  }
0x5b: {  	_ =	shalt  }
0x5c: {  	_ =	shalt  }
0x5d: {  	_ =	shalt  }
0x5e: {  	_ =	shalt  }
0x5f: {  	_ =	shalt  }
0x60: {  	_ =	shalt  }
0x61: {  	_ =	shalt  }
0x62: {  	_ =	shalt  }
0x63: {  	_ =	shalt  }
0x64: {  	_ =	shalt  }
0x65: {  	_ =	shalt  }
0x66: {  	_ =	shalt  }
0x67: {  	_ =	shalt  }
0x68: {  	_ =	shalt  }
0x69: {  	_ =	shalt  }
0x6a: {  	_ =	shalt  }
0x6b: {  	_ =	shalt  }
0x6c: {  	_ =	shalt  }
0x6d: {  	_ =	shalt  }
0x6e: {  	_ =	shalt  }
0x6f: {  	_ =	shalt  }
0x70: {  	_ =	shalt  }
0x71: {  	_ =	shalt  }
0x72: {  	_ =	shalt  }
0x73: {  	_ =	shalt  }
0x74: {  	_ =	shalt  }
0x75: {  	_ =	shalt  }
0x76: {  	_ =	shalt  }
0x77: {  	_ =	shalt  }
0x78: {  	_ =	shalt  }
0x79: {  	_ =	shalt  }
0x7a: {  	_ =	shalt  }
0x7b: {  	_ =	shalt  }
0x7c: {  	_ =	shalt  }
0x7d: {  	_ =	shalt  }
0x7e: {  	_ =	shalt  }
0x7f: {  	_ =	shalt  }
0x80: {  	_ =	shalt  }
0x81: {  	_ =	shalt  }
0x82: {  	_ =	shalt  }
0x83: {  	_ =	shalt  }
0x84: {  	_ =	shalt  }
0x85: {  	_ =	shalt  }
0x86: {  	_ =	shalt  }
0x87: {  	_ =	shalt  }
.Lfunc_end0:
.L_simem_size_0:
called_computation_lowered:
.L_overlay_start_0:
0x88: {  	s2 =	sld [smem:$0x3FD9]  }
0x89: {  	s3 =	sld [smem:$0x3FFE];
	_ =	sdelay $0x1  }
0x8a: {  	s1 =	srdreg.scid  }
0x8b: {  	s0 =	sand.u32 $0x1, s1  }
0x8c: {  	s16 =	sshll.u32 s0, $0xA;
	s2 =	sadd.s32 s3, s2  }
0x8d: {  	s2 =	sadd.s32 s2, s16  }
0x8e: {  	[smem:$0x3FB4] =	sst s2  }
0x8f: {  	_ = 	snop  }
0x90: {  	(tm) =	ssettm $0x1  }
0x91: {  	s17 =	sld [smem:$0x3FFB];
	_ =	sdelay $0x3  }
0x92: {  	_ =	strace s17  }
0x93: {  	s2 =	sld [smem:$0x3FFC];
	_ =	sdelay $0x3  }
0x94: {  	_ =	strace s2  }
0x95: {  	s2 =	sld [smem:$0x3FFD];
	_ =	sdelay $0x3  }
0x96: {  	_ =	strace s2  }
0x97: {  	_ =	strace $0x8FFFFFFF  }
0x98: {  	s18 =	sld [smem:$0x3FDB];
	_ =	sdelay $0x1  }
0x99: {  	s19 =	simm.s32 $_scs_section_size  }
0x9a: {  	s4 =	simm.s32 $_size__tile_overlayer_lowered;
	s5 =	simm.s32 $_tile_overlayer_lowered  }
0x9b: {  	s22 =	simm.s32 $0x1BFF;
	s21 =	sshll.u32 s5, $0x1;
	s2 =	sadd.s32 s19, s18  }
0x9c: {  	s6 =	simm.s32 $0x0;
	s20 =	sshll.u32 s4, $0x1;
	s4 =	sadd.s32 s21, s2  }
0x9d: {  	[timem:s6], [sflag:s22] =	dma.local [hbm:s4], s20  }
0x9e: {  	_ =	swait.ge [sflag:s22], s20  }
0x9f: {  	s3 =	ssub.s32 $0x0, s20;
	[sflag:s22] =	ssyncset.done $0x0  }
0xa0: {  	[sflag:s22] =	ssyncadd.s32 s3;
	_ =	sdelay $0x1  }
0xa1: {  	s23 =	simm.s32 $0x1B8B  }
0xa2: {  	_ =	swait.ge [sflag:s23], $0x1  }
0xa3: {  	[sflag:s23] =	ssyncset.done $0x0  }
0xa4: {  	s25 =	simm.s32 $0x1B8E;
	s24 =	sld [smem:$0x3FFE];
	[sflag:s23] =	ssyncadd.s32 $0xFFFFFFFF  }
0xa5: {  	s26 =	simm.s32 $execute0_lowered;
	[smem:$0x3FD2] =	sst s25  }
0xa6: {  	s4 =	sshll.u32 s26, $0x1;
	_ =	strace $0x80000046;
	[dreg:$0x1] =	wrdreg $0xFFFFFFFF  }
0xa7: {  	s28 =	simm.s32 $_size_execute0_lowered;
	s2 =	sadd.s32 s2, s4;
	[dreg:$0x0] =	wrdreg $0x0  }
0xa8: {  	s4 =	sshll.u32 s28, $0x1;
	[dreg:$0x2] =	wrdreg s2  }
0xa9: {  	[dreg:$0x3] =	wrdreg s4  }
0xaa: {  	[dreg:$0x4] =	wrdreg $0xC0  }
0xab: {  	_ =	task [dreg:s6], $0x5FFFF  }
0xac: {  	[dreg:$0x1] =	wrdreg $0xFFFFFFFF  }
0xad: {  	[dreg:$0x0] =	wrdreg $0x60  }
0xae: {  	[dreg:$0x2] =	wrdreg s24  }
0xaf: {  	[dreg:$0x3] =	wrdreg $0x0  }
0xb0: {  	[dreg:$0x4] =	wrdreg $0x198000  }
0xb1: {  	[dreg:$0x5] =	wrdreg $0x9  }
0xb2: {  	_ =	task.clear_ibuf [dreg:s6], $0x6FFFF;
	_ =	strace $0x90000046  }
0xb3: {  	s29 =	simm.s32 $0x9;
	_ =	strace $0x80000048  }
0xb4: {  	_ =	swait.ge [sflag:s29], $0x1  }
0xb5: {  	[sflag:s29] =	ssyncadd.s32 $0xFFFFFFFF  }
0xb6: {  	_ =	strace $0x90000048  }
0xb7: {  	_ =	sfence  }
0xb8: {  	s30 =	sld [smem:$0x0];
	_ =	sdelay $0x2  }
0xb9: {  	s31 =	sshll.u32 s1, $0xD;
	s1 =	sshrl.u32 s1, $0x2  }
0xba: {  	s3 =	sand.u32 $0x4000, s31;
	s1 =	sadd.s32 s1, s30  }
0xbb: {  	s0 =	sor.u32 s3, s0;
	s1 =	sshll.u32 s1, $0x11  }
0xbc: {  	s0 =	sor.u32 s1, s0  }
0xbd: {  	s0 =	sadd.s32 $0x8F2B, s0  }
0xbe: {  	[sflag:s0] =	ssyncadd.remote.s32 $0x1  }
0xbf: {  	_ =	sfence.sel $0xFFFF  }
0xc0: {  	[dreg:$0x0] =	wrdreg $0xFFFFFFFF;
	(pc) =	sbr.abs _section_cstart, $3  }
0xc1: {  	[dreg:$0x1] =	wrdreg $0xFFFFFFFF  }
0xc2: {  	_ =	task.clear_ibuf [dreg:s6], $0x2FFFF;
	_ =	strace $0x9FFFFFFF  }
0xc3: {  	(tm) =	ssettm $0x7FFFFFFF  }
tec
execute0_lowered:
.L_overlay_start_1:
0x0: {  	(tag) =	ssettag $0x1  }
0x1: {  	s0 =	rddreg [dreg:$0x0]  }
0x2: {  	s1 =	rddreg [dreg:$0x1]  }
0x3: {  	s2 =	rddreg [dreg:$0x2];
	s14 =	stileid.u32  }
0x4: {  	s3 =	srdreg.scid;
	s4 =	simm.s32 $0x0;
	s6 =	smul.u32 $0xC800, s14  }
0x5: {  	s16 =	simm.s32 $0x1DC30;
	s17 =	simm.s32 $0x1;
	s10 =	smul.u32 $0x66000, s14  }
0x6: {  	s19 =	simm.s32 $0x19B30;
	s20 =	simm.s32 $0x1A7B0;
	s12 =	smul.u32 $0xCC0, s14  }
0x7: {  	s23 =	simm.s32 $0x1C430;
	s24 =	simm.s32 $0x20;
	s25 =	smul.u32 $0x64000, s14  }
0x8: {  	s3 =	sand.u32 $0x1, s3;
	[smem:$0x7FF] =	sst s4;
	s13 =	smul.u32 $0xC80, s14  }
0x9: {  	s5 =	sadd.s32 $0x2800, s0;
	s7 =	sadd.s32 $0xC9B800, s0;
	s9 =	smul.u32 $0x64000, s3  }
0xa: {  	s8 =	sadd.s32 $0x1B800, s0;
	s18 =	smul.u32 $0x6400, s3;
	s3 =	ssub.s32 $0x2, s3  }
0xb: {  	s28 =	smul.u32 $0x3200, s14;
	_ =	strace $0x80000047;
	s11 =	sshrl.u32 s3, $0x1  }
0xc: {  	s10 =	sshrl.u32 s10, $0x2;
	s26 =	sshrl.u32 s12, $0x2;
	s29 =	sshrl.u32 s25, $0x2  }
0xd: {  	s30 =	sshrl.u32 s13, $0x2;
	s25 =	simm.s32 $0x1CC30;
	s0 =	sadd.s32 s9, s0  }
0xe: {  	s3 =	ssub.s32 s3, s11;
	s21 =	sadd.s32 $0x3200, s18;
	s22 =	sadd.s32 $0x6400, s18  }
0xf: {  	s10 =	sadd.s32 s10, s1;
	s11 =	sadd.s32 s26, s2;
	s12 =	sadd.s32 s29, s1  }
0x10: {  	s13 =	sadd.s32 s30, s2;
	s3 =	smax.u32 s3, $0x1;
	s0 =	sadd.s32 s28, s0  }
0x11: {  	v0 =	vmov s18;
	s18 =	simm.s32 $0x1E430;
	[dreg:$0x4] =	wrdreg s3;
	s31 =	sadd.s32 $0xCB4800, s0  }
0x12: {  	v3 =	vlaneseq.u32;
	v4 =	vimm.s32 $0x0;
	v5 =	vimm.f32 $0.0e+00;
	s26 =	simm.s32 $0x0;
	s0 =	sadd.s32 $0xCE6800, s0;
	[dreg:$0x5] =	wrdreg s31  }
0x13: {  	v6 =	vor.u32 $0x3200, v3;
	v1 =	vmov s21;
	v2 =	vmov s22;
	s21 =	simm.s32 $0x1B430;
	s22 =	simm.s32 $0x1BC30;
	[dreg:$0x6] =	wrdreg s0  }
.LBB2_1:
0x14: {  	s0 =	simm.s32 $0x0  }
.LBB2_2:
0x15: {  	p0 =	sne.s32 s0, $0x1FC0  }
.Ltmp0:
0x16: {  	_ = 	snop;
	(pc) =	sbr.rel @p0 .LBB2_2-.Ltmp0, $3  }
0x17: {  	_ =	sdelay $0x1  }
0x18: {  	s3 =	sshra.s32 s0, $0x2  }
0x19: {  	s0 =	sadd.s32 $0x40, s0;
	[tilespmem:s3+$0x1B430] =	vst v4  }
0x1a: {  	s0 =	simm.s32 $0x0;
	s3 =	simm.s32 $0x200  }
.LBB2_4:
0x1b: {  	p0 =	sne.s32 s3, $0x1E00;
	[tilespmem:s0+$0x1DCA0] =	vst v5  }
0x1c: {  	[tilespmem:s0+$0x1DC30] =	vst v5  }
0x1d: {  	[tilespmem:s0+$0x1DC40] =	vst v5  }
.Ltmp1:
0x1e: {  	[tilespmem:s0+$0x1DC50] =	vst v5;
	(pc) =	sbr.rel @p0 .LBB2_4-.Ltmp1, $4  }
0x1f: {  	[tilespmem:s0+$0x1DC60] =	vst v5  }
0x20: {  	[tilespmem:s0+$0x1DC70] =	vst v5  }
0x21: {  	[tilespmem:s0+$0x1DC80] =	vst v5  }
0x22: {  	[tilespmem:s0+$0x1DC90] =	vst v5;
	s0 =	sshra.s32 s3, $0x2;
	s3 =	sadd.s32 $0x200, s3  }
0x23: {  	[tilespmem:s0+$0x1DCA0] =	vst v5  }
0x24: {  	[tilespmem:s0+$0x1DC30] =	vst v5  }
0x25: {  	[tilespmem:s0+$0x1DC40] =	vst v5  }
0x26: {  	[tilespmem:s0+$0x1DC50] =	vst v5  }
0x27: {  	[tilespmem:s0+$0x1DC60] =	vst v5  }
0x28: {  	[tilespmem:s0+$0x1DC70] =	vst v5  }
0x29: {  	[tilespmem:s0+$0x1DC80] =	vst v5  }
0x2a: {  	[tilespmem:s0+$0x1DC90] =	vst v5  }
0x2b: {  	[tilespmem:$0x1E430] =	vst v5  }
0x2c: {  	[spmem:s10] =	stream.linear.scatter [tilespmem:s16], [sflag:$0x1], $0x800, $0x38;
	[tilespmem:$0x1E4B0] =	vst v63  }
0x2d: {  	_ =	swait.ge [sflag:s17], $0x800  }
0x2e: {  	[sflag:s17] =	ssyncset.done $0x0  }
0x2f: {  	s31 =	sadd.s32 $0x0, s11;
	[sflag:s17] =	ssyncadd.s32 $0xFFFFF800  }
0x30: {  	[spmem:s31] =	stream.linear.scatter [tilespmem:s18], [sflag:$0x1], $0x10, $0x38;
	[tilespmem:$0x1E4B0] =	vst v63  }
0x31: {  	_ =	swait.ge [sflag:s17], $0x10  }
0x32: {  	s0 =	simm.s32 $0x40;
	s3 =	smov.u32 s10;
	[sflag:s17] =	ssyncset.done $0x0  }
.LBB2_6:
0x33: {  	p0 =	sne.s32 s0, $0xC80;
	[sflag:s17] =	ssyncadd.s32 $0xFFFFFFF0;
	s3 =	sadd.s32 $0x800, s3  }
0x34: {  	[spmem:s3] =	stream.linear.scatter [tilespmem:s16], [sflag:$0x1], $0x800, $0x38;
	[tilespmem:$0x1E4B0] =	vst v63  }
0x35: {  	s9 =	smov.u32 s0;
	s0 =	sadd.s32 $0x40, s0;
	_ =	swait.ge [sflag:s17], $0x800  }
.Ltmp2:
0x36: {  	s9 =	sshra.s32 s9, $0x2;
	[sflag:s17] =	ssyncset.done $0x0;
	(pc) =	sbr.rel @p0 .LBB2_6-.Ltmp2, $4  }
0x37: {  	s9 =	sadd.s32 s9, s11;
	[sflag:s17] =	ssyncadd.s32 $0xFFFFF800  }
0x38: {  	[spmem:s9] =	stream.linear.scatter [tilespmem:s18], [sflag:$0x1], $0x10, $0x38;
	[tilespmem:$0x1E4B0] =	vst v63  }
0x39: {  	_ =	swait.ge [sflag:s17], $0x10  }
0x3a: {  	[sflag:s17] =	ssyncset.done $0x0  }
.Ltmp3:
0x3b: {  	(pc) =	sbr.rel .LBB2_8-.Ltmp3, $4  }
0x3c: {  	_ = 	snop  }
0x3d: {  	[sflag:s17] =	ssyncadd.s32 $0xFFFFFFF0  }
0x3e: {  	[bflag:$0x0] =	sbarrier.arrive $0xFFFF  }
0x3f: {  	s28 =	simm.s32 $0x0;
	s29 =	smov.u32 s6;
	s30 =	simm.s32 $0x0  }
.LBB2_13:
0x40: {  	[sflag:s17] =	ssyncadd.s32 $0xFFFFFFE0  }
.LBB2_14:
0x41: {  	s30 =	sadd.s32 $0x1, s30  }
0x42: {  	p0 =	sne.s32 s30, $0x20  }
.Ltmp4:
0x43: {  	_ = 	snop;
	(pc) =	sbr.rel @!p0 .LBB2_15-.Ltmp4, $2  }
0x44: {  	_ =	sdelay $0x2  }
0x45: {  	s29 =	sadd.s32 $0x640, s29  }
.LBB2_8:
0x46: {  	s0 =	smul.u32 $0x640, s30;
	_ =	sdelay $0x1  }
0x47: {  	s0 =	sadd.s32 s6, s0  }
0x48: {  	s0 =	sshrl.u32 s0, $0x3  }
0x49: {  	s3 =	sadd.s32 s5, s0  }
0x4a: {  	[tilespmem:s19], [sflag:$0x1] =	stream.linear.gather [hbm4b:s3+s28], $0x640, $0x38;
	[tilespmem:$0x1E4B0] =	vst v63  }
0x4b: {  	_ =	swait.ge [sflag:s17], $0x640  }
0x4c: {  	[sflag:s17] =	ssyncset.done $0x0  }
0x4d: {  	s0 =	sadd.s32 s7, s0;
	[sflag:s17] =	ssyncadd.s32 $0xFFFFF9C0  }
0x4e: {  	[tilespmem:s20], [sflag:$0x1] =	stream.linear.gather [hbm4b:s0+s28], $0x640, $0x38;
	[tilespmem:$0x1E4B0] =	vst v63  }
0x4f: {  	_ =	swait.ge [sflag:s17], $0x640  }
0x50: {  	[sflag:s17] =	ssyncset.done $0x0  }
0x51: {  	v7 =	vimm.s32 $0x0;
	s31 =	simm.s32 $0x0;
	s0 =	smov.u32 s29;
	[sflag:s17] =	ssyncadd.s32 $0xFFFFF9C0  }
.LBB2_9:
0x52: {  	s3 =	sshra.s32 s31, $0x2  }
0x53: {  	v8 =	vld [tilespmem:s3+$0x19B30];
	_ =	sdelay $0x4  }
0x54: {  	vm0 =	vge.s32 v8, v0;
	vm1 =	vlt.s32 v8, v1  }
0x55: {  	vm0 =	vmand vm0, vm1  }
0x56: {  	v9 =	vsel vm0, $0x1, v4  }
0x57: {  	(xrf0) =	vadd.scan.msk.s32 $0xffff, v9;
	_ =	sdelay $0x5  }
0x58: {  	v9, _, _ =	vpop (xrf0)  }
0x59: {  	v9 =	vadd.s32 v9, v7  }
0x5a: {  	v9 =	vadd.s32 $0xFFFFFFFF, v9;
	_ =	sdelay $0x1  }
0x5b: {  	v10 =	vld [tilespmem:s3+$0x1A7B0];
	_ =	sdelay $0x1  }
0x5c: {  	v11 =	vor.u32 s0, v3  }
0x5d: {  	v8 =	vsub.s32 v8, v0;
	[tilespmem:v9+s21+$0x0] =	vst.idx.msk vm0, v11  }
0x5e: {  	[tilespmem:v9+s22+$0x0] =	vst.idx.msk vm0, v8  }
0x5f: {  	[tilespmem:v9+s23+$0x0] =	vst.idx.msk vm0, v10  }
0x60: {  	v8 =	vld [tilespmem:s3+$0x19B40];
	_ =	sdelay $0x4  }
0x61: {  	vm15 =	vge.s32 v8, v0;
	vm2 =	vlt.s32 v8, v1  }
0x62: {  	vm1 =	vmand vm15, vm2  }
0x63: {  	v59 =	vsel vm1, $0x1, v4  }
0x64: {  	(xrf0) =	vadd.scan.msk.s32 $0xffff, v59;
	_ =	sdelay $0x3  }
0x65: {  	v60 =	vmpcnt.ones.xlane vm0;
	_ =	sdelay $0x1  }
0x66: {  	v7 =	vadd.s32 v7, v60;
	v61, _, _ =	vpop (xrf0)  }
0x67: {  	v9 =	vadd.s32 v61, v7  }
0x68: {  	v9 =	vadd.s32 $0xFFFFFFFF, v9;
	_ =	sdelay $0x1  }
0x69: {  	p0 =	sne.s32 s31, $0x1880;
	v10 =	vld [tilespmem:s3+$0x1A7C0]  }
.Ltmp5:
0x6a: {  	s15 =	sadd.s32 $0x10, s0;
	(pc) =	sbr.rel @p0 .LBB2_9-.Ltmp5, $4  }
0x6b: {  	v62 =	vor.u32 s15, v3  }
0x6c: {  	v8 =	vsub.s32 v8, v0;
	v63 =	vmpcnt.ones.xlane vm1;
	[tilespmem:v9+s21+$0x0] =	vst.idx.msk vm1, v62  }
0x6d: {  	[tilespmem:v9+s22+$0x0] =	vst.idx.msk vm1, v8  }
0x6e: {  	s0 =	sadd.s32 $0x20, s0;
	s31 =	sadd.s32 $0x80, s31;
	v7 =	vadd.s32 v7, v63;
	[tilespmem:v9+s23+$0x0] =	vst.idx.msk vm1, v10  }
0x6f: {  	v7 =	vxor.u32 $0x80000000, v7  }
0x70: {  	(xrf0) =	vmax.scan.msk.u32 $0xffff, v7;
	_ =	sdelay $0x5  }
0x71: {  	v7, _, _ =	vpop (xrf0)  }
0x72: {  	(v2sf) =	vpush v7, $0xF;
	_ =	sdelay $0xe  }
0x73: {  	s0 =	spop (v2sf)  }
0x74: {  	s14 =	sadd.s32 $0x8000001F, s0  }
0x75: {  	s3 =	sxor.u32 $0x80000000, s0;
	s15 =	sadd.s32 $0x80000010, s0;
	s9 =	sand.u32 $0x1F, s14  }
0x76: {  	v7 =	vadd.s32 s3, v3;
	v8 =	vadd.s32 s15, v3;
	s15 =	sshra.s32 s14, $0x1F;
	p0 =	slt.s32 s14, $0x1;
	p1 =	sne.s32 s9, $0x0  }
0x77: {  	s15 =	sshrl.u32 s15, $0x1B;
	p0 =	por !p0, !p1  }
0x78: {  	s3 =	sadd.s32 s15, s14;
	s14 =	simm.s32 $0x1;
	p0 =	por !p0, !p0  }
0x79: {  	s3 =	sshra.s32 s3, $0x5;
	s14 =	simm.s32 @!p0 $0x0  }
0x7a: {  	s31 =	simm.s32 $0x1B430;
	s3 =	ssub.s32 s3, s14  }
0x7b: {  	s0 =	simm.s32 $0x1BC30;
	[tilespmem:v7+s31+$0x0] =	vst.idx.msk $0xffff, v3;
	p0 =	slt.s32 s3, $0x1  }
.Ltmp6:
0x7c: {  	s9 =	simm.s32 $0x1C430;
	[tilespmem:v7+s0+$0x0] =	vst.idx.msk $0xffff, v6;
	(pc) =	sbr.rel @p0 .LBB2_14-.Ltmp6, $4  }
0x7d: {  	[tilespmem:v7+s9+$0x0] =	vst.idx.msk $0xffff, v5  }
0x7e: {  	[tilespmem:v8+s31+$0x0] =	vst.idx.msk $0xffff, v3  }
0x7f: {  	[tilespmem:v8+s0+$0x0] =	vst.idx.msk $0xffff, v6  }
0x80: {  	[tilespmem:v8+s9+$0x0] =	vst.idx.msk $0xffff, v5  }
0x81: {  	[tilespmem:s25], [sflag:$0x1] =	stream.indirect.gather [hbm4b:s8+s24], $0x80, s31, s24, $0xb8;
	[tilespmem:$0x1E4B0] =	vst v63  }
0x82: {  	_ =	swait.ge [sflag:s17], $0x1000  }
0x83: {  	[sflag:s17] =	ssyncset.done $0x0  }
0x84: {  	[sflag:s17] =	ssyncadd.s32 $0xFFFFF000  }
0x85: {  	[spmem:s1] =	stream.indirect.scatter.add.f32 [tilespmem:s25], [sflag:$0x1], $0x80, s0, s24, $0xb8;
	[tilespmem:$0x1E4B0] =	vst v63  }
0x86: {  	p0 =	sne.s32 s3, $0x1;
	_ =	swait.ge [sflag:s17], $0x1000  }
.Ltmp7:
0x87: {  	[sflag:s17] =	ssyncset.done $0x0;
	(pc) =	sbr.rel @!p0 .LBB2_13-.Ltmp7, $4  }
0x88: {  	[sflag:s17] =	ssyncadd.s32 $0xFFFFF000  }
0x89: {  	[spmem:s2] =	stream.indirect.scatter.add.f32 [tilespmem:s9], [sflag:$0x1], $0x1, s0, s24, $0xb8;
	[tilespmem:$0x1E4B0] =	vst v63  }
0x8a: {  	_ =	swait.ge [sflag:s17], $0x20  }
0x8b: {  	s3 =	sadd.s32 $0xFFFFFFFF, s3;
	s9 =	sadd.s32 $0x20, s9;
	[sflag:s17] =	ssyncset.done $0x0  }
.LBB2_12:
0x8c: {  	[sflag:s17] =	ssyncadd.s32 $0xFFFFFFE0;
	s31 =	sadd.s32 $0x20, s31;
	s0 =	sadd.s32 $0x20, s0  }
0x8d: {  	[tilespmem:s25], [sflag:$0x1] =	stream.indirect.gather [hbm4b:s8+s24], $0x80, s31, s24, $0xb8;
	[tilespmem:$0x1E4B0] =	vst v63  }
0x8e: {  	p0 =	sne.s32 s3, $0x1;
	s3 =	sadd.s32 $0xFFFFFFFF, s3;
	_ =	swait.ge [sflag:s17], $0x1000  }
0x8f: {  	[sflag:s17] =	ssyncset.done $0x0  }
0x90: {  	[sflag:s17] =	ssyncadd.s32 $0xFFFFF000  }
0x91: {  	[spmem:s1] =	stream.indirect.scatter.add.f32 [tilespmem:s25], [sflag:$0x1], $0x80, s0, s24, $0xb8;
	[tilespmem:$0x1E4B0] =	vst v63  }
0x92: {  	_ =	swait.ge [sflag:s17], $0x1000  }
.Ltmp8:
0x93: {  	[sflag:s17] =	ssyncset.done $0x0;
	(pc) =	sbr.rel @p0 .LBB2_12-.Ltmp8, $4  }
0x94: {  	[sflag:s17] =	ssyncadd.s32 $0xFFFFF000  }
0x95: {  	[spmem:s2] =	stream.indirect.scatter.add.f32 [tilespmem:s9], [sflag:$0x1], $0x1, s0, s24, $0xb8;
	[tilespmem:$0x1E4B0] =	vst v63  }
0x96: {  	_ =	swait.ge [sflag:s17], $0x20  }
0x97: {  	s9 =	sadd.s32 $0x20, s9;
	[sflag:s17] =	ssyncset.done $0x0  }
.Ltmp9:
0x98: {  	_ = 	snop;
	(pc) =	sbr.rel .LBB2_13-.Ltmp9, $1  }
0x99: {  	_ =	sdelay $0x3  }
.LBB2_15:
0x9a: {  	[bflag:$0x0] =	sbarrier.arrive $0xFFFF  }
0x9b: {  	s28 =	simm.s32 $0x0;
	s30 =	smov.u32 s12;
	s29 =	rddreg [dreg:$0x5]  }
.LBB2_16:
0x9c: {  	[tilespmem:s16], [sflag:$0x1] =	stream.linear.gather [spmem:s30], $0x800, $0x38;
	[tilespmem:$0x1E4B0] =	vst v63  }
0x9d: {  	_ =	swait.ge [sflag:s17], $0x800  }
0x9e: {  	s0 =	sshra.s32 s28, $0x2;
	[sflag:s17] =	ssyncset.done $0x0  }
0x9f: {  	s0 =	sadd.s32 s0, s13;
	[sflag:s17] =	ssyncadd.s32 $0xFFFFF800  }
0xa0: {  	[tilespmem:s18], [sflag:$0x1] =	stream.linear.gather [spmem:s0], $0x10, $0x38;
	[tilespmem:$0x1E4B0] =	vst v63  }
0xa1: {  	_ =	swait.ge [sflag:s17], $0x10  }
0xa2: {  	[sflag:s17] =	ssyncset.done $0x0  }
0xa3: {  	[sflag:s17] =	ssyncadd.s32 $0xFFFFFFF0  }
0xa4: {  	v7 =	vld [tilespmem:$0x1E430];
	_ =	sdelay $0x4  }
0xa5: {  	v7 =	vadd.f32 $9.999999710e-10, v7;
	_ =	sdelay $0x1  }
0xa6: {  	(erf) = vrcp.f32 v7;
	_ =	sdelay $0x5  }
0xa7: {  	v8 =	vld [tilespmem:$0x1DC30]  }
0xa8: {  	v9 =	vld [tilespmem:$0x1DC40]  }
0xa9: {  	v10 =	vld [tilespmem:$0x1DC50]  }
0xaa: {  	v12 =	vld [tilespmem:$0x1DC60];
	v7 =	vpop (erf)  }
0xab: {  	v13 =	vld [tilespmem:$0x1DC70];
	v11 =	vbroadcast v7, $0x0  }
0xac: {  	v14 =	vld [tilespmem:$0x1DC80]  }
0xad: {  	v15 =	vld [tilespmem:$0x1DC90];
	v8 =	vmul.f32 v11, v8  }
0xae: {  	v49 =	vld [tilespmem:$0x1DCA0];
	v9 =	vmul.f32 v11, v9  }
0xaf: {  	v51 =	vld [tilespmem:$0x1DCB0];
	[tilespmem:$0x1DC30] =	vst v8;
	v8 =	vmul.f32 v10, v11  }
0xb0: {  	v52 =	vld [tilespmem:$0x1DCC0];
	v50 =	vmul.f32 v12, v11;
	[tilespmem:$0x1DC40] =	vst v9  }
0xb1: {  	v54 =	vld [tilespmem:$0x1DCD0];
	[tilespmem:$0x1DC50] =	vst v8;
	v8 =	vmul.f32 v13, v11  }
0xb2: {  	v16 =	vld [tilespmem:$0x1DCE0];
	v53 =	vmul.f32 v14, v11;
	[tilespmem:$0x1DC60] =	vst v50  }
0xb3: {  	v57 =	vld [tilespmem:$0x1DCF0];
	v55 =	vbroadcast v7, $0x1;
	[tilespmem:$0x1DC70] =	vst v8;
	v8 =	vmul.f32 v15, v11  }
0xb4: {  	v58 =	vld [tilespmem:$0x1DD00];
	v56 =	vmul.f32 v49, v11;
	[tilespmem:$0x1DC80] =	vst v53  }
0xb5: {  	v60 =	vld [tilespmem:$0x1DD10];
	[tilespmem:$0x1DC90] =	vst v8;
	v8 =	vmul.f32 v51, v55  }
0xb6: {  	v61 =	vld [tilespmem:$0x1DD20];
	v59 =	vmul.f32 v52, v55;
	[tilespmem:$0x1DCA0] =	vst v56  }
0xb7: {  	v63 =	vld [tilespmem:$0x1DD30];
	[tilespmem:$0x1DCB0] =	vst v8;
	v8 =	vmul.f32 v54, v55  }
0xb8: {  	v20 =	vld [tilespmem:$0x1DD40];
	v62 =	vmul.f32 v16, v55;
	[tilespmem:$0x1DCC0] =	vst v59  }
0xb9: {  	v22 =	vld [tilespmem:$0x1DD50];
	[tilespmem:$0x1DCD0] =	vst v8;
	v8 =	vmul.f32 v57, v55  }
0xba: {  	v24 =	vld [tilespmem:$0x1DD60];
	v21 =	vmul.f32 v58, v55;
	[tilespmem:$0x1DCE0] =	vst v62  }
0xbb: {  	v26 =	vld [tilespmem:$0x1DD70];
	v23 =	vbroadcast v7, $0x2;
	[tilespmem:$0x1DCF0] =	vst v8;
	v8 =	vmul.f32 v60, v55  }
0xbc: {  	v27 =	vld [tilespmem:$0x1DD80];
	v25 =	vmul.f32 v61, v55;
	[tilespmem:$0x1DD00] =	vst v21  }
0xbd: {  	v29 =	vld [tilespmem:$0x1DD90];
	[tilespmem:$0x1DD10] =	vst v8;
	v8 =	vmul.f32 v63, v23  }
0xbe: {  	v30 =	vld [tilespmem:$0x1DDA0];
	v28 =	vmul.f32 v20, v23;
	[tilespmem:$0x1DD20] =	vst v25  }
0xbf: {  	v32 =	vld [tilespmem:$0x1DDB0];
	[tilespmem:$0x1DD30] =	vst v8;
	v8 =	vmul.f32 v22, v23  }
0xc0: {  	v33 =	vld [tilespmem:$0x1DDC0];
	v31 =	vmul.f32 v24, v23;
	[tilespmem:$0x1DD40] =	vst v28  }
0xc1: {  	v35 =	vld [tilespmem:$0x1DDD0];
	[tilespmem:$0x1DD50] =	vst v8;
	v8 =	vmul.f32 v26, v23  }
0xc2: {  	v37 =	vld [tilespmem:$0x1DDE0];
	v34 =	vmul.f32 v27, v23;
	[tilespmem:$0x1DD60] =	vst v31  }
0xc3: {  	v39 =	vld [tilespmem:$0x1DDF0];
	v36 =	vbroadcast v7, $0x3;
	[tilespmem:$0x1DD70] =	vst v8;
	v8 =	vmul.f32 v29, v23  }
0xc4: {  	v40 =	vld [tilespmem:$0x1DE00];
	v38 =	vmul.f32 v30, v23;
	[tilespmem:$0x1DD80] =	vst v34  }
0xc5: {  	v42 =	vld [tilespmem:$0x1DE10];
	[tilespmem:$0x1DD90] =	vst v8;
	v8 =	vmul.f32 v32, v36  }
0xc6: {  	v43 =	vld [tilespmem:$0x1DE20];
	v41 =	vmul.f32 v33, v36;
	[tilespmem:$0x1DDA0] =	vst v38  }
0xc7: {  	v56 =	vld [tilespmem:$0x1DEA0];
	[tilespmem:$0x1DDB0] =	vst v8;
	v8 =	vmul.f32 v35, v36  }
0xc8: {  	v45 =	vld [tilespmem:$0x1DE30];
	v44 =	vmul.f32 v37, v36;
	[tilespmem:$0x1DDC0] =	vst v41  }
0xc9: {  	v59 =	vld [tilespmem:$0x1DEC0];
	[tilespmem:$0x1DDD0] =	vst v8;
	v8 =	vmul.f32 v39, v36  }
0xca: {  	v48 =	vld [tilespmem:$0x1DE50];
	v47 =	vmul.f32 v40, v36;
	v49 =	vbroadcast v7, $0x4;
	[tilespmem:$0x1DDE0] =	vst v44  }
0xcb: {  	v25 =	vld [tilespmem:$0x1DF40];
	[tilespmem:$0x1DDF0] =	vst v8;
	v8 =	vmul.f32 v42, v36  }
0xcc: {  	v52 =	vld [tilespmem:$0x1DE70];
	[tilespmem:$0x1DE00] =	vst v47;
	v62 =	vbroadcast v7, $0x5;
	v17 =	vmul.f32 v56, v49  }
0xcd: {  	v46 =	vld [tilespmem:$0x1DE40];
	[tilespmem:$0x1DE10] =	vst v8;
	v8 =	vmul.f32 v45, v49  }
0xce: {  	v28 =	vbroadcast v7, $0x6;
	v20 =	vmul.f32 v59, v62;
	[tilespmem:$0x1DEA0] =	vst v17;
	v55 =	vld [tilespmem:$0x1DE90]  }
0xcf: {  	v18 =	vld [tilespmem:$0x1DEF0];
	[tilespmem:$0x1DE30] =	vst v8;
	v8 =	vmul.f32 v48, v49  }
0xd0: {  	v58 =	vld [tilespmem:$0x1DEB0];
	v33 =	vmul.f32 v25, v28;
	[tilespmem:$0x1DEC0] =	vst v20  }
0xd1: {  	v38 =	vld [tilespmem:$0x1DFC0];
	[tilespmem:$0x1DE50] =	vst v8;
	v8 =	vmul.f32 v52, v49  }
0xd2: {  	v61 =	vld [tilespmem:$0x1DED0];
	v51 =	vmul.f32 v43, v36;
	[tilespmem:$0x1DF40] =	vst v33  }
0xd3: {  	v50 =	vld [tilespmem:$0x1DE60];
	[tilespmem:$0x1DE70] =	vst v8;
	v8 =	vmul.f32 v55, v49  }
0xd4: {  	v19 =	vld [tilespmem:$0x1DF00];
	v41 =	vbroadcast v7, $0x7;
	[tilespmem:$0x1DE20] =	vst v51;
	v54 =	vmul.f32 v46, v49  }
0xd5: {  	v53 =	vld [tilespmem:$0x1DE80];
	[tilespmem:$0x1DE90] =	vst v8;
	v8 =	vmul.f32 v58, v62  }
0xd6: {  	v21 =	vld [tilespmem:$0x1DF10];
	v46 =	vmul.f32 v38, v41;
	[tilespmem:$0x1DE40] =	vst v54  }
0xd7: {  	v51 =	vld [tilespmem:$0x1E040];
	[tilespmem:$0x1DEB0] =	vst v8;
	v8 =	vmul.f32 v61, v62  }
0xd8: {  	v24 =	vld [tilespmem:$0x1DF30];
	v57 =	vmul.f32 v50, v49;
	[tilespmem:$0x1DFC0] =	vst v46  }
0xd9: {  	v27 =	vld [tilespmem:$0x1DF50];
	[tilespmem:$0x1DED0] =	vst v8;
	v8 =	vmul.f32 v18, v62  }
0xda: {  	v37 =	vld [tilespmem:$0x1DFB0];
	v54 =	vbroadcast v7, $0x8;
	[tilespmem:$0x1DE60] =	vst v57;
	v60 =	vmul.f32 v53, v49  }
0xdb: {  	v22 =	vld [tilespmem:$0x1DF20];
	[tilespmem:$0x1DEF0] =	vst v8;
	v8 =	vmul.f32 v21, v62  }
0xdc: {  	v31 =	vld [tilespmem:$0x1DF70];
	v59 =	vmul.f32 v51, v54;
	[tilespmem:$0x1DE80] =	vst v60  }
0xdd: {  	v63 =	vld [tilespmem:$0x1DEE0];
	[tilespmem:$0x1DF10] =	vst v8;
	v8 =	vmul.f32 v24, v28  }
0xde: {  	v34 =	vld [tilespmem:$0x1DF90];
	[tilespmem:$0x1E040] =	vst v59;
	v26 =	vmul.f32 v19, v62  }
0xdf: {  	v32 =	vld [tilespmem:$0x1DF80];
	[tilespmem:$0x1DF30] =	vst v8;
	v8 =	vmul.f32 v27, v28  }
0xe0: {  	v40 =	vld [tilespmem:$0x1DFD0];
	[tilespmem:$0x1DF00] =	vst v26;
	v30 =	vmul.f32 v22, v62  }
0xe1: {  	v29 =	vld [tilespmem:$0x1DF60];
	[tilespmem:$0x1DF50] =	vst v8;
	v8 =	vmul.f32 v31, v28  }
0xe2: {  	v44 =	vld [tilespmem:$0x1DFF0];
	v23 =	vmul.f32 v63, v62;
	[tilespmem:$0x1DF20] =	vst v30  }
0xe3: {  	v30 =	vld [tilespmem:$0x1E120];
	[tilespmem:$0x1DF70] =	vst v8;
	v8 =	vmul.f32 v34, v28  }
0xe4: {  	v47 =	vld [tilespmem:$0x1E010];
	[tilespmem:$0x1DEE0] =	vst v23;
	v39 =	vmul.f32 v32, v28  }
0xe5: {  	v35 =	vld [tilespmem:$0x1DFA0];
	[tilespmem:$0x1DF90] =	vst v8;
	v8 =	vmul.f32 v37, v41  }
0xe6: {  	v20 =	vld [tilespmem:$0x1E0C0];
	v23 =	vbroadcast v7, $0x9;
	v36 =	vmul.f32 v29, v28;
	[tilespmem:$0x1DF80] =	vst v39  }
0xe7: {  	v45 =	vld [tilespmem:$0x1E000];
	[tilespmem:$0x1DFB0] =	vst v8;
	v8 =	vmul.f32 v40, v41  }
0xe8: {  	v50 =	vld [tilespmem:$0x1E030];
	v38 =	vmul.f32 v30, v23;
	[tilespmem:$0x1DF60] =	vst v36  }
0xe9: {  	v42 =	vld [tilespmem:$0x1DFE0];
	[tilespmem:$0x1DFD0] =	vst v8;
	v8 =	vmul.f32 v44, v41  }
0xea: {  	v53 =	vld [tilespmem:$0x1E050];
	v43 =	vmul.f32 v35, v28;
	[tilespmem:$0x1E120] =	vst v38  }
0xeb: {  	v48 =	vld [tilespmem:$0x1E020];
	[tilespmem:$0x1DFF0] =	vst v8;
	v8 =	vmul.f32 v47, v41  }
0xec: {  	v57 =	vld [tilespmem:$0x1E070];
	[tilespmem:$0x1DFA0] =	vst v43;
	v52 =	vmul.f32 v45, v41  }
0xed: {  	v43 =	vld [tilespmem:$0x1E1A0];
	[tilespmem:$0x1E010] =	vst v8;
	v8 =	vmul.f32 v50, v54  }
0xee: {  	v60 =	vld [tilespmem:$0x1E090];
	v49 =	vmul.f32 v42, v41;
	[tilespmem:$0x1E000] =	vst v52  }
0xef: {  	v55 =	vld [tilespmem:$0x1E060];
	[tilespmem:$0x1E030] =	vst v8;
	v8 =	vmul.f32 v53, v54  }
0xf0: {  	v63 =	vld [tilespmem:$0x1E0B0];
	v36 =	vbroadcast v7, $0xA;
	v56 =	vmul.f32 v48, v41;
	[tilespmem:$0x1DFE0] =	vst v49  }
0xf1: {  	v58 =	vld [tilespmem:$0x1E080];
	[tilespmem:$0x1E050] =	vst v8;
	v8 =	vmul.f32 v57, v54  }
0xf2: {  	v22 =	vld [tilespmem:$0x1E0D0];
	v51 =	vmul.f32 v43, v36;
	[tilespmem:$0x1E020] =	vst v56  }
0xf3: {  	v56 =	vld [tilespmem:$0x1E220];
	[tilespmem:$0x1E070] =	vst v8;
	v8 =	vmul.f32 v60, v54  }
0xf4: {  	v26 =	vld [tilespmem:$0x1E0F0];
	[tilespmem:$0x1E1A0] =	vst v51;
	v62 =	vmul.f32 v55, v54  }
0xf5: {  	v61 =	vld [tilespmem:$0x1E0A0];
	[tilespmem:$0x1E090] =	vst v8;
	v8 =	vmul.f32 v63, v23  }
0xf6: {  	v29 =	vld [tilespmem:$0x1E110];
	v49 =	vbroadcast v7, $0xB;
	v21 =	vmul.f32 v58, v54;
	[tilespmem:$0x1E060] =	vst v62  }
0xf7: {  	v59 =	vld [tilespmem:$0x1E240];
	[tilespmem:$0x1E0B0] =	vst v8;
	v8 =	vmul.f32 v22, v23  }
0xf8: {  	v32 =	vld [tilespmem:$0x1E130];
	v18 =	vmul.f32 v56, v49;
	[tilespmem:$0x1E080] =	vst v21  }
0xf9: {  	v24 =	vld [tilespmem:$0x1E0E0];
	[tilespmem:$0x1E0D0] =	vst v8;
	v8 =	vmul.f32 v26, v23  }
0xfa: {  	v35 =	vld [tilespmem:$0x1E150];
	v25 =	vmul.f32 v61, v54;
	v62 =	vbroadcast v7, $0xC;
	[tilespmem:$0x1E220] =	vst v18  }
0xfb: {  	[tilespmem:$0x1E0F0] =	vst v8;
	v8 =	vmul.f32 v29, v23  }
0xfc: {  	v39 =	vld [tilespmem:$0x1E170];
	[tilespmem:$0x1E0A0] =	vst v25;
	v21 =	vmul.f32 v59, v62  }
0xfd: {  	v27 =	vld [tilespmem:$0x1E100];
	[tilespmem:$0x1E110] =	vst v8;
	v8 =	vmul.f32 v32, v36  }
0xfe: {  	v42 =	vld [tilespmem:$0x1E190];
	[tilespmem:$0x1E240] =	vst v21;
	v31 =	vmul.f32 v24, v23  }
0xff: {  	v28 =	vmul.f32 v20, v23;
	v20 =	vld [tilespmem:$0x1E280];
	[tilespmem:$0x1E130] =	vst v8;
	v8 =	vmul.f32 v35, v36  }
0x100: {  	v45 =	vld [tilespmem:$0x1E1B0];
	[tilespmem:$0x1E0E0] =	vst v31  }
0x101: {  	v37 =	vld [tilespmem:$0x1E160];
	[tilespmem:$0x1E150] =	vst v8;
	v8 =	vmul.f32 v39, v36  }
0x102: {  	v48 =	vld [tilespmem:$0x1E1D0];
	v34 =	vmul.f32 v27, v23;
	[tilespmem:$0x1E0C0] =	vst v28  }
0x103: {  	v33 =	vld [tilespmem:$0x1E140];
	[tilespmem:$0x1E170] =	vst v8;
	v8 =	vmul.f32 v42, v36  }
0x104: {  	v52 =	vld [tilespmem:$0x1E1F0];
	[tilespmem:$0x1E100] =	vst v34;
	v27 =	vmul.f32 v20, v62  }
0x105: {  	v40 =	vld [tilespmem:$0x1E180];
	[tilespmem:$0x1E190] =	vst v8;
	v8 =	vmul.f32 v45, v49  }
0x106: {  	v55 =	vld [tilespmem:$0x1E210];
	v44 =	vmul.f32 v37, v36;
	[tilespmem:$0x1E280] =	vst v27  }
0x107: {  	v50 =	vld [tilespmem:$0x1E1E0];
	[tilespmem:$0x1E1B0] =	vst v8;
	v8 =	vmul.f32 v48, v49  }
0x108: {  	v58 =	vld [tilespmem:$0x1E230];
	v41 =	vmul.f32 v33, v36;
	[tilespmem:$0x1E160] =	vst v44  }
0x109: {  	v46 =	vld [tilespmem:$0x1E1C0];
	[tilespmem:$0x1E1D0] =	vst v8;
	v8 =	vmul.f32 v52, v49  }
0x10a: {  	v61 =	vld [tilespmem:$0x1E250];
	v47 =	vmul.f32 v40, v36;
	[tilespmem:$0x1E140] =	vst v41  }
0x10b: {  	v53 =	vld [tilespmem:$0x1E200];
	[tilespmem:$0x1E1F0] =	vst v8;
	v8 =	vmul.f32 v55, v49  }
0x10c: {  	v19 =	vld [tilespmem:$0x1E270];
	[tilespmem:$0x1E180] =	vst v47;
	v57 =	vmul.f32 v50, v49  }
0x10d: {  	v63 =	vld [tilespmem:$0x1E260];
	[tilespmem:$0x1E210] =	vst v8;
	v8 =	vmul.f32 v58, v62  }
0x10e: {  	v54 =	vmul.f32 v46, v49;
	[tilespmem:$0x1E1E0] =	vst v57;
	v22 =	vld [tilespmem:$0x1E290]  }
0x10f: {  	v30 =	vld [tilespmem:$0x1E2E0];
	[tilespmem:$0x1E230] =	vst v8;
	v8 =	vmul.f32 v61, v62  }
0x110: {  	v25 =	vld [tilespmem:$0x1E2B0];
	v60 =	vmul.f32 v53, v49;
	[tilespmem:$0x1E1C0] =	vst v54  }
0x111: {  	v33 =	vld [tilespmem:$0x1E300];
	[tilespmem:$0x1E250] =	vst v8;
	v8 =	vmul.f32 v19, v62  }
0x112: {  	v28 =	vld [tilespmem:$0x1E2D0];
	[tilespmem:$0x1E200] =	vst v60;
	v24 =	vmul.f32 v63, v62;
	v29 =	vbroadcast v7, $0xD  }
0x113: {  	v26 =	vld [tilespmem:$0x1E2C0];
	[tilespmem:$0x1E270] =	vst v8;
	v8 =	vmul.f32 v22, v62  }
0x114: {  	[tilespmem:$0x1E260] =	vst v24;
	v32 =	vld [tilespmem:$0x1E2F0];
	v37 =	vmul.f32 v30, v29  }
0x115: {  	v23 =	vld [tilespmem:$0x1E2A0];
	[tilespmem:$0x1E290] =	vst v8;
	v8 =	vmul.f32 v25, v29  }
0x116: {  	v40 =	vmul.f32 v33, v29;
	v35 =	vld [tilespmem:$0x1E310];
	[tilespmem:$0x1E2E0] =	vst v37  }
0x117: {  	v43 =	vld [tilespmem:$0x1E360];
	[tilespmem:$0x1E2B0] =	vst v8;
	v8 =	vmul.f32 v28, v29  }
0x118: {  	v38 =	vld [tilespmem:$0x1E330];
	v34 =	vmul.f32 v26, v29;
	[tilespmem:$0x1E300] =	vst v40  }
0x119: {  	v46 =	vld [tilespmem:$0x1E380];
	[tilespmem:$0x1E2D0] =	vst v8;
	v8 =	vmul.f32 v32, v29  }
0x11a: {  	v41 =	vld [tilespmem:$0x1E350];
	v31 =	vmul.f32 v23, v62;
	[tilespmem:$0x1E2C0] =	vst v34;
	v42 =	vbroadcast v7, $0xE  }
0x11b: {  	v39 =	vld [tilespmem:$0x1E340];
	[tilespmem:$0x1E2F0] =	vst v8;
	v8 =	vmul.f32 v35, v29  }
0x11c: {  	[tilespmem:$0x1E2A0] =	vst v31;
	v45 =	vld [tilespmem:$0x1E370];
	v50 =	vmul.f32 v43, v42  }
0x11d: {  	v36 =	vld [tilespmem:$0x1E320];
	[tilespmem:$0x1E310] =	vst v8;
	v8 =	vmul.f32 v38, v42  }
0x11e: {  	v53 =	vmul.f32 v46, v42;
	v48 =	vld [tilespmem:$0x1E390];
	[tilespmem:$0x1E360] =	vst v50  }
0x11f: {  	v52 =	vld [tilespmem:$0x1E3C0];
	[tilespmem:$0x1E330] =	vst v8;
	v8 =	vmul.f32 v41, v42  }
0x120: {  	v51 =	vld [tilespmem:$0x1E3B0];
	v47 =	vmul.f32 v39, v42;
	[tilespmem:$0x1E380] =	vst v53  }
0x121: {  	v49 =	vld [tilespmem:$0x1E3A0];
	[tilespmem:$0x1E350] =	vst v8;
	v8 =	vmul.f32 v45, v42  }
0x122: {  	v54 =	vld [tilespmem:$0x1E3D0];
	v7 =	vbroadcast v7, $0xF;
	v44 =	vmul.f32 v36, v29;
	[tilespmem:$0x1E340] =	vst v47  }
0x123: {  	v58 =	vld [tilespmem:$0x1E400];
	[tilespmem:$0x1E370] =	vst v8;
	v8 =	vmul.f32 v48, v42  }
0x124: {  	v57 =	vld [tilespmem:$0x1E3F0];
	[tilespmem:$0x1E320] =	vst v44;
	v59 =	vmul.f32 v52, v7  }
0x125: {  	v55 =	vld [tilespmem:$0x1E3E0];
	[tilespmem:$0x1E390] =	vst v8;
	v8 =	vmul.f32 v51, v7  }
0x126: {  	v60 =	vld [tilespmem:$0x1E410];
	v56 =	vmul.f32 v49, v42;
	[tilespmem:$0x1E3C0] =	vst v59  }
0x127: {  	v61 =	vld [tilespmem:$0x1E420];
	[tilespmem:$0x1E3B0] =	vst v8;
	v8 =	vmul.f32 v54, v7  }
0x128: {  	[tilespmem:$0x1E3A0] =	vst v56;
	v63 =	vmul.f32 v58, v7  }
0x129: {  	[tilespmem:$0x1E3D0] =	vst v8;
	v8 =	vmul.f32 v57, v7  }
0x12a: {  	v62 =	vmul.f32 v55, v7;
	[tilespmem:$0x1E400] =	vst v63  }
0x12b: {  	[tilespmem:$0x1E3F0] =	vst v8;
	v8 =	vmul.f32 v60, v7  }
0x12c: {  	[tilespmem:$0x1E3E0] =	vst v62;
	v7 =	vmul.f32 v61, v7  }
0x12d: {  	p0 =	sne.s32 s28, $0xC40;
	[tilespmem:$0x1E410] =	vst v8  }
.Ltmp10:
0x12e: {  	[tilespmem:$0x1E420] =	vst v7;
	(pc) =	sbr.rel @p0 .LBB2_16-.Ltmp10, $4  }
0x12f: {  	[hbm4b:s29+s4] =	stream.linear.scatter [tilespmem:s16], [sflag:$0x1], $0x800, $0x38;
	[tilespmem:$0x1E4B0] =	vst v63  }
0x130: {  	_ =	swait.ge [sflag:s17], $0x800  }
0x131: {  	s30 =	sadd.s32 $0x800, s30;
	[sflag:s17] =	ssyncset.done $0x0  }
0x132: {  	s28 =	sadd.s32 $0x40, s28;
	s29 =	sadd.s32 $0x100, s29;
	[sflag:s17] =	ssyncadd.s32 $0xFFFFF800  }
0x133: {  	[bflag:$0x0] =	sbarrier.arrive $0xFFFF;
	s0 =	simm.s32 $0x0;
	s3 =	simm.s32 $0x200  }
.LBB2_18:
0x134: {  	p0 =	sne.s32 s3, $0x1E00;
	[tilespmem:s0+$0x1DCA0] =	vst v5  }
0x135: {  	[tilespmem:s0+$0x1DC30] =	vst v5  }
0x136: {  	[tilespmem:s0+$0x1DC40] =	vst v5  }
.Ltmp11:
0x137: {  	[tilespmem:s0+$0x1DC50] =	vst v5;
	(pc) =	sbr.rel @p0 .LBB2_18-.Ltmp11, $4  }
0x138: {  	[tilespmem:s0+$0x1DC60] =	vst v5  }
0x139: {  	[tilespmem:s0+$0x1DC70] =	vst v5  }
0x13a: {  	[tilespmem:s0+$0x1DC80] =	vst v5  }
0x13b: {  	[tilespmem:s0+$0x1DC90] =	vst v5;
	s0 =	sshra.s32 s3, $0x2;
	s3 =	sadd.s32 $0x200, s3  }
0x13c: {  	[tilespmem:s0+$0x1DCA0] =	vst v5  }
0x13d: {  	[tilespmem:s0+$0x1DC30] =	vst v5  }
0x13e: {  	[tilespmem:s0+$0x1DC40] =	vst v5  }
0x13f: {  	[tilespmem:s0+$0x1DC50] =	vst v5  }
0x140: {  	[tilespmem:s0+$0x1DC60] =	vst v5  }
0x141: {  	[tilespmem:s0+$0x1DC70] =	vst v5  }
0x142: {  	[tilespmem:s0+$0x1DC80] =	vst v5  }
0x143: {  	[tilespmem:s0+$0x1DC90] =	vst v5  }
0x144: {  	[tilespmem:$0x1E430] =	vst v5  }
0x145: {  	[spmem:s10] =	stream.linear.scatter [tilespmem:s16], [sflag:$0x1], $0x800, $0x38;
	[tilespmem:$0x1E4B0] =	vst v63  }
0x146: {  	_ =	swait.ge [sflag:s17], $0x800  }
0x147: {  	[sflag:s17] =	ssyncset.done $0x0  }
0x148: {  	s31 =	sadd.s32 $0x0, s11;
	[sflag:s17] =	ssyncadd.s32 $0xFFFFF800  }
0x149: {  	[spmem:s31] =	stream.linear.scatter [tilespmem:s18], [sflag:$0x1], $0x10, $0x38;
	[tilespmem:$0x1E4B0] =	vst v63  }
0x14a: {  	_ =	swait.ge [sflag:s17], $0x10  }
0x14b: {  	s0 =	simm.s32 $0x40;
	s3 =	smov.u32 s10;
	[sflag:s17] =	ssyncset.done $0x0  }
.LBB2_20:
0x14c: {  	p0 =	sne.s32 s0, $0xC80;
	[sflag:s17] =	ssyncadd.s32 $0xFFFFFFF0;
	s3 =	sadd.s32 $0x800, s3  }
0x14d: {  	[spmem:s3] =	stream.linear.scatter [tilespmem:s16], [sflag:$0x1], $0x800, $0x38;
	[tilespmem:$0x1E4B0] =	vst v63  }
0x14e: {  	s9 =	smov.u32 s0;
	s0 =	sadd.s32 $0x40, s0;
	_ =	swait.ge [sflag:s17], $0x800  }
.Ltmp12:
0x14f: {  	s9 =	sshra.s32 s9, $0x2;
	[sflag:s17] =	ssyncset.done $0x0;
	(pc) =	sbr.rel @p0 .LBB2_20-.Ltmp12, $4  }
0x150: {  	s9 =	sadd.s32 s9, s11;
	[sflag:s17] =	ssyncadd.s32 $0xFFFFF800  }
0x151: {  	[spmem:s9] =	stream.linear.scatter [tilespmem:s18], [sflag:$0x1], $0x10, $0x38;
	[tilespmem:$0x1E4B0] =	vst v63  }
0x152: {  	_ =	swait.ge [sflag:s17], $0x10  }
0x153: {  	[sflag:s17] =	ssyncset.done $0x0  }
.Ltmp13:
0x154: {  	(pc) =	sbr.rel .LBB2_22-.Ltmp13, $4  }
0x155: {  	_ = 	snop  }
0x156: {  	[sflag:s17] =	ssyncadd.s32 $0xFFFFFFF0  }
0x157: {  	[bflag:$0x0] =	sbarrier.arrive $0xFFFF  }
0x158: {  	s28 =	simm.s32 $0x0;
	s29 =	smov.u32 s6;
	s30 =	simm.s32 $0x0  }
.LBB2_27:
0x159: {  	[sflag:s17] =	ssyncadd.s32 $0xFFFFFFE0  }
.LBB2_28:
0x15a: {  	s30 =	sadd.s32 $0x1, s30  }
0x15b: {  	p0 =	sne.s32 s30, $0x20  }
.Ltmp14:
0x15c: {  	_ = 	snop;
	(pc) =	sbr.rel @!p0 .LBB2_29-.Ltmp14, $2  }
0x15d: {  	_ =	sdelay $0x2  }
0x15e: {  	s29 =	sadd.s32 $0x640, s29  }
.LBB2_22:
0x15f: {  	s0 =	smul.u32 $0x640, s30;
	_ =	sdelay $0x1  }
0x160: {  	s0 =	sadd.s32 s6, s0  }
0x161: {  	s0 =	sshrl.u32 s0, $0x3  }
0x162: {  	s3 =	sadd.s32 s5, s0  }
0x163: {  	[tilespmem:s19], [sflag:$0x1] =	stream.linear.gather [hbm4b:s3+s28], $0x640, $0x38;
	[tilespmem:$0x1E4B0] =	vst v63  }
0x164: {  	_ =	swait.ge [sflag:s17], $0x640  }
0x165: {  	[sflag:s17] =	ssyncset.done $0x0  }
0x166: {  	s0 =	sadd.s32 s7, s0;
	[sflag:s17] =	ssyncadd.s32 $0xFFFFF9C0  }
0x167: {  	[tilespmem:s20], [sflag:$0x1] =	stream.linear.gather [hbm4b:s0+s28], $0x640, $0x38;
	[tilespmem:$0x1E4B0] =	vst v63  }
0x168: {  	_ =	swait.ge [sflag:s17], $0x640  }
0x169: {  	[sflag:s17] =	ssyncset.done $0x0  }
0x16a: {  	v7 =	vimm.s32 $0x0;
	s31 =	simm.s32 $0x0;
	s0 =	smov.u32 s29;
	[sflag:s17] =	ssyncadd.s32 $0xFFFFF9C0  }
.LBB2_23:
0x16b: {  	s3 =	sshra.s32 s31, $0x2  }
0x16c: {  	v8 =	vld [tilespmem:s3+$0x19B30];
	_ =	sdelay $0x4  }
0x16d: {  	vm0 =	vge.s32 v8, v1;
	vm1 =	vlt.s32 v8, v2  }
0x16e: {  	vm0 =	vmand vm0, vm1  }
0x16f: {  	v9 =	vsel vm0, $0x1, v4  }
0x170: {  	(xrf0) =	vadd.scan.msk.s32 $0xffff, v9;
	_ =	sdelay $0x5  }
0x171: {  	v9, _, _ =	vpop (xrf0)  }
0x172: {  	v9 =	vadd.s32 v9, v7  }
0x173: {  	v9 =	vadd.s32 $0xFFFFFFFF, v9;
	_ =	sdelay $0x1  }
0x174: {  	v10 =	vld [tilespmem:s3+$0x1A7B0];
	_ =	sdelay $0x1  }
0x175: {  	v11 =	vor.u32 s0, v3  }
0x176: {  	v8 =	vsub.s32 v8, v1;
	[tilespmem:v9+s21+$0x0] =	vst.idx.msk vm0, v11  }
0x177: {  	[tilespmem:v9+s22+$0x0] =	vst.idx.msk vm0, v8  }
0x178: {  	[tilespmem:v9+s23+$0x0] =	vst.idx.msk vm0, v10  }
0x179: {  	v8 =	vld [tilespmem:s3+$0x19B40];
	_ =	sdelay $0x4  }
0x17a: {  	vm15 =	vge.s32 v8, v1;
	vm2 =	vlt.s32 v8, v2  }
0x17b: {  	vm1 =	vmand vm15, vm2  }
0x17c: {  	v59 =	vsel vm1, $0x1, v4  }
0x17d: {  	(xrf0) =	vadd.scan.msk.s32 $0xffff, v59;
	_ =	sdelay $0x3  }
0x17e: {  	v60 =	vmpcnt.ones.xlane vm0;
	_ =	sdelay $0x1  }
0x17f: {  	v7 =	vadd.s32 v7, v60;
	v61, _, _ =	vpop (xrf0)  }
0x180: {  	v9 =	vadd.s32 v61, v7  }
0x181: {  	v9 =	vadd.s32 $0xFFFFFFFF, v9;
	_ =	sdelay $0x1  }
0x182: {  	p0 =	sne.s32 s31, $0x1880;
	v10 =	vld [tilespmem:s3+$0x1A7C0]  }
.Ltmp15:
0x183: {  	s15 =	sadd.s32 $0x10, s0;
	(pc) =	sbr.rel @p0 .LBB2_23-.Ltmp15, $4  }
0x184: {  	v62 =	vor.u32 s15, v3  }
0x185: {  	v8 =	vsub.s32 v8, v1;
	v63 =	vmpcnt.ones.xlane vm1;
	[tilespmem:v9+s21+$0x0] =	vst.idx.msk vm1, v62  }
0x186: {  	[tilespmem:v9+s22+$0x0] =	vst.idx.msk vm1, v8  }
0x187: {  	s0 =	sadd.s32 $0x20, s0;
	s31 =	sadd.s32 $0x80, s31;
	v7 =	vadd.s32 v7, v63;
	[tilespmem:v9+s23+$0x0] =	vst.idx.msk vm1, v10  }
0x188: {  	v7 =	vxor.u32 $0x80000000, v7  }
0x189: {  	(xrf0) =	vmax.scan.msk.u32 $0xffff, v7;
	_ =	sdelay $0x5  }
0x18a: {  	v7, _, _ =	vpop (xrf0)  }
0x18b: {  	(v2sf) =	vpush v7, $0xF;
	_ =	sdelay $0xe  }
0x18c: {  	s0 =	spop (v2sf)  }
0x18d: {  	s14 =	sadd.s32 $0x8000001F, s0  }
0x18e: {  	s3 =	sxor.u32 $0x80000000, s0;
	s15 =	sadd.s32 $0x80000010, s0;
	s9 =	sand.u32 $0x1F, s14  }
0x18f: {  	v7 =	vadd.s32 s3, v3;
	v8 =	vadd.s32 s15, v3;
	s15 =	sshra.s32 s14, $0x1F;
	p0 =	slt.s32 s14, $0x1;
	p1 =	sne.s32 s9, $0x0  }
0x190: {  	s15 =	sshrl.u32 s15, $0x1B;
	p0 =	por !p0, !p1  }
0x191: {  	s3 =	sadd.s32 s15, s14;
	s14 =	simm.s32 $0x1;
	p0 =	por !p0, !p0  }
0x192: {  	s3 =	sshra.s32 s3, $0x5;
	s14 =	simm.s32 @!p0 $0x0  }
0x193: {  	s31 =	simm.s32 $0x1B430;
	s3 =	ssub.s32 s3, s14  }
0x194: {  	s0 =	simm.s32 $0x1BC30;
	[tilespmem:v7+s31+$0x0] =	vst.idx.msk $0xffff, v3;
	p0 =	slt.s32 s3, $0x1  }
.Ltmp16:
0x195: {  	s9 =	simm.s32 $0x1C430;
	[tilespmem:v7+s0+$0x0] =	vst.idx.msk $0xffff, v6;
	(pc) =	sbr.rel @p0 .LBB2_28-.Ltmp16, $4  }
0x196: {  	[tilespmem:v7+s9+$0x0] =	vst.idx.msk $0xffff, v5  }
0x197: {  	[tilespmem:v8+s31+$0x0] =	vst.idx.msk $0xffff, v3  }
0x198: {  	[tilespmem:v8+s0+$0x0] =	vst.idx.msk $0xffff, v6  }
0x199: {  	[tilespmem:v8+s9+$0x0] =	vst.idx.msk $0xffff, v5  }
0x19a: {  	[tilespmem:s25], [sflag:$0x1] =	stream.indirect.gather [hbm4b:s8+s24], $0x80, s31, s24, $0xb8;
	[tilespmem:$0x1E4B0] =	vst v63  }
0x19b: {  	_ =	swait.ge [sflag:s17], $0x1000  }
0x19c: {  	[sflag:s17] =	ssyncset.done $0x0  }
0x19d: {  	[sflag:s17] =	ssyncadd.s32 $0xFFFFF000  }
0x19e: {  	[spmem:s1] =	stream.indirect.scatter.add.f32 [tilespmem:s25], [sflag:$0x1], $0x80, s0, s24, $0xb8;
	[tilespmem:$0x1E4B0] =	vst v63  }
0x19f: {  	p0 =	sne.s32 s3, $0x1;
	_ =	swait.ge [sflag:s17], $0x1000  }
.Ltmp17:
0x1a0: {  	[sflag:s17] =	ssyncset.done $0x0;
	(pc) =	sbr.rel @!p0 .LBB2_27-.Ltmp17, $4  }
0x1a1: {  	[sflag:s17] =	ssyncadd.s32 $0xFFFFF000  }
0x1a2: {  	[spmem:s2] =	stream.indirect.scatter.add.f32 [tilespmem:s9], [sflag:$0x1], $0x1, s0, s24, $0xb8;
	[tilespmem:$0x1E4B0] =	vst v63  }
0x1a3: {  	_ =	swait.ge [sflag:s17], $0x20  }
0x1a4: {  	s3 =	sadd.s32 $0xFFFFFFFF, s3;
	s9 =	sadd.s32 $0x20, s9;
	[sflag:s17] =	ssyncset.done $0x0  }
.LBB2_26:
0x1a5: {  	[sflag:s17] =	ssyncadd.s32 $0xFFFFFFE0;
	s31 =	sadd.s32 $0x20, s31;
	s0 =	sadd.s32 $0x20, s0  }
0x1a6: {  	[tilespmem:s25], [sflag:$0x1] =	stream.indirect.gather [hbm4b:s8+s24], $0x80, s31, s24, $0xb8;
	[tilespmem:$0x1E4B0] =	vst v63  }
0x1a7: {  	p0 =	sne.s32 s3, $0x1;
	s3 =	sadd.s32 $0xFFFFFFFF, s3;
	_ =	swait.ge [sflag:s17], $0x1000  }
0x1a8: {  	[sflag:s17] =	ssyncset.done $0x0  }
0x1a9: {  	[sflag:s17] =	ssyncadd.s32 $0xFFFFF000  }
0x1aa: {  	[spmem:s1] =	stream.indirect.scatter.add.f32 [tilespmem:s25], [sflag:$0x1], $0x80, s0, s24, $0xb8;
	[tilespmem:$0x1E4B0] =	vst v63  }
0x1ab: {  	_ =	swait.ge [sflag:s17], $0x1000  }
.Ltmp18:
0x1ac: {  	[sflag:s17] =	ssyncset.done $0x0;
	(pc) =	sbr.rel @p0 .LBB2_26-.Ltmp18, $4  }
0x1ad: {  	[sflag:s17] =	ssyncadd.s32 $0xFFFFF000  }
0x1ae: {  	[spmem:s2] =	stream.indirect.scatter.add.f32 [tilespmem:s9], [sflag:$0x1], $0x1, s0, s24, $0xb8;
	[tilespmem:$0x1E4B0] =	vst v63  }
0x1af: {  	_ =	swait.ge [sflag:s17], $0x20  }
0x1b0: {  	s9 =	sadd.s32 $0x20, s9;
	[sflag:s17] =	ssyncset.done $0x0  }
.Ltmp19:
0x1b1: {  	_ = 	snop;
	(pc) =	sbr.rel .LBB2_27-.Ltmp19, $1  }
0x1b2: {  	_ =	sdelay $0x3  }
.LBB2_29:
0x1b3: {  	[bflag:$0x0] =	sbarrier.arrive $0xFFFF  }
0x1b4: {  	s28 =	simm.s32 $0x0;
	s30 =	smov.u32 s12;
	s29 =	rddreg [dreg:$0x6]  }
.LBB2_30:
0x1b5: {  	[tilespmem:s16], [sflag:$0x1] =	stream.linear.gather [spmem:s30], $0x800, $0x38;
	[tilespmem:$0x1E4B0] =	vst v63  }
0x1b6: {  	_ =	swait.ge [sflag:s17], $0x800  }
0x1b7: {  	s0 =	sshra.s32 s28, $0x2;
	[sflag:s17] =	ssyncset.done $0x0  }
0x1b8: {  	s0 =	sadd.s32 s0, s13;
	[sflag:s17] =	ssyncadd.s32 $0xFFFFF800  }
0x1b9: {  	[tilespmem:s18], [sflag:$0x1] =	stream.linear.gather [spmem:s0], $0x10, $0x38;
	[tilespmem:$0x1E4B0] =	vst v63  }
0x1ba: {  	_ =	swait.ge [sflag:s17], $0x10  }
0x1bb: {  	[sflag:s17] =	ssyncset.done $0x0  }
0x1bc: {  	[sflag:s17] =	ssyncadd.s32 $0xFFFFFFF0  }
0x1bd: {  	v7 =	vld [tilespmem:$0x1E430];
	_ =	sdelay $0x4  }
0x1be: {  	v7 =	vadd.f32 $9.999999710e-10, v7;
	_ =	sdelay $0x1  }
0x1bf: {  	(erf) = vrcp.f32 v7;
	_ =	sdelay $0x5  }
0x1c0: {  	v8 =	vld [tilespmem:$0x1DC30]  }
0x1c1: {  	v9 =	vld [tilespmem:$0x1DC40]  }
0x1c2: {  	v10 =	vld [tilespmem:$0x1DC50]  }
0x1c3: {  	v12 =	vld [tilespmem:$0x1DC60];
	v7 =	vpop (erf)  }
0x1c4: {  	v13 =	vld [tilespmem:$0x1DC70];
	v11 =	vbroadcast v7, $0x0  }
0x1c5: {  	v14 =	vld [tilespmem:$0x1DC80]  }
0x1c6: {  	v15 =	vld [tilespmem:$0x1DC90];
	v8 =	vmul.f32 v11, v8  }
0x1c7: {  	v49 =	vld [tilespmem:$0x1DCA0];
	v9 =	vmul.f32 v11, v9  }
0x1c8: {  	v51 =	vld [tilespmem:$0x1DCB0];
	[tilespmem:$0x1DC30] =	vst v8;
	v8 =	vmul.f32 v10, v11  }
0x1c9: {  	v52 =	vld [tilespmem:$0x1DCC0];
	v50 =	vmul.f32 v12, v11;
	[tilespmem:$0x1DC40] =	vst v9  }
0x1ca: {  	v54 =	vld [tilespmem:$0x1DCD0];
	[tilespmem:$0x1DC50] =	vst v8;
	v8 =	vmul.f32 v13, v11  }
0x1cb: {  	v16 =	vld [tilespmem:$0x1DCE0];
	v53 =	vmul.f32 v14, v11;
	[tilespmem:$0x1DC60] =	vst v50  }
0x1cc: {  	v57 =	vld [tilespmem:$0x1DCF0];
	v55 =	vbroadcast v7, $0x1;
	[tilespmem:$0x1DC70] =	vst v8;
	v8 =	vmul.f32 v15, v11  }
0x1cd: {  	v58 =	vld [tilespmem:$0x1DD00];
	v56 =	vmul.f32 v49, v11;
	[tilespmem:$0x1DC80] =	vst v53  }
0x1ce: {  	v60 =	vld [tilespmem:$0x1DD10];
	[tilespmem:$0x1DC90] =	vst v8;
	v8 =	vmul.f32 v51, v55  }
0x1cf: {  	v61 =	vld [tilespmem:$0x1DD20];
	v59 =	vmul.f32 v52, v55;
	[tilespmem:$0x1DCA0] =	vst v56  }
0x1d0: {  	v63 =	vld [tilespmem:$0x1DD30];
	[tilespmem:$0x1DCB0] =	vst v8;
	v8 =	vmul.f32 v54, v55  }
0x1d1: {  	v20 =	vld [tilespmem:$0x1DD40];
	v62 =	vmul.f32 v16, v55;
	[tilespmem:$0x1DCC0] =	vst v59  }
0x1d2: {  	v22 =	vld [tilespmem:$0x1DD50];
	[tilespmem:$0x1DCD0] =	vst v8;
	v8 =	vmul.f32 v57, v55  }
0x1d3: {  	v24 =	vld [tilespmem:$0x1DD60];
	v21 =	vmul.f32 v58, v55;
	[tilespmem:$0x1DCE0] =	vst v62  }
0x1d4: {  	v26 =	vld [tilespmem:$0x1DD70];
	v23 =	vbroadcast v7, $0x2;
	[tilespmem:$0x1DCF0] =	vst v8;
	v8 =	vmul.f32 v60, v55  }
0x1d5: {  	v27 =	vld [tilespmem:$0x1DD80];
	v25 =	vmul.f32 v61, v55;
	[tilespmem:$0x1DD00] =	vst v21  }
0x1d6: {  	v29 =	vld [tilespmem:$0x1DD90];
	[tilespmem:$0x1DD10] =	vst v8;
	v8 =	vmul.f32 v63, v23  }
0x1d7: {  	v30 =	vld [tilespmem:$0x1DDA0];
	v28 =	vmul.f32 v20, v23;
	[tilespmem:$0x1DD20] =	vst v25  }
0x1d8: {  	v32 =	vld [tilespmem:$0x1DDB0];
	[tilespmem:$0x1DD30] =	vst v8;
	v8 =	vmul.f32 v22, v23  }
0x1d9: {  	v33 =	vld [tilespmem:$0x1DDC0];
	v31 =	vmul.f32 v24, v23;
	[tilespmem:$0x1DD40] =	vst v28  }
0x1da: {  	v35 =	vld [tilespmem:$0x1DDD0];
	[tilespmem:$0x1DD50] =	vst v8;
	v8 =	vmul.f32 v26, v23  }
0x1db: {  	v37 =	vld [tilespmem:$0x1DDE0];
	v34 =	vmul.f32 v27, v23;
	[tilespmem:$0x1DD60] =	vst v31  }
0x1dc: {  	v39 =	vld [tilespmem:$0x1DDF0];
	v36 =	vbroadcast v7, $0x3;
	[tilespmem:$0x1DD70] =	vst v8;
	v8 =	vmul.f32 v29, v23  }
0x1dd: {  	v40 =	vld [tilespmem:$0x1DE00];
	v38 =	vmul.f32 v30, v23;
	[tilespmem:$0x1DD80] =	vst v34  }
0x1de: {  	v42 =	vld [tilespmem:$0x1DE10];
	[tilespmem:$0x1DD90] =	vst v8;
	v8 =	vmul.f32 v32, v36  }
0x1df: {  	v43 =	vld [tilespmem:$0x1DE20];
	v41 =	vmul.f32 v33, v36;
	[tilespmem:$0x1DDA0] =	vst v38  }
0x1e0: {  	v56 =	vld [tilespmem:$0x1DEA0];
	[tilespmem:$0x1DDB0] =	vst v8;
	v8 =	vmul.f32 v35, v36  }
0x1e1: {  	v45 =	vld [tilespmem:$0x1DE30];
	v44 =	vmul.f32 v37, v36;
	[tilespmem:$0x1DDC0] =	vst v41  }
0x1e2: {  	v59 =	vld [tilespmem:$0x1DEC0];
	[tilespmem:$0x1DDD0] =	vst v8;
	v8 =	vmul.f32 v39, v36  }
0x1e3: {  	v48 =	vld [tilespmem:$0x1DE50];
	v47 =	vmul.f32 v40, v36;
	v49 =	vbroadcast v7, $0x4;
	[tilespmem:$0x1DDE0] =	vst v44  }
0x1e4: {  	v25 =	vld [tilespmem:$0x1DF40];
	[tilespmem:$0x1DDF0] =	vst v8;
	v8 =	vmul.f32 v42, v36  }
0x1e5: {  	v52 =	vld [tilespmem:$0x1DE70];
	[tilespmem:$0x1DE00] =	vst v47;
	v62 =	vbroadcast v7, $0x5;
	v17 =	vmul.f32 v56, v49  }
0x1e6: {  	v46 =	vld [tilespmem:$0x1DE40];
	[tilespmem:$0x1DE10] =	vst v8;
	v8 =	vmul.f32 v45, v49  }
0x1e7: {  	v28 =	vbroadcast v7, $0x6;
	v20 =	vmul.f32 v59, v62;
	[tilespmem:$0x1DEA0] =	vst v17;
	v55 =	vld [tilespmem:$0x1DE90]  }
0x1e8: {  	v18 =	vld [tilespmem:$0x1DEF0];
	[tilespmem:$0x1DE30] =	vst v8;
	v8 =	vmul.f32 v48, v49  }
0x1e9: {  	v58 =	vld [tilespmem:$0x1DEB0];
	v33 =	vmul.f32 v25, v28;
	[tilespmem:$0x1DEC0] =	vst v20  }
0x1ea: {  	v38 =	vld [tilespmem:$0x1DFC0];
	[tilespmem:$0x1DE50] =	vst v8;
	v8 =	vmul.f32 v52, v49  }
0x1eb: {  	v61 =	vld [tilespmem:$0x1DED0];
	v51 =	vmul.f32 v43, v36;
	[tilespmem:$0x1DF40] =	vst v33  }
0x1ec: {  	v50 =	vld [tilespmem:$0x1DE60];
	[tilespmem:$0x1DE70] =	vst v8;
	v8 =	vmul.f32 v55, v49  }
0x1ed: {  	v19 =	vld [tilespmem:$0x1DF00];
	v41 =	vbroadcast v7, $0x7;
	[tilespmem:$0x1DE20] =	vst v51;
	v54 =	vmul.f32 v46, v49  }
0x1ee: {  	v53 =	vld [tilespmem:$0x1DE80];
	[tilespmem:$0x1DE90] =	vst v8;
	v8 =	vmul.f32 v58, v62  }
0x1ef: {  	v21 =	vld [tilespmem:$0x1DF10];
	v46 =	vmul.f32 v38, v41;
	[tilespmem:$0x1DE40] =	vst v54  }
0x1f0: {  	v51 =	vld [tilespmem:$0x1E040];
	[tilespmem:$0x1DEB0] =	vst v8;
	v8 =	vmul.f32 v61, v62  }
0x1f1: {  	v24 =	vld [tilespmem:$0x1DF30];
	v57 =	vmul.f32 v50, v49;
	[tilespmem:$0x1DFC0] =	vst v46  }
0x1f2: {  	v27 =	vld [tilespmem:$0x1DF50];
	[tilespmem:$0x1DED0] =	vst v8;
	v8 =	vmul.f32 v18, v62  }
0x1f3: {  	v37 =	vld [tilespmem:$0x1DFB0];
	v54 =	vbroadcast v7, $0x8;
	[tilespmem:$0x1DE60] =	vst v57;
	v60 =	vmul.f32 v53, v49  }
0x1f4: {  	v22 =	vld [tilespmem:$0x1DF20];
	[tilespmem:$0x1DEF0] =	vst v8;
	v8 =	vmul.f32 v21, v62  }
0x1f5: {  	v31 =	vld [tilespmem:$0x1DF70];
	v59 =	vmul.f32 v51, v54;
	[tilespmem:$0x1DE80] =	vst v60  }
0x1f6: {  	v63 =	vld [tilespmem:$0x1DEE0];
	[tilespmem:$0x1DF10] =	vst v8;
	v8 =	vmul.f32 v24, v28  }
0x1f7: {  	v34 =	vld [tilespmem:$0x1DF90];
	[tilespmem:$0x1E040] =	vst v59;
	v26 =	vmul.f32 v19, v62  }
0x1f8: {  	v32 =	vld [tilespmem:$0x1DF80];
	[tilespmem:$0x1DF30] =	vst v8;
	v8 =	vmul.f32 v27, v28  }
0x1f9: {  	v40 =	vld [tilespmem:$0x1DFD0];
	[tilespmem:$0x1DF00] =	vst v26;
	v30 =	vmul.f32 v22, v62  }
0x1fa: {  	v29 =	vld [tilespmem:$0x1DF60];
	[tilespmem:$0x1DF50] =	vst v8;
	v8 =	vmul.f32 v31, v28  }
0x1fb: {  	v44 =	vld [tilespmem:$0x1DFF0];
	v23 =	vmul.f32 v63, v62;
	[tilespmem:$0x1DF20] =	vst v30  }
0x1fc: {  	v30 =	vld [tilespmem:$0x1E120];
	[tilespmem:$0x1DF70] =	vst v8;
	v8 =	vmul.f32 v34, v28  }
0x1fd: {  	v47 =	vld [tilespmem:$0x1E010];
	[tilespmem:$0x1DEE0] =	vst v23;
	v39 =	vmul.f32 v32, v28  }
0x1fe: {  	v35 =	vld [tilespmem:$0x1DFA0];
	[tilespmem:$0x1DF90] =	vst v8;
	v8 =	vmul.f32 v37, v41  }
0x1ff: {  	v20 =	vld [tilespmem:$0x1E0C0];
	v23 =	vbroadcast v7, $0x9;
	v36 =	vmul.f32 v29, v28;
	[tilespmem:$0x1DF80] =	vst v39  }
0x200: {  	v45 =	vld [tilespmem:$0x1E000];
	[tilespmem:$0x1DFB0] =	vst v8;
	v8 =	vmul.f32 v40, v41  }
0x201: {  	v50 =	vld [tilespmem:$0x1E030];
	v38 =	vmul.f32 v30, v23;
	[tilespmem:$0x1DF60] =	vst v36  }
0x202: {  	v42 =	vld [tilespmem:$0x1DFE0];
	[tilespmem:$0x1DFD0] =	vst v8;
	v8 =	vmul.f32 v44, v41  }
0x203: {  	v53 =	vld [tilespmem:$0x1E050];
	v43 =	vmul.f32 v35, v28;
	[tilespmem:$0x1E120] =	vst v38  }
0x204: {  	v48 =	vld [tilespmem:$0x1E020];
	[tilespmem:$0x1DFF0] =	vst v8;
	v8 =	vmul.f32 v47, v41  }
0x205: {  	v57 =	vld [tilespmem:$0x1E070];
	[tilespmem:$0x1DFA0] =	vst v43;
	v52 =	vmul.f32 v45, v41  }
0x206: {  	v43 =	vld [tilespmem:$0x1E1A0];
	[tilespmem:$0x1E010] =	vst v8;
	v8 =	vmul.f32 v50, v54  }
0x207: {  	v60 =	vld [tilespmem:$0x1E090];
	v49 =	vmul.f32 v42, v41;
	[tilespmem:$0x1E000] =	vst v52  }
0x208: {  	v55 =	vld [tilespmem:$0x1E060];
	[tilespmem:$0x1E030] =	vst v8;
	v8 =	vmul.f32 v53, v54  }
0x209: {  	v63 =	vld [tilespmem:$0x1E0B0];
	v36 =	vbroadcast v7, $0xA;
	v56 =	vmul.f32 v48, v41;
	[tilespmem:$0x1DFE0] =	vst v49  }
0x20a: {  	v58 =	vld [tilespmem:$0x1E080];
	[tilespmem:$0x1E050] =	vst v8;
	v8 =	vmul.f32 v57, v54  }
0x20b: {  	v22 =	vld [tilespmem:$0x1E0D0];
	v51 =	vmul.f32 v43, v36;
	[tilespmem:$0x1E020] =	vst v56  }
0x20c: {  	v56 =	vld [tilespmem:$0x1E220];
	[tilespmem:$0x1E070] =	vst v8;
	v8 =	vmul.f32 v60, v54  }
0x20d: {  	v26 =	vld [tilespmem:$0x1E0F0];
	[tilespmem:$0x1E1A0] =	vst v51;
	v62 =	vmul.f32 v55, v54  }
0x20e: {  	v61 =	vld [tilespmem:$0x1E0A0];
	[tilespmem:$0x1E090] =	vst v8;
	v8 =	vmul.f32 v63, v23  }
0x20f: {  	v29 =	vld [tilespmem:$0x1E110];
	v49 =	vbroadcast v7, $0xB;
	v21 =	vmul.f32 v58, v54;
	[tilespmem:$0x1E060] =	vst v62  }
0x210: {  	v59 =	vld [tilespmem:$0x1E240];
	[tilespmem:$0x1E0B0] =	vst v8;
	v8 =	vmul.f32 v22, v23  }
0x211: {  	v32 =	vld [tilespmem:$0x1E130];
	v18 =	vmul.f32 v56, v49;
	[tilespmem:$0x1E080] =	vst v21  }
0x212: {  	v24 =	vld [tilespmem:$0x1E0E0];
	[tilespmem:$0x1E0D0] =	vst v8;
	v8 =	vmul.f32 v26, v23  }
0x213: {  	v35 =	vld [tilespmem:$0x1E150];
	v25 =	vmul.f32 v61, v54;
	v62 =	vbroadcast v7, $0xC;
	[tilespmem:$0x1E220] =	vst v18  }
0x214: {  	[tilespmem:$0x1E0F0] =	vst v8;
	v8 =	vmul.f32 v29, v23  }
0x215: {  	v39 =	vld [tilespmem:$0x1E170];
	[tilespmem:$0x1E0A0] =	vst v25;
	v21 =	vmul.f32 v59, v62  }
0x216: {  	v27 =	vld [tilespmem:$0x1E100];
	[tilespmem:$0x1E110] =	vst v8;
	v8 =	vmul.f32 v32, v36  }
0x217: {  	v42 =	vld [tilespmem:$0x1E190];
	[tilespmem:$0x1E240] =	vst v21;
	v31 =	vmul.f32 v24, v23  }
0x218: {  	v28 =	vmul.f32 v20, v23;
	v20 =	vld [tilespmem:$0x1E280];
	[tilespmem:$0x1E130] =	vst v8;
	v8 =	vmul.f32 v35, v36  }
0x219: {  	v45 =	vld [tilespmem:$0x1E1B0];
	[tilespmem:$0x1E0E0] =	vst v31  }
0x21a: {  	v37 =	vld [tilespmem:$0x1E160];
	[tilespmem:$0x1E150] =	vst v8;
	v8 =	vmul.f32 v39, v36  }
0x21b: {  	v48 =	vld [tilespmem:$0x1E1D0];
	v34 =	vmul.f32 v27, v23;
	[tilespmem:$0x1E0C0] =	vst v28  }
0x21c: {  	v33 =	vld [tilespmem:$0x1E140];
	[tilespmem:$0x1E170] =	vst v8;
	v8 =	vmul.f32 v42, v36  }
0x21d: {  	v52 =	vld [tilespmem:$0x1E1F0];
	[tilespmem:$0x1E100] =	vst v34;
	v27 =	vmul.f32 v20, v62  }
0x21e: {  	v40 =	vld [tilespmem:$0x1E180];
	[tilespmem:$0x1E190] =	vst v8;
	v8 =	vmul.f32 v45, v49  }
0x21f: {  	v55 =	vld [tilespmem:$0x1E210];
	v44 =	vmul.f32 v37, v36;
	[tilespmem:$0x1E280] =	vst v27  }
0x220: {  	v50 =	vld [tilespmem:$0x1E1E0];
	[tilespmem:$0x1E1B0] =	vst v8;
	v8 =	vmul.f32 v48, v49  }
0x221: {  	v58 =	vld [tilespmem:$0x1E230];
	v41 =	vmul.f32 v33, v36;
	[tilespmem:$0x1E160] =	vst v44  }
0x222: {  	v46 =	vld [tilespmem:$0x1E1C0];
	[tilespmem:$0x1E1D0] =	vst v8;
	v8 =	vmul.f32 v52, v49  }
0x223: {  	v61 =	vld [tilespmem:$0x1E250];
	v47 =	vmul.f32 v40, v36;
	[tilespmem:$0x1E140] =	vst v41  }
0x224: {  	v53 =	vld [tilespmem:$0x1E200];
	[tilespmem:$0x1E1F0] =	vst v8;
	v8 =	vmul.f32 v55, v49  }
0x225: {  	v19 =	vld [tilespmem:$0x1E270];
	[tilespmem:$0x1E180] =	vst v47;
	v57 =	vmul.f32 v50, v49  }
0x226: {  	v63 =	vld [tilespmem:$0x1E260];
	[tilespmem:$0x1E210] =	vst v8;
	v8 =	vmul.f32 v58, v62  }
0x227: {  	v54 =	vmul.f32 v46, v49;
	[tilespmem:$0x1E1E0] =	vst v57;
	v22 =	vld [tilespmem:$0x1E290]  }
0x228: {  	v30 =	vld [tilespmem:$0x1E2E0];
	[tilespmem:$0x1E230] =	vst v8;
	v8 =	vmul.f32 v61, v62  }
0x229: {  	v25 =	vld [tilespmem:$0x1E2B0];
	v60 =	vmul.f32 v53, v49;
	[tilespmem:$0x1E1C0] =	vst v54  }
0x22a: {  	v33 =	vld [tilespmem:$0x1E300];
	[tilespmem:$0x1E250] =	vst v8;
	v8 =	vmul.f32 v19, v62  }
0x22b: {  	v28 =	vld [tilespmem:$0x1E2D0];
	[tilespmem:$0x1E200] =	vst v60;
	v24 =	vmul.f32 v63, v62;
	v29 =	vbroadcast v7, $0xD  }
0x22c: {  	v26 =	vld [tilespmem:$0x1E2C0];
	[tilespmem:$0x1E270] =	vst v8;
	v8 =	vmul.f32 v22, v62  }
0x22d: {  	[tilespmem:$0x1E260] =	vst v24;
	v32 =	vld [tilespmem:$0x1E2F0];
	v37 =	vmul.f32 v30, v29  }
0x22e: {  	v23 =	vld [tilespmem:$0x1E2A0];
	[tilespmem:$0x1E290] =	vst v8;
	v8 =	vmul.f32 v25, v29  }
0x22f: {  	v40 =	vmul.f32 v33, v29;
	v35 =	vld [tilespmem:$0x1E310];
	[tilespmem:$0x1E2E0] =	vst v37  }
0x230: {  	v43 =	vld [tilespmem:$0x1E360];
	[tilespmem:$0x1E2B0] =	vst v8;
	v8 =	vmul.f32 v28, v29  }
0x231: {  	v38 =	vld [tilespmem:$0x1E330];
	v34 =	vmul.f32 v26, v29;
	[tilespmem:$0x1E300] =	vst v40  }
0x232: {  	v46 =	vld [tilespmem:$0x1E380];
	[tilespmem:$0x1E2D0] =	vst v8;
	v8 =	vmul.f32 v32, v29  }
0x233: {  	v41 =	vld [tilespmem:$0x1E350];
	v31 =	vmul.f32 v23, v62;
	[tilespmem:$0x1E2C0] =	vst v34;
	v42 =	vbroadcast v7, $0xE  }
0x234: {  	v39 =	vld [tilespmem:$0x1E340];
	[tilespmem:$0x1E2F0] =	vst v8;
	v8 =	vmul.f32 v35, v29  }
0x235: {  	[tilespmem:$0x1E2A0] =	vst v31;
	v45 =	vld [tilespmem:$0x1E370];
	v50 =	vmul.f32 v43, v42  }
0x236: {  	v36 =	vld [tilespmem:$0x1E320];
	[tilespmem:$0x1E310] =	vst v8;
	v8 =	vmul.f32 v38, v42  }
0x237: {  	v53 =	vmul.f32 v46, v42;
	v48 =	vld [tilespmem:$0x1E390];
	[tilespmem:$0x1E360] =	vst v50  }
0x238: {  	v52 =	vld [tilespmem:$0x1E3C0];
	[tilespmem:$0x1E330] =	vst v8;
	v8 =	vmul.f32 v41, v42  }
0x239: {  	v51 =	vld [tilespmem:$0x1E3B0];
	v47 =	vmul.f32 v39, v42;
	[tilespmem:$0x1E380] =	vst v53  }
0x23a: {  	v49 =	vld [tilespmem:$0x1E3A0];
	[tilespmem:$0x1E350] =	vst v8;
	v8 =	vmul.f32 v45, v42  }
0x23b: {  	v54 =	vld [tilespmem:$0x1E3D0];
	v7 =	vbroadcast v7, $0xF;
	v44 =	vmul.f32 v36, v29;
	[tilespmem:$0x1E340] =	vst v47  }
0x23c: {  	v58 =	vld [tilespmem:$0x1E400];
	[tilespmem:$0x1E370] =	vst v8;
	v8 =	vmul.f32 v48, v42  }
0x23d: {  	v57 =	vld [tilespmem:$0x1E3F0];
	[tilespmem:$0x1E320] =	vst v44;
	v59 =	vmul.f32 v52, v7  }
0x23e: {  	v55 =	vld [tilespmem:$0x1E3E0];
	[tilespmem:$0x1E390] =	vst v8;
	v8 =	vmul.f32 v51, v7  }
0x23f: {  	v60 =	vld [tilespmem:$0x1E410];
	v56 =	vmul.f32 v49, v42;
	[tilespmem:$0x1E3C0] =	vst v59  }
0x240: {  	v61 =	vld [tilespmem:$0x1E420];
	[tilespmem:$0x1E3B0] =	vst v8;
	v8 =	vmul.f32 v54, v7  }
0x241: {  	[tilespmem:$0x1E3A0] =	vst v56;
	v63 =	vmul.f32 v58, v7  }
0x242: {  	[tilespmem:$0x1E3D0] =	vst v8;
	v8 =	vmul.f32 v57, v7  }
0x243: {  	v62 =	vmul.f32 v55, v7;
	[tilespmem:$0x1E400] =	vst v63  }
0x244: {  	[tilespmem:$0x1E3F0] =	vst v8;
	v8 =	vmul.f32 v60, v7  }
0x245: {  	[tilespmem:$0x1E3E0] =	vst v62;
	v7 =	vmul.f32 v61, v7  }
0x246: {  	p0 =	sne.s32 s28, $0xC40;
	[tilespmem:$0x1E410] =	vst v8  }
.Ltmp20:
0x247: {  	[tilespmem:$0x1E420] =	vst v7;
	(pc) =	sbr.rel @p0 .LBB2_30-.Ltmp20, $4  }
0x248: {  	[hbm4b:s29+s4] =	stream.linear.scatter [tilespmem:s16], [sflag:$0x1], $0x800, $0x38;
	[tilespmem:$0x1E4B0] =	vst v63  }
0x249: {  	_ =	swait.ge [sflag:s17], $0x800  }
0x24a: {  	s30 =	sadd.s32 $0x800, s30;
	[sflag:s17] =	ssyncset.done $0x0  }
0x24b: {  	s28 =	sadd.s32 $0x40, s28;
	s29 =	sadd.s32 $0x100, s29;
	[sflag:s17] =	ssyncadd.s32 $0xFFFFF800  }
0x24c: {  	s26 =	sadd.s32 $0x1, s26;
	s0 =	rddreg [dreg:$0x4]  }
0x24d: {  	p0 =	sne.s32 s26, s0  }
.Ltmp21:
0x24e: {  	_ = 	snop;
	(pc) =	sbr.rel @p0 .LBB2_1-.Ltmp21, $2  }
0x24f: {  	_ =	sdelay $0x1  }
0x250: {  	[bflag:$0x0] =	sbarrier.arrive $0xFFFF;
	_ =	sdelay $0x1  }
0x251: {  	_ =	sfence.sel $0x180000  }
0x252: {  	[bflag:$0x0] =	sbarrier.arrive $0xFFFF  }
0x253: {  	_ =	strace $0x90000047  }
0x254: {  	s0 =	stileid.u32;
	[bflag:$0x2] =	sbarrier.arrive $0xFFFF  }
0x255: {  	p0 =	sne.s32 s0, $0x0;
	s0 =	rddreg [dreg:$0x3]  }
0x256: {  	s0 =	sadd.s32 @!p0 $0x100000, s0  }
0x257: {  	[sflag:s0] =	ssyncadd.tile.s32 @!p0 $0x1;
	_ =	shalt  }
.Lfunc_end2:
_tile_overlayer_lowered:
.L_overlay_start_2:
0x258: {  	(tag) =	ssettag $0x2  }
0x259: {  	s0 =	rddreg [dreg:$0x0];
	s2 =	stileid.u32  }
0x25a: {  	s1 =	rddreg [dreg:$0x1];
	p0 =	sne.s32 s2, $0x0  }
0x25b: {  	s3 =	rddreg [dreg:$0x2];
	[bflag:$0x3] =	sbarrier.arrive $0xFFFF;
	s2 =	simm.s32 @!p0 $0x1C01  }
0x25c: {  	[timem:s3], [sflag:s2] =	dma.local @!p0 [hbm:s0], s1  }
0x25d: {  	s0 =	simm.s32 @!p0 $0x1  }
0x25e: {  	_ =	swait.ge @!p0 [sflag:s0], s1  }
0x25f: {  	s1 =	ssub.s32 @!p0 $0x0, s1;
	[sflag:s0] =	ssyncset.done @!p0 $0x0  }
0x260: {  	[sflag:s0] =	ssyncadd.s32 @!p0 s1  }
0x261: {  	[bflag:$0x3] =	sbarrier.arrive $0xFFFF  }
0x262: {  	_ =	shalt  }

</sc_bundles>
